<compile_context>
chip_gen: v7x
topology: tpu7x:2x2x1
jax: 0.10.2.dev20260603
libtpu: 0.0.44.dev20260713+nightly
codegen_flags: <defaults>
</compile_context>

<pallas_src>
import functools

import jax
import jax.numpy as jnp
from jax import lax
from jax.experimental import pallas as pl
from jax.experimental.pallas import tpu as pltpu
from jax.experimental.pallas import tpu_sc as plsc

N_NODES = 10000
NNZ = 320000
D = 128
NG = 8

NC, NS = 2, 16
NW = NC * NS
CH = 128
NCHUNK = 80
PER_W = NCHUNK * CH
NNZ_PAD = NW * PER_W
R = 10240
SENT = N_NODES
TZ = R // NS
BLK = 512
GRID = R // BLK
BN_INV = (1.0 + 1e-5) ** -0.5



GB = 8
NGRP = NCHUNK // GB


def _seg_body(table, gidx, sidx, zf,
              out_s,
              gi, si, rows0, rows1, sem0, sem1, acc):
    c = lax.axis_index("c")
    s = lax.axis_index("s")
    wid = s * NC + c
    base = s * TZ
    pltpu.sync_copy(zf.at[pl.ds(base, TZ)], acc.at[pl.ds(base, TZ)])
    plsc.subcore_barrier()
    rows = (rows0, rows1)
    sems = (sem0, sem1)

    def grp(g, carry):
        pltpu.sync_copy(gidx.at[wid, pl.ds(g * GB, GB)], gi)
        pltpu.sync_copy(sidx.at[wid, pl.ds(g * GB, GB)], si)
        handles = [None, None]
        handles[0] = pltpu.async_copy(table.at[gi.at[0]], rows[0], sems[0])
        for b in range(GB):
            if b + 1 < GB:
                handles[(b + 1) % 2] = pltpu.async_copy(
                    table.at[gi.at[b + 1]], rows[(b + 1) % 2], sems[(b + 1) % 2])
            handles[b % 2].wait()
            pltpu.sync_copy(rows[b % 2], acc.at[si.at[b]], add=True)
        return carry

    lax.fori_loop(0, NGRP, grp, 0)
    plsc.subcore_barrier()
    pltpu.sync_copy(acc.at[pl.ds(base, TZ)], out_s.at[pl.ds(c * R + base, TZ)])


def _sc_mesh():
    return plsc.VectorSubcoreMesh(core_axis_name="c", subcore_axis_name="s",
                                  num_cores=NC, num_subcores=NS)


def _seg_call(table, gidx, sidx, zf):
    f = pl.kernel(
        _seg_body,
        out_type=jax.ShapeDtypeStruct((NC * R, D), jnp.float32),
        mesh=_sc_mesh(),
        scratch_types=[
            pltpu.VMEM((GB, CH), jnp.int32),
            pltpu.VMEM((GB, CH), jnp.int32),
            pltpu.VMEM((CH, D), jnp.float32),
            pltpu.VMEM((CH, D), jnp.float32),
            pltpu.SemaphoreType.DMA,
            pltpu.SemaphoreType.DMA,
            pltpu.VMEM_SHARED((R, D), jnp.float32),
        ],
    )
    return f(table, gidx, sidx, zf)



HB = 2048
NHB = NNZ_PAD // HB
RA = R // D


def _hist_body(nir, nic, eir, eic, cn_ref, ce_ref):
    pid = pl.program_id(0)

    @pl.when(pid == 0)
    def _():
        cn_ref[...] = jnp.zeros((RA, D), jnp.float32)
        ce_ref[...] = jnp.zeros((RA, D), jnp.float32)

    for r3, c3, out in ((nir, nic, cn_ref), (eir, eic, ce_ref)):
        row = r3[0]
        col = c3[0]
        a_oh = (lax.broadcasted_iota(jnp.int32, (RA, 1), 0) == row // D)
        b_oh = (col % D == lax.broadcasted_iota(jnp.int32, (1, D), 1))
        out[...] += lax.dot_general(
            a_oh.astype(jnp.bfloat16), b_oh.astype(jnp.bfloat16),
            (((1,), (0,)), ((), ())), preferred_element_type=jnp.float32)


def _hist_call(nir, nic, eir, eic):
    return pl.pallas_call(
        _hist_body,
        grid=(NHB,),
        in_specs=[
            pl.BlockSpec((1, 1, HB), lambda i: (i, 0, 0)),
            pl.BlockSpec((1, HB, 1), lambda i: (i, 0, 0)),
            pl.BlockSpec((1, 1, HB), lambda i: (i, 0, 0)),
            pl.BlockSpec((1, HB, 1), lambda i: (i, 0, 0)),
        ],
        out_specs=[
            pl.BlockSpec((RA, D), lambda i: (0, 0)),
            pl.BlockSpec((RA, D), lambda i: (0, 0)),
        ],
        out_shape=[
            jax.ShapeDtypeStruct((RA, D), jnp.float32),
            jax.ShapeDtypeStruct((RA, D), jnp.float32),
        ],
    )(nir, nic, eir, eic)



def _tca_body(x_ref, w1_ref, b1_ref, wc1_ref, o_ref):
    pid = pl.program_id(0)
    h = jnp.maximum(x_ref[...] @ w1_ref[...] + b1_ref[...], 0.0)
    t = h @ wc1_ref[...]
    row = pid * BLK + lax.broadcasted_iota(jnp.int32, (BLK, 1), 0)
    o_ref[...] = jnp.where(row < N_NODES, t, 0.0)


def _tca_call(xp, W1, b1, Wc1):
    return pl.pallas_call(
        _tca_body,
        grid=(GRID,),
        in_specs=[
            pl.BlockSpec((BLK, D), lambda i: (i, 0)),
            pl.BlockSpec((D, D), lambda i: (0, 0)),
            pl.BlockSpec((1, D), lambda i: (0, 0)),
            pl.BlockSpec((D, D), lambda i: (0, 0)),
        ],
        out_specs=pl.BlockSpec((BLK, D), lambda i: (i, 0)),
        out_shape=jax.ShapeDtypeStruct((R, D), jnp.float32),
    )(xp, W1, b1, Wc1)


def _comb_edge_body(s_ref, ce_ref, o_ref):
    ssum = s_ref[0] + s_ref[1]
    cnt = ce_ref[...]
    binv = jnp.where(cnt > 0, 1.0 / cnt, 0.0)
    o_ref[...] = ssum * binv


def _comb_edge_call(S, ce):
    return pl.pallas_call(
        _comb_edge_body,
        grid=(GRID,),
        in_specs=[
            pl.BlockSpec((NC, BLK, D), lambda i: (0, i, 0)),
            pl.BlockSpec((BLK, 1), lambda i: (i, 0)),
        ],
        out_specs=pl.BlockSpec((BLK, D), lambda i: (i, 0)),
        out_shape=jax.ShapeDtypeStruct((R, D), jnp.float32),
    )(S, ce)


def _cd_body(s_ref, cn_ref, bc1_ref, wc2_ref, batch_ref, t2_ref, p1_ref):
    pid = pl.program_id(0)
    ssum = s_ref[0] + s_ref[1]
    cnt = cn_ref[...]
    dinv = jnp.where(cnt > 0, 1.0 / cnt, 0.0)
    h = jnp.maximum(ssum * dinv + bc1_ref[...], 0.0)
    row = pid * BLK + lax.broadcasted_iota(jnp.int32, (BLK, 1), 0)
    h = jnp.where(row < N_NODES, h, 0.0)
    t2_ref[...] = h @ wc2_ref[...]
    onehot = (batch_ref[...] == lax.broadcasted_iota(jnp.int32, (1, NG), 1))
    onehot = onehot.astype(jnp.float32)
    pp = lax.dot_general(onehot, h, (((0,), (0,)), ((), ())))

    @pl.when(pid == 0)
    def _():
        p1_ref[...] = jnp.zeros((NG, D), jnp.float32)

    p1_ref[...] += pp


def _cd_call(S, cn, bc1, Wc2, batchp):
    return pl.pallas_call(
        _cd_body,
        grid=(GRID,),
        in_specs=[
            pl.BlockSpec((NC, BLK, D), lambda i: (0, i, 0)),
            pl.BlockSpec((BLK, 1), lambda i: (i, 0)),
            pl.BlockSpec((1, D), lambda i: (0, 0)),
            pl.BlockSpec((D, D), lambda i: (0, 0)),
            pl.BlockSpec((BLK, 1), lambda i: (i, 0)),
        ],
        out_specs=[
            pl.BlockSpec((BLK, D), lambda i: (i, 0)),
            pl.BlockSpec((NG, D), lambda i: (0, 0)),
        ],
        out_shape=[
            jax.ShapeDtypeStruct((R, D), jnp.float32),
            jax.ShapeDtypeStruct((NG, D), jnp.float32),
        ],
    )(S, cn, bc1, Wc2, batchp)


def _e_body(s_ref, cn_ref, bc2_ref, batch_ref, p1_ref,
            wl_ref, bl_ref, wm1_ref, bm1_ref, g1_ref, be1_ref,
            wm2_ref, bm2_ref, g2_ref, be2_ref, wout_ref,
            o_ref, p2_acc, c_acc):
    pid = pl.program_id(0)
    ssum = s_ref[0] + s_ref[1]
    cnt = cn_ref[...]
    dinv = jnp.where(cnt > 0, 1.0 / cnt, 0.0)
    h = jnp.maximum(ssum * dinv + bc2_ref[...], 0.0)
    onehot = (batch_ref[...] == lax.broadcasted_iota(jnp.int32, (1, NG), 1))
    onehot = onehot.astype(jnp.float32)
    pp = lax.dot_general(onehot, h, (((0,), (0,)), ((), ())))
    cc = jnp.sum(onehot, axis=0)[:, None]

    @pl.when(pid == 0)
    def _():
        p2_acc[...] = jnp.zeros((NG, D), jnp.float32)
        c_acc[...] = jnp.zeros((NG, 1), jnp.float32)

    p2_acc[...] += pp
    c_acc[...] += cc

    @pl.when(pid == GRID - 1)
    def _():
        cdiv = jnp.maximum(c_acc[...], 1.0)
        p1 = p1_ref[...] / cdiv
        p2 = p2_acc[...] / cdiv
        gcat = jnp.concatenate([p1, p2], axis=1)
        out = gcat @ wl_ref[...] + bl_ref[...]
        z = out @ wm1_ref[...] + bm1_ref[...]
        z = jnp.maximum(z * BN_INV * g1_ref[...] + be1_ref[...], 0.0)
        z = z @ wm2_ref[...] + bm2_ref[...]
        z = jnp.maximum(z * BN_INV * g2_ref[...] + be2_ref[...], 0.0)
        o_ref[...] = z @ wout_ref[...]


def _e_call(S, cn, bc2, batchp, p1, Wl, bl, Wm1, bm1, g1, be1,
            Wm2, bm2, g2, be2, Wout):
    const = lambda i: (0, 0)
    return pl.pallas_call(
        _e_body,
        grid=(GRID,),
        in_specs=[
            pl.BlockSpec((NC, BLK, D), lambda i: (0, i, 0)),
            pl.BlockSpec((BLK, 1), lambda i: (i, 0)),
            pl.BlockSpec((1, D), const),
            pl.BlockSpec((BLK, 1), lambda i: (i, 0)),
            pl.BlockSpec((NG, D), const),
            pl.BlockSpec((2 * D, D), const),
            pl.BlockSpec((1, D), const),
            pl.BlockSpec((D, 64), const),
            pl.BlockSpec((1, 64), const),
            pl.BlockSpec((1, 64), const),
            pl.BlockSpec((1, 64), const),
            pl.BlockSpec((64, 32), const),
            pl.BlockSpec((1, 32), const),
            pl.BlockSpec((1, 32), const),
            pl.BlockSpec((1, 32), const),
            pl.BlockSpec((32, 4), const),
        ],
        out_specs=pl.BlockSpec((NG, 4), const),
        out_shape=jax.ShapeDtypeStruct((NG, 4), jnp.float32),
        scratch_shapes=[
            pltpu.VMEM((NG, D), jnp.float32),
            pltpu.VMEM((NG, 1), jnp.float32),
        ],
    )(S, cn, bc2, batchp, p1, Wl, bl, Wm1, bm1, g1, be1,
      Wm2, bm2, g2, be2, Wout)



def kernel(x, edge_index, batch, W1, b1, Wc1, bc1, Wc2, bc2, Wl, bl,
           Wm1, bm1, g1, be1, Wm2, bm2, g2, be2, Wout):
    f32 = jnp.float32
    xp = jnp.pad(x, ((0, R - N_NODES), (0, 0)))
    pad = jnp.full((NNZ_PAD - NNZ,), SENT, jnp.int32)
    ni = jnp.concatenate([edge_index[0], pad])
    ei = jnp.concatenate([edge_index[1], pad])
    niP = ni.reshape(NW, NCHUNK, CH)
    eiP = ei.reshape(NW, NCHUNK, CH)
    batchp = jnp.pad(batch, (0, R - N_NODES),
                     constant_values=NG).reshape(R, 1)
    zf = jnp.zeros((R, D), f32)

    b1r = b1.reshape(1, D)
    bc1r = bc1.reshape(1, D)
    bc2r = bc2.reshape(1, D)
    blr = bl.reshape(1, D)
    bm1r = bm1.reshape(1, 64)
    g1r = g1.reshape(1, 64)
    be1r = be1.reshape(1, 64)
    bm2r = bm2.reshape(1, 32)
    g2r = g2.reshape(1, 32)
    be2r = be2.reshape(1, 32)

    CN80, CE80 = _hist_call(ni.reshape(NHB, 1, HB), ni.reshape(NHB, HB, 1),
                            ei.reshape(NHB, 1, HB), ei.reshape(NHB, HB, 1))
    cn = CN80.reshape(R, 1)
    ce = CE80.reshape(R, 1)

    t1 = _tca_call(xp, W1, b1r, Wc1)
    S1 = _seg_call(t1, niP, eiP, zf)
    ef1 = _comb_edge_call(S1.reshape(NC, R, D), ce)
    S2 = _seg_call(ef1, eiP, niP, zf)
    t2, p1 = _cd_call(S2.reshape(NC, R, D), cn, bc1r, Wc2, batchp)

    S3 = _seg_call(t2, niP, eiP, zf)
    ef2 = _comb_edge_call(S3.reshape(NC, R, D), ce)
    S4 = _seg_call(ef2, eiP, niP, zf)

    return _e_call(S4.reshape(NC, R, D), cn, bc2r, batchp, p1,
                   Wl, blr, Wm1, bm1r, g1r, be1r, Wm2, bm2r, g2r, be2r, Wout)

# --- scband reference (transcript-rebuilt; emitter-appended) ---
"""Pipeline reference for scband-m-ihc-hypergraph-surv-83494164234286 (READ-ONLY COPY).

The authoritative reference and input builder live on the scoring server;
editing this copy changes nothing except your own understanding.
"""

import jax, jax.numpy as jnp
import numpy as np

N_NODES = 10000
NNZ = 320000
D_IN = 128
N_GRAPHS = 8

def _lin(key, fan_in, fan_out):
    lim = (1.0 / fan_in) ** 0.5
    kW, kb = jax.random.split(key)
    W = jax.random.uniform(kW, (fan_in, fan_out), jnp.float32, -lim, lim)
    b = jax.random.uniform(kb, (fan_out,), jnp.float32, -lim, lim)
    return W, b

def setup_inputs(seed: int = 0):
    key = jax.random.key(seed)
    ks = jax.random.split(key, 12)
    x = jax.random.normal(ks[0], (N_NODES, D_IN), jnp.float32)
    edge_index = jax.random.randint(ks[1], (2, NNZ), 0, N_NODES, jnp.int32)
    batch = jnp.sort(jax.random.randint(ks[2], (N_NODES,), 0, N_GRAPHS, jnp.int32))
    W1, b1 = _lin(ks[3], 128, 128)
    Wc1, bc1 = _lin(ks[4], 128, 128)
    Wc2, bc2 = _lin(ks[5], 128, 128)
    Wl, bl = _lin(ks[6], 256, 128)
    Wm1, bm1 = _lin(ks[7], 128, 64)
    g1 = jnp.ones((64,), jnp.float32); be1 = jnp.zeros((64,), jnp.float32)
    Wm2, bm2 = _lin(ks[8], 64, 32)
    g2 = jnp.ones((32,), jnp.float32); be2 = jnp.zeros((32,), jnp.float32)
    Wout = _lin(ks[9], 32, 4)[0]
    return {"x": x, "edge_index": edge_index, "batch": batch, "W1": W1, "b1": b1, "Wc1": Wc1, "bc1": bc1, "Wc2": Wc2, "bc2": bc2, "Wl": Wl, "bl": bl, "Wm1": Wm1, "bm1": bm1, "g1": g1, "be1": be1, "Wm2": Wm2, "bm2": bm2, "g2": g2, "be2": be2, "Wout": Wout}

def _hconv(x, node_idx, edge_idx, W, b, num_nodes, num_edges):
    # PyG HypergraphConv (use_attention=False): X' = D^-1 H W_e B^-1 H^T X Theta + bias
    x = x @ W
    ones = jnp.ones(node_idx.shape, x.dtype)
    Dd = jax.ops.segment_sum(ones, node_idx, num_segments=num_nodes)
    Dinv = jnp.where(Dd > 0, 1.0 / Dd, 0.0)
    Bd = jax.ops.segment_sum(ones, edge_idx, num_segments=num_edges)
    Binv = jnp.where(Bd > 0, 1.0 / Bd, 0.0)
    # node -> hyperedge propagate: message = B_inv[edge] * x[node]
    m = Binv[edge_idx][:, None] * x[node_idx]
    ef = jax.ops.segment_sum(m, edge_idx, num_segments=num_edges)
    # hyperedge -> node propagate: message = D_inv[node] * ef[edge]
    m2 = Dinv[node_idx][:, None] * ef[edge_idx]
    out = jax.ops.segment_sum(m2, node_idx, num_segments=num_nodes)
    return out + b

def _gmp(x, batch, num_graphs):
    s = jax.ops.segment_sum(x, batch, num_segments=num_graphs)
    c = jax.ops.segment_sum(jnp.ones((x.shape[0],), x.dtype), batch, num_segments=num_graphs)
    return s / jnp.clip(c, 1.0)[:, None]

def _bn_eval(x, g, b, eps=1e-5):
    # BatchNorm1d in eval mode with init running stats (mean=0, var=1)
    return x / jnp.sqrt(1.0 + eps) * g + b

def reference(x, edge_index, batch, W1, b1, Wc1, bc1, Wc2, bc2, Wl, bl, Wm1, bm1, g1, be1, Wm2, bm2, g2, be2, Wout):
    node_idx = edge_index[0]
    edge_idx = edge_index[1]
    num_nodes = x.shape[0]
    num_edges = x.shape[0]
    num_graphs = N_GRAPHS
    h = jax.nn.relu(x @ W1 + b1)
    h = jax.nn.relu(_hconv(h, node_idx, edge_idx, Wc1, bc1, num_nodes, num_edges))
    p1 = _gmp(h, batch, num_graphs)
    h = jax.nn.relu(_hconv(h, node_idx, edge_idx, Wc2, bc2, num_nodes, num_edges))
    p2 = _gmp(h, batch, num_graphs)
    gcat = jnp.concatenate([p1, p2], axis=1)
    out = gcat @ Wl + bl
    z = out @ Wm1 + bm1
    z = jax.nn.relu(_bn_eval(z, g1, be1))
    z = z @ Wm2 + bm2
    z = jax.nn.relu(_bn_eval(z, g2, be2))
    return z @ Wout

if __name__ == "__main__":
    import jax
    _d = setup_inputs()
    print(jax.jit(kernel)(*tuple(_d.values())))

</pallas_src>

<mosaic_0001>
#map = affine_map<(d0, d1) -> (0, 0)>
#map1 = affine_map<(d0, d1) -> (0, 0, 0)>
module attributes {stable_mosaic.version = 14 : i64} {
  func.func @_seg_body(%arg0: i32, %arg1: i32, %arg2: memref<10240x128xf32, #tpu.memory_space<hbm>>, %arg3: memref<32x80x128xi32, #tpu.memory_space<hbm>>, %arg4: memref<32x80x128xi32, #tpu.memory_space<hbm>>, %arg5: memref<10240x128xf32, #tpu.memory_space<hbm>>, %arg6: memref<20480x128xf32, #tpu.memory_space<hbm>>, %arg7: memref<8x128xi32, #tpu.memory_space<vmem>>, %arg8: memref<8x128xi32, #tpu.memory_space<vmem>>, %arg9: memref<128x128xf32, #tpu.memory_space<vmem>>, %arg10: memref<128x128xf32, #tpu.memory_space<vmem>>, %arg11: memref<!tpu.dma_semaphore, #tpu.memory_space<semaphore_mem>>, %arg12: memref<!tpu.dma_semaphore, #tpu.memory_space<semaphore_mem>>, %arg13: memref<10240x128xf32, #tpu.memory_space<vmem_shared>>) attributes {dimension_semantics = [#tpu.dimension_semantics<core_parallel>, #tpu.dimension_semantics<subcore_parallel>], iteration_bounds = array<i64: 2, 16>, scalar_prefetch = 0 : i64, scratch_operands = 7 : i64, tpu.core_type = #tpu.core_type<sc_vector_subcore>, window_params = [{transform_indices = #map}, {transform_indices = #map1}, {transform_indices = #map1}, {transform_indices = #map}, {transform_indices = #map}]} {
    %mul3A = arith.constant 2 : i32
    %mul3A_0 = arith.muli %arg1, %mul3A : i32
    %add3A = arith.addi %mul3A_0, %arg0 : i32
    %mul3A_1 = arith.constant 640 : i32
    %mul3A_2 = arith.muli %arg1, %mul3A_1 : i32
    "tpu.region"() ({
      %run_scoped3A = tpu.sem_alloc : memref<!tpu.dma_semaphore, #tpu.memory_space<semaphore_mem>>
      %dma_start3A = arith.constant 0 : i32
      %dma_start3A_12 = tpu.memref_slice %arg13[%mul3A_2, %dma_start3A] : memref<10240x128xf32, #tpu.memory_space<vmem_shared>> -> memref<640x128xf32, #tpu.memory_space<vmem_shared>>
      %dma_start3A_13 = arith.constant 0 : i32
      %dma_start3A_14 = tpu.memref_slice %arg5[%mul3A_2, %dma_start3A_13] : memref<10240x128xf32, #tpu.memory_space<hbm>> -> memref<640x128xf32, #tpu.memory_space<hbm>>
      tpu.enqueue_dma source(%dma_start3A_14 : memref<640x128xf32, #tpu.memory_space<hbm>>) target(%dma_start3A_12 : memref<640x128xf32, #tpu.memory_space<vmem_shared>>) target_semaphore(%run_scoped3A : memref<!tpu.dma_semaphore, #tpu.memory_space<semaphore_mem>>)
      %dma_wait3A = arith.constant 0 : i32
      %dma_wait3A_15 = tpu.memref_slice %arg13[%mul3A_2, %dma_wait3A] : memref<10240x128xf32, #tpu.memory_space<vmem_shared>> -> memref<640x128xf32, #tpu.memory_space<vmem_shared>>
      %dma_wait3A_16 = arith.constant 0 : i32
      %dma_wait3A_17 = tpu.memref_slice %arg5[%mul3A_2, %dma_wait3A_16] : memref<10240x128xf32, #tpu.memory_space<hbm>> -> memref<640x128xf32, #tpu.memory_space<hbm>>
      tpu.wait_dma2 semaphore(%run_scoped3A : memref<!tpu.dma_semaphore, #tpu.memory_space<semaphore_mem>>) src(%dma_wait3A_17 : memref<640x128xf32, #tpu.memory_space<hbm>>) dst(%dma_wait3A_15 : memref<640x128xf32, #tpu.memory_space<vmem_shared>>)
      tpu.yield
    }) : () -> ()
    %barrier3A = arith.constant 0 : index
    tpu.barrier barrier_id(%barrier3A)
    %scan3A = arith.constant 0 : i32
    %scan3A_3 = arith.constant 0 : i32
    %scan3A_4 = arith.constant 10 : i32
    %scan3A_5 = arith.addi %scan3A_3, %scan3A_4 : i32
    %scan3A_6 = arith.constant 1 : i32
    scf.for %scan3A_12 = %scan3A_3 to %scan3A_5 step %scan3A_6  : i32 {
      %mul3A_13 = arith.constant 8 : i32
      %mul3A_14 = arith.muli %scan3A_12, %mul3A_13 : i32
      "tpu.region"() ({
        %run_scoped3A_134 = tpu.sem_alloc : memref<!tpu.dma_semaphore, #tpu.memory_space<semaphore_mem>>
        %dma_start3A_135 = arith.constant 0 : i32
        %dma_start3A_136 = tpu.memref_slice %arg3[%add3A, %mul3A_14, %dma_start3A_135] : memref<32x80x128xi32, #tpu.memory_space<hbm>> -> memref<1x8x128xi32, #tpu.memory_space<hbm>>
        %dma_start3A_137 = tpu.memref_squeeze %dma_start3A_136 : memref<1x8x128xi32, #tpu.memory_space<hbm>> -> memref<8x128xi32, #tpu.memory_space<hbm>>
        %dma_start3A_138 = arith.constant 0 : i32
        %dma_start3A_139 = tpu.memref_slice %arg3[%add3A, %mul3A_14, %dma_start3A_138] : memref<32x80x128xi32, #tpu.memory_space<hbm>> -> memref<1x8x128xi32, #tpu.memory_space<hbm>>
        %dma_start3A_140 = tpu.memref_squeeze %dma_start3A_139 : memref<1x8x128xi32, #tpu.memory_space<hbm>> -> memref<8x128xi32, #tpu.memory_space<hbm>>
        tpu.enqueue_dma source(%dma_start3A_140 : memref<8x128xi32, #tpu.memory_space<hbm>>) target(%arg7 : memref<8x128xi32, #tpu.memory_space<vmem>>) target_semaphore(%run_scoped3A_134 : memref<!tpu.dma_semaphore, #tpu.memory_space<semaphore_mem>>)
        %dma_wait3A_141 = arith.constant 0 : i32
        %dma_wait3A_142 = tpu.memref_slice %arg3[%add3A, %mul3A_14, %dma_wait3A_141] : memref<32x80x128xi32, #tpu.memory_space<hbm>> -> memref<1x8x128xi32, #tpu.memory_space<hbm>>
        %dma_wait3A_143 = tpu.memref_squeeze %dma_wait3A_142 : memref<1x8x128xi32, #tpu.memory_space<hbm>> -> memref<8x128xi32, #tpu.memory_space<hbm>>
        %dma_wait3A_144 = arith.constant 0 : i32
        %dma_wait3A_145 = tpu.memref_slice %arg3[%add3A, %mul3A_14, %dma_wait3A_144] : memref<32x80x128xi32, #tpu.memory_space<hbm>> -> memref<1x8x128xi32, #tpu.memory_space<hbm>>
        %dma_wait3A_146 = tpu.memref_squeeze %dma_wait3A_145 : memref<1x8x128xi32, #tpu.memory_space<hbm>> -> memref<8x128xi32, #tpu.memory_space<hbm>>
        tpu.wait_dma2 semaphore(%run_scoped3A_134 : memref<!tpu.dma_semaphore, #tpu.memory_space<semaphore_mem>>) src(%dma_wait3A_146 : memref<8x128xi32, #tpu.memory_space<hbm>>) dst(%arg7 : memref<8x128xi32, #tpu.memory_space<vmem>>)
        tpu.yield
      }) : () -> ()
      %mul3A_15 = arith.constant 8 : i32
      %mul3A_16 = arith.muli %scan3A_12, %mul3A_15 : i32
      "tpu.region"() ({
        %run_scoped3A_134 = tpu.sem_alloc : memref<!tpu.dma_semaphore, #tpu.memory_space<semaphore_mem>>
        %dma_start3A_135 = arith.constant 0 : i32
        %dma_start3A_136 = tpu.memref_slice %arg4[%add3A, %mul3A_16, %dma_start3A_135] : memref<32x80x128xi32, #tpu.memory_space<hbm>> -> memref<1x8x128xi32, #tpu.memory_space<hbm>>
        %dma_start3A_137 = tpu.memref_squeeze %dma_start3A_136 : memref<1x8x128xi32, #tpu.memory_space<hbm>> -> memref<8x128xi32, #tpu.memory_space<hbm>>
        %dma_start3A_138 = arith.constant 0 : i32
        %dma_start3A_139 = tpu.memref_slice %arg4[%add3A, %mul3A_16, %dma_start3A_138] : memref<32x80x128xi32, #tpu.memory_space<hbm>> -> memref<1x8x128xi32, #tpu.memory_space<hbm>>
        %dma_start3A_140 = tpu.memref_squeeze %dma_start3A_139 : memref<1x8x128xi32, #tpu.memory_space<hbm>> -> memref<8x128xi32, #tpu.memory_space<hbm>>
        tpu.enqueue_dma source(%dma_start3A_140 : memref<8x128xi32, #tpu.memory_space<hbm>>) target(%arg8 : memref<8x128xi32, #tpu.memory_space<vmem>>) target_semaphore(%run_scoped3A_134 : memref<!tpu.dma_semaphore, #tpu.memory_space<semaphore_mem>>)
        %dma_wait3A_141 = arith.constant 0 : i32
        %dma_wait3A_142 = tpu.memref_slice %arg4[%add3A, %mul3A_16, %dma_wait3A_141] : memref<32x80x128xi32, #tpu.memory_space<hbm>> -> memref<1x8x128xi32, #tpu.memory_space<hbm>>
        %dma_wait3A_143 = tpu.memref_squeeze %dma_wait3A_142 : memref<1x8x128xi32, #tpu.memory_space<hbm>> -> memref<8x128xi32, #tpu.memory_space<hbm>>
        %dma_wait3A_144 = arith.constant 0 : i32
        %dma_wait3A_145 = tpu.memref_slice %arg4[%add3A, %mul3A_16, %dma_wait3A_144] : memref<32x80x128xi32, #tpu.memory_space<hbm>> -> memref<1x8x128xi32, #tpu.memory_space<hbm>>
        %dma_wait3A_146 = tpu.memref_squeeze %dma_wait3A_145 : memref<1x8x128xi32, #tpu.memory_space<hbm>> -> memref<8x128xi32, #tpu.memory_space<hbm>>
        tpu.wait_dma2 semaphore(%run_scoped3A_134 : memref<!tpu.dma_semaphore, #tpu.memory_space<semaphore_mem>>) src(%dma_wait3A_146 : memref<8x128xi32, #tpu.memory_space<hbm>>) dst(%arg8 : memref<8x128xi32, #tpu.memory_space<vmem>>)
        tpu.yield
      }) : () -> ()
      %dma_start3A = arith.constant 0 : i32
      %dma_start3A_17 = arith.constant 0 : i32
      %dma_start3A_18 = tpu.memref_slice %arg7[%dma_start3A, %dma_start3A_17] : memref<8x128xi32, #tpu.memory_space<vmem>> -> memref<1x128xi32, #tpu.memory_space<vmem>>
      %dma_start3A_19 = tpu.memref_squeeze %dma_start3A_18 : memref<1x128xi32, #tpu.memory_space<vmem>> -> memref<128xi32, #tpu.memory_space<vmem>>
      %dma_start3A_20 = arith.constant 0 : i32
      %dma_start3A_21 = arith.constant 0 : i32
      %dma_start3A_22 = tpu.memref_slice %arg2[%dma_start3A_20, %dma_start3A_21] : memref<10240x128xf32, #tpu.memory_space<hbm>> -> memref<10240x128xf32, #tpu.memory_space<hbm>>
      tpu.enqueue_indirect_dma source(%dma_start3A_22 : memref<10240x128xf32, #tpu.memory_space<hbm>>) target(%arg9 : memref<128x128xf32, #tpu.memory_space<vmem>>) offsets(%dma_start3A_19 : memref<128xi32, #tpu.memory_space<vmem>>) semaphore(%arg11 : memref<!tpu.dma_semaphore, #tpu.memory_space<semaphore_mem>>)
      %dma_start3A_23 = arith.constant 1 : i32
      %dma_start3A_24 = arith.constant 0 : i32
      %dma_start3A_25 = tpu.memref_slice %arg7[%dma_start3A_23, %dma_start3A_24] : memref<8x128xi32, #tpu.memory_space<vmem>> -> memref<1x128xi32, #tpu.memory_space<vmem>>
      %dma_start3A_26 = tpu.memref_squeeze %dma_start3A_25 : memref<1x128xi32, #tpu.memory_space<vmem>> -> memref<128xi32, #tpu.memory_space<vmem>>
      %dma_start3A_27 = arith.constant 0 : i32
      %dma_start3A_28 = arith.constant 0 : i32
      %dma_start3A_29 = tpu.memref_slice %arg2[%dma_start3A_27, %dma_start3A_28] : memref<10240x128xf32, #tpu.memory_space<hbm>> -> memref<10240x128xf32, #tpu.memory_space<hbm>>
      tpu.enqueue_indirect_dma source(%dma_start3A_29 : memref<10240x128xf32, #tpu.memory_space<hbm>>) target(%arg10 : memref<128x128xf32, #tpu.memory_space<vmem>>) offsets(%dma_start3A_26 : memref<128xi32, #tpu.memory_space<vmem>>) semaphore(%arg12 : memref<!tpu.dma_semaphore, #tpu.memory_space<semaphore_mem>>)
      %dma_wait3A = arith.constant 0 : i32
      %dma_wait3A_30 = arith.constant 0 : i32
      %dma_wait3A_31 = tpu.memref_slice %arg7[%dma_wait3A, %dma_wait3A_30] : memref<8x128xi32, #tpu.memory_space<vmem>> -> memref<1x128xi32, #tpu.memory_space<vmem>>
      %dma_wait3A_32 = tpu.memref_squeeze %dma_wait3A_31 : memref<1x128xi32, #tpu.memory_space<vmem>> -> memref<128xi32, #tpu.memory_space<vmem>>
      %dma_wait3A_33 = arith.constant 0 : i32
      %dma_wait3A_34 = arith.constant 0 : i32
      %dma_wait3A_35 = tpu.memref_slice %arg2[%dma_wait3A_33, %dma_wait3A_34] : memref<10240x128xf32, #tpu.memory_space<hbm>> -> memref<10240x128xf32, #tpu.memory_space<hbm>>
      tpu.wait_indirect_dma semaphore(%arg11 : memref<!tpu.dma_semaphore, #tpu.memory_space<semaphore_mem>>) src(%dma_wait3A_35 : memref<10240x128xf32, #tpu.memory_space<hbm>>) dst(%arg9 : memref<128x128xf32, #tpu.memory_space<vmem>>)
      %run_scoped3A = arith.constant 0 : i32
      "tpu.region"() ({
        %run_scoped3A_134 = tpu.sem_alloc : memref<!tpu.dma_semaphore, #tpu.memory_space<semaphore_mem>>
        %dma_start3A_135 = arith.constant 0 : i32
        %dma_start3A_136 = tpu.memref_slice %arg8[%run_scoped3A, %dma_start3A_135] : memref<8x128xi32, #tpu.memory_space<vmem>> -> memref<1x128xi32, #tpu.memory_space<vmem>>
        %dma_start3A_137 = tpu.memref_squeeze %dma_start3A_136 : memref<1x128xi32, #tpu.memory_space<vmem>> -> memref<128xi32, #tpu.memory_space<vmem>>
        %dma_start3A_138 = arith.constant 0 : i32
        %dma_start3A_139 = arith.constant 0 : i32
        %dma_start3A_140 = tpu.memref_slice %arg13[%dma_start3A_138, %dma_start3A_139] : memref<10240x128xf32, #tpu.memory_space<vmem_shared>> -> memref<10240x128xf32, #tpu.memory_space<vmem_shared>>
        tpu.enqueue_indirect_dma source(%arg9 : memref<128x128xf32, #tpu.memory_space<vmem>>) target(%dma_start3A_140 : memref<10240x128xf32, #tpu.memory_space<vmem_shared>>) offsets(%dma_start3A_137 : memref<128xi32, #tpu.memory_space<vmem>>) semaphore(%run_scoped3A_134 : memref<!tpu.dma_semaphore, #tpu.memory_space<semaphore_mem>>) {add = true}
        %dma_wait3A_141 = arith.constant 0 : i32
        %dma_wait3A_142 = tpu.memref_slice %arg8[%run_scoped3A, %dma_wait3A_141] : memref<8x128xi32, #tpu.memory_space<vmem>> -> memref<1x128xi32, #tpu.memory_space<vmem>>
        %dma_wait3A_143 = tpu.memref_squeeze %dma_wait3A_142 : memref<1x128xi32, #tpu.memory_space<vmem>> -> memref<128xi32, #tpu.memory_space<vmem>>
        %dma_wait3A_144 = arith.constant 0 : i32
        %dma_wait3A_145 = arith.constant 0 : i32
        %dma_wait3A_146 = tpu.memref_slice %arg13[%dma_wait3A_144, %dma_wait3A_145] : memref<10240x128xf32, #tpu.memory_space<vmem_shared>> -> memref<10240x128xf32, #tpu.memory_space<vmem_shared>>
        tpu.wait_indirect_dma semaphore(%run_scoped3A_134 : memref<!tpu.dma_semaphore, #tpu.memory_space<semaphore_mem>>) src(%arg9 : memref<128x128xf32, #tpu.memory_space<vmem>>) dst(%dma_wait3A_146 : memref<10240x128xf32, #tpu.memory_space<vmem_shared>>)
        tpu.yield
      }) : () -> ()
      %dma_start3A_36 = arith.constant 2 : i32
      %dma_start3A_37 = arith.constant 0 : i32
      %dma_start3A_38 = tpu.memref_slice %arg7[%dma_start3A_36, %dma_start3A_37] : memref<8x128xi32, #tpu.memory_space<vmem>> -> memref<1x128xi32, #tpu.memory_space<vmem>>
      %dma_start3A_39 = tpu.memref_squeeze %dma_start3A_38 : memref<1x128xi32, #tpu.memory_space<vmem>> -> memref<128xi32, #tpu.memory_space<vmem>>
      %dma_start3A_40 = arith.constant 0 : i32
      %dma_start3A_41 = arith.constant 0 : i32
      %dma_start3A_42 = tpu.memref_slice %arg2[%dma_start3A_40, %dma_start3A_41] : memref<10240x128xf32, #tpu.memory_space<hbm>> -> memref<10240x128xf32, #tpu.memory_space<hbm>>
      tpu.enqueue_indirect_dma source(%dma_start3A_42 : memref<10240x128xf32, #tpu.memory_space<hbm>>) target(%arg9 : memref<128x128xf32, #tpu.memory_space<vmem>>) offsets(%dma_start3A_39 : memref<128xi32, #tpu.memory_space<vmem>>) semaphore(%arg11 : memref<!tpu.dma_semaphore, #tpu.memory_space<semaphore_mem>>)
      %dma_wait3A_43 = arith.constant 1 : i32
      %dma_wait3A_44 = arith.constant 0 : i32
      %dma_wait3A_45 = tpu.memref_slice %arg7[%dma_wait3A_43, %dma_wait3A_44] : memref<8x128xi32, #tpu.memory_space<vmem>> -> memref<1x128xi32, #tpu.memory_space<vmem>>
      %dma_wait3A_46 = tpu.memref_squeeze %dma_wait3A_45 : memref<1x128xi32, #tpu.memory_space<vmem>> -> memref<128xi32, #tpu.memory_space<vmem>>
      %dma_wait3A_47 = arith.constant 0 : i32
      %dma_wait3A_48 = arith.constant 0 : i32
      %dma_wait3A_49 = tpu.memref_slice %arg2[%dma_wait3A_47, %dma_wait3A_48] : memref<10240x128xf32, #tpu.memory_space<hbm>> -> memref<10240x128xf32, #tpu.memory_space<hbm>>
      tpu.wait_indirect_dma semaphore(%arg12 : memref<!tpu.dma_semaphore, #tpu.memory_space<semaphore_mem>>) src(%dma_wait3A_49 : memref<10240x128xf32, #tpu.memory_space<hbm>>) dst(%arg10 : memref<128x128xf32, #tpu.memory_space<vmem>>)
      %run_scoped3A_50 = arith.constant 1 : i32
      "tpu.region"() ({
        %run_scoped3A_134 = tpu.sem_alloc : memref<!tpu.dma_semaphore, #tpu.memory_space<semaphore_mem>>
        %dma_start3A_135 = arith.constant 0 : i32
        %dma_start3A_136 = tpu.memref_slice %arg8[%run_scoped3A_50, %dma_start3A_135] : memref<8x128xi32, #tpu.memory_space<vmem>> -> memref<1x128xi32, #tpu.memory_space<vmem>>
        %dma_start3A_137 = tpu.memref_squeeze %dma_start3A_136 : memref<1x128xi32, #tpu.memory_space<vmem>> -> memref<128xi32, #tpu.memory_space<vmem>>
        %dma_start3A_138 = arith.constant 0 : i32
        %dma_start3A_139 = arith.constant 0 : i32
        %dma_start3A_140 = tpu.memref_slice %arg13[%dma_start3A_138, %dma_start3A_139] : memref<10240x128xf32, #tpu.memory_space<vmem_shared>> -> memref<10240x128xf32, #tpu.memory_space<vmem_shared>>
        tpu.enqueue_indirect_dma source(%arg10 : memref<128x128xf32, #tpu.memory_space<vmem>>) target(%dma_start3A_140 : memref<10240x128xf32, #tpu.memory_space<vmem_shared>>) offsets(%dma_start3A_137 : memref<128xi32, #tpu.memory_space<vmem>>) semaphore(%run_scoped3A_134 : memref<!tpu.dma_semaphore, #tpu.memory_space<semaphore_mem>>) {add = true}
        %dma_wait3A_141 = arith.constant 0 : i32
        %dma_wait3A_142 = tpu.memref_slice %arg8[%run_scoped3A_50, %dma_wait3A_141] : memref<8x128xi32, #tpu.memory_space<vmem>> -> memref<1x128xi32, #tpu.memory_space<vmem>>
        %dma_wait3A_143 = tpu.memref_squeeze %dma_wait3A_142 : memref<1x128xi32, #tpu.memory_space<vmem>> -> memref<128xi32, #tpu.memory_space<vmem>>
        %dma_wait3A_144 = arith.constant 0 : i32
        %dma_wait3A_145 = arith.constant 0 : i32
        %dma_wait3A_146 = tpu.memref_slice %arg13[%dma_wait3A_144, %dma_wait3A_145] : memref<10240x128xf32, #tpu.memory_space<vmem_shared>> -> memref<10240x128xf32, #tpu.memory_space<vmem_shared>>
        tpu.wait_indirect_dma semaphore(%run_scoped3A_134 : memref<!tpu.dma_semaphore, #tpu.memory_space<semaphore_mem>>) src(%arg10 : memref<128x128xf32, #tpu.memory_space<vmem>>) dst(%dma_wait3A_146 : memref<10240x128xf32, #tpu.memory_space<vmem_shared>>)
        tpu.yield
      }) : () -> ()
      %dma_start3A_51 = arith.constant 3 : i32
      %dma_start3A_52 = arith.constant 0 : i32
      %dma_start3A_53 = tpu.memref_slice %arg7[%dma_start3A_51, %dma_start3A_52] : memref<8x128xi32, #tpu.memory_space<vmem>> -> memref<1x128xi32, #tpu.memory_space<vmem>>
      %dma_start3A_54 = tpu.memref_squeeze %dma_start3A_53 : memref<1x128xi32, #tpu.memory_space<vmem>> -> memref<128xi32, #tpu.memory_space<vmem>>
      %dma_start3A_55 = arith.constant 0 : i32
      %dma_start3A_56 = arith.constant 0 : i32
      %dma_start3A_57 = tpu.memref_slice %arg2[%dma_start3A_55, %dma_start3A_56] : memref<10240x128xf32, #tpu.memory_space<hbm>> -> memref<10240x128xf32, #tpu.memory_space<hbm>>
      tpu.enqueue_indirect_dma source(%dma_start3A_57 : memref<10240x128xf32, #tpu.memory_space<hbm>>) target(%arg10 : memref<128x128xf32, #tpu.memory_space<vmem>>) offsets(%dma_start3A_54 : memref<128xi32, #tpu.memory_space<vmem>>) semaphore(%arg12 : memref<!tpu.dma_semaphore, #tpu.memory_space<semaphore_mem>>)
      %dma_wait3A_58 = arith.constant 2 : i32
      %dma_wait3A_59 = arith.constant 0 : i32
      %dma_wait3A_60 = tpu.memref_slice %arg7[%dma_wait3A_58, %dma_wait3A_59] : memref<8x128xi32, #tpu.memory_space<vmem>> -> memref<1x128xi32, #tpu.memory_space<vmem>>
      %dma_wait3A_61 = tpu.memref_squeeze %dma_wait3A_60 : memref<1x128xi32, #tpu.memory_space<vmem>> -> memref<128xi32, #tpu.memory_space<vmem>>
      %dma_wait3A_62 = arith.constant 0 : i32
      %dma_wait3A_63 = arith.constant 0 : i32
      %dma_wait3A_64 = tpu.memref_slice %arg2[%dma_wait3A_62, %dma_wait3A_63] : memref<10240x128xf32, #tpu.memory_space<hbm>> -> memref<10240x128xf32, #tpu.memory_space<hbm>>
      tpu.wait_indirect_dma semaphore(%arg11 : memref<!tpu.dma_semaphore, #tpu.memory_space<semaphore_mem>>) src(%dma_wait3A_64 : memref<10240x128xf32, #tpu.memory_space<hbm>>) dst(%arg9 : memref<128x128xf32, #tpu.memory_space<vmem>>)
      %run_scoped3A_65 = arith.constant 2 : i32
      "tpu.region"() ({
        %run_scoped3A_134 = tpu.sem_alloc : memref<!tpu.dma_semaphore, #tpu.memory_space<semaphore_mem>>
        %dma_start3A_135 = arith.constant 0 : i32
        %dma_start3A_136 = tpu.memref_slice %arg8[%run_scoped3A_65, %dma_start3A_135] : memref<8x128xi32, #tpu.memory_space<vmem>> -> memref<1x128xi32, #tpu.memory_space<vmem>>
        %dma_start3A_137 = tpu.memref_squeeze %dma_start3A_136 : memref<1x128xi32, #tpu.memory_space<vmem>> -> memref<128xi32, #tpu.memory_space<vmem>>
        %dma_start3A_138 = arith.constant 0 : i32
        %dma_start3A_139 = arith.constant 0 : i32
        %dma_start3A_140 = tpu.memref_slice %arg13[%dma_start3A_138, %dma_start3A_139] : memref<10240x128xf32, #tpu.memory_space<vmem_shared>> -> memref<10240x128xf32, #tpu.memory_space<vmem_shared>>
        tpu.enqueue_indirect_dma source(%arg9 : memref<128x128xf32, #tpu.memory_space<vmem>>) target(%dma_start3A_140 : memref<10240x128xf32, #tpu.memory_space<vmem_shared>>) offsets(%dma_start3A_137 : memref<128xi32, #tpu.memory_space<vmem>>) semaphore(%run_scoped3A_134 : memref<!tpu.dma_semaphore, #tpu.memory_space<semaphore_mem>>) {add = true}
        %dma_wait3A_141 = arith.constant 0 : i32
        %dma_wait3A_142 = tpu.memref_slice %arg8[%run_scoped3A_65, %dma_wait3A_141] : memref<8x128xi32, #tpu.memory_space<vmem>> -> memref<1x128xi32, #tpu.memory_space<vmem>>
        %dma_wait3A_143 = tpu.memref_squeeze %dma_wait3A_142 : memref<1x128xi32, #tpu.memory_space<vmem>> -> memref<128xi32, #tpu.memory_space<vmem>>
        %dma_wait3A_144 = arith.constant 0 : i32
        %dma_wait3A_145 = arith.constant 0 : i32
        %dma_wait3A_146 = tpu.memref_slice %arg13[%dma_wait3A_144, %dma_wait3A_145] : memref<10240x128xf32, #tpu.memory_space<vmem_shared>> -> memref<10240x128xf32, #tpu.memory_space<vmem_shared>>
        tpu.wait_indirect_dma semaphore(%run_scoped3A_134 : memref<!tpu.dma_semaphore, #tpu.memory_space<semaphore_mem>>) src(%arg9 : memref<128x128xf32, #tpu.memory_space<vmem>>) dst(%dma_wait3A_146 : memref<10240x128xf32, #tpu.memory_space<vmem_shared>>)
        tpu.yield
      }) : () -> ()
      %dma_start3A_66 = arith.constant 4 : i32
      %dma_start3A_67 = arith.constant 0 : i32
      %dma_start3A_68 = tpu.memref_slice %arg7[%dma_start3A_66, %dma_start3A_67] : memref<8x128xi32, #tpu.memory_space<vmem>> -> memref<1x128xi32, #tpu.memory_space<vmem>>
      %dma_start3A_69 = tpu.memref_squeeze %dma_start3A_68 : memref<1x128xi32, #tpu.memory_space<vmem>> -> memref<128xi32, #tpu.memory_space<vmem>>
      %dma_start3A_70 = arith.constant 0 : i32
      %dma_start3A_71 = arith.constant 0 : i32
      %dma_start3A_72 = tpu.memref_slice %arg2[%dma_start3A_70, %dma_start3A_71] : memref<10240x128xf32, #tpu.memory_space<hbm>> -> memref<10240x128xf32, #tpu.memory_space<hbm>>
      tpu.enqueue_indirect_dma source(%dma_start3A_72 : memref<10240x128xf32, #tpu.memory_space<hbm>>) target(%arg9 : memref<128x128xf32, #tpu.memory_space<vmem>>) offsets(%dma_start3A_69 : memref<128xi32, #tpu.memory_space<vmem>>) semaphore(%arg11 : memref<!tpu.dma_semaphore, #tpu.memory_space<semaphore_mem>>)
      %dma_wait3A_73 = arith.constant 3 : i32
      %dma_wait3A_74 = arith.constant 0 : i32
      %dma_wait3A_75 = tpu.memref_slice %arg7[%dma_wait3A_73, %dma_wait3A_74] : memref<8x128xi32, #tpu.memory_space<vmem>> -> memref<1x128xi32, #tpu.memory_space<vmem>>
      %dma_wait3A_76 = tpu.memref_squeeze %dma_wait3A_75 : memref<1x128xi32, #tpu.memory_space<vmem>> -> memref<128xi32, #tpu.memory_space<vmem>>
      %dma_wait3A_77 = arith.constant 0 : i32
      %dma_wait3A_78 = arith.constant 0 : i32
      %dma_wait3A_79 = tpu.memref_slice %arg2[%dma_wait3A_77, %dma_wait3A_78] : memref<10240x128xf32, #tpu.memory_space<hbm>> -> memref<10240x128xf32, #tpu.memory_space<hbm>>
      tpu.wait_indirect_dma semaphore(%arg12 : memref<!tpu.dma_semaphore, #tpu.memory_space<semaphore_mem>>) src(%dma_wait3A_79 : memref<10240x128xf32, #tpu.memory_space<hbm>>) dst(%arg10 : memref<128x128xf32, #tpu.memory_space<vmem>>)
      %run_scoped3A_80 = arith.constant 3 : i32
      "tpu.region"() ({
        %run_scoped3A_134 = tpu.sem_alloc : memref<!tpu.dma_semaphore, #tpu.memory_space<semaphore_mem>>
        %dma_start3A_135 = arith.constant 0 : i32
        %dma_start3A_136 = tpu.memref_slice %arg8[%run_scoped3A_80, %dma_start3A_135] : memref<8x128xi32, #tpu.memory_space<vmem>> -> memref<1x128xi32, #tpu.memory_space<vmem>>
        %dma_start3A_137 = tpu.memref_squeeze %dma_start3A_136 : memref<1x128xi32, #tpu.memory_space<vmem>> -> memref<128xi32, #tpu.memory_space<vmem>>
        %dma_start3A_138 = arith.constant 0 : i32
        %dma_start3A_139 = arith.constant 0 : i32
        %dma_start3A_140 = tpu.memref_slice %arg13[%dma_start3A_138, %dma_start3A_139] : memref<10240x128xf32, #tpu.memory_space<vmem_shared>> -> memref<10240x128xf32, #tpu.memory_space<vmem_shared>>
        tpu.enqueue_indirect_dma source(%arg10 : memref<128x128xf32, #tpu.memory_space<vmem>>) target(%dma_start3A_140 : memref<10240x128xf32, #tpu.memory_space<vmem_shared>>) offsets(%dma_start3A_137 : memref<128xi32, #tpu.memory_space<vmem>>) semaphore(%run_scoped3A_134 : memref<!tpu.dma_semaphore, #tpu.memory_space<semaphore_mem>>) {add = true}
        %dma_wait3A_141 = arith.constant 0 : i32
        %dma_wait3A_142 = tpu.memref_slice %arg8[%run_scoped3A_80, %dma_wait3A_141] : memref<8x128xi32, #tpu.memory_space<vmem>> -> memref<1x128xi32, #tpu.memory_space<vmem>>
        %dma_wait3A_143 = tpu.memref_squeeze %dma_wait3A_142 : memref<1x128xi32, #tpu.memory_space<vmem>> -> memref<128xi32, #tpu.memory_space<vmem>>
        %dma_wait3A_144 = arith.constant 0 : i32
        %dma_wait3A_145 = arith.constant 0 : i32
        %dma_wait3A_146 = tpu.memref_slice %arg13[%dma_wait3A_144, %dma_wait3A_145] : memref<10240x128xf32, #tpu.memory_space<vmem_shared>> -> memref<10240x128xf32, #tpu.memory_space<vmem_shared>>
        tpu.wait_indirect_dma semaphore(%run_scoped3A_134 : memref<!tpu.dma_semaphore, #tpu.memory_space<semaphore_mem>>) src(%arg10 : memref<128x128xf32, #tpu.memory_space<vmem>>) dst(%dma_wait3A_146 : memref<10240x128xf32, #tpu.memory_space<vmem_shared>>)
        tpu.yield
      }) : () -> ()
      %dma_start3A_81 = arith.constant 5 : i32
      %dma_start3A_82 = arith.constant 0 : i32
      %dma_start3A_83 = tpu.memref_slice %arg7[%dma_start3A_81, %dma_start3A_82] : memref<8x128xi32, #tpu.memory_space<vmem>> -> memref<1x128xi32, #tpu.memory_space<vmem>>
      %dma_start3A_84 = tpu.memref_squeeze %dma_start3A_83 : memref<1x128xi32, #tpu.memory_space<vmem>> -> memref<128xi32, #tpu.memory_space<vmem>>
      %dma_start3A_85 = arith.constant 0 : i32
      %dma_start3A_86 = arith.constant 0 : i32
      %dma_start3A_87 = tpu.memref_slice %arg2[%dma_start3A_85, %dma_start3A_86] : memref<10240x128xf32, #tpu.memory_space<hbm>> -> memref<10240x128xf32, #tpu.memory_space<hbm>>
      tpu.enqueue_indirect_dma source(%dma_start3A_87 : memref<10240x128xf32, #tpu.memory_space<hbm>>) target(%arg10 : memref<128x128xf32, #tpu.memory_space<vmem>>) offsets(%dma_start3A_84 : memref<128xi32, #tpu.memory_space<vmem>>) semaphore(%arg12 : memref<!tpu.dma_semaphore, #tpu.memory_space<semaphore_mem>>)
      %dma_wait3A_88 = arith.constant 4 : i32
      %dma_wait3A_89 = arith.constant 0 : i32
      %dma_wait3A_90 = tpu.memref_slice %arg7[%dma_wait3A_88, %dma_wait3A_89] : memref<8x128xi32, #tpu.memory_space<vmem>> -> memref<1x128xi32, #tpu.memory_space<vmem>>
      %dma_wait3A_91 = tpu.memref_squeeze %dma_wait3A_90 : memref<1x128xi32, #tpu.memory_space<vmem>> -> memref<128xi32, #tpu.memory_space<vmem>>
      %dma_wait3A_92 = arith.constant 0 : i32
      %dma_wait3A_93 = arith.constant 0 : i32
      %dma_wait3A_94 = tpu.memref_slice %arg2[%dma_wait3A_92, %dma_wait3A_93] : memref<10240x128xf32, #tpu.memory_space<hbm>> -> memref<10240x128xf32, #tpu.memory_space<hbm>>
      tpu.wait_indirect_dma semaphore(%arg11 : memref<!tpu.dma_semaphore, #tpu.memory_space<semaphore_mem>>) src(%dma_wait3A_94 : memref<10240x128xf32, #tpu.memory_space<hbm>>) dst(%arg9 : memref<128x128xf32, #tpu.memory_space<vmem>>)
      %run_scoped3A_95 = arith.constant 4 : i32
      "tpu.region"() ({
        %run_scoped3A_134 = tpu.sem_alloc : memref<!tpu.dma_semaphore, #tpu.memory_space<semaphore_mem>>
        %dma_start3A_135 = arith.constant 0 : i32
        %dma_start3A_136 = tpu.memref_slice %arg8[%run_scoped3A_95, %dma_start3A_135] : memref<8x128xi32, #tpu.memory_space<vmem>> -> memref<1x128xi32, #tpu.memory_space<vmem>>
        %dma_start3A_137 = tpu.memref_squeeze %dma_start3A_136 : memref<1x128xi32, #tpu.memory_space<vmem>> -> memref<128xi32, #tpu.memory_space<vmem>>
        %dma_start3A_138 = arith.constant 0 : i32
        %dma_start3A_139 = arith.constant 0 : i32
        %dma_start3A_140 = tpu.memref_slice %arg13[%dma_start3A_138, %dma_start3A_139] : memref<10240x128xf32, #tpu.memory_space<vmem_shared>> -> memref<10240x128xf32, #tpu.memory_space<vmem_shared>>
        tpu.enqueue_indirect_dma source(%arg9 : memref<128x128xf32, #tpu.memory_space<vmem>>) target(%dma_start3A_140 : memref<10240x128xf32, #tpu.memory_space<vmem_shared>>) offsets(%dma_start3A_137 : memref<128xi32, #tpu.memory_space<vmem>>) semaphore(%run_scoped3A_134 : memref<!tpu.dma_semaphore, #tpu.memory_space<semaphore_mem>>) {add = true}
        %dma_wait3A_141 = arith.constant 0 : i32
        %dma_wait3A_142 = tpu.memref_slice %arg8[%run_scoped3A_95, %dma_wait3A_141] : memref<8x128xi32, #tpu.memory_space<vmem>> -> memref<1x128xi32, #tpu.memory_space<vmem>>
        %dma_wait3A_143 = tpu.memref_squeeze %dma_wait3A_142 : memref<1x128xi32, #tpu.memory_space<vmem>> -> memref<128xi32, #tpu.memory_space<vmem>>
        %dma_wait3A_144 = arith.constant 0 : i32
        %dma_wait3A_145 = arith.constant 0 : i32
        %dma_wait3A_146 = tpu.memref_slice %arg13[%dma_wait3A_144, %dma_wait3A_145] : memref<10240x128xf32, #tpu.memory_space<vmem_shared>> -> memref<10240x128xf32, #tpu.memory_space<vmem_shared>>
        tpu.wait_indirect_dma semaphore(%run_scoped3A_134 : memref<!tpu.dma_semaphore, #tpu.memory_space<semaphore_mem>>) src(%arg9 : memref<128x128xf32, #tpu.memory_space<vmem>>) dst(%dma_wait3A_146 : memref<10240x128xf32, #tpu.memory_space<vmem_shared>>)
        tpu.yield
      }) : () -> ()
      %dma_start3A_96 = arith.constant 6 : i32
      %dma_start3A_97 = arith.constant 0 : i32
      %dma_start3A_98 = tpu.memref_slice %arg7[%dma_start3A_96, %dma_start3A_97] : memref<8x128xi32, #tpu.memory_space<vmem>> -> memref<1x128xi32, #tpu.memory_space<vmem>>
      %dma_start3A_99 = tpu.memref_squeeze %dma_start3A_98 : memref<1x128xi32, #tpu.memory_space<vmem>> -> memref<128xi32, #tpu.memory_space<vmem>>
      %dma_start3A_100 = arith.constant 0 : i32
      %dma_start3A_101 = arith.constant 0 : i32
      %dma_start3A_102 = tpu.memref_slice %arg2[%dma_start3A_100, %dma_start3A_101] : memref<10240x128xf32, #tpu.memory_space<hbm>> -> memref<10240x128xf32, #tpu.memory_space<hbm>>
      tpu.enqueue_indirect_dma source(%dma_start3A_102 : memref<10240x128xf32, #tpu.memory_space<hbm>>) target(%arg9 : memref<128x128xf32, #tpu.memory_space<vmem>>) offsets(%dma_start3A_99 : memref<128xi32, #tpu.memory_space<vmem>>) semaphore(%arg11 : memref<!tpu.dma_semaphore, #tpu.memory_space<semaphore_mem>>)
      %dma_wait3A_103 = arith.constant 5 : i32
      %dma_wait3A_104 = arith.constant 0 : i32
      %dma_wait3A_105 = tpu.memref_slice %arg7[%dma_wait3A_103, %dma_wait3A_104] : memref<8x128xi32, #tpu.memory_space<vmem>> -> memref<1x128xi32, #tpu.memory_space<vmem>>
      %dma_wait3A_106 = tpu.memref_squeeze %dma_wait3A_105 : memref<1x128xi32, #tpu.memory_space<vmem>> -> memref<128xi32, #tpu.memory_space<vmem>>
      %dma_wait3A_107 = arith.constant 0 : i32
      %dma_wait3A_108 = arith.constant 0 : i32
      %dma_wait3A_109 = tpu.memref_slice %arg2[%dma_wait3A_107, %dma_wait3A_108] : memref<10240x128xf32, #tpu.memory_space<hbm>> -> memref<10240x128xf32, #tpu.memory_space<hbm>>
      tpu.wait_indirect_dma semaphore(%arg12 : memref<!tpu.dma_semaphore, #tpu.memory_space<semaphore_mem>>) src(%dma_wait3A_109 : memref<10240x128xf32, #tpu.memory_space<hbm>>) dst(%arg10 : memref<128x128xf32, #tpu.memory_space<vmem>>)
      %run_scoped3A_110 = arith.constant 5 : i32
      "tpu.region"() ({
        %run_scoped3A_134 = tpu.sem_alloc : memref<!tpu.dma_semaphore, #tpu.memory_space<semaphore_mem>>
        %dma_start3A_135 = arith.constant 0 : i32
        %dma_start3A_136 = tpu.memref_slice %arg8[%run_scoped3A_110, %dma_start3A_135] : memref<8x128xi32, #tpu.memory_space<vmem>> -> memref<1x128xi32, #tpu.memory_space<vmem>>
        %dma_start3A_137 = tpu.memref_squeeze %dma_start3A_136 : memref<1x128xi32, #tpu.memory_space<vmem>> -> memref<128xi32, #tpu.memory_space<vmem>>
        %dma_start3A_138 = arith.constant 0 : i32
        %dma_start3A_139 = arith.constant 0 : i32
        %dma_start3A_140 = tpu.memref_slice %arg13[%dma_start3A_138, %dma_start3A_139] : memref<10240x128xf32, #tpu.memory_space<vmem_shared>> -> memref<10240x128xf32, #tpu.memory_space<vmem_shared>>
        tpu.enqueue_indirect_dma source(%arg10 : memref<128x128xf32, #tpu.memory_space<vmem>>) target(%dma_start3A_140 : memref<10240x128xf32, #tpu.memory_space<vmem_shared>>) offsets(%dma_start3A_137 : memref<128xi32, #tpu.memory_space<vmem>>) semaphore(%run_scoped3A_134 : memref<!tpu.dma_semaphore, #tpu.memory_space<semaphore_mem>>) {add = true}
        %dma_wait3A_141 = arith.constant 0 : i32
        %dma_wait3A_142 = tpu.memref_slice %arg8[%run_scoped3A_110, %dma_wait3A_141] : memref<8x128xi32, #tpu.memory_space<vmem>> -> memref<1x128xi32, #tpu.memory_space<vmem>>
        %dma_wait3A_143 = tpu.memref_squeeze %dma_wait3A_142 : memref<1x128xi32, #tpu.memory_space<vmem>> -> memref<128xi32, #tpu.memory_space<vmem>>
        %dma_wait3A_144 = arith.constant 0 : i32
        %dma_wait3A_145 = arith.constant 0 : i32
        %dma_wait3A_146 = tpu.memref_slice %arg13[%dma_wait3A_144, %dma_wait3A_145] : memref<10240x128xf32, #tpu.memory_space<vmem_shared>> -> memref<10240x128xf32, #tpu.memory_space<vmem_shared>>
        tpu.wait_indirect_dma semaphore(%run_scoped3A_134 : memref<!tpu.dma_semaphore, #tpu.memory_space<semaphore_mem>>) src(%arg10 : memref<128x128xf32, #tpu.memory_space<vmem>>) dst(%dma_wait3A_146 : memref<10240x128xf32, #tpu.memory_space<vmem_shared>>)
        tpu.yield
      }) : () -> ()
      %dma_start3A_111 = arith.constant 7 : i32
      %dma_start3A_112 = arith.constant 0 : i32
      %dma_start3A_113 = tpu.memref_slice %arg7[%dma_start3A_111, %dma_start3A_112] : memref<8x128xi32, #tpu.memory_space<vmem>> -> memref<1x128xi32, #tpu.memory_space<vmem>>
      %dma_start3A_114 = tpu.memref_squeeze %dma_start3A_113 : memref<1x128xi32, #tpu.memory_space<vmem>> -> memref<128xi32, #tpu.memory_space<vmem>>
      %dma_start3A_115 = arith.constant 0 : i32
      %dma_start3A_116 = arith.constant 0 : i32
      %dma_start3A_117 = tpu.memref_slice %arg2[%dma_start3A_115, %dma_start3A_116] : memref<10240x128xf32, #tpu.memory_space<hbm>> -> memref<10240x128xf32, #tpu.memory_space<hbm>>
      tpu.enqueue_indirect_dma source(%dma_start3A_117 : memref<10240x128xf32, #tpu.memory_space<hbm>>) target(%arg10 : memref<128x128xf32, #tpu.memory_space<vmem>>) offsets(%dma_start3A_114 : memref<128xi32, #tpu.memory_space<vmem>>) semaphore(%arg12 : memref<!tpu.dma_semaphore, #tpu.memory_space<semaphore_mem>>)
      %dma_wait3A_118 = arith.constant 6 : i32
      %dma_wait3A_119 = arith.constant 0 : i32
      %dma_wait3A_120 = tpu.memref_slice %arg7[%dma_wait3A_118, %dma_wait3A_119] : memref<8x128xi32, #tpu.memory_space<vmem>> -> memref<1x128xi32, #tpu.memory_space<vmem>>
      %dma_wait3A_121 = tpu.memref_squeeze %dma_wait3A_120 : memref<1x128xi32, #tpu.memory_space<vmem>> -> memref<128xi32, #tpu.memory_space<vmem>>
      %dma_wait3A_122 = arith.constant 0 : i32
      %dma_wait3A_123 = arith.constant 0 : i32
      %dma_wait3A_124 = tpu.memref_slice %arg2[%dma_wait3A_122, %dma_wait3A_123] : memref<10240x128xf32, #tpu.memory_space<hbm>> -> memref<10240x128xf32, #tpu.memory_space<hbm>>
      tpu.wait_indirect_dma semaphore(%arg11 : memref<!tpu.dma_semaphore, #tpu.memory_space<semaphore_mem>>) src(%dma_wait3A_124 : memref<10240x128xf32, #tpu.memory_space<hbm>>) dst(%arg9 : memref<128x128xf32, #tpu.memory_space<vmem>>)
      %run_scoped3A_125 = arith.constant 6 : i32
      "tpu.region"() ({
        %run_scoped3A_134 = tpu.sem_alloc : memref<!tpu.dma_semaphore, #tpu.memory_space<semaphore_mem>>
        %dma_start3A_135 = arith.constant 0 : i32
        %dma_start3A_136 = tpu.memref_slice %arg8[%run_scoped3A_125, %dma_start3A_135] : memref<8x128xi32, #tpu.memory_space<vmem>> -> memref<1x128xi32, #tpu.memory_space<vmem>>
        %dma_start3A_137 = tpu.memref_squeeze %dma_start3A_136 : memref<1x128xi32, #tpu.memory_space<vmem>> -> memref<128xi32, #tpu.memory_space<vmem>>
        %dma_start3A_138 = arith.constant 0 : i32
        %dma_start3A_139 = arith.constant 0 : i32
        %dma_start3A_140 = tpu.memref_slice %arg13[%dma_start3A_138, %dma_start3A_139] : memref<10240x128xf32, #tpu.memory_space<vmem_shared>> -> memref<10240x128xf32, #tpu.memory_space<vmem_shared>>
        tpu.enqueue_indirect_dma source(%arg9 : memref<128x128xf32, #tpu.memory_space<vmem>>) target(%dma_start3A_140 : memref<10240x128xf32, #tpu.memory_space<vmem_shared>>) offsets(%dma_start3A_137 : memref<128xi32, #tpu.memory_space<vmem>>) semaphore(%run_scoped3A_134 : memref<!tpu.dma_semaphore, #tpu.memory_space<semaphore_mem>>) {add = true}
        %dma_wait3A_141 = arith.constant 0 : i32
        %dma_wait3A_142 = tpu.memref_slice %arg8[%run_scoped3A_125, %dma_wait3A_141] : memref<8x128xi32, #tpu.memory_space<vmem>> -> memref<1x128xi32, #tpu.memory_space<vmem>>
        %dma_wait3A_143 = tpu.memref_squeeze %dma_wait3A_142 : memref<1x128xi32, #tpu.memory_space<vmem>> -> memref<128xi32, #tpu.memory_space<vmem>>
        %dma_wait3A_144 = arith.constant 0 : i32
        %dma_wait3A_145 = arith.constant 0 : i32
        %dma_wait3A_146 = tpu.memref_slice %arg13[%dma_wait3A_144, %dma_wait3A_145] : memref<10240x128xf32, #tpu.memory_space<vmem_shared>> -> memref<10240x128xf32, #tpu.memory_space<vmem_shared>>
        tpu.wait_indirect_dma semaphore(%run_scoped3A_134 : memref<!tpu.dma_semaphore, #tpu.memory_space<semaphore_mem>>) src(%arg9 : memref<128x128xf32, #tpu.memory_space<vmem>>) dst(%dma_wait3A_146 : memref<10240x128xf32, #tpu.memory_space<vmem_shared>>)
        tpu.yield
      }) : () -> ()
      %dma_wait3A_126 = arith.constant 7 : i32
      %dma_wait3A_127 = arith.constant 0 : i32
      %dma_wait3A_128 = tpu.memref_slice %arg7[%dma_wait3A_126, %dma_wait3A_127] : memref<8x128xi32, #tpu.memory_space<vmem>> -> memref<1x128xi32, #tpu.memory_space<vmem>>
      %dma_wait3A_129 = tpu.memref_squeeze %dma_wait3A_128 : memref<1x128xi32, #tpu.memory_space<vmem>> -> memref<128xi32, #tpu.memory_space<vmem>>
      %dma_wait3A_130 = arith.constant 0 : i32
      %dma_wait3A_131 = arith.constant 0 : i32
      %dma_wait3A_132 = tpu.memref_slice %arg2[%dma_wait3A_130, %dma_wait3A_131] : memref<10240x128xf32, #tpu.memory_space<hbm>> -> memref<10240x128xf32, #tpu.memory_space<hbm>>
      tpu.wait_indirect_dma semaphore(%arg12 : memref<!tpu.dma_semaphore, #tpu.memory_space<semaphore_mem>>) src(%dma_wait3A_132 : memref<10240x128xf32, #tpu.memory_space<hbm>>) dst(%arg10 : memref<128x128xf32, #tpu.memory_space<vmem>>)
      %run_scoped3A_133 = arith.constant 7 : i32
      "tpu.region"() ({
        %run_scoped3A_134 = tpu.sem_alloc : memref<!tpu.dma_semaphore, #tpu.memory_space<semaphore_mem>>
        %dma_start3A_135 = arith.constant 0 : i32
        %dma_start3A_136 = tpu.memref_slice %arg8[%run_scoped3A_133, %dma_start3A_135] : memref<8x128xi32, #tpu.memory_space<vmem>> -> memref<1x128xi32, #tpu.memory_space<vmem>>
        %dma_start3A_137 = tpu.memref_squeeze %dma_start3A_136 : memref<1x128xi32, #tpu.memory_space<vmem>> -> memref<128xi32, #tpu.memory_space<vmem>>
        %dma_start3A_138 = arith.constant 0 : i32
        %dma_start3A_139 = arith.constant 0 : i32
        %dma_start3A_140 = tpu.memref_slice %arg13[%dma_start3A_138, %dma_start3A_139] : memref<10240x128xf32, #tpu.memory_space<vmem_shared>> -> memref<10240x128xf32, #tpu.memory_space<vmem_shared>>
        tpu.enqueue_indirect_dma source(%arg10 : memref<128x128xf32, #tpu.memory_space<vmem>>) target(%dma_start3A_140 : memref<10240x128xf32, #tpu.memory_space<vmem_shared>>) offsets(%dma_start3A_137 : memref<128xi32, #tpu.memory_space<vmem>>) semaphore(%run_scoped3A_134 : memref<!tpu.dma_semaphore, #tpu.memory_space<semaphore_mem>>) {add = true}
        %dma_wait3A_141 = arith.constant 0 : i32
        %dma_wait3A_142 = tpu.memref_slice %arg8[%run_scoped3A_133, %dma_wait3A_141] : memref<8x128xi32, #tpu.memory_space<vmem>> -> memref<1x128xi32, #tpu.memory_space<vmem>>
        %dma_wait3A_143 = tpu.memref_squeeze %dma_wait3A_142 : memref<1x128xi32, #tpu.memory_space<vmem>> -> memref<128xi32, #tpu.memory_space<vmem>>
        %dma_wait3A_144 = arith.constant 0 : i32
        %dma_wait3A_145 = arith.constant 0 : i32
        %dma_wait3A_146 = tpu.memref_slice %arg13[%dma_wait3A_144, %dma_wait3A_145] : memref<10240x128xf32, #tpu.memory_space<vmem_shared>> -> memref<10240x128xf32, #tpu.memory_space<vmem_shared>>
        tpu.wait_indirect_dma semaphore(%run_scoped3A_134 : memref<!tpu.dma_semaphore, #tpu.memory_space<semaphore_mem>>) src(%arg10 : memref<128x128xf32, #tpu.memory_space<vmem>>) dst(%dma_wait3A_146 : memref<10240x128xf32, #tpu.memory_space<vmem_shared>>)
        tpu.yield
      }) : () -> ()
    }
    %scan3A_7 = arith.constant 10 : i32
    %barrier3A_8 = arith.constant 0 : index
    tpu.barrier barrier_id(%barrier3A_8)
    %mul3A_9 = arith.constant 10240 : i32
    %mul3A_10 = arith.muli %arg0, %mul3A_9 : i32
    %add3A_11 = arith.addi %mul3A_10, %mul3A_2 : i32
    "tpu.region"() ({
      %run_scoped3A = tpu.sem_alloc : memref<!tpu.dma_semaphore, #tpu.memory_space<semaphore_mem>>
      %dma_start3A = arith.constant 0 : i32
      %dma_start3A_12 = tpu.memref_slice %arg6[%add3A_11, %dma_start3A] : memref<20480x128xf32, #tpu.memory_space<hbm>> -> memref<640x128xf32, #tpu.memory_space<hbm>>
      %dma_start3A_13 = arith.constant 0 : i32
      %dma_start3A_14 = tpu.memref_slice %arg13[%mul3A_2, %dma_start3A_13] : memref<10240x128xf32, #tpu.memory_space<vmem_shared>> -> memref<640x128xf32, #tpu.memory_space<vmem_shared>>
      tpu.enqueue_dma source(%dma_start3A_14 : memref<640x128xf32, #tpu.memory_space<vmem_shared>>) target(%dma_start3A_12 : memref<640x128xf32, #tpu.memory_space<hbm>>) target_semaphore(%run_scoped3A : memref<!tpu.dma_semaphore, #tpu.memory_space<semaphore_mem>>)
      %dma_wait3A = arith.constant 0 : i32
      %dma_wait3A_15 = tpu.memref_slice %arg6[%add3A_11, %dma_wait3A] : memref<20480x128xf32, #tpu.memory_space<hbm>> -> memref<640x128xf32, #tpu.memory_space<hbm>>
      %dma_wait3A_16 = arith.constant 0 : i32
      %dma_wait3A_17 = tpu.memref_slice %arg13[%mul3A_2, %dma_wait3A_16] : memref<10240x128xf32, #tpu.memory_space<vmem_shared>> -> memref<640x128xf32, #tpu.memory_space<vmem_shared>>
      tpu.wait_dma2 semaphore(%run_scoped3A : memref<!tpu.dma_semaphore, #tpu.memory_space<semaphore_mem>>) src(%dma_wait3A_17 : memref<640x128xf32, #tpu.memory_space<vmem_shared>>) dst(%dma_wait3A_15 : memref<640x128xf32, #tpu.memory_space<hbm>>)
      tpu.yield
    }) : () -> ()
    return
  }
}

#map = affine_map<(d0, d1) -> (0, 0)>
#map1 = affine_map<(d0, d1) -> (0, 0, 0)>
module attributes {stable_mosaic.version = 14 : i64} {
  func.func @_seg_body(%arg0: i32, %arg1: i32, %arg2: memref<10240x128xf32, #tpu.memory_space<hbm>>, %arg3: memref<32x80x128xi32, #tpu.memory_space<hbm>>, %arg4: memref<32x80x128xi32, #tpu.memory_space<hbm>>, %arg5: memref<10240x128xf32, #tpu.memory_space<hbm>>, %arg6: memref<20480x128xf32, #tpu.memory_space<hbm>>, %arg7: memref<8x128xi32, #tpu.memory_space<vmem>>, %arg8: memref<8x128xi32, #tpu.memory_space<vmem>>, %arg9: memref<128x128xf32, #tpu.memory_space<vmem>>, %arg10: memref<128x128xf32, #tpu.memory_space<vmem>>, %arg11: memref<!tpu.dma_semaphore, #tpu.memory_space<semaphore_mem>>, %arg12: memref<!tpu.dma_semaphore, #tpu.memory_space<semaphore_mem>>, %arg13: memref<10240x128xf32, #tpu.memory_space<vmem_shared>>) attributes {dimension_semantics = [#tpu.dimension_semantics<core_parallel>, #tpu.dimension_semantics<subcore_parallel>], iteration_bounds = array<i64: 2, 16>, scalar_prefetch = 0 : i64, scratch_operands = 7 : i64, tpu.core_type = #tpu.core_type<sc_vector_subcore>, window_params = [{transform_indices = #map}, {transform_indices = #map1}, {transform_indices = #map1}, {transform_indices = #map}, {transform_indices = #map}]} {
    %mul3A = arith.constant 2 : i32
    %mul3A_0 = arith.muli %arg1, %mul3A : i32
    %add3A = arith.addi %mul3A_0, %arg0 : i32
    %mul3A_1 = arith.constant 640 : i32
    %mul3A_2 = arith.muli %arg1, %mul3A_1 : i32
    "tpu.region"() ({
      %run_scoped3A = tpu.sem_alloc : memref<!tpu.dma_semaphore, #tpu.memory_space<semaphore_mem>>
      %dma_start3A = arith.constant 0 : i32
      %dma_start3A_12 = tpu.memref_slice %arg13[%mul3A_2, %dma_start3A] : memref<10240x128xf32, #tpu.memory_space<vmem_shared>> -> memref<640x128xf32, #tpu.memory_space<vmem_shared>>
      %dma_start3A_13 = arith.constant 0 : i32
      %dma_start3A_14 = tpu.memref_slice %arg5[%mul3A_2, %dma_start3A_13] : memref<10240x128xf32, #tpu.memory_space<hbm>> -> memref<640x128xf32, #tpu.memory_space<hbm>>
      tpu.enqueue_dma source(%dma_start3A_14 : memref<640x128xf32, #tpu.memory_space<hbm>>) target(%dma_start3A_12 : memref<640x128xf32, #tpu.memory_space<vmem_shared>>) target_semaphore(%run_scoped3A : memref<!tpu.dma_semaphore, #tpu.memory_space<semaphore_mem>>)
      %dma_wait3A = arith.constant 0 : i32
      %dma_wait3A_15 = tpu.memref_slice %arg13[%mul3A_2, %dma_wait3A] : memref<10240x128xf32, #tpu.memory_space<vmem_shared>> -> memref<640x128xf32, #tpu.memory_space<vmem_shared>>
      %dma_wait3A_16 = arith.constant 0 : i32
      %dma_wait3A_17 = tpu.memref_slice %arg5[%mul3A_2, %dma_wait3A_16] : memref<10240x128xf32, #tpu.memory_space<hbm>> -> memref<640x128xf32, #tpu.memory_space<hbm>>
      tpu.wait_dma2 semaphore(%run_scoped3A : memref<!tpu.dma_semaphore, #tpu.memory_space<semaphore_mem>>) src(%dma_wait3A_17 : memref<640x128xf32, #tpu.memory_space<hbm>>) dst(%dma_wait3A_15 : memref<640x128xf32, #tpu.memory_space<vmem_shared>>)
      tpu.yield
    }) : () -> ()
    %barrier3A = arith.constant 0 : index
    tpu.barrier barrier_id(%barrier3A)
    %scan3A = arith.constant 0 : i32
    %scan3A_3 = arith.constant 0 : i32
    %scan3A_4 = arith.constant 10 : i32
    %scan3A_5 = arith.addi %scan3A_3, %scan3A_4 : i32
    %scan3A_6 = arith.constant 1 : i32
    scf.for %scan3A_12 = %scan3A_3 to %scan3A_5 step %scan3A_6  : i32 {
      %mul3A_13 = arith.constant 8 : i32
      %mul3A_14 = arith.muli %scan3A_12, %mul3A_13 : i32
      "tpu.region"() ({
        %run_scoped3A_134 = tpu.sem_alloc : memref<!tpu.dma_semaphore, #tpu.memory_space<semaphore_mem>>
        %dma_start3A_135 = arith.constant 0 : i32
        %dma_start3A_136 = tpu.memref_slice %arg3[%add3A, %mul3A_14, %dma_start3A_135] : memref<32x80x128xi32, #tpu.memory_space<hbm>> -> memref<1x8x128xi32, #tpu.memory_space<hbm>>
        %dma_start3A_137 = tpu.memref_squeeze %dma_start3A_136 : memref<1x8x128xi32, #tpu.memory_space<hbm>> -> memref<8x128xi32, #tpu.memory_space<hbm>>
        %dma_start3A_138 = arith.constant 0 : i32
        %dma_start3A_139 = tpu.memref_slice %arg3[%add3A, %mul3A_14, %dma_start3A_138] : memref<32x80x128xi32, #tpu.memory_space<hbm>> -> memref<1x8x128xi32, #tpu.memory_space<hbm>>
        %dma_start3A_140 = tpu.memref_squeeze %dma_start3A_139 : memref<1x8x128xi32, #tpu.memory_space<hbm>> -> memref<8x128xi32, #tpu.memory_space<hbm>>
        tpu.enqueue_dma source(%dma_start3A_140 : memref<8x128xi32, #tpu.memory_space<hbm>>) target(%arg7 : memref<8x128xi32, #tpu.memory_space<vmem>>) target_semaphore(%run_scoped3A_134 : memref<!tpu.dma_semaphore, #tpu.memory_space<semaphore_mem>>)
        %dma_wait3A_141 = arith.constant 0 : i32
        %dma_wait3A_142 = tpu.memref_slice %arg3[%add3A, %mul3A_14, %dma_wait3A_141] : memref<32x80x128xi32, #tpu.memory_space<hbm>> -> memref<1x8x128xi32, #tpu.memory_space<hbm>>
        %dma_wait3A_143 = tpu.memref_squeeze %dma_wait3A_142 : memref<1x8x128xi32, #tpu.memory_space<hbm>> -> memref<8x128xi32, #tpu.memory_space<hbm>>
        %dma_wait3A_144 = arith.constant 0 : i32
        %dma_wait3A_145 = tpu.memref_slice %arg3[%add3A, %mul3A_14, %dma_wait3A_144] : memref<32x80x128xi32, #tpu.memory_space<hbm>> -> memref<1x8x128xi32, #tpu.memory_space<hbm>>
        %dma_wait3A_146 = tpu.memref_squeeze %dma_wait3A_145 : memref<1x8x128xi32, #tpu.memory_space<hbm>> -> memref<8x128xi32, #tpu.memory_space<hbm>>
        tpu.wait_dma2 semaphore(%run_scoped3A_134 : memref<!tpu.dma_semaphore, #tpu.memory_space<semaphore_mem>>) src(%dma_wait3A_146 : memref<8x128xi32, #tpu.memory_space<hbm>>) dst(%arg7 : memref<8x128xi32, #tpu.memory_space<vmem>>)
        tpu.yield
      }) : () -> ()
      %mul3A_15 = arith.constant 8 : i32
      %mul3A_16 = arith.muli %scan3A_12, %mul3A_15 : i32
      "tpu.region"() ({
        %run_scoped3A_134 = tpu.sem_alloc : memref<!tpu.dma_semaphore, #tpu.memory_space<semaphore_mem>>
        %dma_start3A_135 = arith.constant 0 : i32
        %dma_start3A_136 = tpu.memref_slice %arg4[%add3A, %mul3A_16, %dma_start3A_135] : memref<32x80x128xi32, #tpu.memory_space<hbm>> -> memref<1x8x128xi32, #tpu.memory_space<hbm>>
        %dma_start3A_137 = tpu.memref_squeeze %dma_start3A_136 : memref<1x8x128xi32, #tpu.memory_space<hbm>> -> memref<8x128xi32, #tpu.memory_space<hbm>>
        %dma_start3A_138 = arith.constant 0 : i32
        %dma_start3A_139 = tpu.memref_slice %arg4[%add3A, %mul3A_16, %dma_start3A_138] : memref<32x80x128xi32, #tpu.memory_space<hbm>> -> memref<1x8x128xi32, #tpu.memory_space<hbm>>
        %dma_start3A_140 = tpu.memref_squeeze %dma_start3A_139 : memref<1x8x128xi32, #tpu.memory_space<hbm>> -> memref<8x128xi32, #tpu.memory_space<hbm>>
        tpu.enqueue_dma source(%dma_start3A_140 : memref<8x128xi32, #tpu.memory_space<hbm>>) target(%arg8 : memref<8x128xi32, #tpu.memory_space<vmem>>) target_semaphore(%run_scoped3A_134 : memref<!tpu.dma_semaphore, #tpu.memory_space<semaphore_mem>>)
        %dma_wait3A_141 = arith.constant 0 : i32
        %dma_wait3A_142 = tpu.memref_slice %arg4[%add3A, %mul3A_16, %dma_wait3A_141] : memref<32x80x128xi32, #tpu.memory_space<hbm>> -> memref<1x8x128xi32, #tpu.memory_space<hbm>>
        %dma_wait3A_143 = tpu.memref_squeeze %dma_wait3A_142 : memref<1x8x128xi32, #tpu.memory_space<hbm>> -> memref<8x128xi32, #tpu.memory_space<hbm>>
        %dma_wait3A_144 = arith.constant 0 : i32
        %dma_wait3A_145 = tpu.memref_slice %arg4[%add3A, %mul3A_16, %dma_wait3A_144] : memref<32x80x128xi32, #tpu.memory_space<hbm>> -> memref<1x8x128xi32, #tpu.memory_space<hbm>>
        %dma_wait3A_146 = tpu.memref_squeeze %dma_wait3A_145 : memref<1x8x128xi32, #tpu.memory_space<hbm>> -> memref<8x128xi32, #tpu.memory_space<hbm>>
        tpu.wait_dma2 semaphore(%run_scoped3A_134 : memref<!tpu.dma_semaphore, #tpu.memory_space<semaphore_mem>>) src(%dma_wait3A_146 : memref<8x128xi32, #tpu.memory_space<hbm>>) dst(%arg8 : memref<8x128xi32, #tpu.memory_space<vmem>>)
        tpu.yield
      }) : () -> ()
      %dma_start3A = arith.constant 0 : i32
      %dma_start3A_17 = arith.constant 0 : i32
      %dma_start3A_18 = tpu.memref_slice %arg7[%dma_start3A, %dma_start3A_17] : memref<8x128xi32, #tpu.memory_space<vmem>> -> memref<1x128xi32, #tpu.memory_space<vmem>>
      %dma_start3A_19 = tpu.memref_squeeze %dma_start3A_18 : memref<1x128xi32, #tpu.memory_space<vmem>> -> memref<128xi32, #tpu.memory_space<vmem>>
      %dma_start3A_20 = arith.constant 0 : i32
      %dma_start3A_21 = arith.constant 0 : i32
      %dma_start3A_22 = tpu.memref_slice %arg2[%dma_start3A_20, %dma_start3A_21] : memref<10240x128xf32, #tpu.memory_space<hbm>> -> memref<10240x128xf32, #tpu.memory_space<hbm>>
      tpu.enqueue_indirect_dma source(%dma_start3A_22 : memref<10240x128xf32, #tpu.memory_space<hbm>>) target(%arg9 : memref<128x128xf32, #tpu.memory_space<vmem>>) offsets(%dma_start3A_19 : memref<128xi32, #tpu.memory_space<vmem>>) semaphore(%arg11 : memref<!tpu.dma_semaphore, #tpu.memory_space<semaphore_mem>>)
      %dma_start3A_23 = arith.constant 1 : i32
      %dma_start3A_24 = arith.constant 0 : i32
      %dma_start3A_25 = tpu.memref_slice %arg7[%dma_start3A_23, %dma_start3A_24] : memref<8x128xi32, #tpu.memory_space<vmem>> -> memref<1x128xi32, #tpu.memory_space<vmem>>
      %dma_start3A_26 = tpu.memref_squeeze %dma_start3A_25 : memref<1x128xi32, #tpu.memory_space<vmem>> -> memref<128xi32, #tpu.memory_space<vmem>>
      %dma_start3A_27 = arith.constant 0 : i32
      %dma_start3A_28 = arith.constant 0 : i32
      %dma_start3A_29 = tpu.memref_slice %arg2[%dma_start3A_27, %dma_start3A_28] : memref<10240x128xf32, #tpu.memory_space<hbm>> -> memref<10240x128xf32, #tpu.memory_space<hbm>>
      tpu.enqueue_indirect_dma source(%dma_start3A_29 : memref<10240x128xf32, #tpu.memory_space<hbm>>) target(%arg10 : memref<128x128xf32, #tpu.memory_space<vmem>>) offsets(%dma_start3A_26 : memref<128xi32, #tpu.memory_space<vmem>>) semaphore(%arg12 : memref<!tpu.dma_semaphore, #tpu.memory_space<semaphore_mem>>)
      %dma_wait3A = arith.constant 0 : i32
      %dma_wait3A_30 = arith.constant 0 : i32
      %dma_wait3A_31 = tpu.memref_slice %arg7[%dma_wait3A, %dma_wait3A_30] : memref<8x128xi32, #tpu.memory_space<vmem>> -> memref<1x128xi32, #tpu.memory_space<vmem>>
      %dma_wait3A_32 = tpu.memref_squeeze %dma_wait3A_31 : memref<1x128xi32, #tpu.memory_space<vmem>> -> memref<128xi32, #tpu.memory_space<vmem>>
      %dma_wait3A_33 = arith.constant 0 : i32
      %dma_wait3A_34 = arith.constant 0 : i32
      %dma_wait3A_35 = tpu.memref_slice %arg2[%dma_wait3A_33, %dma_wait3A_34] : memref<10240x128xf32, #tpu.memory_space<hbm>> -> memref<10240x128xf32, #tpu.memory_space<hbm>>
      tpu.wait_indirect_dma semaphore(%arg11 : memref<!tpu.dma_semaphore, #tpu.memory_space<semaphore_mem>>) src(%dma_wait3A_35 : memref<10240x128xf32, #tpu.memory_space<hbm>>) dst(%arg9 : memref<128x128xf32, #tpu.memory_space<vmem>>)
      %run_scoped3A = arith.constant 0 : i32
      "tpu.region"() ({
        %run_scoped3A_134 = tpu.sem_alloc : memref<!tpu.dma_semaphore, #tpu.memory_space<semaphore_mem>>
        %dma_start3A_135 = arith.constant 0 : i32
        %dma_start3A_136 = tpu.memref_slice %arg8[%run_scoped3A, %dma_start3A_135] : memref<8x128xi32, #tpu.memory_space<vmem>> -> memref<1x128xi32, #tpu.memory_space<vmem>>
        %dma_start3A_137 = tpu.memref_squeeze %dma_start3A_136 : memref<1x128xi32, #tpu.memory_space<vmem>> -> memref<128xi32, #tpu.memory_space<vmem>>
        %dma_start3A_138 = arith.constant 0 : i32
        %dma_start3A_139 = arith.constant 0 : i32
        %dma_start3A_140 = tpu.memref_slice %arg13[%dma_start3A_138, %dma_start3A_139] : memref<10240x128xf32, #tpu.memory_space<vmem_shared>> -> memref<10240x128xf32, #tpu.memory_space<vmem_shared>>
        tpu.enqueue_indirect_dma source(%arg9 : memref<128x128xf32, #tpu.memory_space<vmem>>) target(%dma_start3A_140 : memref<10240x128xf32, #tpu.memory_space<vmem_shared>>) offsets(%dma_start3A_137 : memref<128xi32, #tpu.memory_space<vmem>>) semaphore(%run_scoped3A_134 : memref<!tpu.dma_semaphore, #tpu.memory_space<semaphore_mem>>) {add = true}
        %dma_wait3A_141 = arith.constant 0 : i32
        %dma_wait3A_142 = tpu.memref_slice %arg8[%run_scoped3A, %dma_wait3A_141] : memref<8x128xi32, #tpu.memory_space<vmem>> -> memref<1x128xi32, #tpu.memory_space<vmem>>
        %dma_wait3A_143 = tpu.memref_squeeze %dma_wait3A_142 : memref<1x128xi32, #tpu.memory_space<vmem>> -> memref<128xi32, #tpu.memory_space<vmem>>
        %dma_wait3A_144 = arith.constant 0 : i32
        %dma_wait3A_145 = arith.constant 0 : i32
        %dma_wait3A_146 = tpu.memref_slice %arg13[%dma_wait3A_144, %dma_wait3A_145] : memref<10240x128xf32, #tpu.memory_space<vmem_shared>> -> memref<10240x128xf32, #tpu.memory_space<vmem_shared>>
        tpu.wait_indirect_dma semaphore(%run_scoped3A_134 : memref<!tpu.dma_semaphore, #tpu.memory_space<semaphore_mem>>) src(%arg9 : memref<128x128xf32, #tpu.memory_space<vmem>>) dst(%dma_wait3A_146 : memref<10240x128xf32, #tpu.memory_space<vmem_shared>>)
        tpu.yield
      }) : () -> ()
      %dma_start3A_36 = arith.constant 2 : i32
      %dma_start3A_37 = arith.constant 0 : i32
      %dma_start3A_38 = tpu.memref_slice %arg7[%dma_start3A_36, %dma_start3A_37] : memref<8x128xi32, #tpu.memory_space<vmem>> -> memref<1x128xi32, #tpu.memory_space<vmem>>
      %dma_start3A_39 = tpu.memref_squeeze %dma_start3A_38 : memref<1x128xi32, #tpu.memory_space<vmem>> -> memref<128xi32, #tpu.memory_space<vmem>>
      %dma_start3A_40 = arith.constant 0 : i32
      %dma_start3A_41 = arith.constant 0 : i32
      %dma_start3A_42 = tpu.memref_slice %arg2[%dma_start3A_40, %dma_start3A_41] : memref<10240x128xf32, #tpu.memory_space<hbm>> -> memref<10240x128xf32, #tpu.memory_space<hbm>>
      tpu.enqueue_indirect_dma source(%dma_start3A_42 : memref<10240x128xf32, #tpu.memory_space<hbm>>) target(%arg9 : memref<128x128xf32, #tpu.memory_space<vmem>>) offsets(%dma_start3A_39 : memref<128xi32, #tpu.memory_space<vmem>>) semaphore(%arg11 : memref<!tpu.dma_semaphore, #tpu.memory_space<semaphore_mem>>)
      %dma_wait3A_43 = arith.constant 1 : i32
      %dma_wait3A_44 = arith.constant 0 : i32
      %dma_wait3A_45 = tpu.memref_slice %arg7[%dma_wait3A_43, %dma_wait3A_44] : memref<8x128xi32, #tpu.memory_space<vmem>> -> memref<1x128xi32, #tpu.memory_space<vmem>>
      %dma_wait3A_46 = tpu.memref_squeeze %dma_wait3A_45 : memref<1x128xi32, #tpu.memory_space<vmem>> -> memref<128xi32, #tpu.memory_space<vmem>>
      %dma_wait3A_47 = arith.constant 0 : i32
      %dma_wait3A_48 = arith.constant 0 : i32
      %dma_wait3A_49 = tpu.memref_slice %arg2[%dma_wait3A_47, %dma_wait3A_48] : memref<10240x128xf32, #tpu.memory_space<hbm>> -> memref<10240x128xf32, #tpu.memory_space<hbm>>
      tpu.wait_indirect_dma semaphore(%arg12 : memref<!tpu.dma_semaphore, #tpu.memory_space<semaphore_mem>>) src(%dma_wait3A_49 : memref<10240x128xf32, #tpu.memory_space<hbm>>) dst(%arg10 : memref<128x128xf32, #tpu.memory_space<vmem>>)
      %run_scoped3A_50 = arith.constant 1 : i32
      "tpu.region"() ({
        %run_scoped3A_134 = tpu.sem_alloc : memref<!tpu.dma_semaphore, #tpu.memory_space<semaphore_mem>>
        %dma_start3A_135 = arith.constant 0 : i32
        %dma_start3A_136 = tpu.memref_slice %arg8[%run_scoped3A_50, %dma_start3A_135] : memref<8x128xi32, #tpu.memory_space<vmem>> -> memref<1x128xi32, #tpu.memory_space<vmem>>
        %dma_start3A_137 = tpu.memref_squeeze %dma_start3A_136 : memref<1x128xi32, #tpu.memory_space<vmem>> -> memref<128xi32, #tpu.memory_space<vmem>>
        %dma_start3A_138 = arith.constant 0 : i32
        %dma_start3A_139 = arith.constant 0 : i32
        %dma_start3A_140 = tpu.memref_slice %arg13[%dma_start3A_138, %dma_start3A_139] : memref<10240x128xf32, #tpu.memory_space<vmem_shared>> -> memref<10240x128xf32, #tpu.memory_space<vmem_shared>>
        tpu.enqueue_indirect_dma source(%arg10 : memref<128x128xf32, #tpu.memory_space<vmem>>) target(%dma_start3A_140 : memref<10240x128xf32, #tpu.memory_space<vmem_shared>>) offsets(%dma_start3A_137 : memref<128xi32, #tpu.memory_space<vmem>>) semaphore(%run_scoped3A_134 : memref<!tpu.dma_semaphore, #tpu.memory_space<semaphore_mem>>) {add = true}
        %dma_wait3A_141 = arith.constant 0 : i32
        %dma_wait3A_142 = tpu.memref_slice %arg8[%run_scoped3A_50, %dma_wait3A_141] : memref<8x128xi32, #tpu.memory_space<vmem>> -> memref<1x128xi32, #tpu.memory_space<vmem>>
        %dma_wait3A_143 = tpu.memref_squeeze %dma_wait3A_142 : memref<1x128xi32, #tpu.memory_space<vmem>> -> memref<128xi32, #tpu.memory_space<vmem>>
        %dma_wait3A_144 = arith.constant 0 : i32
        %dma_wait3A_145 = arith.constant 0 : i32
        %dma_wait3A_146 = tpu.memref_slice %arg13[%dma_wait3A_144, %dma_wait3A_145] : memref<10240x128xf32, #tpu.memory_space<vmem_shared>> -> memref<10240x128xf32, #tpu.memory_space<vmem_shared>>
        tpu.wait_indirect_dma semaphore(%run_scoped3A_134 : memref<!tpu.dma_semaphore, #tpu.memory_space<semaphore_mem>>) src(%arg10 : memref<128x128xf32, #tpu.memory_space<vmem>>) dst(%dma_wait3A_146 : memref<10240x128xf32, #tpu.memory_space<vmem_shared>>)
        tpu.yield
      }) : () -> ()
      %dma_start3A_51 = arith.constant 3 : i32
      %dma_start3A_52 = arith.constant 0 : i32
      %dma_start3A_53 = tpu.memref_slice %arg7[%dma_start3A_51, %dma_start3A_52] : memref<8x128xi32, #tpu.memory_space<vmem>> -> memref<1x128xi32, #tpu.memory_space<vmem>>
      %dma_start3A_54 = tpu.memref_squeeze %dma_start3A_53 : memref<1x128xi32, #tpu.memory_space<vmem>> -> memref<128xi32, #tpu.memory_space<vmem>>
      %dma_start3A_55 = arith.constant 0 : i32
      %dma_start3A_56 = arith.constant 0 : i32
      %dma_start3A_57 = tpu.memref_slice %arg2[%dma_start3A_55, %dma_start3A_56] : memref<10240x128xf32, #tpu.memory_space<hbm>> -> memref<10240x128xf32, #tpu.memory_space<hbm>>
      tpu.enqueue_indirect_dma source(%dma_start3A_57 : memref<10240x128xf32, #tpu.memory_space<hbm>>) target(%arg10 : memref<128x128xf32, #tpu.memory_space<vmem>>) offsets(%dma_start3A_54 : memref<128xi32, #tpu.memory_space<vmem>>) semaphore(%arg12 : memref<!tpu.dma_semaphore, #tpu.memory_space<semaphore_mem>>)
      %dma_wait3A_58 = arith.constant 2 : i32
      %dma_wait3A_59 = arith.constant 0 : i32
      %dma_wait3A_60 = tpu.memref_slice %arg7[%dma_wait3A_58, %dma_wait3A_59] : memref<8x128xi32, #tpu.memory_space<vmem>> -> memref<1x128xi32, #tpu.memory_space<vmem>>
      %dma_wait3A_61 = tpu.memref_squeeze %dma_wait3A_60 : memref<1x128xi32, #tpu.memory_space<vmem>> -> memref<128xi32, #tpu.memory_space<vmem>>
      %dma_wait3A_62 = arith.constant 0 : i32
      %dma_wait3A_63 = arith.constant 0 : i32
      %dma_wait3A_64 = tpu.memref_slice %arg2[%dma_wait3A_62, %dma_wait3A_63] : memref<10240x128xf32, #tpu.memory_space<hbm>> -> memref<10240x128xf32, #tpu.memory_space<hbm>>
      tpu.wait_indirect_dma semaphore(%arg11 : memref<!tpu.dma_semaphore, #tpu.memory_space<semaphore_mem>>) src(%dma_wait3A_64 : memref<10240x128xf32, #tpu.memory_space<hbm>>) dst(%arg9 : memref<128x128xf32, #tpu.memory_space<vmem>>)
      %run_scoped3A_65 = arith.constant 2 : i32
      "tpu.region"() ({
        %run_scoped3A_134 = tpu.sem_alloc : memref<!tpu.dma_semaphore, #tpu.memory_space<semaphore_mem>>
        %dma_start3A_135 = arith.constant 0 : i32
        %dma_start3A_136 = tpu.memref_slice %arg8[%run_scoped3A_65, %dma_start3A_135] : memref<8x128xi32, #tpu.memory_space<vmem>> -> memref<1x128xi32, #tpu.memory_space<vmem>>
        %dma_start3A_137 = tpu.memref_squeeze %dma_start3A_136 : memref<1x128xi32, #tpu.memory_space<vmem>> -> memref<128xi32, #tpu.memory_space<vmem>>
        %dma_start3A_138 = arith.constant 0 : i32
        %dma_start3A_139 = arith.constant 0 : i32
        %dma_start3A_140 = tpu.memref_slice %arg13[%dma_start3A_138, %dma_start3A_139] : memref<10240x128xf32, #tpu.memory_space<vmem_shared>> -> memref<10240x128xf32, #tpu.memory_space<vmem_shared>>
        tpu.enqueue_indirect_dma source(%arg9 : memref<128x128xf32, #tpu.memory_space<vmem>>) target(%dma_start3A_140 : memref<10240x128xf32, #tpu.memory_space<vmem_shared>>) offsets(%dma_start3A_137 : memref<128xi32, #tpu.memory_space<vmem>>) semaphore(%run_scoped3A_134 : memref<!tpu.dma_semaphore, #tpu.memory_space<semaphore_mem>>) {add = true}
        %dma_wait3A_141 = arith.constant 0 : i32
        %dma_wait3A_142 = tpu.memref_slice %arg8[%run_scoped3A_65, %dma_wait3A_141] : memref<8x128xi32, #tpu.memory_space<vmem>> -> memref<1x128xi32, #tpu.memory_space<vmem>>
        %dma_wait3A_143 = tpu.memref_squeeze %dma_wait3A_142 : memref<1x128xi32, #tpu.memory_space<vmem>> -> memref<128xi32, #tpu.memory_space<vmem>>
        %dma_wait3A_144 = arith.constant 0 : i32
        %dma_wait3A_145 = arith.constant 0 : i32
        %dma_wait3A_146 = tpu.memref_slice %arg13[%dma_wait3A_144, %dma_wait3A_145] : memref<10240x128xf32, #tpu.memory_space<vmem_shared>> -> memref<10240x128xf32, #tpu.memory_space<vmem_shared>>
        tpu.wait_indirect_dma semaphore(%run_scoped3A_134 : memref<!tpu.dma_semaphore, #tpu.memory_space<semaphore_mem>>) src(%arg9 : memref<128x128xf32, #tpu.memory_space<vmem>>) dst(%dma_wait3A_146 : memref<10240x128xf32, #tpu.memory_space<vmem_shared>>)
        tpu.yield
      }) : () -> ()
      %dma_start3A_66 = arith.constant 4 : i32
      %dma_start3A_67 = arith.constant 0 : i32
      %dma_start3A_68 = tpu.memref_slice %arg7[%dma_start3A_66, %dma_start3A_67] : memref<8x128xi32, #tpu.memory_space<vmem>> -> memref<1x128xi32, #tpu.memory_space<vmem>>
      %dma_start3A_69 = tpu.memref_squeeze %dma_start3A_68 : memref<1x128xi32, #tpu.memory_space<vmem>> -> memref<128xi32, #tpu.memory_space<vmem>>
      %dma_start3A_70 = arith.constant 0 : i32
      %dma_start3A_71 = arith.constant 0 : i32
      %dma_start3A_72 = tpu.memref_slice %arg2[%dma_start3A_70, %dma_start3A_71] : memref<10240x128xf32, #tpu.memory_space<hbm>> -> memref<10240x128xf32, #tpu.memory_space<hbm>>
      tpu.enqueue_indirect_dma source(%dma_start3A_72 : memref<10240x128xf32, #tpu.memory_space<hbm>>) target(%arg9 : memref<128x128xf32, #tpu.memory_space<vmem>>) offsets(%dma_start3A_69 : memref<128xi32, #tpu.memory_space<vmem>>) semaphore(%arg11 : memref<!tpu.dma_semaphore, #tpu.memory_space<semaphore_mem>>)
      %dma_wait3A_73 = arith.constant 3 : i32
      %dma_wait3A_74 = arith.constant 0 : i32
      %dma_wait3A_75 = tpu.memref_slice %arg7[%dma_wait3A_73, %dma_wait3A_74] : memref<8x128xi32, #tpu.memory_space<vmem>> -> memref<1x128xi32, #tpu.memory_space<vmem>>
      %dma_wait3A_76 = tpu.memref_squeeze %dma_wait3A_75 : memref<1x128xi32, #tpu.memory_space<vmem>> -> memref<128xi32, #tpu.memory_space<vmem>>
      %dma_wait3A_77 = arith.constant 0 : i32
      %dma_wait3A_78 = arith.constant 0 : i32
      %dma_wait3A_79 = tpu.memref_slice %arg2[%dma_wait3A_77, %dma_wait3A_78] : memref<10240x128xf32, #tpu.memory_space<hbm>> -> memref<10240x128xf32, #tpu.memory_space<hbm>>
      tpu.wait_indirect_dma semaphore(%arg12 : memref<!tpu.dma_semaphore, #tpu.memory_space<semaphore_mem>>) src(%dma_wait3A_79 : memref<10240x128xf32, #tpu.memory_space<hbm>>) dst(%arg10 : memref<128x128xf32, #tpu.memory_space<vmem>>)
      %run_scoped3A_80 = arith.constant 3 : i32
      "tpu.region"() ({
        %run_scoped3A_134 = tpu.sem_alloc : memref<!tpu.dma_semaphore, #tpu.memory_space<semaphore_mem>>
        %dma_start3A_135 = arith.constant 0 : i32
        %dma_start3A_136 = tpu.memref_slice %arg8[%run_scoped3A_80, %dma_start3A_135] : memref<8x128xi32, #tpu.memory_space<vmem>> -> memref<1x128xi32, #tpu.memory_space<vmem>>
        %dma_start3A_137 = tpu.memref_squeeze %dma_start3A_136 : memref<1x128xi32, #tpu.memory_space<vmem>> -> memref<128xi32, #tpu.memory_space<vmem>>
        %dma_start3A_138 = arith.constant 0 : i32
        %dma_start3A_139 = arith.constant 0 : i32
        %dma_start3A_140 = tpu.memref_slice %arg13[%dma_start3A_138, %dma_start3A_139] : memref<10240x128xf32, #tpu.memory_space<vmem_shared>> -> memref<10240x128xf32, #tpu.memory_space<vmem_shared>>
        tpu.enqueue_indirect_dma source(%arg10 : memref<128x128xf32, #tpu.memory_space<vmem>>) target(%dma_start3A_140 : memref<10240x128xf32, #tpu.memory_space<vmem_shared>>) offsets(%dma_start3A_137 : memref<128xi32, #tpu.memory_space<vmem>>) semaphore(%run_scoped3A_134 : memref<!tpu.dma_semaphore, #tpu.memory_space<semaphore_mem>>) {add = true}
        %dma_wait3A_141 = arith.constant 0 : i32
        %dma_wait3A_142 = tpu.memref_slice %arg8[%run_scoped3A_80, %dma_wait3A_141] : memref<8x128xi32, #tpu.memory_space<vmem>> -> memref<1x128xi32, #tpu.memory_space<vmem>>
        %dma_wait3A_143 = tpu.memref_squeeze %dma_wait3A_142 : memref<1x128xi32, #tpu.memory_space<vmem>> -> memref<128xi32, #tpu.memory_space<vmem>>
        %dma_wait3A_144 = arith.constant 0 : i32
        %dma_wait3A_145 = arith.constant 0 : i32
        %dma_wait3A_146 = tpu.memref_slice %arg13[%dma_wait3A_144, %dma_wait3A_145] : memref<10240x128xf32, #tpu.memory_space<vmem_shared>> -> memref<10240x128xf32, #tpu.memory_space<vmem_shared>>
        tpu.wait_indirect_dma semaphore(%run_scoped3A_134 : memref<!tpu.dma_semaphore, #tpu.memory_space<semaphore_mem>>) src(%arg10 : memref<128x128xf32, #tpu.memory_space<vmem>>) dst(%dma_wait3A_146 : memref<10240x128xf32, #tpu.memory_space<vmem_shared>>)
        tpu.yield
      }) : () -> ()
      %dma_start3A_81 = arith.constant 5 : i32
      %dma_start3A_82 = arith.constant 0 : i32
      %dma_start3A_83 = tpu.memref_slice %arg7[%dma_start3A_81, %dma_start3A_82] : memref<8x128xi32, #tpu.memory_space<vmem>> -> memref<1x128xi32, #tpu.memory_space<vmem>>
      %dma_start3A_84 = tpu.memref_squeeze %dma_start3A_83 : memref<1x128xi32, #tpu.memory_space<vmem>> -> memref<128xi32, #tpu.memory_space<vmem>>
      %dma_start3A_85 = arith.constant 0 : i32
      %dma_start3A_86 = arith.constant 0 : i32
      %dma_start3A_87 = tpu.memref_slice %arg2[%dma_start3A_85, %dma_start3A_86] : memref<10240x128xf32, #tpu.memory_space<hbm>> -> memref<10240x128xf32, #tpu.memory_space<hbm>>
      tpu.enqueue_indirect_dma source(%dma_start3A_87 : memref<10240x128xf32, #tpu.memory_space<hbm>>) target(%arg10 : memref<128x128xf32, #tpu.memory_space<vmem>>) offsets(%dma_start3A_84 : memref<128xi32, #tpu.memory_space<vmem>>) semaphore(%arg12 : memref<!tpu.dma_semaphore, #tpu.memory_space<semaphore_mem>>)
      %dma_wait3A_88 = arith.constant 4 : i32
      %dma_wait3A_89 = arith.constant 0 : i32
      %dma_wait3A_90 = tpu.memref_slice %arg7[%dma_wait3A_88, %dma_wait3A_89] : memref<8x128xi32, #tpu.memory_space<vmem>> -> memref<1x128xi32, #tpu.memory_space<vmem>>
      %dma_wait3A_91 = tpu.memref_squeeze %dma_wait3A_90 : memref<1x128xi32, #tpu.memory_space<vmem>> -> memref<128xi32, #tpu.memory_space<vmem>>
      %dma_wait3A_92 = arith.constant 0 : i32
      %dma_wait3A_93 = arith.constant 0 : i32
      %dma_wait3A_94 = tpu.memref_slice %arg2[%dma_wait3A_92, %dma_wait3A_93] : memref<10240x128xf32, #tpu.memory_space<hbm>> -> memref<10240x128xf32, #tpu.memory_space<hbm>>
      tpu.wait_indirect_dma semaphore(%arg11 : memref<!tpu.dma_semaphore, #tpu.memory_space<semaphore_mem>>) src(%dma_wait3A_94 : memref<10240x128xf32, #tpu.memory_space<hbm>>) dst(%arg9 : memref<128x128xf32, #tpu.memory_space<vmem>>)
      %run_scoped3A_95 = arith.constant 4 : i32
      "tpu.region"() ({
        %run_scoped3A_134 = tpu.sem_alloc : memref<!tpu.dma_semaphore, #tpu.memory_space<semaphore_mem>>
        %dma_start3A_135 = arith.constant 0 : i32
        %dma_start3A_136 = tpu.memref_slice %arg8[%run_scoped3A_95, %dma_start3A_135] : memref<8x128xi32, #tpu.memory_space<vmem>> -> memref<1x128xi32, #tpu.memory_space<vmem>>
        %dma_start3A_137 = tpu.memref_squeeze %dma_start3A_136 : memref<1x128xi32, #tpu.memory_space<vmem>> -> memref<128xi32, #tpu.memory_space<vmem>>
        %dma_start3A_138 = arith.constant 0 : i32
        %dma_start3A_139 = arith.constant 0 : i32
        %dma_start3A_140 = tpu.memref_slice %arg13[%dma_start3A_138, %dma_start3A_139] : memref<10240x128xf32, #tpu.memory_space<vmem_shared>> -> memref<10240x128xf32, #tpu.memory_space<vmem_shared>>
        tpu.enqueue_indirect_dma source(%arg9 : memref<128x128xf32, #tpu.memory_space<vmem>>) target(%dma_start3A_140 : memref<10240x128xf32, #tpu.memory_space<vmem_shared>>) offsets(%dma_start3A_137 : memref<128xi32, #tpu.memory_space<vmem>>) semaphore(%run_scoped3A_134 : memref<!tpu.dma_semaphore, #tpu.memory_space<semaphore_mem>>) {add = true}
        %dma_wait3A_141 = arith.constant 0 : i32
        %dma_wait3A_142 = tpu.memref_slice %arg8[%run_scoped3A_95, %dma_wait3A_141] : memref<8x128xi32, #tpu.memory_space<vmem>> -> memref<1x128xi32, #tpu.memory_space<vmem>>
        %dma_wait3A_143 = tpu.memref_squeeze %dma_wait3A_142 : memref<1x128xi32, #tpu.memory_space<vmem>> -> memref<128xi32, #tpu.memory_space<vmem>>
        %dma_wait3A_144 = arith.constant 0 : i32
        %dma_wait3A_145 = arith.constant 0 : i32
        %dma_wait3A_146 = tpu.memref_slice %arg13[%dma_wait3A_144, %dma_wait3A_145] : memref<10240x128xf32, #tpu.memory_space<vmem_shared>> -> memref<10240x128xf32, #tpu.memory_space<vmem_shared>>
        tpu.wait_indirect_dma semaphore(%run_scoped3A_134 : memref<!tpu.dma_semaphore, #tpu.memory_space<semaphore_mem>>) src(%arg9 : memref<128x128xf32, #tpu.memory_space<vmem>>) dst(%dma_wait3A_146 : memref<10240x128xf32, #tpu.memory_space<vmem_shared>>)
        tpu.yield
      }) : () -> ()
      %dma_start3A_96 = arith.constant 6 : i32
      %dma_start3A_97 = arith.constant 0 : i32
      %dma_start3A_98 = tpu.memref_slice %arg7[%dma_start3A_96, %dma_start3A_97] : memref<8x128xi32, #tpu.memory_space<vmem>> -> memref<1x128xi32, #tpu.memory_space<vmem>>
      %dma_start3A_99 = tpu.memref_squeeze %dma_start3A_98 : memref<1x128xi32, #tpu.memory_space<vmem>> -> memref<128xi32, #tpu.memory_space<vmem>>
      %dma_start3A_100 = arith.constant 0 : i32
      %dma_start3A_101 = arith.constant 0 : i32
      %dma_start3A_102 = tpu.memref_slice %arg2[%dma_start3A_100, %dma_start3A_101] : memref<10240x128xf32, #tpu.memory_space<hbm>> -> memref<10240x128xf32, #tpu.memory_space<hbm>>
      tpu.enqueue_indirect_dma source(%dma_start3A_102 : memref<10240x128xf32, #tpu.memory_space<hbm>>) target(%arg9 : memref<128x128xf32, #tpu.memory_space<vmem>>) offsets(%dma_start3A_99 : memref<128xi32, #tpu.memory_space<vmem>>) semaphore(%arg11 : memref<!tpu.dma_semaphore, #tpu.memory_space<semaphore_mem>>)
      %dma_wait3A_103 = arith.constant 5 : i32
      %dma_wait3A_104 = arith.constant 0 : i32
      %dma_wait3A_105 = tpu.memref_slice %arg7[%dma_wait3A_103, %dma_wait3A_104] : memref<8x128xi32, #tpu.memory_space<vmem>> -> memref<1x128xi32, #tpu.memory_space<vmem>>
      %dma_wait3A_106 = tpu.memref_squeeze %dma_wait3A_105 : memref<1x128xi32, #tpu.memory_space<vmem>> -> memref<128xi32, #tpu.memory_space<vmem>>
      %dma_wait3A_107 = arith.constant 0 : i32
      %dma_wait3A_108 = arith.constant 0 : i32
      %dma_wait3A_109 = tpu.memref_slice %arg2[%dma_wait3A_107, %dma_wait3A_108] : memref<10240x128xf32, #tpu.memory_space<hbm>> -> memref<10240x128xf32, #tpu.memory_space<hbm>>
      tpu.wait_indirect_dma semaphore(%arg12 : memref<!tpu.dma_semaphore, #tpu.memory_space<semaphore_mem>>) src(%dma_wait3A_109 : memref<10240x128xf32, #tpu.memory_space<hbm>>) dst(%arg10 : memref<128x128xf32, #tpu.memory_space<vmem>>)
      %run_scoped3A_110 = arith.constant 5 : i32
      "tpu.region"() ({
        %run_scoped3A_134 = tpu.sem_alloc : memref<!tpu.dma_semaphore, #tpu.memory_space<semaphore_mem>>
        %dma_start3A_135 = arith.constant 0 : i32
        %dma_start3A_136 = tpu.memref_slice %arg8[%run_scoped3A_110, %dma_start3A_135] : memref<8x128xi32, #tpu.memory_space<vmem>> -> memref<1x128xi32, #tpu.memory_space<vmem>>
        %dma_start3A_137 = tpu.memref_squeeze %dma_start3A_136 : memref<1x128xi32, #tpu.memory_space<vmem>> -> memref<128xi32, #tpu.memory_space<vmem>>
        %dma_start3A_138 = arith.constant 0 : i32
        %dma_start3A_139 = arith.constant 0 : i32
        %dma_start3A_140 = tpu.memref_slice %arg13[%dma_start3A_138, %dma_start3A_139] : memref<10240x128xf32, #tpu.memory_space<vmem_shared>> -> memref<10240x128xf32, #tpu.memory_space<vmem_shared>>
        tpu.enqueue_indirect_dma source(%arg10 : memref<128x128xf32, #tpu.memory_space<vmem>>) target(%dma_start3A_140 : memref<10240x128xf32, #tpu.memory_space<vmem_shared>>) offsets(%dma_start3A_137 : memref<128xi32, #tpu.memory_space<vmem>>) semaphore(%run_scoped3A_134 : memref<!tpu.dma_semaphore, #tpu.memory_space<semaphore_mem>>) {add = true}
        %dma_wait3A_141 = arith.constant 0 : i32
        %dma_wait3A_142 = tpu.memref_slice %arg8[%run_scoped3A_110, %dma_wait3A_141] : memref<8x128xi32, #tpu.memory_space<vmem>> -> memref<1x128xi32, #tpu.memory_space<vmem>>
        %dma_wait3A_143 = tpu.memref_squeeze %dma_wait3A_142 : memref<1x128xi32, #tpu.memory_space<vmem>> -> memref<128xi32, #tpu.memory_space<vmem>>
        %dma_wait3A_144 = arith.constant 0 : i32
        %dma_wait3A_145 = arith.constant 0 : i32
        %dma_wait3A_146 = tpu.memref_slice %arg13[%dma_wait3A_144, %dma_wait3A_145] : memref<10240x128xf32, #tpu.memory_space<vmem_shared>> -> memref<10240x128xf32, #tpu.memory_space<vmem_shared>>
        tpu.wait_indirect_dma semaphore(%run_scoped3A_134 : memref<!tpu.dma_semaphore, #tpu.memory_space<semaphore_mem>>) src(%arg10 : memref<128x128xf32, #tpu.memory_space<vmem>>) dst(%dma_wait3A_146 : memref<10240x128xf32, #tpu.memory_space<vmem_shared>>)
        tpu.yield
      }) : () -> ()
      %dma_start3A_111 = arith.constant 7 : i32
      %dma_start3A_112 = arith.constant 0 : i32
      %dma_start3A_113 = tpu.memref_slice %arg7[%dma_start3A_111, %dma_start3A_112] : memref<8x128xi32, #tpu.memory_space<vmem>> -> memref<1x128xi32, #tpu.memory_space<vmem>>
      %dma_start3A_114 = tpu.memref_squeeze %dma_start3A_113 : memref<1x128xi32, #tpu.memory_space<vmem>> -> memref<128xi32, #tpu.memory_space<vmem>>
      %dma_start3A_115 = arith.constant 0 : i32
      %dma_start3A_116 = arith.constant 0 : i32
      %dma_start3A_117 = tpu.memref_slice %arg2[%dma_start3A_115, %dma_start3A_116] : memref<10240x128xf32, #tpu.memory_space<hbm>> -> memref<10240x128xf32, #tpu.memory_space<hbm>>
      tpu.enqueue_indirect_dma source(%dma_start3A_117 : memref<10240x128xf32, #tpu.memory_space<hbm>>) target(%arg10 : memref<128x128xf32, #tpu.memory_space<vmem>>) offsets(%dma_start3A_114 : memref<128xi32, #tpu.memory_space<vmem>>) semaphore(%arg12 : memref<!tpu.dma_semaphore, #tpu.memory_space<semaphore_mem>>)
      %dma_wait3A_118 = arith.constant 6 : i32
      %dma_wait3A_119 = arith.constant 0 : i32
      %dma_wait3A_120 = tpu.memref_slice %arg7[%dma_wait3A_118, %dma_wait3A_119] : memref<8x128xi32, #tpu.memory_space<vmem>> -> memref<1x128xi32, #tpu.memory_space<vmem>>
      %dma_wait3A_121 = tpu.memref_squeeze %dma_wait3A_120 : memref<1x128xi32, #tpu.memory_space<vmem>> -> memref<128xi32, #tpu.memory_space<vmem>>
      %dma_wait3A_122 = arith.constant 0 : i32
      %dma_wait3A_123 = arith.constant 0 : i32
      %dma_wait3A_124 = tpu.memref_slice %arg2[%dma_wait3A_122, %dma_wait3A_123] : memref<10240x128xf32, #tpu.memory_space<hbm>> -> memref<10240x128xf32, #tpu.memory_space<hbm>>
      tpu.wait_indirect_dma semaphore(%arg11 : memref<!tpu.dma_semaphore, #tpu.memory_space<semaphore_mem>>) src(%dma_wait3A_124 : memref<10240x128xf32, #tpu.memory_space<hbm>>) dst(%arg9 : memref<128x128xf32, #tpu.memory_space<vmem>>)
      %run_scoped3A_125 = arith.constant 6 : i32
      "tpu.region"() ({
        %run_scoped3A_134 = tpu.sem_alloc : memref<!tpu.dma_semaphore, #tpu.memory_space<semaphore_mem>>
        %dma_start3A_135 = arith.constant 0 : i32
        %dma_start3A_136 = tpu.memref_slice %arg8[%run_scoped3A_125, %dma_start3A_135] : memref<8x128xi32, #tpu.memory_space<vmem>> -> memref<1x128xi32, #tpu.memory_space<vmem>>
        %dma_start3A_137 = tpu.memref_squeeze %dma_start3A_136 : memref<1x128xi32, #tpu.memory_space<vmem>> -> memref<128xi32, #tpu.memory_space<vmem>>
        %dma_start3A_138 = arith.constant 0 : i32
        %dma_start3A_139 = arith.constant 0 : i32
        %dma_start3A_140 = tpu.memref_slice %arg13[%dma_start3A_138, %dma_start3A_139] : memref<10240x128xf32, #tpu.memory_space<vmem_shared>> -> memref<10240x128xf32, #tpu.memory_space<vmem_shared>>
        tpu.enqueue_indirect_dma source(%arg9 : memref<128x128xf32, #tpu.memory_space<vmem>>) target(%dma_start3A_140 : memref<10240x128xf32, #tpu.memory_space<vmem_shared>>) offsets(%dma_start3A_137 : memref<128xi32, #tpu.memory_space<vmem>>) semaphore(%run_scoped3A_134 : memref<!tpu.dma_semaphore, #tpu.memory_space<semaphore_mem>>) {add = true}
        %dma_wait3A_141 = arith.constant 0 : i32
        %dma_wait3A_142 = tpu.memref_slice %arg8[%run_scoped3A_125, %dma_wait3A_141] : memref<8x128xi32, #tpu.memory_space<vmem>> -> memref<1x128xi32, #tpu.memory_space<vmem>>
        %dma_wait3A_143 = tpu.memref_squeeze %dma_wait3A_142 : memref<1x128xi32, #tpu.memory_space<vmem>> -> memref<128xi32, #tpu.memory_space<vmem>>
        %dma_wait3A_144 = arith.constant 0 : i32
        %dma_wait3A_145 = arith.constant 0 : i32
        %dma_wait3A_146 = tpu.memref_slice %arg13[%dma_wait3A_144, %dma_wait3A_145] : memref<10240x128xf32, #tpu.memory_space<vmem_shared>> -> memref<10240x128xf32, #tpu.memory_space<vmem_shared>>
        tpu.wait_indirect_dma semaphore(%run_scoped3A_134 : memref<!tpu.dma_semaphore, #tpu.memory_space<semaphore_mem>>) src(%arg9 : memref<128x128xf32, #tpu.memory_space<vmem>>) dst(%dma_wait3A_146 : memref<10240x128xf32, #tpu.memory_space<vmem_shared>>)
        tpu.yield
      }) : () -> ()
      %dma_wait3A_126 = arith.constant 7 : i32
      %dma_wait3A_127 = arith.constant 0 : i32
      %dma_wait3A_128 = tpu.memref_slice %arg7[%dma_wait3A_126, %dma_wait3A_127] : memref<8x128xi32, #tpu.memory_space<vmem>> -> memref<1x128xi32, #tpu.memory_space<vmem>>
      %dma_wait3A_129 = tpu.memref_squeeze %dma_wait3A_128 : memref<1x128xi32, #tpu.memory_space<vmem>> -> memref<128xi32, #tpu.memory_space<vmem>>
      %dma_wait3A_130 = arith.constant 0 : i32
      %dma_wait3A_131 = arith.constant 0 : i32
      %dma_wait3A_132 = tpu.memref_slice %arg2[%dma_wait3A_130, %dma_wait3A_131] : memref<10240x128xf32, #tpu.memory_space<hbm>> -> memref<10240x128xf32, #tpu.memory_space<hbm>>
      tpu.wait_indirect_dma semaphore(%arg12 : memref<!tpu.dma_semaphore, #tpu.memory_space<semaphore_mem>>) src(%dma_wait3A_132 : memref<10240x128xf32, #tpu.memory_space<hbm>>) dst(%arg10 : memref<128x128xf32, #tpu.memory_space<vmem>>)
      %run_scoped3A_133 = arith.constant 7 : i32
      "tpu.region"() ({
        %run_scoped3A_134 = tpu.sem_alloc : memref<!tpu.dma_semaphore, #tpu.memory_space<semaphore_mem>>
        %dma_start3A_135 = arith.constant 0 : i32
        %dma_start3A_136 = tpu.memref_slice %arg8[%run_scoped3A_133, %dma_start3A_135] : memref<8x128xi32, #tpu.memory_space<vmem>> -> memref<1x128xi32, #tpu.memory_space<vmem>>
        %dma_start3A_137 = tpu.memref_squeeze %dma_start3A_136 : memref<1x128xi32, #tpu.memory_space<vmem>> -> memref<128xi32, #tpu.memory_space<vmem>>
        %dma_start3A_138 = arith.constant 0 : i32
        %dma_start3A_139 = arith.constant 0 : i32
        %dma_start3A_140 = tpu.memref_slice %arg13[%dma_start3A_138, %dma_start3A_139] : memref<10240x128xf32, #tpu.memory_space<vmem_shared>> -> memref<10240x128xf32, #tpu.memory_space<vmem_shared>>
        tpu.enqueue_indirect_dma source(%arg10 : memref<128x128xf32, #tpu.memory_space<vmem>>) target(%dma_start3A_140 : memref<10240x128xf32, #tpu.memory_space<vmem_shared>>) offsets(%dma_start3A_137 : memref<128xi32, #tpu.memory_space<vmem>>) semaphore(%run_scoped3A_134 : memref<!tpu.dma_semaphore, #tpu.memory_space<semaphore_mem>>) {add = true}
        %dma_wait3A_141 = arith.constant 0 : i32
        %dma_wait3A_142 = tpu.memref_slice %arg8[%run_scoped3A_133, %dma_wait3A_141] : memref<8x128xi32, #tpu.memory_space<vmem>> -> memref<1x128xi32, #tpu.memory_space<vmem>>
        %dma_wait3A_143 = tpu.memref_squeeze %dma_wait3A_142 : memref<1x128xi32, #tpu.memory_space<vmem>> -> memref<128xi32, #tpu.memory_space<vmem>>
        %dma_wait3A_144 = arith.constant 0 : i32
        %dma_wait3A_145 = arith.constant 0 : i32
        %dma_wait3A_146 = tpu.memref_slice %arg13[%dma_wait3A_144, %dma_wait3A_145] : memref<10240x128xf32, #tpu.memory_space<vmem_shared>> -> memref<10240x128xf32, #tpu.memory_space<vmem_shared>>
        tpu.wait_indirect_dma semaphore(%run_scoped3A_134 : memref<!tpu.dma_semaphore, #tpu.memory_space<semaphore_mem>>) src(%arg10 : memref<128x128xf32, #tpu.memory_space<vmem>>) dst(%dma_wait3A_146 : memref<10240x128xf32, #tpu.memory_space<vmem_shared>>)
        tpu.yield
      }) : () -> ()
    }
    %scan3A_7 = arith.constant 10 : i32
    %barrier3A_8 = arith.constant 0 : index
    tpu.barrier barrier_id(%barrier3A_8)
    %mul3A_9 = arith.constant 10240 : i32
    %mul3A_10 = arith.muli %arg0, %mul3A_9 : i32
    %add3A_11 = arith.addi %mul3A_10, %mul3A_2 : i32
    "tpu.region"() ({
      %run_scoped3A = tpu.sem_alloc : memref<!tpu.dma_semaphore, #tpu.memory_space<semaphore_mem>>
      %dma_start3A = arith.constant 0 : i32
      %dma_start3A_12 = tpu.memref_slice %arg6[%add3A_11, %dma_start3A] : memref<20480x128xf32, #tpu.memory_space<hbm>> -> memref<640x128xf32, #tpu.memory_space<hbm>>
      %dma_start3A_13 = arith.constant 0 : i32
      %dma_start3A_14 = tpu.memref_slice %arg13[%mul3A_2, %dma_start3A_13] : memref<10240x128xf32, #tpu.memory_space<vmem_shared>> -> memref<640x128xf32, #tpu.memory_space<vmem_shared>>
      tpu.enqueue_dma source(%dma_start3A_14 : memref<640x128xf32, #tpu.memory_space<vmem_shared>>) target(%dma_start3A_12 : memref<640x128xf32, #tpu.memory_space<hbm>>) target_semaphore(%run_scoped3A : memref<!tpu.dma_semaphore, #tpu.memory_space<semaphore_mem>>)
      %dma_wait3A = arith.constant 0 : i32
      %dma_wait3A_15 = tpu.memref_slice %arg6[%add3A_11, %dma_wait3A] : memref<20480x128xf32, #tpu.memory_space<hbm>> -> memref<640x128xf32, #tpu.memory_space<hbm>>
      %dma_wait3A_16 = arith.constant 0 : i32
      %dma_wait3A_17 = tpu.memref_slice %arg13[%mul3A_2, %dma_wait3A_16] : memref<10240x128xf32, #tpu.memory_space<vmem_shared>> -> memref<640x128xf32, #tpu.memory_space<vmem_shared>>
      tpu.wait_dma2 semaphore(%run_scoped3A : memref<!tpu.dma_semaphore, #tpu.memory_space<semaphore_mem>>) src(%dma_wait3A_17 : memref<640x128xf32, #tpu.memory_space<vmem_shared>>) dst(%dma_wait3A_15 : memref<640x128xf32, #tpu.memory_space<hbm>>)
      tpu.yield
    }) : () -> ()
    return
  }
}

#map = affine_map<(d0, d1) -> (0, 0)>
#map1 = affine_map<(d0, d1) -> (0, 0, 0)>
module attributes {stable_mosaic.version = 14 : i64} {
  func.func @_seg_body(%arg0: i32, %arg1: i32, %arg2: memref<10240x128xf32, #tpu.memory_space<hbm>>, %arg3: memref<32x80x128xi32, #tpu.memory_space<hbm>>, %arg4: memref<32x80x128xi32, #tpu.memory_space<hbm>>, %arg5: memref<10240x128xf32, #tpu.memory_space<hbm>>, %arg6: memref<20480x128xf32, #tpu.memory_space<hbm>>, %arg7: memref<8x128xi32, #tpu.memory_space<vmem>>, %arg8: memref<8x128xi32, #tpu.memory_space<vmem>>, %arg9: memref<128x128xf32, #tpu.memory_space<vmem>>, %arg10: memref<128x128xf32, #tpu.memory_space<vmem>>, %arg11: memref<!tpu.dma_semaphore, #tpu.memory_space<semaphore_mem>>, %arg12: memref<!tpu.dma_semaphore, #tpu.memory_space<semaphore_mem>>, %arg13: memref<10240x128xf32, #tpu.memory_space<vmem_shared>>) attributes {dimension_semantics = [#tpu.dimension_semantics<core_parallel>, #tpu.dimension_semantics<subcore_parallel>], iteration_bounds = array<i64: 2, 16>, scalar_prefetch = 0 : i64, scratch_operands = 7 : i64, tpu.core_type = #tpu.core_type<sc_vector_subcore>, window_params = [{transform_indices = #map}, {transform_indices = #map1}, {transform_indices = #map1}, {transform_indices = #map}, {transform_indices = #map}]} {
    %mul3A = arith.constant 2 : i32
    %mul3A_0 = arith.muli %arg1, %mul3A : i32
    %add3A = arith.addi %mul3A_0, %arg0 : i32
    %mul3A_1 = arith.constant 640 : i32
    %mul3A_2 = arith.muli %arg1, %mul3A_1 : i32
    "tpu.region"() ({
      %run_scoped3A = tpu.sem_alloc : memref<!tpu.dma_semaphore, #tpu.memory_space<semaphore_mem>>
      %dma_start3A = arith.constant 0 : i32
      %dma_start3A_12 = tpu.memref_slice %arg13[%mul3A_2, %dma_start3A] : memref<10240x128xf32, #tpu.memory_space<vmem_shared>> -> memref<640x128xf32, #tpu.memory_space<vmem_shared>>
      %dma_start3A_13 = arith.constant 0 : i32
      %dma_start3A_14 = tpu.memref_slice %arg5[%mul3A_2, %dma_start3A_13] : memref<10240x128xf32, #tpu.memory_space<hbm>> -> memref<640x128xf32, #tpu.memory_space<hbm>>
      tpu.enqueue_dma source(%dma_start3A_14 : memref<640x128xf32, #tpu.memory_space<hbm>>) target(%dma_start3A_12 : memref<640x128xf32, #tpu.memory_space<vmem_shared>>) target_semaphore(%run_scoped3A : memref<!tpu.dma_semaphore, #tpu.memory_space<semaphore_mem>>)
      %dma_wait3A = arith.constant 0 : i32
      %dma_wait3A_15 = tpu.memref_slice %arg13[%mul3A_2, %dma_wait3A] : memref<10240x128xf32, #tpu.memory_space<vmem_shared>> -> memref<640x128xf32, #tpu.memory_space<vmem_shared>>
      %dma_wait3A_16 = arith.constant 0 : i32
      %dma_wait3A_17 = tpu.memref_slice %arg5[%mul3A_2, %dma_wait3A_16] : memref<10240x128xf32, #tpu.memory_space<hbm>> -> memref<640x128xf32, #tpu.memory_space<hbm>>
      tpu.wait_dma2 semaphore(%run_scoped3A : memref<!tpu.dma_semaphore, #tpu.memory_space<semaphore_mem>>) src(%dma_wait3A_17 : memref<640x128xf32, #tpu.memory_space<hbm>>) dst(%dma_wait3A_15 : memref<640x128xf32, #tpu.memory_space<vmem_shared>>)
      tpu.yield
    }) : () -> ()
    %barrier3A = arith.constant 0 : index
    tpu.barrier barrier_id(%barrier3A)
    %scan3A = arith.constant 0 : i32
    %scan3A_3 = arith.constant 0 : i32
    %scan3A_4 = arith.constant 10 : i32
    %scan3A_5 = arith.addi %scan3A_3, %scan3A_4 : i32
    %scan3A_6 = arith.constant 1 : i32
    scf.for %scan3A_12 = %scan3A_3 to %scan3A_5 step %scan3A_6  : i32 {
      %mul3A_13 = arith.constant 8 : i32
      %mul3A_14 = arith.muli %scan3A_12, %mul3A_13 : i32
      "tpu.region"() ({
        %run_scoped3A_134 = tpu.sem_alloc : memref<!tpu.dma_semaphore, #tpu.memory_space<semaphore_mem>>
        %dma_start3A_135 = arith.constant 0 : i32
        %dma_start3A_136 = tpu.memref_slice %arg3[%add3A, %mul3A_14, %dma_start3A_135] : memref<32x80x128xi32, #tpu.memory_space<hbm>> -> memref<1x8x128xi32, #tpu.memory_space<hbm>>
        %dma_start3A_137 = tpu.memref_squeeze %dma_start3A_136 : memref<1x8x128xi32, #tpu.memory_space<hbm>> -> memref<8x128xi32, #tpu.memory_space<hbm>>
        %dma_start3A_138 = arith.constant 0 : i32
        %dma_start3A_139 = tpu.memref_slice %arg3[%add3A, %mul3A_14, %dma_start3A_138] : memref<32x80x128xi32, #tpu.memory_space<hbm>> -> memref<1x8x128xi32, #tpu.memory_space<hbm>>
        %dma_start3A_140 = tpu.memref_squeeze %dma_start3A_139 : memref<1x8x128xi32, #tpu.memory_space<hbm>> -> memref<8x128xi32, #tpu.memory_space<hbm>>
        tpu.enqueue_dma source(%dma_start3A_140 : memref<8x128xi32, #tpu.memory_space<hbm>>) target(%arg7 : memref<8x128xi32, #tpu.memory_space<vmem>>) target_semaphore(%run_scoped3A_134 : memref<!tpu.dma_semaphore, #tpu.memory_space<semaphore_mem>>)
        %dma_wait3A_141 = arith.constant 0 : i32
        %dma_wait3A_142 = tpu.memref_slice %arg3[%add3A, %mul3A_14, %dma_wait3A_141] : memref<32x80x128xi32, #tpu.memory_space<hbm>> -> memref<1x8x128xi32, #tpu.memory_space<hbm>>
        %dma_wait3A_143 = tpu.memref_squeeze %dma_wait3A_142 : memref<1x8x128xi32, #tpu.memory_space<hbm>> -> memref<8x128xi32, #tpu.memory_space<hbm>>
        %dma_wait3A_144 = arith.constant 0 : i32
        %dma_wait3A_145 = tpu.memref_slice %arg3[%add3A, %mul3A_14, %dma_wait3A_144] : memref<32x80x128xi32, #tpu.memory_space<hbm>> -> memref<1x8x128xi32, #tpu.memory_space<hbm>>
        %dma_wait3A_146 = tpu.memref_squeeze %dma_wait3A_145 : memref<1x8x128xi32, #tpu.memory_space<hbm>> -> memref<8x128xi32, #tpu.memory_space<hbm>>
        tpu.wait_dma2 semaphore(%run_scoped3A_134 : memref<!tpu.dma_semaphore, #tpu.memory_space<semaphore_mem>>) src(%dma_wait3A_146 : memref<8x128xi32, #tpu.memory_space<hbm>>) dst(%arg7 : memref<8x128xi32, #tpu.memory_space<vmem>>)
        tpu.yield
      }) : () -> ()
      %mul3A_15 = arith.constant 8 : i32
      %mul3A_16 = arith.muli %scan3A_12, %mul3A_15 : i32
      "tpu.region"() ({
        %run_scoped3A_134 = tpu.sem_alloc : memref<!tpu.dma_semaphore, #tpu.memory_space<semaphore_mem>>
        %dma_start3A_135 = arith.constant 0 : i32
        %dma_start3A_136 = tpu.memref_slice %arg4[%add3A, %mul3A_16, %dma_start3A_135] : memref<32x80x128xi32, #tpu.memory_space<hbm>> -> memref<1x8x128xi32, #tpu.memory_space<hbm>>
        %dma_start3A_137 = tpu.memref_squeeze %dma_start3A_136 : memref<1x8x128xi32, #tpu.memory_space<hbm>> -> memref<8x128xi32, #tpu.memory_space<hbm>>
        %dma_start3A_138 = arith.constant 0 : i32
        %dma_start3A_139 = tpu.memref_slice %arg4[%add3A, %mul3A_16, %dma_start3A_138] : memref<32x80x128xi32, #tpu.memory_space<hbm>> -> memref<1x8x128xi32, #tpu.memory_space<hbm>>
        %dma_start3A_140 = tpu.memref_squeeze %dma_start3A_139 : memref<1x8x128xi32, #tpu.memory_space<hbm>> -> memref<8x128xi32, #tpu.memory_space<hbm>>
        tpu.enqueue_dma source(%dma_start3A_140 : memref<8x128xi32, #tpu.memory_space<hbm>>) target(%arg8 : memref<8x128xi32, #tpu.memory_space<vmem>>) target_semaphore(%run_scoped3A_134 : memref<!tpu.dma_semaphore, #tpu.memory_space<semaphore_mem>>)
        %dma_wait3A_141 = arith.constant 0 : i32
        %dma_wait3A_142 = tpu.memref_slice %arg4[%add3A, %mul3A_16, %dma_wait3A_141] : memref<32x80x128xi32, #tpu.memory_space<hbm>> -> memref<1x8x128xi32, #tpu.memory_space<hbm>>
        %dma_wait3A_143 = tpu.memref_squeeze %dma_wait3A_142 : memref<1x8x128xi32, #tpu.memory_space<hbm>> -> memref<8x128xi32, #tpu.memory_space<hbm>>
        %dma_wait3A_144 = arith.constant 0 : i32
        %dma_wait3A_145 = tpu.memref_slice %arg4[%add3A, %mul3A_16, %dma_wait3A_144] : memref<32x80x128xi32, #tpu.memory_space<hbm>> -> memref<1x8x128xi32, #tpu.memory_space<hbm>>
        %dma_wait3A_146 = tpu.memref_squeeze %dma_wait3A_145 : memref<1x8x128xi32, #tpu.memory_space<hbm>> -> memref<8x128xi32, #tpu.memory_space<hbm>>
        tpu.wait_dma2 semaphore(%run_scoped3A_134 : memref<!tpu.dma_semaphore, #tpu.memory_space<semaphore_mem>>) src(%dma_wait3A_146 : memref<8x128xi32, #tpu.memory_space<hbm>>) dst(%arg8 : memref<8x128xi32, #tpu.memory_space<vmem>>)
        tpu.yield
      }) : () -> ()
      %dma_start3A = arith.constant 0 : i32
      %dma_start3A_17 = arith.constant 0 : i32
      %dma_start3A_18 = tpu.memref_slice %arg7[%dma_start3A, %dma_start3A_17] : memref<8x128xi32, #tpu.memory_space<vmem>> -> memref<1x128xi32, #tpu.memory_space<vmem>>
      %dma_start3A_19 = tpu.memref_squeeze %dma_start3A_18 : memref<1x128xi32, #tpu.memory_space<vmem>> -> memref<128xi32, #tpu.memory_space<vmem>>
      %dma_start3A_20 = arith.constant 0 : i32
      %dma_start3A_21 = arith.constant 0 : i32
      %dma_start3A_22 = tpu.memref_slice %arg2[%dma_start3A_20, %dma_start3A_21] : memref<10240x128xf32, #tpu.memory_space<hbm>> -> memref<10240x128xf32, #tpu.memory_space<hbm>>
      tpu.enqueue_indirect_dma source(%dma_start3A_22 : memref<10240x128xf32, #tpu.memory_space<hbm>>) target(%arg9 : memref<128x128xf32, #tpu.memory_space<vmem>>) offsets(%dma_start3A_19 : memref<128xi32, #tpu.memory_space<vmem>>) semaphore(%arg11 : memref<!tpu.dma_semaphore, #tpu.memory_space<semaphore_mem>>)
      %dma_start3A_23 = arith.constant 1 : i32
      %dma_start3A_24 = arith.constant 0 : i32
      %dma_start3A_25 = tpu.memref_slice %arg7[%dma_start3A_23, %dma_start3A_24] : memref<8x128xi32, #tpu.memory_space<vmem>> -> memref<1x128xi32, #tpu.memory_space<vmem>>
      %dma_start3A_26 = tpu.memref_squeeze %dma_start3A_25 : memref<1x128xi32, #tpu.memory_space<vmem>> -> memref<128xi32, #tpu.memory_space<vmem>>
      %dma_start3A_27 = arith.constant 0 : i32
      %dma_start3A_28 = arith.constant 0 : i32
      %dma_start3A_29 = tpu.memref_slice %arg2[%dma_start3A_27, %dma_start3A_28] : memref<10240x128xf32, #tpu.memory_space<hbm>> -> memref<10240x128xf32, #tpu.memory_space<hbm>>
      tpu.enqueue_indirect_dma source(%dma_start3A_29 : memref<10240x128xf32, #tpu.memory_space<hbm>>) target(%arg10 : memref<128x128xf32, #tpu.memory_space<vmem>>) offsets(%dma_start3A_26 : memref<128xi32, #tpu.memory_space<vmem>>) semaphore(%arg12 : memref<!tpu.dma_semaphore, #tpu.memory_space<semaphore_mem>>)
      %dma_wait3A = arith.constant 0 : i32
      %dma_wait3A_30 = arith.constant 0 : i32
      %dma_wait3A_31 = tpu.memref_slice %arg7[%dma_wait3A, %dma_wait3A_30] : memref<8x128xi32, #tpu.memory_space<vmem>> -> memref<1x128xi32, #tpu.memory_space<vmem>>
      %dma_wait3A_32 = tpu.memref_squeeze %dma_wait3A_31 : memref<1x128xi32, #tpu.memory_space<vmem>> -> memref<128xi32, #tpu.memory_space<vmem>>
      %dma_wait3A_33 = arith.constant 0 : i32
      %dma_wait3A_34 = arith.constant 0 : i32
      %dma_wait3A_35 = tpu.memref_slice %arg2[%dma_wait3A_33, %dma_wait3A_34] : memref<10240x128xf32, #tpu.memory_space<hbm>> -> memref<10240x128xf32, #tpu.memory_space<hbm>>
      tpu.wait_indirect_dma semaphore(%arg11 : memref<!tpu.dma_semaphore, #tpu.memory_space<semaphore_mem>>) src(%dma_wait3A_35 : memref<10240x128xf32, #tpu.memory_space<hbm>>) dst(%arg9 : memref<128x128xf32, #tpu.memory_space<vmem>>)
      %run_scoped3A = arith.constant 0 : i32
      "tpu.region"() ({
        %run_scoped3A_134 = tpu.sem_alloc : memref<!tpu.dma_semaphore, #tpu.memory_space<semaphore_mem>>
        %dma_start3A_135 = arith.constant 0 : i32
        %dma_start3A_136 = tpu.memref_slice %arg8[%run_scoped3A, %dma_start3A_135] : memref<8x128xi32, #tpu.memory_space<vmem>> -> memref<1x128xi32, #tpu.memory_space<vmem>>
        %dma_start3A_137 = tpu.memref_squeeze %dma_start3A_136 : memref<1x128xi32, #tpu.memory_space<vmem>> -> memref<128xi32, #tpu.memory_space<vmem>>
        %dma_start3A_138 = arith.constant 0 : i32
        %dma_start3A_139 = arith.constant 0 : i32
        %dma_start3A_140 = tpu.memref_slice %arg13[%dma_start3A_138, %dma_start3A_139] : memref<10240x128xf32, #tpu.memory_space<vmem_shared>> -> memref<10240x128xf32, #tpu.memory_space<vmem_shared>>
        tpu.enqueue_indirect_dma source(%arg9 : memref<128x128xf32, #tpu.memory_space<vmem>>) target(%dma_start3A_140 : memref<10240x128xf32, #tpu.memory_space<vmem_shared>>) offsets(%dma_start3A_137 : memref<128xi32, #tpu.memory_space<vmem>>) semaphore(%run_scoped3A_134 : memref<!tpu.dma_semaphore, #tpu.memory_space<semaphore_mem>>) {add = true}
        %dma_wait3A_141 = arith.constant 0 : i32
        %dma_wait3A_142 = tpu.memref_slice %arg8[%run_scoped3A, %dma_wait3A_141] : memref<8x128xi32, #tpu.memory_space<vmem>> -> memref<1x128xi32, #tpu.memory_space<vmem>>
        %dma_wait3A_143 = tpu.memref_squeeze %dma_wait3A_142 : memref<1x128xi32, #tpu.memory_space<vmem>> -> memref<128xi32, #tpu.memory_space<vmem>>
        %dma_wait3A_144 = arith.constant 0 : i32
        %dma_wait3A_145 = arith.constant 0 : i32
        %dma_wait3A_146 = tpu.memref_slice %arg13[%dma_wait3A_144, %dma_wait3A_145] : memref<10240x128xf32, #tpu.memory_space<vmem_shared>> -> memref<10240x128xf32, #tpu.memory_space<vmem_shared>>
        tpu.wait_indirect_dma semaphore(%run_scoped3A_134 : memref<!tpu.dma_semaphore, #tpu.memory_space<semaphore_mem>>) src(%arg9 : memref<128x128xf32, #tpu.memory_space<vmem>>) dst(%dma_wait3A_146 : memref<10240x128xf32, #tpu.memory_space<vmem_shared>>)
        tpu.yield
      }) : () -> ()
      %dma_start3A_36 = arith.constant 2 : i32
      %dma_start3A_37 = arith.constant 0 : i32
      %dma_start3A_38 = tpu.memref_slice %arg7[%dma_start3A_36, %dma_start3A_37] : memref<8x128xi32, #tpu.memory_space<vmem>> -> memref<1x128xi32, #tpu.memory_space<vmem>>
      %dma_start3A_39 = tpu.memref_squeeze %dma_start3A_38 : memref<1x128xi32, #tpu.memory_space<vmem>> -> memref<128xi32, #tpu.memory_space<vmem>>
      %dma_start3A_40 = arith.constant 0 : i32
      %dma_start3A_41 = arith.constant 0 : i32
      %dma_start3A_42 = tpu.memref_slice %arg2[%dma_start3A_40, %dma_start3A_41] : memref<10240x128xf32, #tpu.memory_space<hbm>> -> memref<10240x128xf32, #tpu.memory_space<hbm>>
      tpu.enqueue_indirect_dma source(%dma_start3A_42 : memref<10240x128xf32, #tpu.memory_space<hbm>>) target(%arg9 : memref<128x128xf32, #tpu.memory_space<vmem>>) offsets(%dma_start3A_39 : memref<128xi32, #tpu.memory_space<vmem>>) semaphore(%arg11 : memref<!tpu.dma_semaphore, #tpu.memory_space<semaphore_mem>>)
      %dma_wait3A_43 = arith.constant 1 : i32
      %dma_wait3A_44 = arith.constant 0 : i32
      %dma_wait3A_45 = tpu.memref_slice %arg7[%dma_wait3A_43, %dma_wait3A_44] : memref<8x128xi32, #tpu.memory_space<vmem>> -> memref<1x128xi32, #tpu.memory_space<vmem>>
      %dma_wait3A_46 = tpu.memref_squeeze %dma_wait3A_45 : memref<1x128xi32, #tpu.memory_space<vmem>> -> memref<128xi32, #tpu.memory_space<vmem>>
      %dma_wait3A_47 = arith.constant 0 : i32
      %dma_wait3A_48 = arith.constant 0 : i32
      %dma_wait3A_49 = tpu.memref_slice %arg2[%dma_wait3A_47, %dma_wait3A_48] : memref<10240x128xf32, #tpu.memory_space<hbm>> -> memref<10240x128xf32, #tpu.memory_space<hbm>>
      tpu.wait_indirect_dma semaphore(%arg12 : memref<!tpu.dma_semaphore, #tpu.memory_space<semaphore_mem>>) src(%dma_wait3A_49 : memref<10240x128xf32, #tpu.memory_space<hbm>>) dst(%arg10 : memref<128x128xf32, #tpu.memory_space<vmem>>)
      %run_scoped3A_50 = arith.constant 1 : i32
      "tpu.region"() ({
        %run_scoped3A_134 = tpu.sem_alloc : memref<!tpu.dma_semaphore, #tpu.memory_space<semaphore_mem>>
        %dma_start3A_135 = arith.constant 0 : i32
        %dma_start3A_136 = tpu.memref_slice %arg8[%run_scoped3A_50, %dma_start3A_135] : memref<8x128xi32, #tpu.memory_space<vmem>> -> memref<1x128xi32, #tpu.memory_space<vmem>>
        %dma_start3A_137 = tpu.memref_squeeze %dma_start3A_136 : memref<1x128xi32, #tpu.memory_space<vmem>> -> memref<128xi32, #tpu.memory_space<vmem>>
        %dma_start3A_138 = arith.constant 0 : i32
        %dma_start3A_139 = arith.constant 0 : i32
        %dma_start3A_140 = tpu.memref_slice %arg13[%dma_start3A_138, %dma_start3A_139] : memref<10240x128xf32, #tpu.memory_space<vmem_shared>> -> memref<10240x128xf32, #tpu.memory_space<vmem_shared>>
        tpu.enqueue_indirect_dma source(%arg10 : memref<128x128xf32, #tpu.memory_space<vmem>>) target(%dma_start3A_140 : memref<10240x128xf32, #tpu.memory_space<vmem_shared>>) offsets(%dma_start3A_137 : memref<128xi32, #tpu.memory_space<vmem>>) semaphore(%run_scoped3A_134 : memref<!tpu.dma_semaphore, #tpu.memory_space<semaphore_mem>>) {add = true}
        %dma_wait3A_141 = arith.constant 0 : i32
        %dma_wait3A_142 = tpu.memref_slice %arg8[%run_scoped3A_50, %dma_wait3A_141] : memref<8x128xi32, #tpu.memory_space<vmem>> -> memref<1x128xi32, #tpu.memory_space<vmem>>
        %dma_wait3A_143 = tpu.memref_squeeze %dma_wait3A_142 : memref<1x128xi32, #tpu.memory_space<vmem>> -> memref<128xi32, #tpu.memory_space<vmem>>
        %dma_wait3A_144 = arith.constant 0 : i32
        %dma_wait3A_145 = arith.constant 0 : i32
        %dma_wait3A_146 = tpu.memref_slice %arg13[%dma_wait3A_144, %dma_wait3A_145] : memref<10240x128xf32, #tpu.memory_space<vmem_shared>> -> memref<10240x128xf32, #tpu.memory_space<vmem_shared>>
        tpu.wait_indirect_dma semaphore(%run_scoped3A_134 : memref<!tpu.dma_semaphore, #tpu.memory_space<semaphore_mem>>) src(%arg10 : memref<128x128xf32, #tpu.memory_space<vmem>>) dst(%dma_wait3A_146 : memref<10240x128xf32, #tpu.memory_space<vmem_shared>>)
        tpu.yield
      }) : () -> ()
      %dma_start3A_51 = arith.constant 3 : i32
      %dma_start3A_52 = arith.constant 0 : i32
      %dma_start3A_53 = tpu.memref_slice %arg7[%dma_start3A_51, %dma_start3A_52] : memref<8x128xi32, #tpu.memory_space<vmem>> -> memref<1x128xi32, #tpu.memory_space<vmem>>
      %dma_start3A_54 = tpu.memref_squeeze %dma_start3A_53 : memref<1x128xi32, #tpu.memory_space<vmem>> -> memref<128xi32, #tpu.memory_space<vmem>>
      %dma_start3A_55 = arith.constant 0 : i32
      %dma_start3A_56 = arith.constant 0 : i32
      %dma_start3A_57 = tpu.memref_slice %arg2[%dma_start3A_55, %dma_start3A_56] : memref<10240x128xf32, #tpu.memory_space<hbm>> -> memref<10240x128xf32, #tpu.memory_space<hbm>>
      tpu.enqueue_indirect_dma source(%dma_start3A_57 : memref<10240x128xf32, #tpu.memory_space<hbm>>) target(%arg10 : memref<128x128xf32, #tpu.memory_space<vmem>>) offsets(%dma_start3A_54 : memref<128xi32, #tpu.memory_space<vmem>>) semaphore(%arg12 : memref<!tpu.dma_semaphore, #tpu.memory_space<semaphore_mem>>)
      %dma_wait3A_58 = arith.constant 2 : i32
      %dma_wait3A_59 = arith.constant 0 : i32
      %dma_wait3A_60 = tpu.memref_slice %arg7[%dma_wait3A_58, %dma_wait3A_59] : memref<8x128xi32, #tpu.memory_space<vmem>> -> memref<1x128xi32, #tpu.memory_space<vmem>>
      %dma_wait3A_61 = tpu.memref_squeeze %dma_wait3A_60 : memref<1x128xi32, #tpu.memory_space<vmem>> -> memref<128xi32, #tpu.memory_space<vmem>>
      %dma_wait3A_62 = arith.constant 0 : i32
      %dma_wait3A_63 = arith.constant 0 : i32
      %dma_wait3A_64 = tpu.memref_slice %arg2[%dma_wait3A_62, %dma_wait3A_63] : memref<10240x128xf32, #tpu.memory_space<hbm>> -> memref<10240x128xf32, #tpu.memory_space<hbm>>
      tpu.wait_indirect_dma semaphore(%arg11 : memref<!tpu.dma_semaphore, #tpu.memory_space<semaphore_mem>>) src(%dma_wait3A_64 : memref<10240x128xf32, #tpu.memory_space<hbm>>) dst(%arg9 : memref<128x128xf32, #tpu.memory_space<vmem>>)
      %run_scoped3A_65 = arith.constant 2 : i32
      "tpu.region"() ({
        %run_scoped3A_134 = tpu.sem_alloc : memref<!tpu.dma_semaphore, #tpu.memory_space<semaphore_mem>>
        %dma_start3A_135 = arith.constant 0 : i32
        %dma_start3A_136 = tpu.memref_slice %arg8[%run_scoped3A_65, %dma_start3A_135] : memref<8x128xi32, #tpu.memory_space<vmem>> -> memref<1x128xi32, #tpu.memory_space<vmem>>
        %dma_start3A_137 = tpu.memref_squeeze %dma_start3A_136 : memref<1x128xi32, #tpu.memory_space<vmem>> -> memref<128xi32, #tpu.memory_space<vmem>>
        %dma_start3A_138 = arith.constant 0 : i32
        %dma_start3A_139 = arith.constant 0 : i32
        %dma_start3A_140 = tpu.memref_slice %arg13[%dma_start3A_138, %dma_start3A_139] : memref<10240x128xf32, #tpu.memory_space<vmem_shared>> -> memref<10240x128xf32, #tpu.memory_space<vmem_shared>>
        tpu.enqueue_indirect_dma source(%arg9 : memref<128x128xf32, #tpu.memory_space<vmem>>) target(%dma_start3A_140 : memref<10240x128xf32, #tpu.memory_space<vmem_shared>>) offsets(%dma_start3A_137 : memref<128xi32, #tpu.memory_space<vmem>>) semaphore(%run_scoped3A_134 : memref<!tpu.dma_semaphore, #tpu.memory_space<semaphore_mem>>) {add = true}
        %dma_wait3A_141 = arith.constant 0 : i32
        %dma_wait3A_142 = tpu.memref_slice %arg8[%run_scoped3A_65, %dma_wait3A_141] : memref<8x128xi32, #tpu.memory_space<vmem>> -> memref<1x128xi32, #tpu.memory_space<vmem>>
        %dma_wait3A_143 = tpu.memref_squeeze %dma_wait3A_142 : memref<1x128xi32, #tpu.memory_space<vmem>> -> memref<128xi32, #tpu.memory_space<vmem>>
        %dma_wait3A_144 = arith.constant 0 : i32
        %dma_wait3A_145 = arith.constant 0 : i32
        %dma_wait3A_146 = tpu.memref_slice %arg13[%dma_wait3A_144, %dma_wait3A_145] : memref<10240x128xf32, #tpu.memory_space<vmem_shared>> -> memref<10240x128xf32, #tpu.memory_space<vmem_shared>>
        tpu.wait_indirect_dma semaphore(%run_scoped3A_134 : memref<!tpu.dma_semaphore, #tpu.memory_space<semaphore_mem>>) src(%arg9 : memref<128x128xf32, #tpu.memory_space<vmem>>) dst(%dma_wait3A_146 : memref<10240x128xf32, #tpu.memory_space<vmem_shared>>)
        tpu.yield
      }) : () -> ()
      %dma_start3A_66 = arith.constant 4 : i32
      %dma_start3A_67 = arith.constant 0 : i32
      %dma_start3A_68 = tpu.memref_slice %arg7[%dma_start3A_66, %dma_start3A_67] : memref<8x128xi32, #tpu.memory_space<vmem>> -> memref<1x128xi32, #tpu.memory_space<vmem>>
      %dma_start3A_69 = tpu.memref_squeeze %dma_start3A_68 : memref<1x128xi32, #tpu.memory_space<vmem>> -> memref<128xi32, #tpu.memory_space<vmem>>
      %dma_start3A_70 = arith.constant 0 : i32
      %dma_start3A_71 = arith.constant 0 : i32
      %dma_start3A_72 = tpu.memref_slice %arg2[%dma_start3A_70, %dma_start3A_71] : memref<10240x128xf32, #tpu.memory_space<hbm>> -> memref<10240x128xf32, #tpu.memory_space<hbm>>
      tpu.enqueue_indirect_dma source(%dma_start3A_72 : memref<10240x128xf32, #tpu.memory_space<hbm>>) target(%arg9 : memref<128x128xf32, #tpu.memory_space<vmem>>) offsets(%dma_start3A_69 : memref<128xi32, #tpu.memory_space<vmem>>) semaphore(%arg11 : memref<!tpu.dma_semaphore, #tpu.memory_space<semaphore_mem>>)
      %dma_wait3A_73 = arith.constant 3 : i32
      %dma_wait3A_74 = arith.constant 0 : i32
      %dma_wait3A_75 = tpu.memref_slice %arg7[%dma_wait3A_73, %dma_wait3A_74] : memref<8x128xi32, #tpu.memory_space<vmem>> -> memref<1x128xi32, #tpu.memory_space<vmem>>
      %dma_wait3A_76 = tpu.memref_squeeze %dma_wait3A_75 : memref<1x128xi32, #tpu.memory_space<vmem>> -> memref<128xi32, #tpu.memory_space<vmem>>
      %dma_wait3A_77 = arith.constant 0 : i32
      %dma_wait3A_78 = arith.constant 0 : i32
      %dma_wait3A_79 = tpu.memref_slice %arg2[%dma_wait3A_77, %dma_wait3A_78] : memref<10240x128xf32, #tpu.memory_space<hbm>> -> memref<10240x128xf32, #tpu.memory_space<hbm>>
      tpu.wait_indirect_dma semaphore(%arg12 : memref<!tpu.dma_semaphore, #tpu.memory_space<semaphore_mem>>) src(%dma_wait3A_79 : memref<10240x128xf32, #tpu.memory_space<hbm>>) dst(%arg10 : memref<128x128xf32, #tpu.memory_space<vmem>>)
      %run_scoped3A_80 = arith.constant 3 : i32
      "tpu.region"() ({
        %run_scoped3A_134 = tpu.sem_alloc : memref<!tpu.dma_semaphore, #tpu.memory_space<semaphore_mem>>
        %dma_start3A_135 = arith.constant 0 : i32
        %dma_start3A_136 = tpu.memref_slice %arg8[%run_scoped3A_80, %dma_start3A_135] : memref<8x128xi32, #tpu.memory_space<vmem>> -> memref<1x128xi32, #tpu.memory_space<vmem>>
        %dma_start3A_137 = tpu.memref_squeeze %dma_start3A_136 : memref<1x128xi32, #tpu.memory_space<vmem>> -> memref<128xi32, #tpu.memory_space<vmem>>
        %dma_start3A_138 = arith.constant 0 : i32
        %dma_start3A_139 = arith.constant 0 : i32
        %dma_start3A_140 = tpu.memref_slice %arg13[%dma_start3A_138, %dma_start3A_139] : memref<10240x128xf32, #tpu.memory_space<vmem_shared>> -> memref<10240x128xf32, #tpu.memory_space<vmem_shared>>
        tpu.enqueue_indirect_dma source(%arg10 : memref<128x128xf32, #tpu.memory_space<vmem>>) target(%dma_start3A_140 : memref<10240x128xf32, #tpu.memory_space<vmem_shared>>) offsets(%dma_start3A_137 : memref<128xi32, #tpu.memory_space<vmem>>) semaphore(%run_scoped3A_134 : memref<!tpu.dma_semaphore, #tpu.memory_space<semaphore_mem>>) {add = true}
        %dma_wait3A_141 = arith.constant 0 : i32
        %dma_wait3A_142 = tpu.memref_slice %arg8[%run_scoped3A_80, %dma_wait3A_141] : memref<8x128xi32, #tpu.memory_space<vmem>> -> memref<1x128xi32, #tpu.memory_space<vmem>>
        %dma_wait3A_143 = tpu.memref_squeeze %dma_wait3A_142 : memref<1x128xi32, #tpu.memory_space<vmem>> -> memref<128xi32, #tpu.memory_space<vmem>>
        %dma_wait3A_144 = arith.constant 0 : i32
        %dma_wait3A_145 = arith.constant 0 : i32
        %dma_wait3A_146 = tpu.memref_slice %arg13[%dma_wait3A_144, %dma_wait3A_145] : memref<10240x128xf32, #tpu.memory_space<vmem_shared>> -> memref<10240x128xf32, #tpu.memory_space<vmem_shared>>
        tpu.wait_indirect_dma semaphore(%run_scoped3A_134 : memref<!tpu.dma_semaphore, #tpu.memory_space<semaphore_mem>>) src(%arg10 : memref<128x128xf32, #tpu.memory_space<vmem>>) dst(%dma_wait3A_146 : memref<10240x128xf32, #tpu.memory_space<vmem_shared>>)
        tpu.yield
      }) : () -> ()
      %dma_start3A_81 = arith.constant 5 : i32
      %dma_start3A_82 = arith.constant 0 : i32
      %dma_start3A_83 = tpu.memref_slice %arg7[%dma_start3A_81, %dma_start3A_82] : memref<8x128xi32, #tpu.memory_space<vmem>> -> memref<1x128xi32, #tpu.memory_space<vmem>>
      %dma_start3A_84 = tpu.memref_squeeze %dma_start3A_83 : memref<1x128xi32, #tpu.memory_space<vmem>> -> memref<128xi32, #tpu.memory_space<vmem>>
      %dma_start3A_85 = arith.constant 0 : i32
      %dma_start3A_86 = arith.constant 0 : i32
      %dma_start3A_87 = tpu.memref_slice %arg2[%dma_start3A_85, %dma_start3A_86] : memref<10240x128xf32, #tpu.memory_space<hbm>> -> memref<10240x128xf32, #tpu.memory_space<hbm>>
      tpu.enqueue_indirect_dma source(%dma_start3A_87 : memref<10240x128xf32, #tpu.memory_space<hbm>>) target(%arg10 : memref<128x128xf32, #tpu.memory_space<vmem>>) offsets(%dma_start3A_84 : memref<128xi32, #tpu.memory_space<vmem>>) semaphore(%arg12 : memref<!tpu.dma_semaphore, #tpu.memory_space<semaphore_mem>>)
      %dma_wait3A_88 = arith.constant 4 : i32
      %dma_wait3A_89 = arith.constant 0 : i32
      %dma_wait3A_90 = tpu.memref_slice %arg7[%dma_wait3A_88, %dma_wait3A_89] : memref<8x128xi32, #tpu.memory_space<vmem>> -> memref<1x128xi32, #tpu.memory_space<vmem>>
      %dma_wait3A_91 = tpu.memref_squeeze %dma_wait3A_90 : memref<1x128xi32, #tpu.memory_space<vmem>> -> memref<128xi32, #tpu.memory_space<vmem>>
      %dma_wait3A_92 = arith.constant 0 : i32
      %dma_wait3A_93 = arith.constant 0 : i32
      %dma_wait3A_94 = tpu.memref_slice %arg2[%dma_wait3A_92, %dma_wait3A_93] : memref<10240x128xf32, #tpu.memory_space<hbm>> -> memref<10240x128xf32, #tpu.memory_space<hbm>>
      tpu.wait_indirect_dma semaphore(%arg11 : memref<!tpu.dma_semaphore, #tpu.memory_space<semaphore_mem>>) src(%dma_wait3A_94 : memref<10240x128xf32, #tpu.memory_space<hbm>>) dst(%arg9 : memref<128x128xf32, #tpu.memory_space<vmem>>)
      %run_scoped3A_95 = arith.constant 4 : i32
      "tpu.region"() ({
        %run_scoped3A_134 = tpu.sem_alloc : memref<!tpu.dma_semaphore, #tpu.memory_space<semaphore_mem>>
        %dma_start3A_135 = arith.constant 0 : i32
        %dma_start3A_136 = tpu.memref_slice %arg8[%run_scoped3A_95, %dma_start3A_135] : memref<8x128xi32, #tpu.memory_space<vmem>> -> memref<1x128xi32, #tpu.memory_space<vmem>>
        %dma_start3A_137 = tpu.memref_squeeze %dma_start3A_136 : memref<1x128xi32, #tpu.memory_space<vmem>> -> memref<128xi32, #tpu.memory_space<vmem>>
        %dma_start3A_138 = arith.constant 0 : i32
        %dma_start3A_139 = arith.constant 0 : i32
        %dma_start3A_140 = tpu.memref_slice %arg13[%dma_start3A_138, %dma_start3A_139] : memref<10240x128xf32, #tpu.memory_space<vmem_shared>> -> memref<10240x128xf32, #tpu.memory_space<vmem_shared>>
        tpu.enqueue_indirect_dma source(%arg9 : memref<128x128xf32, #tpu.memory_space<vmem>>) target(%dma_start3A_140 : memref<10240x128xf32, #tpu.memory_space<vmem_shared>>) offsets(%dma_start3A_137 : memref<128xi32, #tpu.memory_space<vmem>>) semaphore(%run_scoped3A_134 : memref<!tpu.dma_semaphore, #tpu.memory_space<semaphore_mem>>) {add = true}
        %dma_wait3A_141 = arith.constant 0 : i32
        %dma_wait3A_142 = tpu.memref_slice %arg8[%run_scoped3A_95, %dma_wait3A_141] : memref<8x128xi32, #tpu.memory_space<vmem>> -> memref<1x128xi32, #tpu.memory_space<vmem>>
        %dma_wait3A_143 = tpu.memref_squeeze %dma_wait3A_142 : memref<1x128xi32, #tpu.memory_space<vmem>> -> memref<128xi32, #tpu.memory_space<vmem>>
        %dma_wait3A_144 = arith.constant 0 : i32
        %dma_wait3A_145 = arith.constant 0 : i32
        %dma_wait3A_146 = tpu.memref_slice %arg13[%dma_wait3A_144, %dma_wait3A_145] : memref<10240x128xf32, #tpu.memory_space<vmem_shared>> -> memref<10240x128xf32, #tpu.memory_space<vmem_shared>>
        tpu.wait_indirect_dma semaphore(%run_scoped3A_134 : memref<!tpu.dma_semaphore, #tpu.memory_space<semaphore_mem>>) src(%arg9 : memref<128x128xf32, #tpu.memory_space<vmem>>) dst(%dma_wait3A_146 : memref<10240x128xf32, #tpu.memory_space<vmem_shared>>)
        tpu.yield
      }) : () -> ()
      %dma_start3A_96 = arith.constant 6 : i32
      %dma_start3A_97 = arith.constant 0 : i32
      %dma_start3A_98 = tpu.memref_slice %arg7[%dma_start3A_96, %dma_start3A_97] : memref<8x128xi32, #tpu.memory_space<vmem>> -> memref<1x128xi32, #tpu.memory_space<vmem>>
      %dma_start3A_99 = tpu.memref_squeeze %dma_start3A_98 : memref<1x128xi32, #tpu.memory_space<vmem>> -> memref<128xi32, #tpu.memory_space<vmem>>
      %dma_start3A_100 = arith.constant 0 : i32
      %dma_start3A_101 = arith.constant 0 : i32
      %dma_start3A_102 = tpu.memref_slice %arg2[%dma_start3A_100, %dma_start3A_101] : memref<10240x128xf32, #tpu.memory_space<hbm>> -> memref<10240x128xf32, #tpu.memory_space<hbm>>
      tpu.enqueue_indirect_dma source(%dma_start3A_102 : memref<10240x128xf32, #tpu.memory_space<hbm>>) target(%arg9 : memref<128x128xf32, #tpu.memory_space<vmem>>) offsets(%dma_start3A_99 : memref<128xi32, #tpu.memory_space<vmem>>) semaphore(%arg11 : memref<!tpu.dma_semaphore, #tpu.memory_space<semaphore_mem>>)
      %dma_wait3A_103 = arith.constant 5 : i32
      %dma_wait3A_104 = arith.constant 0 : i32
      %dma_wait3A_105 = tpu.memref_slice %arg7[%dma_wait3A_103, %dma_wait3A_104] : memref<8x128xi32, #tpu.memory_space<vmem>> -> memref<1x128xi32, #tpu.memory_space<vmem>>
      %dma_wait3A_106 = tpu.memref_squeeze %dma_wait3A_105 : memref<1x128xi32, #tpu.memory_space<vmem>> -> memref<128xi32, #tpu.memory_space<vmem>>
      %dma_wait3A_107 = arith.constant 0 : i32
      %dma_wait3A_108 = arith.constant 0 : i32
      %dma_wait3A_109 = tpu.memref_slice %arg2[%dma_wait3A_107, %dma_wait3A_108] : memref<10240x128xf32, #tpu.memory_space<hbm>> -> memref<10240x128xf32, #tpu.memory_space<hbm>>
      tpu.wait_indirect_dma semaphore(%arg12 : memref<!tpu.dma_semaphore, #tpu.memory_space<semaphore_mem>>) src(%dma_wait3A_109 : memref<10240x128xf32, #tpu.memory_space<hbm>>) dst(%arg10 : memref<128x128xf32, #tpu.memory_space<vmem>>)
      %run_scoped3A_110 = arith.constant 5 : i32
      "tpu.region"() ({
        %run_scoped3A_134 = tpu.sem_alloc : memref<!tpu.dma_semaphore, #tpu.memory_space<semaphore_mem>>
        %dma_start3A_135 = arith.constant 0 : i32
        %dma_start3A_136 = tpu.memref_slice %arg8[%run_scoped3A_110, %dma_start3A_135] : memref<8x128xi32, #tpu.memory_space<vmem>> -> memref<1x128xi32, #tpu.memory_space<vmem>>
        %dma_start3A_137 = tpu.memref_squeeze %dma_start3A_136 : memref<1x128xi32, #tpu.memory_space<vmem>> -> memref<128xi32, #tpu.memory_space<vmem>>
        %dma_start3A_138 = arith.constant 0 : i32
        %dma_start3A_139 = arith.constant 0 : i32
        %dma_start3A_140 = tpu.memref_slice %arg13[%dma_start3A_138, %dma_start3A_139] : memref<10240x128xf32, #tpu.memory_space<vmem_shared>> -> memref<10240x128xf32, #tpu.memory_space<vmem_shared>>
        tpu.enqueue_indirect_dma source(%arg10 : memref<128x128xf32, #tpu.memory_space<vmem>>) target(%dma_start3A_140 : memref<10240x128xf32, #tpu.memory_space<vmem_shared>>) offsets(%dma_start3A_137 : memref<128xi32, #tpu.memory_space<vmem>>) semaphore(%run_scoped3A_134 : memref<!tpu.dma_semaphore, #tpu.memory_space<semaphore_mem>>) {add = true}
        %dma_wait3A_141 = arith.constant 0 : i32
        %dma_wait3A_142 = tpu.memref_slice %arg8[%run_scoped3A_110, %dma_wait3A_141] : memref<8x128xi32, #tpu.memory_space<vmem>> -> memref<1x128xi32, #tpu.memory_space<vmem>>
        %dma_wait3A_143 = tpu.memref_squeeze %dma_wait3A_142 : memref<1x128xi32, #tpu.memory_space<vmem>> -> memref<128xi32, #tpu.memory_space<vmem>>
        %dma_wait3A_144 = arith.constant 0 : i32
        %dma_wait3A_145 = arith.constant 0 : i32
        %dma_wait3A_146 = tpu.memref_slice %arg13[%dma_wait3A_144, %dma_wait3A_145] : memref<10240x128xf32, #tpu.memory_space<vmem_shared>> -> memref<10240x128xf32, #tpu.memory_space<vmem_shared>>
        tpu.wait_indirect_dma semaphore(%run_scoped3A_134 : memref<!tpu.dma_semaphore, #tpu.memory_space<semaphore_mem>>) src(%arg10 : memref<128x128xf32, #tpu.memory_space<vmem>>) dst(%dma_wait3A_146 : memref<10240x128xf32, #tpu.memory_space<vmem_shared>>)
        tpu.yield
      }) : () -> ()
      %dma_start3A_111 = arith.constant 7 : i32
      %dma_start3A_112 = arith.constant 0 : i32
      %dma_start3A_113 = tpu.memref_slice %arg7[%dma_start3A_111, %dma_start3A_112] : memref<8x128xi32, #tpu.memory_space<vmem>> -> memref<1x128xi32, #tpu.memory_space<vmem>>
      %dma_start3A_114 = tpu.memref_squeeze %dma_start3A_113 : memref<1x128xi32, #tpu.memory_space<vmem>> -> memref<128xi32, #tpu.memory_space<vmem>>
      %dma_start3A_115 = arith.constant 0 : i32
      %dma_start3A_116 = arith.constant 0 : i32
      %dma_start3A_117 = tpu.memref_slice %arg2[%dma_start3A_115, %dma_start3A_116] : memref<10240x128xf32, #tpu.memory_space<hbm>> -> memref<10240x128xf32, #tpu.memory_space<hbm>>
      tpu.enqueue_indirect_dma source(%dma_start3A_117 : memref<10240x128xf32, #tpu.memory_space<hbm>>) target(%arg10 : memref<128x128xf32, #tpu.memory_space<vmem>>) offsets(%dma_start3A_114 : memref<128xi32, #tpu.memory_space<vmem>>) semaphore(%arg12 : memref<!tpu.dma_semaphore, #tpu.memory_space<semaphore_mem>>)
      %dma_wait3A_118 = arith.constant 6 : i32
      %dma_wait3A_119 = arith.constant 0 : i32
      %dma_wait3A_120 = tpu.memref_slice %arg7[%dma_wait3A_118, %dma_wait3A_119] : memref<8x128xi32, #tpu.memory_space<vmem>> -> memref<1x128xi32, #tpu.memory_space<vmem>>
      %dma_wait3A_121 = tpu.memref_squeeze %dma_wait3A_120 : memref<1x128xi32, #tpu.memory_space<vmem>> -> memref<128xi32, #tpu.memory_space<vmem>>
      %dma_wait3A_122 = arith.constant 0 : i32
      %dma_wait3A_123 = arith.constant 0 : i32
      %dma_wait3A_124 = tpu.memref_slice %arg2[%dma_wait3A_122, %dma_wait3A_123] : memref<10240x128xf32, #tpu.memory_space<hbm>> -> memref<10240x128xf32, #tpu.memory_space<hbm>>
      tpu.wait_indirect_dma semaphore(%arg11 : memref<!tpu.dma_semaphore, #tpu.memory_space<semaphore_mem>>) src(%dma_wait3A_124 : memref<10240x128xf32, #tpu.memory_space<hbm>>) dst(%arg9 : memref<128x128xf32, #tpu.memory_space<vmem>>)
      %run_scoped3A_125 = arith.constant 6 : i32
      "tpu.region"() ({
        %run_scoped3A_134 = tpu.sem_alloc : memref<!tpu.dma_semaphore, #tpu.memory_space<semaphore_mem>>
        %dma_start3A_135 = arith.constant 0 : i32
        %dma_start3A_136 = tpu.memref_slice %arg8[%run_scoped3A_125, %dma_start3A_135] : memref<8x128xi32, #tpu.memory_space<vmem>> -> memref<1x128xi32, #tpu.memory_space<vmem>>
        %dma_start3A_137 = tpu.memref_squeeze %dma_start3A_136 : memref<1x128xi32, #tpu.memory_space<vmem>> -> memref<128xi32, #tpu.memory_space<vmem>>
        %dma_start3A_138 = arith.constant 0 : i32
        %dma_start3A_139 = arith.constant 0 : i32
        %dma_start3A_140 = tpu.memref_slice %arg13[%dma_start3A_138, %dma_start3A_139] : memref<10240x128xf32, #tpu.memory_space<vmem_shared>> -> memref<10240x128xf32, #tpu.memory_space<vmem_shared>>
        tpu.enqueue_indirect_dma source(%arg9 : memref<128x128xf32, #tpu.memory_space<vmem>>) target(%dma_start3A_140 : memref<10240x128xf32, #tpu.memory_space<vmem_shared>>) offsets(%dma_start3A_137 : memref<128xi32, #tpu.memory_space<vmem>>) semaphore(%run_scoped3A_134 : memref<!tpu.dma_semaphore, #tpu.memory_space<semaphore_mem>>) {add = true}
        %dma_wait3A_141 = arith.constant 0 : i32
        %dma_wait3A_142 = tpu.memref_slice %arg8[%run_scoped3A_125, %dma_wait3A_141] : memref<8x128xi32, #tpu.memory_space<vmem>> -> memref<1x128xi32, #tpu.memory_space<vmem>>
        %dma_wait3A_143 = tpu.memref_squeeze %dma_wait3A_142 : memref<1x128xi32, #tpu.memory_space<vmem>> -> memref<128xi32, #tpu.memory_space<vmem>>
        %dma_wait3A_144 = arith.constant 0 : i32
        %dma_wait3A_145 = arith.constant 0 : i32
        %dma_wait3A_146 = tpu.memref_slice %arg13[%dma_wait3A_144, %dma_wait3A_145] : memref<10240x128xf32, #tpu.memory_space<vmem_shared>> -> memref<10240x128xf32, #tpu.memory_space<vmem_shared>>
        tpu.wait_indirect_dma semaphore(%run_scoped3A_134 : memref<!tpu.dma_semaphore, #tpu.memory_space<semaphore_mem>>) src(%arg9 : memref<128x128xf32, #tpu.memory_space<vmem>>) dst(%dma_wait3A_146 : memref<10240x128xf32, #tpu.memory_space<vmem_shared>>)
        tpu.yield
      }) : () -> ()
      %dma_wait3A_126 = arith.constant 7 : i32
      %dma_wait3A_127 = arith.constant 0 : i32
      %dma_wait3A_128 = tpu.memref_slice %arg7[%dma_wait3A_126, %dma_wait3A_127] : memref<8x128xi32, #tpu.memory_space<vmem>> -> memref<1x128xi32, #tpu.memory_space<vmem>>
      %dma_wait3A_129 = tpu.memref_squeeze %dma_wait3A_128 : memref<1x128xi32, #tpu.memory_space<vmem>> -> memref<128xi32, #tpu.memory_space<vmem>>
      %dma_wait3A_130 = arith.constant 0 : i32
      %dma_wait3A_131 = arith.constant 0 : i32
      %dma_wait3A_132 = tpu.memref_slice %arg2[%dma_wait3A_130, %dma_wait3A_131] : memref<10240x128xf32, #tpu.memory_space<hbm>> -> memref<10240x128xf32, #tpu.memory_space<hbm>>
      tpu.wait_indirect_dma semaphore(%arg12 : memref<!tpu.dma_semaphore, #tpu.memory_space<semaphore_mem>>) src(%dma_wait3A_132 : memref<10240x128xf32, #tpu.memory_space<hbm>>) dst(%arg10 : memref<128x128xf32, #tpu.memory_space<vmem>>)
      %run_scoped3A_133 = arith.constant 7 : i32
      "tpu.region"() ({
        %run_scoped3A_134 = tpu.sem_alloc : memref<!tpu.dma_semaphore, #tpu.memory_space<semaphore_mem>>
        %dma_start3A_135 = arith.constant 0 : i32
        %dma_start3A_136 = tpu.memref_slice %arg8[%run_scoped3A_133, %dma_start3A_135] : memref<8x128xi32, #tpu.memory_space<vmem>> -> memref<1x128xi32, #tpu.memory_space<vmem>>
        %dma_start3A_137 = tpu.memref_squeeze %dma_start3A_136 : memref<1x128xi32, #tpu.memory_space<vmem>> -> memref<128xi32, #tpu.memory_space<vmem>>
        %dma_start3A_138 = arith.constant 0 : i32
        %dma_start3A_139 = arith.constant 0 : i32
        %dma_start3A_140 = tpu.memref_slice %arg13[%dma_start3A_138, %dma_start3A_139] : memref<10240x128xf32, #tpu.memory_space<vmem_shared>> -> memref<10240x128xf32, #tpu.memory_space<vmem_shared>>
        tpu.enqueue_indirect_dma source(%arg10 : memref<128x128xf32, #tpu.memory_space<vmem>>) target(%dma_start3A_140 : memref<10240x128xf32, #tpu.memory_space<vmem_shared>>) offsets(%dma_start3A_137 : memref<128xi32, #tpu.memory_space<vmem>>) semaphore(%run_scoped3A_134 : memref<!tpu.dma_semaphore, #tpu.memory_space<semaphore_mem>>) {add = true}
        %dma_wait3A_141 = arith.constant 0 : i32
        %dma_wait3A_142 = tpu.memref_slice %arg8[%run_scoped3A_133, %dma_wait3A_141] : memref<8x128xi32, #tpu.memory_space<vmem>> -> memref<1x128xi32, #tpu.memory_space<vmem>>
        %dma_wait3A_143 = tpu.memref_squeeze %dma_wait3A_142 : memref<1x128xi32, #tpu.memory_space<vmem>> -> memref<128xi32, #tpu.memory_space<vmem>>
        %dma_wait3A_144 = arith.constant 0 : i32
        %dma_wait3A_145 = arith.constant 0 : i32
        %dma_wait3A_146 = tpu.memref_slice %arg13[%dma_wait3A_144, %dma_wait3A_145] : memref<10240x128xf32, #tpu.memory_space<vmem_shared>> -> memref<10240x128xf32, #tpu.memory_space<vmem_shared>>
        tpu.wait_indirect_dma semaphore(%run_scoped3A_134 : memref<!tpu.dma_semaphore, #tpu.memory_space<semaphore_mem>>) src(%arg10 : memref<128x128xf32, #tpu.memory_space<vmem>>) dst(%dma_wait3A_146 : memref<10240x128xf32, #tpu.memory_space<vmem_shared>>)
        tpu.yield
      }) : () -> ()
    }
    %scan3A_7 = arith.constant 10 : i32
    %barrier3A_8 = arith.constant 0 : index
    tpu.barrier barrier_id(%barrier3A_8)
    %mul3A_9 = arith.constant 10240 : i32
    %mul3A_10 = arith.muli %arg0, %mul3A_9 : i32
    %add3A_11 = arith.addi %mul3A_10, %mul3A_2 : i32
    "tpu.region"() ({
      %run_scoped3A = tpu.sem_alloc : memref<!tpu.dma_semaphore, #tpu.memory_space<semaphore_mem>>
      %dma_start3A = arith.constant 0 : i32
      %dma_start3A_12 = tpu.memref_slice %arg6[%add3A_11, %dma_start3A] : memref<20480x128xf32, #tpu.memory_space<hbm>> -> memref<640x128xf32, #tpu.memory_space<hbm>>
      %dma_start3A_13 = arith.constant 0 : i32
      %dma_start3A_14 = tpu.memref_slice %arg13[%mul3A_2, %dma_start3A_13] : memref<10240x128xf32, #tpu.memory_space<vmem_shared>> -> memref<640x128xf32, #tpu.memory_space<vmem_shared>>
      tpu.enqueue_dma source(%dma_start3A_14 : memref<640x128xf32, #tpu.memory_space<vmem_shared>>) target(%dma_start3A_12 : memref<640x128xf32, #tpu.memory_space<hbm>>) target_semaphore(%run_scoped3A : memref<!tpu.dma_semaphore, #tpu.memory_space<semaphore_mem>>)
      %dma_wait3A = arith.constant 0 : i32
      %dma_wait3A_15 = tpu.memref_slice %arg6[%add3A_11, %dma_wait3A] : memref<20480x128xf32, #tpu.memory_space<hbm>> -> memref<640x128xf32, #tpu.memory_space<hbm>>
      %dma_wait3A_16 = arith.constant 0 : i32
      %dma_wait3A_17 = tpu.memref_slice %arg13[%mul3A_2, %dma_wait3A_16] : memref<10240x128xf32, #tpu.memory_space<vmem_shared>> -> memref<640x128xf32, #tpu.memory_space<vmem_shared>>
      tpu.wait_dma2 semaphore(%run_scoped3A : memref<!tpu.dma_semaphore, #tpu.memory_space<semaphore_mem>>) src(%dma_wait3A_17 : memref<640x128xf32, #tpu.memory_space<vmem_shared>>) dst(%dma_wait3A_15 : memref<640x128xf32, #tpu.memory_space<hbm>>)
      tpu.yield
    }) : () -> ()
    return
  }
}

#map = affine_map<(d0, d1) -> (0, 0)>
#map1 = affine_map<(d0, d1) -> (0, 0, 0)>
module attributes {stable_mosaic.version = 14 : i64} {
  func.func @_seg_body(%arg0: i32, %arg1: i32, %arg2: memref<10240x128xf32, #tpu.memory_space<hbm>>, %arg3: memref<32x80x128xi32, #tpu.memory_space<hbm>>, %arg4: memref<32x80x128xi32, #tpu.memory_space<hbm>>, %arg5: memref<10240x128xf32, #tpu.memory_space<hbm>>, %arg6: memref<20480x128xf32, #tpu.memory_space<hbm>>, %arg7: memref<8x128xi32, #tpu.memory_space<vmem>>, %arg8: memref<8x128xi32, #tpu.memory_space<vmem>>, %arg9: memref<128x128xf32, #tpu.memory_space<vmem>>, %arg10: memref<128x128xf32, #tpu.memory_space<vmem>>, %arg11: memref<!tpu.dma_semaphore, #tpu.memory_space<semaphore_mem>>, %arg12: memref<!tpu.dma_semaphore, #tpu.memory_space<semaphore_mem>>, %arg13: memref<10240x128xf32, #tpu.memory_space<vmem_shared>>) attributes {dimension_semantics = [#tpu.dimension_semantics<core_parallel>, #tpu.dimension_semantics<subcore_parallel>], iteration_bounds = array<i64: 2, 16>, scalar_prefetch = 0 : i64, scratch_operands = 7 : i64, tpu.core_type = #tpu.core_type<sc_vector_subcore>, window_params = [{transform_indices = #map}, {transform_indices = #map1}, {transform_indices = #map1}, {transform_indices = #map}, {transform_indices = #map}]} {
    %mul3A = arith.constant 2 : i32
    %mul3A_0 = arith.muli %arg1, %mul3A : i32
    %add3A = arith.addi %mul3A_0, %arg0 : i32
    %mul3A_1 = arith.constant 640 : i32
    %mul3A_2 = arith.muli %arg1, %mul3A_1 : i32
    "tpu.region"() ({
      %run_scoped3A = tpu.sem_alloc : memref<!tpu.dma_semaphore, #tpu.memory_space<semaphore_mem>>
      %dma_start3A = arith.constant 0 : i32
      %dma_start3A_12 = tpu.memref_slice %arg13[%mul3A_2, %dma_start3A] : memref<10240x128xf32, #tpu.memory_space<vmem_shared>> -> memref<640x128xf32, #tpu.memory_space<vmem_shared>>
      %dma_start3A_13 = arith.constant 0 : i32
      %dma_start3A_14 = tpu.memref_slice %arg5[%mul3A_2, %dma_start3A_13] : memref<10240x128xf32, #tpu.memory_space<hbm>> -> memref<640x128xf32, #tpu.memory_space<hbm>>
      tpu.enqueue_dma source(%dma_start3A_14 : memref<640x128xf32, #tpu.memory_space<hbm>>) target(%dma_start3A_12 : memref<640x128xf32, #tpu.memory_space<vmem_shared>>) target_semaphore(%run_scoped3A : memref<!tpu.dma_semaphore, #tpu.memory_space<semaphore_mem>>)
      %dma_wait3A = arith.constant 0 : i32
      %dma_wait3A_15 = tpu.memref_slice %arg13[%mul3A_2, %dma_wait3A] : memref<10240x128xf32, #tpu.memory_space<vmem_shared>> -> memref<640x128xf32, #tpu.memory_space<vmem_shared>>
      %dma_wait3A_16 = arith.constant 0 : i32
      %dma_wait3A_17 = tpu.memref_slice %arg5[%mul3A_2, %dma_wait3A_16] : memref<10240x128xf32, #tpu.memory_space<hbm>> -> memref<640x128xf32, #tpu.memory_space<hbm>>
      tpu.wait_dma2 semaphore(%run_scoped3A : memref<!tpu.dma_semaphore, #tpu.memory_space<semaphore_mem>>) src(%dma_wait3A_17 : memref<640x128xf32, #tpu.memory_space<hbm>>) dst(%dma_wait3A_15 : memref<640x128xf32, #tpu.memory_space<vmem_shared>>)
      tpu.yield
    }) : () -> ()
    %barrier3A = arith.constant 0 : index
    tpu.barrier barrier_id(%barrier3A)
    %scan3A = arith.constant 0 : i32
    %scan3A_3 = arith.constant 0 : i32
    %scan3A_4 = arith.constant 10 : i32
    %scan3A_5 = arith.addi %scan3A_3, %scan3A_4 : i32
    %scan3A_6 = arith.constant 1 : i32
    scf.for %scan3A_12 = %scan3A_3 to %scan3A_5 step %scan3A_6  : i32 {
      %mul3A_13 = arith.constant 8 : i32
      %mul3A_14 = arith.muli %scan3A_12, %mul3A_13 : i32
      "tpu.region"() ({
        %run_scoped3A_134 = tpu.sem_alloc : memref<!tpu.dma_semaphore, #tpu.memory_space<semaphore_mem>>
        %dma_start3A_135 = arith.constant 0 : i32
        %dma_start3A_136 = tpu.memref_slice %arg3[%add3A, %mul3A_14, %dma_start3A_135] : memref<32x80x128xi32, #tpu.memory_space<hbm>> -> memref<1x8x128xi32, #tpu.memory_space<hbm>>
        %dma_start3A_137 = tpu.memref_squeeze %dma_start3A_136 : memref<1x8x128xi32, #tpu.memory_space<hbm>> -> memref<8x128xi32, #tpu.memory_space<hbm>>
        %dma_start3A_138 = arith.constant 0 : i32
        %dma_start3A_139 = tpu.memref_slice %arg3[%add3A, %mul3A_14, %dma_start3A_138] : memref<32x80x128xi32, #tpu.memory_space<hbm>> -> memref<1x8x128xi32, #tpu.memory_space<hbm>>
        %dma_start3A_140 = tpu.memref_squeeze %dma_start3A_139 : memref<1x8x128xi32, #tpu.memory_space<hbm>> -> memref<8x128xi32, #tpu.memory_space<hbm>>
        tpu.enqueue_dma source(%dma_start3A_140 : memref<8x128xi32, #tpu.memory_space<hbm>>) target(%arg7 : memref<8x128xi32, #tpu.memory_space<vmem>>) target_semaphore(%run_scoped3A_134 : memref<!tpu.dma_semaphore, #tpu.memory_space<semaphore_mem>>)
        %dma_wait3A_141 = arith.constant 0 : i32
        %dma_wait3A_142 = tpu.memref_slice %arg3[%add3A, %mul3A_14, %dma_wait3A_141] : memref<32x80x128xi32, #tpu.memory_space<hbm>> -> memref<1x8x128xi32, #tpu.memory_space<hbm>>
        %dma_wait3A_143 = tpu.memref_squeeze %dma_wait3A_142 : memref<1x8x128xi32, #tpu.memory_space<hbm>> -> memref<8x128xi32, #tpu.memory_space<hbm>>
        %dma_wait3A_144 = arith.constant 0 : i32
        %dma_wait3A_145 = tpu.memref_slice %arg3[%add3A, %mul3A_14, %dma_wait3A_144] : memref<32x80x128xi32, #tpu.memory_space<hbm>> -> memref<1x8x128xi32, #tpu.memory_space<hbm>>
        %dma_wait3A_146 = tpu.memref_squeeze %dma_wait3A_145 : memref<1x8x128xi32, #tpu.memory_space<hbm>> -> memref<8x128xi32, #tpu.memory_space<hbm>>
        tpu.wait_dma2 semaphore(%run_scoped3A_134 : memref<!tpu.dma_semaphore, #tpu.memory_space<semaphore_mem>>) src(%dma_wait3A_146 : memref<8x128xi32, #tpu.memory_space<hbm>>) dst(%arg7 : memref<8x128xi32, #tpu.memory_space<vmem>>)
        tpu.yield
      }) : () -> ()
      %mul3A_15 = arith.constant 8 : i32
      %mul3A_16 = arith.muli %scan3A_12, %mul3A_15 : i32
      "tpu.region"() ({
        %run_scoped3A_134 = tpu.sem_alloc : memref<!tpu.dma_semaphore, #tpu.memory_space<semaphore_mem>>
        %dma_start3A_135 = arith.constant 0 : i32
        %dma_start3A_136 = tpu.memref_slice %arg4[%add3A, %mul3A_16, %dma_start3A_135] : memref<32x80x128xi32, #tpu.memory_space<hbm>> -> memref<1x8x128xi32, #tpu.memory_space<hbm>>
        %dma_start3A_137 = tpu.memref_squeeze %dma_start3A_136 : memref<1x8x128xi32, #tpu.memory_space<hbm>> -> memref<8x128xi32, #tpu.memory_space<hbm>>
        %dma_start3A_138 = arith.constant 0 : i32
        %dma_start3A_139 = tpu.memref_slice %arg4[%add3A, %mul3A_16, %dma_start3A_138] : memref<32x80x128xi32, #tpu.memory_space<hbm>> -> memref<1x8x128xi32, #tpu.memory_space<hbm>>
        %dma_start3A_140 = tpu.memref_squeeze %dma_start3A_139 : memref<1x8x128xi32, #tpu.memory_space<hbm>> -> memref<8x128xi32, #tpu.memory_space<hbm>>
        tpu.enqueue_dma source(%dma_start3A_140 : memref<8x128xi32, #tpu.memory_space<hbm>>) target(%arg8 : memref<8x128xi32, #tpu.memory_space<vmem>>) target_semaphore(%run_scoped3A_134 : memref<!tpu.dma_semaphore, #tpu.memory_space<semaphore_mem>>)
        %dma_wait3A_141 = arith.constant 0 : i32
        %dma_wait3A_142 = tpu.memref_slice %arg4[%add3A, %mul3A_16, %dma_wait3A_141] : memref<32x80x128xi32, #tpu.memory_space<hbm>> -> memref<1x8x128xi32, #tpu.memory_space<hbm>>
        %dma_wait3A_143 = tpu.memref_squeeze %dma_wait3A_142 : memref<1x8x128xi32, #tpu.memory_space<hbm>> -> memref<8x128xi32, #tpu.memory_space<hbm>>
        %dma_wait3A_144 = arith.constant 0 : i32
        %dma_wait3A_145 = tpu.memref_slice %arg4[%add3A, %mul3A_16, %dma_wait3A_144] : memref<32x80x128xi32, #tpu.memory_space<hbm>> -> memref<1x8x128xi32, #tpu.memory_space<hbm>>
        %dma_wait3A_146 = tpu.memref_squeeze %dma_wait3A_145 : memref<1x8x128xi32, #tpu.memory_space<hbm>> -> memref<8x128xi32, #tpu.memory_space<hbm>>
        tpu.wait_dma2 semaphore(%run_scoped3A_134 : memref<!tpu.dma_semaphore, #tpu.memory_space<semaphore_mem>>) src(%dma_wait3A_146 : memref<8x128xi32, #tpu.memory_space<hbm>>) dst(%arg8 : memref<8x128xi32, #tpu.memory_space<vmem>>)
        tpu.yield
      }) : () -> ()
      %dma_start3A = arith.constant 0 : i32
      %dma_start3A_17 = arith.constant 0 : i32
      %dma_start3A_18 = tpu.memref_slice %arg7[%dma_start3A, %dma_start3A_17] : memref<8x128xi32, #tpu.memory_space<vmem>> -> memref<1x128xi32, #tpu.memory_space<vmem>>
      %dma_start3A_19 = tpu.memref_squeeze %dma_start3A_18 : memref<1x128xi32, #tpu.memory_space<vmem>> -> memref<128xi32, #tpu.memory_space<vmem>>
      %dma_start3A_20 = arith.constant 0 : i32
      %dma_start3A_21 = arith.constant 0 : i32
      %dma_start3A_22 = tpu.memref_slice %arg2[%dma_start3A_20, %dma_start3A_21] : memref<10240x128xf32, #tpu.memory_space<hbm>> -> memref<10240x128xf32, #tpu.memory_space<hbm>>
      tpu.enqueue_indirect_dma source(%dma_start3A_22 : memref<10240x128xf32, #tpu.memory_space<hbm>>) target(%arg9 : memref<128x128xf32, #tpu.memory_space<vmem>>) offsets(%dma_start3A_19 : memref<128xi32, #tpu.memory_space<vmem>>) semaphore(%arg11 : memref<!tpu.dma_semaphore, #tpu.memory_space<semaphore_mem>>)
      %dma_start3A_23 = arith.constant 1 : i32
      %dma_start3A_24 = arith.constant 0 : i32
      %dma_start3A_25 = tpu.memref_slice %arg7[%dma_start3A_23, %dma_start3A_24] : memref<8x128xi32, #tpu.memory_space<vmem>> -> memref<1x128xi32, #tpu.memory_space<vmem>>
      %dma_start3A_26 = tpu.memref_squeeze %dma_start3A_25 : memref<1x128xi32, #tpu.memory_space<vmem>> -> memref<128xi32, #tpu.memory_space<vmem>>
      %dma_start3A_27 = arith.constant 0 : i32
      %dma_start3A_28 = arith.constant 0 : i32
      %dma_start3A_29 = tpu.memref_slice %arg2[%dma_start3A_27, %dma_start3A_28] : memref<10240x128xf32, #tpu.memory_space<hbm>> -> memref<10240x128xf32, #tpu.memory_space<hbm>>
      tpu.enqueue_indirect_dma source(%dma_start3A_29 : memref<10240x128xf32, #tpu.memory_space<hbm>>) target(%arg10 : memref<128x128xf32, #tpu.memory_space<vmem>>) offsets(%dma_start3A_26 : memref<128xi32, #tpu.memory_space<vmem>>) semaphore(%arg12 : memref<!tpu.dma_semaphore, #tpu.memory_space<semaphore_mem>>)
      %dma_wait3A = arith.constant 0 : i32
      %dma_wait3A_30 = arith.constant 0 : i32
      %dma_wait3A_31 = tpu.memref_slice %arg7[%dma_wait3A, %dma_wait3A_30] : memref<8x128xi32, #tpu.memory_space<vmem>> -> memref<1x128xi32, #tpu.memory_space<vmem>>
      %dma_wait3A_32 = tpu.memref_squeeze %dma_wait3A_31 : memref<1x128xi32, #tpu.memory_space<vmem>> -> memref<128xi32, #tpu.memory_space<vmem>>
      %dma_wait3A_33 = arith.constant 0 : i32
      %dma_wait3A_34 = arith.constant 0 : i32
      %dma_wait3A_35 = tpu.memref_slice %arg2[%dma_wait3A_33, %dma_wait3A_34] : memref<10240x128xf32, #tpu.memory_space<hbm>> -> memref<10240x128xf32, #tpu.memory_space<hbm>>
      tpu.wait_indirect_dma semaphore(%arg11 : memref<!tpu.dma_semaphore, #tpu.memory_space<semaphore_mem>>) src(%dma_wait3A_35 : memref<10240x128xf32, #tpu.memory_space<hbm>>) dst(%arg9 : memref<128x128xf32, #tpu.memory_space<vmem>>)
      %run_scoped3A = arith.constant 0 : i32
      "tpu.region"() ({
        %run_scoped3A_134 = tpu.sem_alloc : memref<!tpu.dma_semaphore, #tpu.memory_space<semaphore_mem>>
        %dma_start3A_135 = arith.constant 0 : i32
        %dma_start3A_136 = tpu.memref_slice %arg8[%run_scoped3A, %dma_start3A_135] : memref<8x128xi32, #tpu.memory_space<vmem>> -> memref<1x128xi32, #tpu.memory_space<vmem>>
        %dma_start3A_137 = tpu.memref_squeeze %dma_start3A_136 : memref<1x128xi32, #tpu.memory_space<vmem>> -> memref<128xi32, #tpu.memory_space<vmem>>
        %dma_start3A_138 = arith.constant 0 : i32
        %dma_start3A_139 = arith.constant 0 : i32
        %dma_start3A_140 = tpu.memref_slice %arg13[%dma_start3A_138, %dma_start3A_139] : memref<10240x128xf32, #tpu.memory_space<vmem_shared>> -> memref<10240x128xf32, #tpu.memory_space<vmem_shared>>
        tpu.enqueue_indirect_dma source(%arg9 : memref<128x128xf32, #tpu.memory_space<vmem>>) target(%dma_start3A_140 : memref<10240x128xf32, #tpu.memory_space<vmem_shared>>) offsets(%dma_start3A_137 : memref<128xi32, #tpu.memory_space<vmem>>) semaphore(%run_scoped3A_134 : memref<!tpu.dma_semaphore, #tpu.memory_space<semaphore_mem>>) {add = true}
        %dma_wait3A_141 = arith.constant 0 : i32
        %dma_wait3A_142 = tpu.memref_slice %arg8[%run_scoped3A, %dma_wait3A_141] : memref<8x128xi32, #tpu.memory_space<vmem>> -> memref<1x128xi32, #tpu.memory_space<vmem>>
        %dma_wait3A_143 = tpu.memref_squeeze %dma_wait3A_142 : memref<1x128xi32, #tpu.memory_space<vmem>> -> memref<128xi32, #tpu.memory_space<vmem>>
        %dma_wait3A_144 = arith.constant 0 : i32
        %dma_wait3A_145 = arith.constant 0 : i32
        %dma_wait3A_146 = tpu.memref_slice %arg13[%dma_wait3A_144, %dma_wait3A_145] : memref<10240x128xf32, #tpu.memory_space<vmem_shared>> -> memref<10240x128xf32, #tpu.memory_space<vmem_shared>>
        tpu.wait_indirect_dma semaphore(%run_scoped3A_134 : memref<!tpu.dma_semaphore, #tpu.memory_space<semaphore_mem>>) src(%arg9 : memref<128x128xf32, #tpu.memory_space<vmem>>) dst(%dma_wait3A_146 : memref<10240x128xf32, #tpu.memory_space<vmem_shared>>)
        tpu.yield
      }) : () -> ()
      %dma_start3A_36 = arith.constant 2 : i32
      %dma_start3A_37 = arith.constant 0 : i32
      %dma_start3A_38 = tpu.memref_slice %arg7[%dma_start3A_36, %dma_start3A_37] : memref<8x128xi32, #tpu.memory_space<vmem>> -> memref<1x128xi32, #tpu.memory_space<vmem>>
      %dma_start3A_39 = tpu.memref_squeeze %dma_start3A_38 : memref<1x128xi32, #tpu.memory_space<vmem>> -> memref<128xi32, #tpu.memory_space<vmem>>
      %dma_start3A_40 = arith.constant 0 : i32
      %dma_start3A_41 = arith.constant 0 : i32
      %dma_start3A_42 = tpu.memref_slice %arg2[%dma_start3A_40, %dma_start3A_41] : memref<10240x128xf32, #tpu.memory_space<hbm>> -> memref<10240x128xf32, #tpu.memory_space<hbm>>
      tpu.enqueue_indirect_dma source(%dma_start3A_42 : memref<10240x128xf32, #tpu.memory_space<hbm>>) target(%arg9 : memref<128x128xf32, #tpu.memory_space<vmem>>) offsets(%dma_start3A_39 : memref<128xi32, #tpu.memory_space<vmem>>) semaphore(%arg11 : memref<!tpu.dma_semaphore, #tpu.memory_space<semaphore_mem>>)
      %dma_wait3A_43 = arith.constant 1 : i32
      %dma_wait3A_44 = arith.constant 0 : i32
      %dma_wait3A_45 = tpu.memref_slice %arg7[%dma_wait3A_43, %dma_wait3A_44] : memref<8x128xi32, #tpu.memory_space<vmem>> -> memref<1x128xi32, #tpu.memory_space<vmem>>
      %dma_wait3A_46 = tpu.memref_squeeze %dma_wait3A_45 : memref<1x128xi32, #tpu.memory_space<vmem>> -> memref<128xi32, #tpu.memory_space<vmem>>
      %dma_wait3A_47 = arith.constant 0 : i32
      %dma_wait3A_48 = arith.constant 0 : i32
      %dma_wait3A_49 = tpu.memref_slice %arg2[%dma_wait3A_47, %dma_wait3A_48] : memref<10240x128xf32, #tpu.memory_space<hbm>> -> memref<10240x128xf32, #tpu.memory_space<hbm>>
      tpu.wait_indirect_dma semaphore(%arg12 : memref<!tpu.dma_semaphore, #tpu.memory_space<semaphore_mem>>) src(%dma_wait3A_49 : memref<10240x128xf32, #tpu.memory_space<hbm>>) dst(%arg10 : memref<128x128xf32, #tpu.memory_space<vmem>>)
      %run_scoped3A_50 = arith.constant 1 : i32
      "tpu.region"() ({
        %run_scoped3A_134 = tpu.sem_alloc : memref<!tpu.dma_semaphore, #tpu.memory_space<semaphore_mem>>
        %dma_start3A_135 = arith.constant 0 : i32
        %dma_start3A_136 = tpu.memref_slice %arg8[%run_scoped3A_50, %dma_start3A_135] : memref<8x128xi32, #tpu.memory_space<vmem>> -> memref<1x128xi32, #tpu.memory_space<vmem>>
        %dma_start3A_137 = tpu.memref_squeeze %dma_start3A_136 : memref<1x128xi32, #tpu.memory_space<vmem>> -> memref<128xi32, #tpu.memory_space<vmem>>
        %dma_start3A_138 = arith.constant 0 : i32
        %dma_start3A_139 = arith.constant 0 : i32
        %dma_start3A_140 = tpu.memref_slice %arg13[%dma_start3A_138, %dma_start3A_139] : memref<10240x128xf32, #tpu.memory_space<vmem_shared>> -> memref<10240x128xf32, #tpu.memory_space<vmem_shared>>
        tpu.enqueue_indirect_dma source(%arg10 : memref<128x128xf32, #tpu.memory_space<vmem>>) target(%dma_start3A_140 : memref<10240x128xf32, #tpu.memory_space<vmem_shared>>) offsets(%dma_start3A_137 : memref<128xi32, #tpu.memory_space<vmem>>) semaphore(%run_scoped3A_134 : memref<!tpu.dma_semaphore, #tpu.memory_space<semaphore_mem>>) {add = true}
        %dma_wait3A_141 = arith.constant 0 : i32
        %dma_wait3A_142 = tpu.memref_slice %arg8[%run_scoped3A_50, %dma_wait3A_141] : memref<8x128xi32, #tpu.memory_space<vmem>> -> memref<1x128xi32, #tpu.memory_space<vmem>>
        %dma_wait3A_143 = tpu.memref_squeeze %dma_wait3A_142 : memref<1x128xi32, #tpu.memory_space<vmem>> -> memref<128xi32, #tpu.memory_space<vmem>>
        %dma_wait3A_144 = arith.constant 0 : i32
        %dma_wait3A_145 = arith.constant 0 : i32
        %dma_wait3A_146 = tpu.memref_slice %arg13[%dma_wait3A_144, %dma_wait3A_145] : memref<10240x128xf32, #tpu.memory_space<vmem_shared>> -> memref<10240x128xf32, #tpu.memory_space<vmem_shared>>
        tpu.wait_indirect_dma semaphore(%run_scoped3A_134 : memref<!tpu.dma_semaphore, #tpu.memory_space<semaphore_mem>>) src(%arg10 : memref<128x128xf32, #tpu.memory_space<vmem>>) dst(%dma_wait3A_146 : memref<10240x128xf32, #tpu.memory_space<vmem_shared>>)
        tpu.yield
      }) : () -> ()
      %dma_start3A_51 = arith.constant 3 : i32
      %dma_start3A_52 = arith.constant 0 : i32
      %dma_start3A_53 = tpu.memref_slice %arg7[%dma_start3A_51, %dma_start3A_52] : memref<8x128xi32, #tpu.memory_space<vmem>> -> memref<1x128xi32, #tpu.memory_space<vmem>>
      %dma_start3A_54 = tpu.memref_squeeze %dma_start3A_53 : memref<1x128xi32, #tpu.memory_space<vmem>> -> memref<128xi32, #tpu.memory_space<vmem>>
      %dma_start3A_55 = arith.constant 0 : i32
      %dma_start3A_56 = arith.constant 0 : i32
      %dma_start3A_57 = tpu.memref_slice %arg2[%dma_start3A_55, %dma_start3A_56] : memref<10240x128xf32, #tpu.memory_space<hbm>> -> memref<10240x128xf32, #tpu.memory_space<hbm>>
      tpu.enqueue_indirect_dma source(%dma_start3A_57 : memref<10240x128xf32, #tpu.memory_space<hbm>>) target(%arg10 : memref<128x128xf32, #tpu.memory_space<vmem>>) offsets(%dma_start3A_54 : memref<128xi32, #tpu.memory_space<vmem>>) semaphore(%arg12 : memref<!tpu.dma_semaphore, #tpu.memory_space<semaphore_mem>>)
      %dma_wait3A_58 = arith.constant 2 : i32
      %dma_wait3A_59 = arith.constant 0 : i32
      %dma_wait3A_60 = tpu.memref_slice %arg7[%dma_wait3A_58, %dma_wait3A_59] : memref<8x128xi32, #tpu.memory_space<vmem>> -> memref<1x128xi32, #tpu.memory_space<vmem>>
      %dma_wait3A_61 = tpu.memref_squeeze %dma_wait3A_60 : memref<1x128xi32, #tpu.memory_space<vmem>> -> memref<128xi32, #tpu.memory_space<vmem>>
      %dma_wait3A_62 = arith.constant 0 : i32
      %dma_wait3A_63 = arith.constant 0 : i32
      %dma_wait3A_64 = tpu.memref_slice %arg2[%dma_wait3A_62, %dma_wait3A_63] : memref<10240x128xf32, #tpu.memory_space<hbm>> -> memref<10240x128xf32, #tpu.memory_space<hbm>>
      tpu.wait_indirect_dma semaphore(%arg11 : memref<!tpu.dma_semaphore, #tpu.memory_space<semaphore_mem>>) src(%dma_wait3A_64 : memref<10240x128xf32, #tpu.memory_space<hbm>>) dst(%arg9 : memref<128x128xf32, #tpu.memory_space<vmem>>)
      %run_scoped3A_65 = arith.constant 2 : i32
      "tpu.region"() ({
        %run_scoped3A_134 = tpu.sem_alloc : memref<!tpu.dma_semaphore, #tpu.memory_space<semaphore_mem>>
        %dma_start3A_135 = arith.constant 0 : i32
        %dma_start3A_136 = tpu.memref_slice %arg8[%run_scoped3A_65, %dma_start3A_135] : memref<8x128xi32, #tpu.memory_space<vmem>> -> memref<1x128xi32, #tpu.memory_space<vmem>>
        %dma_start3A_137 = tpu.memref_squeeze %dma_start3A_136 : memref<1x128xi32, #tpu.memory_space<vmem>> -> memref<128xi32, #tpu.memory_space<vmem>>
        %dma_start3A_138 = arith.constant 0 : i32
        %dma_start3A_139 = arith.constant 0 : i32
        %dma_start3A_140 = tpu.memref_slice %arg13[%dma_start3A_138, %dma_start3A_139] : memref<10240x128xf32, #tpu.memory_space<vmem_shared>> -> memref<10240x128xf32, #tpu.memory_space<vmem_shared>>
        tpu.enqueue_indirect_dma source(%arg9 : memref<128x128xf32, #tpu.memory_space<vmem>>) target(%dma_start3A_140 : memref<10240x128xf32, #tpu.memory_space<vmem_shared>>) offsets(%dma_start3A_137 : memref<128xi32, #tpu.memory_space<vmem>>) semaphore(%run_scoped3A_134 : memref<!tpu.dma_semaphore, #tpu.memory_space<semaphore_mem>>) {add = true}
        %dma_wait3A_141 = arith.constant 0 : i32
        %dma_wait3A_142 = tpu.memref_slice %arg8[%run_scoped3A_65, %dma_wait3A_141] : memref<8x128xi32, #tpu.memory_space<vmem>> -> memref<1x128xi32, #tpu.memory_space<vmem>>
        %dma_wait3A_143 = tpu.memref_squeeze %dma_wait3A_142 : memref<1x128xi32, #tpu.memory_space<vmem>> -> memref<128xi32, #tpu.memory_space<vmem>>
        %dma_wait3A_144 = arith.constant 0 : i32
        %dma_wait3A_145 = arith.constant 0 : i32
        %dma_wait3A_146 = tpu.memref_slice %arg13[%dma_wait3A_144, %dma_wait3A_145] : memref<10240x128xf32, #tpu.memory_space<vmem_shared>> -> memref<10240x128xf32, #tpu.memory_space<vmem_shared>>
        tpu.wait_indirect_dma semaphore(%run_scoped3A_134 : memref<!tpu.dma_semaphore, #tpu.memory_space<semaphore_mem>>) src(%arg9 : memref<128x128xf32, #tpu.memory_space<vmem>>) dst(%dma_wait3A_146 : memref<10240x128xf32, #tpu.memory_space<vmem_shared>>)
        tpu.yield
      }) : () -> ()
      %dma_start3A_66 = arith.constant 4 : i32
      %dma_start3A_67 = arith.constant 0 : i32
      %dma_start3A_68 = tpu.memref_slice %arg7[%dma_start3A_66, %dma_start3A_67] : memref<8x128xi32, #tpu.memory_space<vmem>> -> memref<1x128xi32, #tpu.memory_space<vmem>>
      %dma_start3A_69 = tpu.memref_squeeze %dma_start3A_68 : memref<1x128xi32, #tpu.memory_space<vmem>> -> memref<128xi32, #tpu.memory_space<vmem>>
      %dma_start3A_70 = arith.constant 0 : i32
      %dma_start3A_71 = arith.constant 0 : i32
      %dma_start3A_72 = tpu.memref_slice %arg2[%dma_start3A_70, %dma_start3A_71] : memref<10240x128xf32, #tpu.memory_space<hbm>> -> memref<10240x128xf32, #tpu.memory_space<hbm>>
      tpu.enqueue_indirect_dma source(%dma_start3A_72 : memref<10240x128xf32, #tpu.memory_space<hbm>>) target(%arg9 : memref<128x128xf32, #tpu.memory_space<vmem>>) offsets(%dma_start3A_69 : memref<128xi32, #tpu.memory_space<vmem>>) semaphore(%arg11 : memref<!tpu.dma_semaphore, #tpu.memory_space<semaphore_mem>>)
      %dma_wait3A_73 = arith.constant 3 : i32
      %dma_wait3A_74 = arith.constant 0 : i32
      %dma_wait3A_75 = tpu.memref_slice %arg7[%dma_wait3A_73, %dma_wait3A_74] : memref<8x128xi32, #tpu.memory_space<vmem>> -> memref<1x128xi32, #tpu.memory_space<vmem>>
      %dma_wait3A_76 = tpu.memref_squeeze %dma_wait3A_75 : memref<1x128xi32, #tpu.memory_space<vmem>> -> memref<128xi32, #tpu.memory_space<vmem>>
      %dma_wait3A_77 = arith.constant 0 : i32
      %dma_wait3A_78 = arith.constant 0 : i32
      %dma_wait3A_79 = tpu.memref_slice %arg2[%dma_wait3A_77, %dma_wait3A_78] : memref<10240x128xf32, #tpu.memory_space<hbm>> -> memref<10240x128xf32, #tpu.memory_space<hbm>>
      tpu.wait_indirect_dma semaphore(%arg12 : memref<!tpu.dma_semaphore, #tpu.memory_space<semaphore_mem>>) src(%dma_wait3A_79 : memref<10240x128xf32, #tpu.memory_space<hbm>>) dst(%arg10 : memref<128x128xf32, #tpu.memory_space<vmem>>)
      %run_scoped3A_80 = arith.constant 3 : i32
      "tpu.region"() ({
        %run_scoped3A_134 = tpu.sem_alloc : memref<!tpu.dma_semaphore, #tpu.memory_space<semaphore_mem>>
        %dma_start3A_135 = arith.constant 0 : i32
        %dma_start3A_136 = tpu.memref_slice %arg8[%run_scoped3A_80, %dma_start3A_135] : memref<8x128xi32, #tpu.memory_space<vmem>> -> memref<1x128xi32, #tpu.memory_space<vmem>>
        %dma_start3A_137 = tpu.memref_squeeze %dma_start3A_136 : memref<1x128xi32, #tpu.memory_space<vmem>> -> memref<128xi32, #tpu.memory_space<vmem>>
        %dma_start3A_138 = arith.constant 0 : i32
        %dma_start3A_139 = arith.constant 0 : i32
        %dma_start3A_140 = tpu.memref_slice %arg13[%dma_start3A_138, %dma_start3A_139] : memref<10240x128xf32, #tpu.memory_space<vmem_shared>> -> memref<10240x128xf32, #tpu.memory_space<vmem_shared>>
        tpu.enqueue_indirect_dma source(%arg10 : memref<128x128xf32, #tpu.memory_space<vmem>>) target(%dma_start3A_140 : memref<10240x128xf32, #tpu.memory_space<vmem_shared>>) offsets(%dma_start3A_137 : memref<128xi32, #tpu.memory_space<vmem>>) semaphore(%run_scoped3A_134 : memref<!tpu.dma_semaphore, #tpu.memory_space<semaphore_mem>>) {add = true}
        %dma_wait3A_141 = arith.constant 0 : i32
        %dma_wait3A_142 = tpu.memref_slice %arg8[%run_scoped3A_80, %dma_wait3A_141] : memref<8x128xi32, #tpu.memory_space<vmem>> -> memref<1x128xi32, #tpu.memory_space<vmem>>
        %dma_wait3A_143 = tpu.memref_squeeze %dma_wait3A_142 : memref<1x128xi32, #tpu.memory_space<vmem>> -> memref<128xi32, #tpu.memory_space<vmem>>
        %dma_wait3A_144 = arith.constant 0 : i32
        %dma_wait3A_145 = arith.constant 0 : i32
        %dma_wait3A_146 = tpu.memref_slice %arg13[%dma_wait3A_144, %dma_wait3A_145] : memref<10240x128xf32, #tpu.memory_space<vmem_shared>> -> memref<10240x128xf32, #tpu.memory_space<vmem_shared>>
        tpu.wait_indirect_dma semaphore(%run_scoped3A_134 : memref<!tpu.dma_semaphore, #tpu.memory_space<semaphore_mem>>) src(%arg10 : memref<128x128xf32, #tpu.memory_space<vmem>>) dst(%dma_wait3A_146 : memref<10240x128xf32, #tpu.memory_space<vmem_shared>>)
        tpu.yield
      }) : () -> ()
      %dma_start3A_81 = arith.constant 5 : i32
      %dma_start3A_82 = arith.constant 0 : i32
      %dma_start3A_83 = tpu.memref_slice %arg7[%dma_start3A_81, %dma_start3A_82] : memref<8x128xi32, #tpu.memory_space<vmem>> -> memref<1x128xi32, #tpu.memory_space<vmem>>
      %dma_start3A_84 = tpu.memref_squeeze %dma_start3A_83 : memref<1x128xi32, #tpu.memory_space<vmem>> -> memref<128xi32, #tpu.memory_space<vmem>>
      %dma_start3A_85 = arith.constant 0 : i32
      %dma_start3A_86 = arith.constant 0 : i32
      %dma_start3A_87 = tpu.memref_slice %arg2[%dma_start3A_85, %dma_start3A_86] : memref<10240x128xf32, #tpu.memory_space<hbm>> -> memref<10240x128xf32, #tpu.memory_space<hbm>>
      tpu.enqueue_indirect_dma source(%dma_start3A_87 : memref<10240x128xf32, #tpu.memory_space<hbm>>) target(%arg10 : memref<128x128xf32, #tpu.memory_space<vmem>>) offsets(%dma_start3A_84 : memref<128xi32, #tpu.memory_space<vmem>>) semaphore(%arg12 : memref<!tpu.dma_semaphore, #tpu.memory_space<semaphore_mem>>)
      %dma_wait3A_88 = arith.constant 4 : i32
      %dma_wait3A_89 = arith.constant 0 : i32
      %dma_wait3A_90 = tpu.memref_slice %arg7[%dma_wait3A_88, %dma_wait3A_89] : memref<8x128xi32, #tpu.memory_space<vmem>> -> memref<1x128xi32, #tpu.memory_space<vmem>>
      %dma_wait3A_91 = tpu.memref_squeeze %dma_wait3A_90 : memref<1x128xi32, #tpu.memory_space<vmem>> -> memref<128xi32, #tpu.memory_space<vmem>>
      %dma_wait3A_92 = arith.constant 0 : i32
      %dma_wait3A_93 = arith.constant 0 : i32
      %dma_wait3A_94 = tpu.memref_slice %arg2[%dma_wait3A_92, %dma_wait3A_93] : memref<10240x128xf32, #tpu.memory_space<hbm>> -> memref<10240x128xf32, #tpu.memory_space<hbm>>
      tpu.wait_indirect_dma semaphore(%arg11 : memref<!tpu.dma_semaphore, #tpu.memory_space<semaphore_mem>>) src(%dma_wait3A_94 : memref<10240x128xf32, #tpu.memory_space<hbm>>) dst(%arg9 : memref<128x128xf32, #tpu.memory_space<vmem>>)
      %run_scoped3A_95 = arith.constant 4 : i32
      "tpu.region"() ({
        %run_scoped3A_134 = tpu.sem_alloc : memref<!tpu.dma_semaphore, #tpu.memory_space<semaphore_mem>>
        %dma_start3A_135 = arith.constant 0 : i32
        %dma_start3A_136 = tpu.memref_slice %arg8[%run_scoped3A_95, %dma_start3A_135] : memref<8x128xi32, #tpu.memory_space<vmem>> -> memref<1x128xi32, #tpu.memory_space<vmem>>
        %dma_start3A_137 = tpu.memref_squeeze %dma_start3A_136 : memref<1x128xi32, #tpu.memory_space<vmem>> -> memref<128xi32, #tpu.memory_space<vmem>>
        %dma_start3A_138 = arith.constant 0 : i32
        %dma_start3A_139 = arith.constant 0 : i32
        %dma_start3A_140 = tpu.memref_slice %arg13[%dma_start3A_138, %dma_start3A_139] : memref<10240x128xf32, #tpu.memory_space<vmem_shared>> -> memref<10240x128xf32, #tpu.memory_space<vmem_shared>>
        tpu.enqueue_indirect_dma source(%arg9 : memref<128x128xf32, #tpu.memory_space<vmem>>) target(%dma_start3A_140 : memref<10240x128xf32, #tpu.memory_space<vmem_shared>>) offsets(%dma_start3A_137 : memref<128xi32, #tpu.memory_space<vmem>>) semaphore(%run_scoped3A_134 : memref<!tpu.dma_semaphore, #tpu.memory_space<semaphore_mem>>) {add = true}
        %dma_wait3A_141 = arith.constant 0 : i32
        %dma_wait3A_142 = tpu.memref_slice %arg8[%run_scoped3A_95, %dma_wait3A_141] : memref<8x128xi32, #tpu.memory_space<vmem>> -> memref<1x128xi32, #tpu.memory_space<vmem>>
        %dma_wait3A_143 = tpu.memref_squeeze %dma_wait3A_142 : memref<1x128xi32, #tpu.memory_space<vmem>> -> memref<128xi32, #tpu.memory_space<vmem>>
        %dma_wait3A_144 = arith.constant 0 : i32
        %dma_wait3A_145 = arith.constant 0 : i32
        %dma_wait3A_146 = tpu.memref_slice %arg13[%dma_wait3A_144, %dma_wait3A_145] : memref<10240x128xf32, #tpu.memory_space<vmem_shared>> -> memref<10240x128xf32, #tpu.memory_space<vmem_shared>>
        tpu.wait_indirect_dma semaphore(%run_scoped3A_134 : memref<!tpu.dma_semaphore, #tpu.memory_space<semaphore_mem>>) src(%arg9 : memref<128x128xf32, #tpu.memory_space<vmem>>) dst(%dma_wait3A_146 : memref<10240x128xf32, #tpu.memory_space<vmem_shared>>)
        tpu.yield
      }) : () -> ()
      %dma_start3A_96 = arith.constant 6 : i32
      %dma_start3A_97 = arith.constant 0 : i32
      %dma_start3A_98 = tpu.memref_slice %arg7[%dma_start3A_96, %dma_start3A_97] : memref<8x128xi32, #tpu.memory_space<vmem>> -> memref<1x128xi32, #tpu.memory_space<vmem>>
      %dma_start3A_99 = tpu.memref_squeeze %dma_start3A_98 : memref<1x128xi32, #tpu.memory_space<vmem>> -> memref<128xi32, #tpu.memory_space<vmem>>
      %dma_start3A_100 = arith.constant 0 : i32
      %dma_start3A_101 = arith.constant 0 : i32
      %dma_start3A_102 = tpu.memref_slice %arg2[%dma_start3A_100, %dma_start3A_101] : memref<10240x128xf32, #tpu.memory_space<hbm>> -> memref<10240x128xf32, #tpu.memory_space<hbm>>
      tpu.enqueue_indirect_dma source(%dma_start3A_102 : memref<10240x128xf32, #tpu.memory_space<hbm>>) target(%arg9 : memref<128x128xf32, #tpu.memory_space<vmem>>) offsets(%dma_start3A_99 : memref<128xi32, #tpu.memory_space<vmem>>) semaphore(%arg11 : memref<!tpu.dma_semaphore, #tpu.memory_space<semaphore_mem>>)
      %dma_wait3A_103 = arith.constant 5 : i32
      %dma_wait3A_104 = arith.constant 0 : i32
      %dma_wait3A_105 = tpu.memref_slice %arg7[%dma_wait3A_103, %dma_wait3A_104] : memref<8x128xi32, #tpu.memory_space<vmem>> -> memref<1x128xi32, #tpu.memory_space<vmem>>
      %dma_wait3A_106 = tpu.memref_squeeze %dma_wait3A_105 : memref<1x128xi32, #tpu.memory_space<vmem>> -> memref<128xi32, #tpu.memory_space<vmem>>
      %dma_wait3A_107 = arith.constant 0 : i32
      %dma_wait3A_108 = arith.constant 0 : i32
      %dma_wait3A_109 = tpu.memref_slice %arg2[%dma_wait3A_107, %dma_wait3A_108] : memref<10240x128xf32, #tpu.memory_space<hbm>> -> memref<10240x128xf32, #tpu.memory_space<hbm>>
      tpu.wait_indirect_dma semaphore(%arg12 : memref<!tpu.dma_semaphore, #tpu.memory_space<semaphore_mem>>) src(%dma_wait3A_109 : memref<10240x128xf32, #tpu.memory_space<hbm>>) dst(%arg10 : memref<128x128xf32, #tpu.memory_space<vmem>>)
      %run_scoped3A_110 = arith.constant 5 : i32
      "tpu.region"() ({
        %run_scoped3A_134 = tpu.sem_alloc : memref<!tpu.dma_semaphore, #tpu.memory_space<semaphore_mem>>
        %dma_start3A_135 = arith.constant 0 : i32
        %dma_start3A_136 = tpu.memref_slice %arg8[%run_scoped3A_110, %dma_start3A_135] : memref<8x128xi32, #tpu.memory_space<vmem>> -> memref<1x128xi32, #tpu.memory_space<vmem>>
        %dma_start3A_137 = tpu.memref_squeeze %dma_start3A_136 : memref<1x128xi32, #tpu.memory_space<vmem>> -> memref<128xi32, #tpu.memory_space<vmem>>
        %dma_start3A_138 = arith.constant 0 : i32
        %dma_start3A_139 = arith.constant 0 : i32
        %dma_start3A_140 = tpu.memref_slice %arg13[%dma_start3A_138, %dma_start3A_139] : memref<10240x128xf32, #tpu.memory_space<vmem_shared>> -> memref<10240x128xf32, #tpu.memory_space<vmem_shared>>
        tpu.enqueue_indirect_dma source(%arg10 : memref<128x128xf32, #tpu.memory_space<vmem>>) target(%dma_start3A_140 : memref<10240x128xf32, #tpu.memory_space<vmem_shared>>) offsets(%dma_start3A_137 : memref<128xi32, #tpu.memory_space<vmem>>) semaphore(%run_scoped3A_134 : memref<!tpu.dma_semaphore, #tpu.memory_space<semaphore_mem>>) {add = true}
        %dma_wait3A_141 = arith.constant 0 : i32
        %dma_wait3A_142 = tpu.memref_slice %arg8[%run_scoped3A_110, %dma_wait3A_141] : memref<8x128xi32, #tpu.memory_space<vmem>> -> memref<1x128xi32, #tpu.memory_space<vmem>>
        %dma_wait3A_143 = tpu.memref_squeeze %dma_wait3A_142 : memref<1x128xi32, #tpu.memory_space<vmem>> -> memref<128xi32, #tpu.memory_space<vmem>>
        %dma_wait3A_144 = arith.constant 0 : i32
        %dma_wait3A_145 = arith.constant 0 : i32
        %dma_wait3A_146 = tpu.memref_slice %arg13[%dma_wait3A_144, %dma_wait3A_145] : memref<10240x128xf32, #tpu.memory_space<vmem_shared>> -> memref<10240x128xf32, #tpu.memory_space<vmem_shared>>
        tpu.wait_indirect_dma semaphore(%run_scoped3A_134 : memref<!tpu.dma_semaphore, #tpu.memory_space<semaphore_mem>>) src(%arg10 : memref<128x128xf32, #tpu.memory_space<vmem>>) dst(%dma_wait3A_146 : memref<10240x128xf32, #tpu.memory_space<vmem_shared>>)
        tpu.yield
      }) : () -> ()
      %dma_start3A_111 = arith.constant 7 : i32
      %dma_start3A_112 = arith.constant 0 : i32
      %dma_start3A_113 = tpu.memref_slice %arg7[%dma_start3A_111, %dma_start3A_112] : memref<8x128xi32, #tpu.memory_space<vmem>> -> memref<1x128xi32, #tpu.memory_space<vmem>>
      %dma_start3A_114 = tpu.memref_squeeze %dma_start3A_113 : memref<1x128xi32, #tpu.memory_space<vmem>> -> memref<128xi32, #tpu.memory_space<vmem>>
      %dma_start3A_115 = arith.constant 0 : i32
      %dma_start3A_116 = arith.constant 0 : i32
      %dma_start3A_117 = tpu.memref_slice %arg2[%dma_start3A_115, %dma_start3A_116] : memref<10240x128xf32, #tpu.memory_space<hbm>> -> memref<10240x128xf32, #tpu.memory_space<hbm>>
      tpu.enqueue_indirect_dma source(%dma_start3A_117 : memref<10240x128xf32, #tpu.memory_space<hbm>>) target(%arg10 : memref<128x128xf32, #tpu.memory_space<vmem>>) offsets(%dma_start3A_114 : memref<128xi32, #tpu.memory_space<vmem>>) semaphore(%arg12 : memref<!tpu.dma_semaphore, #tpu.memory_space<semaphore_mem>>)
      %dma_wait3A_118 = arith.constant 6 : i32
      %dma_wait3A_119 = arith.constant 0 : i32
      %dma_wait3A_120 = tpu.memref_slice %arg7[%dma_wait3A_118, %dma_wait3A_119] : memref<8x128xi32, #tpu.memory_space<vmem>> -> memref<1x128xi32, #tpu.memory_space<vmem>>
      %dma_wait3A_121 = tpu.memref_squeeze %dma_wait3A_120 : memref<1x128xi32, #tpu.memory_space<vmem>> -> memref<128xi32, #tpu.memory_space<vmem>>
      %dma_wait3A_122 = arith.constant 0 : i32
      %dma_wait3A_123 = arith.constant 0 : i32
      %dma_wait3A_124 = tpu.memref_slice %arg2[%dma_wait3A_122, %dma_wait3A_123] : memref<10240x128xf32, #tpu.memory_space<hbm>> -> memref<10240x128xf32, #tpu.memory_space<hbm>>
      tpu.wait_indirect_dma semaphore(%arg11 : memref<!tpu.dma_semaphore, #tpu.memory_space<semaphore_mem>>) src(%dma_wait3A_124 : memref<10240x128xf32, #tpu.memory_space<hbm>>) dst(%arg9 : memref<128x128xf32, #tpu.memory_space<vmem>>)
      %run_scoped3A_125 = arith.constant 6 : i32
      "tpu.region"() ({
        %run_scoped3A_134 = tpu.sem_alloc : memref<!tpu.dma_semaphore, #tpu.memory_space<semaphore_mem>>
        %dma_start3A_135 = arith.constant 0 : i32
        %dma_start3A_136 = tpu.memref_slice %arg8[%run_scoped3A_125, %dma_start3A_135] : memref<8x128xi32, #tpu.memory_space<vmem>> -> memref<1x128xi32, #tpu.memory_space<vmem>>
        %dma_start3A_137 = tpu.memref_squeeze %dma_start3A_136 : memref<1x128xi32, #tpu.memory_space<vmem>> -> memref<128xi32, #tpu.memory_space<vmem>>
        %dma_start3A_138 = arith.constant 0 : i32
        %dma_start3A_139 = arith.constant 0 : i32
        %dma_start3A_140 = tpu.memref_slice %arg13[%dma_start3A_138, %dma_start3A_139] : memref<10240x128xf32, #tpu.memory_space<vmem_shared>> -> memref<10240x128xf32, #tpu.memory_space<vmem_shared>>
        tpu.enqueue_indirect_dma source(%arg9 : memref<128x128xf32, #tpu.memory_space<vmem>>) target(%dma_start3A_140 : memref<10240x128xf32, #tpu.memory_space<vmem_shared>>) offsets(%dma_start3A_137 : memref<128xi32, #tpu.memory_space<vmem>>) semaphore(%run_scoped3A_134 : memref<!tpu.dma_semaphore, #tpu.memory_space<semaphore_mem>>) {add = true}
        %dma_wait3A_141 = arith.constant 0 : i32
        %dma_wait3A_142 = tpu.memref_slice %arg8[%run_scoped3A_125, %dma_wait3A_141] : memref<8x128xi32, #tpu.memory_space<vmem>> -> memref<1x128xi32, #tpu.memory_space<vmem>>
        %dma_wait3A_143 = tpu.memref_squeeze %dma_wait3A_142 : memref<1x128xi32, #tpu.memory_space<vmem>> -> memref<128xi32, #tpu.memory_space<vmem>>
        %dma_wait3A_144 = arith.constant 0 : i32
        %dma_wait3A_145 = arith.constant 0 : i32
        %dma_wait3A_146 = tpu.memref_slice %arg13[%dma_wait3A_144, %dma_wait3A_145] : memref<10240x128xf32, #tpu.memory_space<vmem_shared>> -> memref<10240x128xf32, #tpu.memory_space<vmem_shared>>
        tpu.wait_indirect_dma semaphore(%run_scoped3A_134 : memref<!tpu.dma_semaphore, #tpu.memory_space<semaphore_mem>>) src(%arg9 : memref<128x128xf32, #tpu.memory_space<vmem>>) dst(%dma_wait3A_146 : memref<10240x128xf32, #tpu.memory_space<vmem_shared>>)
        tpu.yield
      }) : () -> ()
      %dma_wait3A_126 = arith.constant 7 : i32
      %dma_wait3A_127 = arith.constant 0 : i32
      %dma_wait3A_128 = tpu.memref_slice %arg7[%dma_wait3A_126, %dma_wait3A_127] : memref<8x128xi32, #tpu.memory_space<vmem>> -> memref<1x128xi32, #tpu.memory_space<vmem>>
      %dma_wait3A_129 = tpu.memref_squeeze %dma_wait3A_128 : memref<1x128xi32, #tpu.memory_space<vmem>> -> memref<128xi32, #tpu.memory_space<vmem>>
      %dma_wait3A_130 = arith.constant 0 : i32
      %dma_wait3A_131 = arith.constant 0 : i32
      %dma_wait3A_132 = tpu.memref_slice %arg2[%dma_wait3A_130, %dma_wait3A_131] : memref<10240x128xf32, #tpu.memory_space<hbm>> -> memref<10240x128xf32, #tpu.memory_space<hbm>>
      tpu.wait_indirect_dma semaphore(%arg12 : memref<!tpu.dma_semaphore, #tpu.memory_space<semaphore_mem>>) src(%dma_wait3A_132 : memref<10240x128xf32, #tpu.memory_space<hbm>>) dst(%arg10 : memref<128x128xf32, #tpu.memory_space<vmem>>)
      %run_scoped3A_133 = arith.constant 7 : i32
      "tpu.region"() ({
        %run_scoped3A_134 = tpu.sem_alloc : memref<!tpu.dma_semaphore, #tpu.memory_space<semaphore_mem>>
        %dma_start3A_135 = arith.constant 0 : i32
        %dma_start3A_136 = tpu.memref_slice %arg8[%run_scoped3A_133, %dma_start3A_135] : memref<8x128xi32, #tpu.memory_space<vmem>> -> memref<1x128xi32, #tpu.memory_space<vmem>>
        %dma_start3A_137 = tpu.memref_squeeze %dma_start3A_136 : memref<1x128xi32, #tpu.memory_space<vmem>> -> memref<128xi32, #tpu.memory_space<vmem>>
        %dma_start3A_138 = arith.constant 0 : i32
        %dma_start3A_139 = arith.constant 0 : i32
        %dma_start3A_140 = tpu.memref_slice %arg13[%dma_start3A_138, %dma_start3A_139] : memref<10240x128xf32, #tpu.memory_space<vmem_shared>> -> memref<10240x128xf32, #tpu.memory_space<vmem_shared>>
        tpu.enqueue_indirect_dma source(%arg10 : memref<128x128xf32, #tpu.memory_space<vmem>>) target(%dma_start3A_140 : memref<10240x128xf32, #tpu.memory_space<vmem_shared>>) offsets(%dma_start3A_137 : memref<128xi32, #tpu.memory_space<vmem>>) semaphore(%run_scoped3A_134 : memref<!tpu.dma_semaphore, #tpu.memory_space<semaphore_mem>>) {add = true}
        %dma_wait3A_141 = arith.constant 0 : i32
        %dma_wait3A_142 = tpu.memref_slice %arg8[%run_scoped3A_133, %dma_wait3A_141] : memref<8x128xi32, #tpu.memory_space<vmem>> -> memref<1x128xi32, #tpu.memory_space<vmem>>
        %dma_wait3A_143 = tpu.memref_squeeze %dma_wait3A_142 : memref<1x128xi32, #tpu.memory_space<vmem>> -> memref<128xi32, #tpu.memory_space<vmem>>
        %dma_wait3A_144 = arith.constant 0 : i32
        %dma_wait3A_145 = arith.constant 0 : i32
        %dma_wait3A_146 = tpu.memref_slice %arg13[%dma_wait3A_144, %dma_wait3A_145] : memref<10240x128xf32, #tpu.memory_space<vmem_shared>> -> memref<10240x128xf32, #tpu.memory_space<vmem_shared>>
        tpu.wait_indirect_dma semaphore(%run_scoped3A_134 : memref<!tpu.dma_semaphore, #tpu.memory_space<semaphore_mem>>) src(%arg10 : memref<128x128xf32, #tpu.memory_space<vmem>>) dst(%dma_wait3A_146 : memref<10240x128xf32, #tpu.memory_space<vmem_shared>>)
        tpu.yield
      }) : () -> ()
    }
    %scan3A_7 = arith.constant 10 : i32
    %barrier3A_8 = arith.constant 0 : index
    tpu.barrier barrier_id(%barrier3A_8)
    %mul3A_9 = arith.constant 10240 : i32
    %mul3A_10 = arith.muli %arg0, %mul3A_9 : i32
    %add3A_11 = arith.addi %mul3A_10, %mul3A_2 : i32
    "tpu.region"() ({
      %run_scoped3A = tpu.sem_alloc : memref<!tpu.dma_semaphore, #tpu.memory_space<semaphore_mem>>
      %dma_start3A = arith.constant 0 : i32
      %dma_start3A_12 = tpu.memref_slice %arg6[%add3A_11, %dma_start3A] : memref<20480x128xf32, #tpu.memory_space<hbm>> -> memref<640x128xf32, #tpu.memory_space<hbm>>
      %dma_start3A_13 = arith.constant 0 : i32
      %dma_start3A_14 = tpu.memref_slice %arg13[%mul3A_2, %dma_start3A_13] : memref<10240x128xf32, #tpu.memory_space<vmem_shared>> -> memref<640x128xf32, #tpu.memory_space<vmem_shared>>
      tpu.enqueue_dma source(%dma_start3A_14 : memref<640x128xf32, #tpu.memory_space<vmem_shared>>) target(%dma_start3A_12 : memref<640x128xf32, #tpu.memory_space<hbm>>) target_semaphore(%run_scoped3A : memref<!tpu.dma_semaphore, #tpu.memory_space<semaphore_mem>>)
      %dma_wait3A = arith.constant 0 : i32
      %dma_wait3A_15 = tpu.memref_slice %arg6[%add3A_11, %dma_wait3A] : memref<20480x128xf32, #tpu.memory_space<hbm>> -> memref<640x128xf32, #tpu.memory_space<hbm>>
      %dma_wait3A_16 = arith.constant 0 : i32
      %dma_wait3A_17 = tpu.memref_slice %arg13[%mul3A_2, %dma_wait3A_16] : memref<10240x128xf32, #tpu.memory_space<vmem_shared>> -> memref<640x128xf32, #tpu.memory_space<vmem_shared>>
      tpu.wait_dma2 semaphore(%run_scoped3A : memref<!tpu.dma_semaphore, #tpu.memory_space<semaphore_mem>>) src(%dma_wait3A_17 : memref<640x128xf32, #tpu.memory_space<vmem_shared>>) dst(%dma_wait3A_15 : memref<640x128xf32, #tpu.memory_space<hbm>>)
      tpu.yield
    }) : () -> ()
    return
  }
}

module attributes {stable_mosaic.version = 14 : i64} {
  func.func @_tca_body(%arg0: i32, %arg1: memref<512x128xf32, #tpu.memory_space<vmem>>, %arg2: memref<128x128xf32, #tpu.memory_space<vmem>>, %arg3: memref<1x128xf32, #tpu.memory_space<vmem>>, %arg4: memref<128x128xf32, #tpu.memory_space<vmem>>, %arg5: memref<512x128xf32, #tpu.memory_space<vmem>>) attributes {dimension_semantics = [#tpu.dimension_semantics<arbitrary>], iteration_bounds = array<i64: 20>, scalar_prefetch = 0 : i64, scratch_operands = 0 : i64, tpu.core_type = #tpu.core_type<tc>, window_params = [{transform_indices = @transform_0, window_bounds = array<i64: 512, 128>}, {pipeline_mode = #tpu.pipeline_mode<synchronous>, transform_indices = @transform_1, window_bounds = array<i64: 128, 128>}, {pipeline_mode = #tpu.pipeline_mode<synchronous>, transform_indices = @transform_2, window_bounds = array<i64: 1, 128>}, {pipeline_mode = #tpu.pipeline_mode<synchronous>, transform_indices = @transform_3, window_bounds = array<i64: 128, 128>}, {transform_indices = @transform_4, window_bounds = array<i64: 512, 128>}]} {
    %get3A = arith.constant 0 : index
    %get3A_0 = arith.constant 0 : index
    %get3A_1 = vector.load %arg1[%get3A, %get3A_0] : memref<512x128xf32, #tpu.memory_space<vmem>>, vector<512x128xf32>
    %get3A_2 = arith.constant 0 : index
    %get3A_3 = arith.constant 0 : index
    %get3A_4 = vector.load %arg2[%get3A_2, %get3A_3] : memref<128x128xf32, #tpu.memory_space<vmem>>, vector<128x128xf32>
    %dot_general3A = arith.constant dense<0.000000e+00> : vector<512x128xf32>
    %dot_general3A_5 = tpu.matmul %get3A_1, %get3A_4, %dot_general3A {dimension_numbers = #tpu.dot_dimension_numbers<[1], [0], [0], [1], [0, 0, 1, 1], [], []>, transpose_lhs_hint = false} : vector<512x128xf32>, vector<128x128xf32>, vector<512x128xf32> -> vector<512x128xf32>
    %get3A_6 = arith.constant 0 : index
    %get3A_7 = arith.constant 0 : index
    %get3A_8 = vector.load %arg3[%get3A_6, %get3A_7] : memref<1x128xf32, #tpu.memory_space<vmem>>, vector<1x128xf32>
    %add3A = vector.broadcast %get3A_8 : vector<1x128xf32> to vector<512x128xf32>
    %add3A_9 = arith.addf %dot_general3A_5, %add3A : vector<512x128xf32>
    %max3A = arith.constant 0.000000e+00 : f32
    %max3A_10 = vector.broadcast %max3A : f32 to vector<512x128xf32>
    %max3A_11 = arith.maximumf %add3A_9, %max3A_10 : vector<512x128xf32>
    %get3A_12 = arith.constant 0 : index
    %get3A_13 = arith.constant 0 : index
    %get3A_14 = vector.load %arg4[%get3A_12, %get3A_13] : memref<128x128xf32, #tpu.memory_space<vmem>>, vector<128x128xf32>
    %dot_general3A_15 = arith.constant dense<0.000000e+00> : vector<512x128xf32>
    %dot_general3A_16 = tpu.matmul %max3A_11, %get3A_14, %dot_general3A_15 {dimension_numbers = #tpu.dot_dimension_numbers<[1], [0], [0], [1], [0, 0, 1, 1], [], []>, transpose_lhs_hint = false} : vector<512x128xf32>, vector<128x128xf32>, vector<512x128xf32> -> vector<512x128xf32>
    %mul3A = arith.constant 512 : i32
    %mul3A_17 = arith.muli %arg0, %mul3A : i32
    %iota3A = tpu.iota {dimensions = array<i32: 0>} : vector<512x1xi32>
    %add3A_18 = vector.broadcast %mul3A_17 : i32 to vector<512x1xi32>
    %add3A_19 = arith.addi %add3A_18, %iota3A : vector<512x1xi32>
    %lt3A = arith.constant 10000 : i32
    %lt3A_20 = vector.broadcast %lt3A : i32 to vector<512x1xi32>
    %lt3A_21 = arith.cmpi slt, %add3A_19, %lt3A_20 : vector<512x1xi32>
    %jit3A = arith.constant 0.000000e+00 : f32
    %broadcast_in_dim3A = vector.shape_cast %lt3A_21 : vector<512x1xi1> to vector<512x1xi1>
    %broadcast_in_dim3A_22 = vector.broadcast %broadcast_in_dim3A : vector<512x1xi1> to vector<512x128xi1>
    %broadcast_in_dim3A_23 = vector.broadcast %jit3A : f32 to vector<512x128xf32>
    %select_n3A = arith.select %broadcast_in_dim3A_22, %dot_general3A_16, %broadcast_in_dim3A_23 : vector<512x128xi1>, vector<512x128xf32>
    %swap3A = arith.constant 0 : index
    %swap3A_24 = arith.constant 0 : index
    %swap3A_25 = vector.load %arg5[%swap3A, %swap3A_24] : memref<512x128xf32, #tpu.memory_space<vmem>>, vector<512x128xf32>
    tpu.vector_store %arg5[%swap3A, %swap3A_24], %select_n3A {strides = array<i32>} : memref<512x128xf32, #tpu.memory_space<vmem>>, vector<512x128xf32>,
    return
  }
  func.func @transform_0(%arg0: i32) -> (i32, i32) {
    %c0_i32 = arith.constant 0 : i32
    %c0_i32_0 = arith.constant 0 : i32
    return %arg0, %c0_i32 : i32, i32
  }
  func.func @transform_1(%arg0: i32) -> (i32, i32) {
    %c0_i32 = arith.constant 0 : i32
    %c0_i32_0 = arith.constant 0 : i32
    %c0_i32_1 = arith.constant 0 : i32
    return %c0_i32, %c0_i32_0 : i32, i32
  }
  func.func @transform_2(%arg0: i32) -> (i32, i32) {
    %c0_i32 = arith.constant 0 : i32
    %c0_i32_0 = arith.constant 0 : i32
    %c0_i32_1 = arith.constant 0 : i32
    return %c0_i32, %c0_i32_0 : i32, i32
  }
  func.func @transform_3(%arg0: i32) -> (i32, i32) {
    %c0_i32 = arith.constant 0 : i32
    %c0_i32_0 = arith.constant 0 : i32
    %c0_i32_1 = arith.constant 0 : i32
    return %c0_i32, %c0_i32_0 : i32, i32
  }
  func.func @transform_4(%arg0: i32) -> (i32, i32) {
    %c0_i32 = arith.constant 0 : i32
    %c0_i32_0 = arith.constant 0 : i32
    return %arg0, %c0_i32 : i32, i32
  }
}

module attributes {stable_mosaic.version = 14 : i64} {
  func.func @_hist_body(%arg0: i32, %arg1: memref<1x1x2048xi32, #tpu.memory_space<vmem>>, %arg2: memref<1x2048x1xi32, #tpu.memory_space<vmem>>, %arg3: memref<1x1x2048xi32, #tpu.memory_space<vmem>>, %arg4: memref<1x2048x1xi32, #tpu.memory_space<vmem>>, %arg5: memref<80x128xf32, #tpu.memory_space<vmem>>, %arg6: memref<80x128xf32, #tpu.memory_space<vmem>>) attributes {dimension_semantics = [#tpu.dimension_semantics<arbitrary>], iteration_bounds = array<i64: 160>, scalar_prefetch = 0 : i64, scratch_operands = 0 : i64, tpu.core_type = #tpu.core_type<tc>, window_params = [{transform_indices = @transform_0, window_bounds = array<i64: 1, 1, 2048>}, {transform_indices = @transform_1, window_bounds = array<i64: 1, 2048, 1>}, {transform_indices = @transform_2, window_bounds = array<i64: 1, 1, 2048>}, {transform_indices = @transform_3, window_bounds = array<i64: 1, 2048, 1>}, {pipeline_mode = #tpu.pipeline_mode<synchronous>, transform_indices = @transform_4, window_bounds = array<i64: 80, 128>}, {pipeline_mode = #tpu.pipeline_mode<synchronous>, transform_indices = @transform_5, window_bounds = array<i64: 80, 128>}]} {
    %eq3A = arith.constant 0 : i32
    %eq3A_0 = arith.cmpi eq, %arg0, %eq3A : i32
    %convert_element_type3A = arith.extui %eq3A_0 : i1 to i32
    %cond3A = arith.constant 0 : i32
    %cond3A_1 = arith.cmpi ne, %convert_element_type3A, %cond3A : i32
    scf.if %cond3A_1 {
      %broadcast_in_dim3A = arith.constant 0.000000e+00 : f32
      %broadcast_in_dim3A_160 = vector.broadcast %broadcast_in_dim3A : f32 to vector<80x128xf32>
      %swap3A_161 = arith.constant 0 : index
      %swap3A_162 = arith.constant 0 : index
      %swap3A_163 = vector.load %arg5[%swap3A_161, %swap3A_162] : memref<80x128xf32, #tpu.memory_space<vmem>>, vector<80x128xf32>
      tpu.vector_store %arg5[%swap3A_161, %swap3A_162], %broadcast_in_dim3A_160 {strides = array<i32>} : memref<80x128xf32, #tpu.memory_space<vmem>>, vector<80x128xf32>,
      %broadcast_in_dim3A_164 = arith.constant 0.000000e+00 : f32
      %broadcast_in_dim3A_165 = vector.broadcast %broadcast_in_dim3A_164 : f32 to vector<80x128xf32>
      %swap3A_166 = arith.constant 0 : index
      %swap3A_167 = arith.constant 0 : index
      %swap3A_168 = vector.load %arg6[%swap3A_166, %swap3A_167] : memref<80x128xf32, #tpu.memory_space<vmem>>, vector<80x128xf32>
      tpu.vector_store %arg6[%swap3A_166, %swap3A_167], %broadcast_in_dim3A_165 {strides = array<i32>} : memref<80x128xf32, #tpu.memory_space<vmem>>, vector<80x128xf32>,
    } else {
    }
    %get3A = arith.constant 0 : index
    %get3A_2 = arith.constant 0 : index
    %get3A_3 = arith.constant 0 : index
    %get3A_4 = vector.load %arg1[%get3A, %get3A_2, %get3A_3] : memref<1x1x2048xi32, #tpu.memory_space<vmem>>, vector<1x1x2048xi32>
    %get3A_5 = vector.shape_cast %get3A_4 : vector<1x1x2048xi32> to vector<1x2048xi32>
    %get3A_6 = arith.constant 0 : index
    %get3A_7 = arith.constant 0 : index
    %get3A_8 = arith.constant 0 : index
    %get3A_9 = vector.load %arg2[%get3A_6, %get3A_7, %get3A_8] : memref<1x2048x1xi32, #tpu.memory_space<vmem>>, vector<1x2048x1xi32>
    %get3A_10 = vector.shape_cast %get3A_9 : vector<1x2048x1xi32> to vector<2048x1xi32>
    %iota3A = tpu.iota {dimensions = array<i32: 0>} : vector<80x1xi32>
    %jit3A = arith.constant 128 : i32
    %div3A = vector.broadcast %jit3A : i32 to vector<1x2048xi32>
    %div3A_11 = arith.divsi %get3A_5, %div3A : vector<1x2048xi32>
    %sign3A = arith.constant 0 : i32
    %sign3A_12 = vector.broadcast %sign3A : i32 to vector<1x2048xi32>
    %sign3A_13 = arith.cmpi sgt, %get3A_5, %sign3A_12 : vector<1x2048xi32>
    %sign3A_14 = arith.extui %sign3A_13 : vector<1x2048xi1> to vector<1x2048xi32>
    %sign3A_15 = arith.constant 0 : i32
    %sign3A_16 = vector.broadcast %sign3A_15 : i32 to vector<1x2048xi32>
    %sign3A_17 = arith.cmpi slt, %get3A_5, %sign3A_16 : vector<1x2048xi32>
    %sign3A_18 = arith.extui %sign3A_17 : vector<1x2048xi1> to vector<1x2048xi32>
    %sign3A_19 = arith.subi %sign3A_14, %sign3A_18 : vector<1x2048xi32>
    %sign3A_20 = arith.constant 0 : i32
    %sign3A_21 = arith.cmpi sgt, %jit3A, %sign3A_20 : i32
    %sign3A_22 = arith.extui %sign3A_21 : i1 to i32
    %sign3A_23 = arith.constant 0 : i32
    %sign3A_24 = arith.cmpi slt, %jit3A, %sign3A_23 : i32
    %sign3A_25 = arith.extui %sign3A_24 : i1 to i32
    %sign3A_26 = arith.subi %sign3A_22, %sign3A_25 : i32
    %ne3A = vector.broadcast %sign3A_26 : i32 to vector<1x2048xi32>
    %ne3A_27 = arith.cmpi ne, %sign3A_19, %ne3A : vector<1x2048xi32>
    %rem3A = vector.broadcast %jit3A : i32 to vector<1x2048xi32>
    %rem3A_28 = arith.remsi %get3A_5, %rem3A : vector<1x2048xi32>
    %ne3A_29 = arith.constant 0 : i32
    %ne3A_30 = vector.broadcast %ne3A_29 : i32 to vector<1x2048xi32>
    %ne3A_31 = arith.cmpi ne, %rem3A_28, %ne3A_30 : vector<1x2048xi32>
    %and3A = arith.andi %ne3A_27, %ne3A_31 : vector<1x2048xi1>
    %sub3A = arith.constant 1 : i32
    %sub3A_32 = vector.broadcast %sub3A : i32 to vector<1x2048xi32>
    %sub3A_33 = arith.subi %div3A_11, %sub3A_32 : vector<1x2048xi32>
    %select_n3A = arith.select %and3A, %sub3A_33, %div3A_11 : vector<1x2048xi1>, vector<1x2048xi32>
    %eq3A_34 = vector.broadcast %iota3A : vector<80x1xi32> to vector<80x2048xi32>
    %eq3A_35 = vector.broadcast %select_n3A : vector<1x2048xi32> to vector<80x2048xi32>
    %eq3A_36 = arith.cmpi eq, %eq3A_34, %eq3A_35 : vector<80x2048xi32>
    %jit3A_37 = arith.constant 128 : i32
    %eq3A_38 = arith.constant 0 : i32
    %eq3A_39 = arith.cmpi eq, %jit3A_37, %eq3A_38 : i32
    %jit3A_40 = arith.constant 1 : i32
    %select_n3A_41 = arith.select %eq3A_39, %jit3A_40, %jit3A_37 : i32
    %rem3A_42 = vector.broadcast %select_n3A_41 : i32 to vector<2048x1xi32>
    %rem3A_43 = arith.remsi %get3A_10, %rem3A_42 : vector<2048x1xi32>
    %ne3A_44 = arith.constant 0 : i32
    %ne3A_45 = vector.broadcast %ne3A_44 : i32 to vector<2048x1xi32>
    %ne3A_46 = arith.cmpi ne, %rem3A_43, %ne3A_45 : vector<2048x1xi32>
    %lt3A = arith.constant 0 : i32
    %lt3A_47 = vector.broadcast %lt3A : i32 to vector<2048x1xi32>
    %lt3A_48 = arith.cmpi slt, %rem3A_43, %lt3A_47 : vector<2048x1xi32>
    %lt3A_49 = arith.constant 0 : i32
    %lt3A_50 = arith.cmpi slt, %select_n3A_41, %lt3A_49 : i32
    %ne3A_51 = vector.broadcast %lt3A_50 : i1 to vector<2048x1xi1>
    %ne3A_52 = vector.broadcast %ne3A_51 : vector<2048x1xi1> to vector<2048x1xi1>
    %ne3A_53 = arith.xori %lt3A_48, %ne3A_52 : vector<2048x1xi1>
    %and3A_54 = arith.andi %ne3A_53, %ne3A_46 : vector<2048x1xi1>
    %add3A = vector.broadcast %select_n3A_41 : i32 to vector<2048x1xi32>
    %add3A_55 = arith.addi %rem3A_43, %add3A : vector<2048x1xi32>
    %select_n3A_56 = arith.select %and3A_54, %add3A_55, %rem3A_43 : vector<2048x1xi1>, vector<2048x1xi32>
    %iota3A_57 = tpu.iota {dimensions = array<i32: 1>} : vector<1x128xi32>
    %eq3A_58 = vector.broadcast %select_n3A_56 : vector<2048x1xi32> to vector<2048x128xi32>
    %eq3A_59 = vector.broadcast %iota3A_57 : vector<1x128xi32> to vector<2048x128xi32>
    %eq3A_60 = arith.cmpi eq, %eq3A_58, %eq3A_59 : vector<2048x128xi32>
    %get3A_61 = arith.constant 0 : index
    %get3A_62 = arith.constant 0 : index
    %get3A_63 = vector.load %arg5[%get3A_61, %get3A_62] : memref<80x128xf32, #tpu.memory_space<vmem>>, vector<80x128xf32>
    %convert_element_type3A_64 = arith.extui %eq3A_36 : vector<80x2048xi1> to vector<80x2048xi32>
    %convert_element_type3A_65 = arith.sitofp %convert_element_type3A_64 : vector<80x2048xi32> to vector<80x2048xf32>
    %convert_element_type3A_66 = arith.truncf %convert_element_type3A_65 : vector<80x2048xf32> to vector<80x2048xbf16>
    %convert_element_type3A_67 = arith.extui %eq3A_60 : vector<2048x128xi1> to vector<2048x128xi32>
    %convert_element_type3A_68 = arith.sitofp %convert_element_type3A_67 : vector<2048x128xi32> to vector<2048x128xf32>
    %convert_element_type3A_69 = arith.truncf %convert_element_type3A_68 : vector<2048x128xf32> to vector<2048x128xbf16>
    %dot_general3A = arith.constant dense<0.000000e+00> : vector<80x128xf32>
    %dot_general3A_70 = tpu.matmul %convert_element_type3A_66, %convert_element_type3A_69, %dot_general3A {dimension_numbers = #tpu.dot_dimension_numbers<[1], [0], [0], [1], [0, 0, 1, 1], [], []>, transpose_lhs_hint = false} : vector<80x2048xbf16>, vector<2048x128xbf16>, vector<80x128xf32> -> vector<80x128xf32>
    %add3A_71 = arith.addf %get3A_63, %dot_general3A_70 : vector<80x128xf32>
    %swap3A = arith.constant 0 : index
    %swap3A_72 = arith.constant 0 : index
    %swap3A_73 = vector.load %arg5[%swap3A, %swap3A_72] : memref<80x128xf32, #tpu.memory_space<vmem>>, vector<80x128xf32>
    tpu.vector_store %arg5[%swap3A, %swap3A_72], %add3A_71 {strides = array<i32>} : memref<80x128xf32, #tpu.memory_space<vmem>>, vector<80x128xf32>,
    %get3A_74 = arith.constant 0 : index
    %get3A_75 = arith.constant 0 : index
    %get3A_76 = arith.constant 0 : index
    %get3A_77 = vector.load %arg3[%get3A_74, %get3A_75, %get3A_76] : memref<1x1x2048xi32, #tpu.memory_space<vmem>>, vector<1x1x2048xi32>
    %get3A_78 = vector.shape_cast %get3A_77 : vector<1x1x2048xi32> to vector<1x2048xi32>
    %get3A_79 = arith.constant 0 : index
    %get3A_80 = arith.constant 0 : index
    %get3A_81 = arith.constant 0 : index
    %get3A_82 = vector.load %arg4[%get3A_79, %get3A_80, %get3A_81] : memref<1x2048x1xi32, #tpu.memory_space<vmem>>, vector<1x2048x1xi32>
    %get3A_83 = vector.shape_cast %get3A_82 : vector<1x2048x1xi32> to vector<2048x1xi32>
    %iota3A_84 = tpu.iota {dimensions = array<i32: 0>} : vector<80x1xi32>
    %jit3A_85 = arith.constant 128 : i32
    %div3A_86 = vector.broadcast %jit3A_85 : i32 to vector<1x2048xi32>
    %div3A_87 = arith.divsi %get3A_78, %div3A_86 : vector<1x2048xi32>
    %sign3A_88 = arith.constant 0 : i32
    %sign3A_89 = vector.broadcast %sign3A_88 : i32 to vector<1x2048xi32>
    %sign3A_90 = arith.cmpi sgt, %get3A_78, %sign3A_89 : vector<1x2048xi32>
    %sign3A_91 = arith.extui %sign3A_90 : vector<1x2048xi1> to vector<1x2048xi32>
    %sign3A_92 = arith.constant 0 : i32
    %sign3A_93 = vector.broadcast %sign3A_92 : i32 to vector<1x2048xi32>
    %sign3A_94 = arith.cmpi slt, %get3A_78, %sign3A_93 : vector<1x2048xi32>
    %sign3A_95 = arith.extui %sign3A_94 : vector<1x2048xi1> to vector<1x2048xi32>
    %sign3A_96 = arith.subi %sign3A_91, %sign3A_95 : vector<1x2048xi32>
    %sign3A_97 = arith.constant 0 : i32
    %sign3A_98 = arith.cmpi sgt, %jit3A_85, %sign3A_97 : i32
    %sign3A_99 = arith.extui %sign3A_98 : i1 to i32
    %sign3A_100 = arith.constant 0 : i32
    %sign3A_101 = arith.cmpi slt, %jit3A_85, %sign3A_100 : i32
    %sign3A_102 = arith.extui %sign3A_101 : i1 to i32
    %sign3A_103 = arith.subi %sign3A_99, %sign3A_102 : i32
    %ne3A_104 = vector.broadcast %sign3A_103 : i32 to vector<1x2048xi32>
    %ne3A_105 = arith.cmpi ne, %sign3A_96, %ne3A_104 : vector<1x2048xi32>
    %rem3A_106 = vector.broadcast %jit3A_85 : i32 to vector<1x2048xi32>
    %rem3A_107 = arith.remsi %get3A_78, %rem3A_106 : vector<1x2048xi32>
    %ne3A_108 = arith.constant 0 : i32
    %ne3A_109 = vector.broadcast %ne3A_108 : i32 to vector<1x2048xi32>
    %ne3A_110 = arith.cmpi ne, %rem3A_107, %ne3A_109 : vector<1x2048xi32>
    %and3A_111 = arith.andi %ne3A_105, %ne3A_110 : vector<1x2048xi1>
    %sub3A_112 = arith.constant 1 : i32
    %sub3A_113 = vector.broadcast %sub3A_112 : i32 to vector<1x2048xi32>
    %sub3A_114 = arith.subi %div3A_87, %sub3A_113 : vector<1x2048xi32>
    %select_n3A_115 = arith.select %and3A_111, %sub3A_114, %div3A_87 : vector<1x2048xi1>, vector<1x2048xi32>
    %eq3A_116 = vector.broadcast %iota3A_84 : vector<80x1xi32> to vector<80x2048xi32>
    %eq3A_117 = vector.broadcast %select_n3A_115 : vector<1x2048xi32> to vector<80x2048xi32>
    %eq3A_118 = arith.cmpi eq, %eq3A_116, %eq3A_117 : vector<80x2048xi32>
    %jit3A_119 = arith.constant 128 : i32
    %eq3A_120 = arith.constant 0 : i32
    %eq3A_121 = arith.cmpi eq, %jit3A_119, %eq3A_120 : i32
    %jit3A_122 = arith.constant 1 : i32
    %select_n3A_123 = arith.select %eq3A_121, %jit3A_122, %jit3A_119 : i32
    %rem3A_124 = vector.broadcast %select_n3A_123 : i32 to vector<2048x1xi32>
    %rem3A_125 = arith.remsi %get3A_83, %rem3A_124 : vector<2048x1xi32>
    %ne3A_126 = arith.constant 0 : i32
    %ne3A_127 = vector.broadcast %ne3A_126 : i32 to vector<2048x1xi32>
    %ne3A_128 = arith.cmpi ne, %rem3A_125, %ne3A_127 : vector<2048x1xi32>
    %lt3A_129 = arith.constant 0 : i32
    %lt3A_130 = vector.broadcast %lt3A_129 : i32 to vector<2048x1xi32>
    %lt3A_131 = arith.cmpi slt, %rem3A_125, %lt3A_130 : vector<2048x1xi32>
    %lt3A_132 = arith.constant 0 : i32
    %lt3A_133 = arith.cmpi slt, %select_n3A_123, %lt3A_132 : i32
    %ne3A_134 = vector.broadcast %lt3A_133 : i1 to vector<2048x1xi1>
    %ne3A_135 = vector.broadcast %ne3A_134 : vector<2048x1xi1> to vector<2048x1xi1>
    %ne3A_136 = arith.xori %lt3A_131, %ne3A_135 : vector<2048x1xi1>
    %and3A_137 = arith.andi %ne3A_136, %ne3A_128 : vector<2048x1xi1>
    %add3A_138 = vector.broadcast %select_n3A_123 : i32 to vector<2048x1xi32>
    %add3A_139 = arith.addi %rem3A_125, %add3A_138 : vector<2048x1xi32>
    %select_n3A_140 = arith.select %and3A_137, %add3A_139, %rem3A_125 : vector<2048x1xi1>, vector<2048x1xi32>
    %iota3A_141 = tpu.iota {dimensions = array<i32: 1>} : vector<1x128xi32>
    %eq3A_142 = vector.broadcast %select_n3A_140 : vector<2048x1xi32> to vector<2048x128xi32>
    %eq3A_143 = vector.broadcast %iota3A_141 : vector<1x128xi32> to vector<2048x128xi32>
    %eq3A_144 = arith.cmpi eq, %eq3A_142, %eq3A_143 : vector<2048x128xi32>
    %get3A_145 = arith.constant 0 : index
    %get3A_146 = arith.constant 0 : index
    %get3A_147 = vector.load %arg6[%get3A_145, %get3A_146] : memref<80x128xf32, #tpu.memory_space<vmem>>, vector<80x128xf32>
    %convert_element_type3A_148 = arith.extui %eq3A_118 : vector<80x2048xi1> to vector<80x2048xi32>
    %convert_element_type3A_149 = arith.sitofp %convert_element_type3A_148 : vector<80x2048xi32> to vector<80x2048xf32>
    %convert_element_type3A_150 = arith.truncf %convert_element_type3A_149 : vector<80x2048xf32> to vector<80x2048xbf16>
    %convert_element_type3A_151 = arith.extui %eq3A_144 : vector<2048x128xi1> to vector<2048x128xi32>
    %convert_element_type3A_152 = arith.sitofp %convert_element_type3A_151 : vector<2048x128xi32> to vector<2048x128xf32>
    %convert_element_type3A_153 = arith.truncf %convert_element_type3A_152 : vector<2048x128xf32> to vector<2048x128xbf16>
    %dot_general3A_154 = arith.constant dense<0.000000e+00> : vector<80x128xf32>
    %dot_general3A_155 = tpu.matmul %convert_element_type3A_150, %convert_element_type3A_153, %dot_general3A_154 {dimension_numbers = #tpu.dot_dimension_numbers<[1], [0], [0], [1], [0, 0, 1, 1], [], []>, transpose_lhs_hint = false} : vector<80x2048xbf16>, vector<2048x128xbf16>, vector<80x128xf32> -> vector<80x128xf32>
    %add3A_156 = arith.addf %get3A_147, %dot_general3A_155 : vector<80x128xf32>
    %swap3A_157 = arith.constant 0 : index
    %swap3A_158 = arith.constant 0 : index
    %swap3A_159 = vector.load %arg6[%swap3A_157, %swap3A_158] : memref<80x128xf32, #tpu.memory_space<vmem>>, vector<80x128xf32>
    tpu.vector_store %arg6[%swap3A_157, %swap3A_158], %add3A_156 {strides = array<i32>} : memref<80x128xf32, #tpu.memory_space<vmem>>, vector<80x128xf32>,
    return
  }
  func.func @transform_0(%arg0: i32) -> (i32, i32, i32) {
    %c0_i32 = arith.constant 0 : i32
    %c0_i32_0 = arith.constant 0 : i32
    %c0_i32_1 = arith.constant 0 : i32
    return %arg0, %c0_i32, %c0_i32_0 : i32, i32, i32
  }
  func.func @transform_1(%arg0: i32) -> (i32, i32, i32) {
    %c0_i32 = arith.constant 0 : i32
    %c0_i32_0 = arith.constant 0 : i32
    %c0_i32_1 = arith.constant 0 : i32
    return %arg0, %c0_i32, %c0_i32_0 : i32, i32, i32
  }
  func.func @transform_2(%arg0: i32) -> (i32, i32, i32) {
    %c0_i32 = arith.constant 0 : i32
    %c0_i32_0 = arith.constant 0 : i32
    %c0_i32_1 = arith.constant 0 : i32
    return %arg0, %c0_i32, %c0_i32_0 : i32, i32, i32
  }
  func.func @transform_3(%arg0: i32) -> (i32, i32, i32) {
    %c0_i32 = arith.constant 0 : i32
    %c0_i32_0 = arith.constant 0 : i32
    %c0_i32_1 = arith.constant 0 : i32
    return %arg0, %c0_i32, %c0_i32_0 : i32, i32, i32
  }
  func.func @transform_4(%arg0: i32) -> (i32, i32) {
    %c0_i32 = arith.constant 0 : i32
    %c0_i32_0 = arith.constant 0 : i32
    %c0_i32_1 = arith.constant 0 : i32
    return %c0_i32, %c0_i32_0 : i32, i32
  }
  func.func @transform_5(%arg0: i32) -> (i32, i32) {
    %c0_i32 = arith.constant 0 : i32
    %c0_i32_0 = arith.constant 0 : i32
    %c0_i32_1 = arith.constant 0 : i32
    return %c0_i32, %c0_i32_0 : i32, i32
  }
}

module attributes {stable_mosaic.version = 14 : i64} {
  func.func @_comb_edge_body(%arg0: i32, %arg1: memref<2x512x128xf32, #tpu.memory_space<vmem>>, %arg2: memref<512x1xf32, #tpu.memory_space<vmem>>, %arg3: memref<512x128xf32, #tpu.memory_space<vmem>>) attributes {dimension_semantics = [#tpu.dimension_semantics<arbitrary>], iteration_bounds = array<i64: 20>, scalar_prefetch = 0 : i64, scratch_operands = 0 : i64, tpu.core_type = #tpu.core_type<tc>, window_params = [{transform_indices = @transform_0, window_bounds = array<i64: 2, 512, 128>}, {transform_indices = @transform_1, window_bounds = array<i64: 512, 1>}, {transform_indices = @transform_2, window_bounds = array<i64: 512, 128>}]} {
    %get3A = arith.constant 0 : index
    %get3A_0 = arith.constant 0 : index
    %get3A_1 = arith.constant 0 : index
    %get3A_2 = vector.load %arg1[%get3A, %get3A_0, %get3A_1] : memref<2x512x128xf32, #tpu.memory_space<vmem>>, vector<1x512x128xf32>
    %get3A_3 = vector.shape_cast %get3A_2 : vector<1x512x128xf32> to vector<512x128xf32>
    %get3A_4 = arith.constant 1 : index
    %get3A_5 = arith.constant 0 : index
    %get3A_6 = arith.constant 0 : index
    %get3A_7 = vector.load %arg1[%get3A_4, %get3A_5, %get3A_6] : memref<2x512x128xf32, #tpu.memory_space<vmem>>, vector<1x512x128xf32>
    %get3A_8 = vector.shape_cast %get3A_7 : vector<1x512x128xf32> to vector<512x128xf32>
    %add3A = arith.addf %get3A_3, %get3A_8 : vector<512x128xf32>
    %get3A_9 = arith.constant 0 : index
    %get3A_10 = arith.constant 0 : index
    %get3A_11 = vector.load %arg2[%get3A_9, %get3A_10] : memref<512x1xf32, #tpu.memory_space<vmem>>, vector<512x1xf32>
    %gt3A = arith.constant 0.000000e+00 : f32
    %gt3A_12 = vector.broadcast %gt3A : f32 to vector<512x1xf32>
    %gt3A_13 = arith.cmpf ogt, %get3A_11, %gt3A_12 : vector<512x1xf32>
    %div3A = arith.constant 1.000000e+00 : f32
    %div3A_14 = vector.broadcast %div3A : f32 to vector<512x1xf32>
    %div3A_15 = arith.divf %div3A_14, %get3A_11 : vector<512x1xf32>
    %jit3A = arith.constant 0.000000e+00 : f32
    %broadcast_in_dim3A = vector.broadcast %jit3A : f32 to vector<512x1xf32>
    %select_n3A = arith.select %gt3A_13, %div3A_15, %broadcast_in_dim3A : vector<512x1xi1>, vector<512x1xf32>
    %mul3A = vector.broadcast %select_n3A : vector<512x1xf32> to vector<512x128xf32>
    %mul3A_16 = arith.mulf %add3A, %mul3A : vector<512x128xf32>
    %swap3A = arith.constant 0 : index
    %swap3A_17 = arith.constant 0 : index
    %swap3A_18 = vector.load %arg3[%swap3A, %swap3A_17] : memref<512x128xf32, #tpu.memory_space<vmem>>, vector<512x128xf32>
    tpu.vector_store %arg3[%swap3A, %swap3A_17], %mul3A_16 {strides = array<i32>} : memref<512x128xf32, #tpu.memory_space<vmem>>, vector<512x128xf32>,
    return
  }
  func.func @transform_0(%arg0: i32) -> (i32, i32, i32) {
    %c0_i32 = arith.constant 0 : i32
    %c0_i32_0 = arith.constant 0 : i32
    %c0_i32_1 = arith.constant 0 : i32
    return %c0_i32, %arg0, %c0_i32_0 : i32, i32, i32
  }
  func.func @transform_1(%arg0: i32) -> (i32, i32) {
    %c0_i32 = arith.constant 0 : i32
    %c0_i32_0 = arith.constant 0 : i32
    return %arg0, %c0_i32 : i32, i32
  }
  func.func @transform_2(%arg0: i32) -> (i32, i32) {
    %c0_i32 = arith.constant 0 : i32
    %c0_i32_0 = arith.constant 0 : i32
    return %arg0, %c0_i32 : i32, i32
  }
}

module attributes {stable_mosaic.version = 14 : i64} {
  func.func @_cd_body(%arg0: i32, %arg1: memref<2x512x128xf32, #tpu.memory_space<vmem>>, %arg2: memref<512x1xf32, #tpu.memory_space<vmem>>, %arg3: memref<1x128xf32, #tpu.memory_space<vmem>>, %arg4: memref<128x128xf32, #tpu.memory_space<vmem>>, %arg5: memref<512x1xi32, #tpu.memory_space<vmem>>, %arg6: memref<512x128xf32, #tpu.memory_space<vmem>>, %arg7: memref<8x128xf32, #tpu.memory_space<vmem>>) attributes {dimension_semantics = [#tpu.dimension_semantics<arbitrary>], iteration_bounds = array<i64: 20>, scalar_prefetch = 0 : i64, scratch_operands = 0 : i64, tpu.core_type = #tpu.core_type<tc>, window_params = [{transform_indices = @transform_0, window_bounds = array<i64: 2, 512, 128>}, {transform_indices = @transform_1, window_bounds = array<i64: 512, 1>}, {pipeline_mode = #tpu.pipeline_mode<synchronous>, transform_indices = @transform_2, window_bounds = array<i64: 1, 128>}, {pipeline_mode = #tpu.pipeline_mode<synchronous>, transform_indices = @transform_3, window_bounds = array<i64: 128, 128>}, {transform_indices = @transform_4, window_bounds = array<i64: 512, 1>}, {transform_indices = @transform_5, window_bounds = array<i64: 512, 128>}, {pipeline_mode = #tpu.pipeline_mode<synchronous>, transform_indices = @transform_6, window_bounds = array<i64: 8, 128>}]} {
    %get3A = arith.constant 0 : index
    %get3A_0 = arith.constant 0 : index
    %get3A_1 = arith.constant 0 : index
    %get3A_2 = vector.load %arg1[%get3A, %get3A_0, %get3A_1] : memref<2x512x128xf32, #tpu.memory_space<vmem>>, vector<1x512x128xf32>
    %get3A_3 = vector.shape_cast %get3A_2 : vector<1x512x128xf32> to vector<512x128xf32>
    %get3A_4 = arith.constant 1 : index
    %get3A_5 = arith.constant 0 : index
    %get3A_6 = arith.constant 0 : index
    %get3A_7 = vector.load %arg1[%get3A_4, %get3A_5, %get3A_6] : memref<2x512x128xf32, #tpu.memory_space<vmem>>, vector<1x512x128xf32>
    %get3A_8 = vector.shape_cast %get3A_7 : vector<1x512x128xf32> to vector<512x128xf32>
    %add3A = arith.addf %get3A_3, %get3A_8 : vector<512x128xf32>
    %get3A_9 = arith.constant 0 : index
    %get3A_10 = arith.constant 0 : index
    %get3A_11 = vector.load %arg2[%get3A_9, %get3A_10] : memref<512x1xf32, #tpu.memory_space<vmem>>, vector<512x1xf32>
    %gt3A = arith.constant 0.000000e+00 : f32
    %gt3A_12 = vector.broadcast %gt3A : f32 to vector<512x1xf32>
    %gt3A_13 = arith.cmpf ogt, %get3A_11, %gt3A_12 : vector<512x1xf32>
    %div3A = arith.constant 1.000000e+00 : f32
    %div3A_14 = vector.broadcast %div3A : f32 to vector<512x1xf32>
    %div3A_15 = arith.divf %div3A_14, %get3A_11 : vector<512x1xf32>
    %jit3A = arith.constant 0.000000e+00 : f32
    %broadcast_in_dim3A = vector.broadcast %jit3A : f32 to vector<512x1xf32>
    %select_n3A = arith.select %gt3A_13, %div3A_15, %broadcast_in_dim3A : vector<512x1xi1>, vector<512x1xf32>
    %mul3A = vector.broadcast %select_n3A : vector<512x1xf32> to vector<512x128xf32>
    %mul3A_16 = arith.mulf %add3A, %mul3A : vector<512x128xf32>
    %get3A_17 = arith.constant 0 : index
    %get3A_18 = arith.constant 0 : index
    %get3A_19 = vector.load %arg3[%get3A_17, %get3A_18] : memref<1x128xf32, #tpu.memory_space<vmem>>, vector<1x128xf32>
    %add3A_20 = vector.broadcast %get3A_19 : vector<1x128xf32> to vector<512x128xf32>
    %add3A_21 = arith.addf %mul3A_16, %add3A_20 : vector<512x128xf32>
    %max3A = arith.constant 0.000000e+00 : f32
    %max3A_22 = vector.broadcast %max3A : f32 to vector<512x128xf32>
    %max3A_23 = arith.maximumf %add3A_21, %max3A_22 : vector<512x128xf32>
    %mul3A_24 = arith.constant 512 : i32
    %mul3A_25 = arith.muli %arg0, %mul3A_24 : i32
    %iota3A = tpu.iota {dimensions = array<i32: 0>} : vector<512x1xi32>
    %add3A_26 = vector.broadcast %mul3A_25 : i32 to vector<512x1xi32>
    %add3A_27 = arith.addi %add3A_26, %iota3A : vector<512x1xi32>
    %lt3A = arith.constant 10000 : i32
    %lt3A_28 = vector.broadcast %lt3A : i32 to vector<512x1xi32>
    %lt3A_29 = arith.cmpi slt, %add3A_27, %lt3A_28 : vector<512x1xi32>
    %jit3A_30 = arith.constant 0.000000e+00 : f32
    %broadcast_in_dim3A_31 = vector.shape_cast %lt3A_29 : vector<512x1xi1> to vector<512x1xi1>
    %broadcast_in_dim3A_32 = vector.broadcast %broadcast_in_dim3A_31 : vector<512x1xi1> to vector<512x128xi1>
    %broadcast_in_dim3A_33 = vector.broadcast %jit3A_30 : f32 to vector<512x128xf32>
    %select_n3A_34 = arith.select %broadcast_in_dim3A_32, %max3A_23, %broadcast_in_dim3A_33 : vector<512x128xi1>, vector<512x128xf32>
    %get3A_35 = arith.constant 0 : index
    %get3A_36 = arith.constant 0 : index
    %get3A_37 = vector.load %arg4[%get3A_35, %get3A_36] : memref<128x128xf32, #tpu.memory_space<vmem>>, vector<128x128xf32>
    %dot_general3A = arith.constant dense<0.000000e+00> : vector<512x128xf32>
    %dot_general3A_38 = tpu.matmul %select_n3A_34, %get3A_37, %dot_general3A {dimension_numbers = #tpu.dot_dimension_numbers<[1], [0], [0], [1], [0, 0, 1, 1], [], []>, transpose_lhs_hint = false} : vector<512x128xf32>, vector<128x128xf32>, vector<512x128xf32> -> vector<512x128xf32>
    %swap3A = arith.constant 0 : index
    %swap3A_39 = arith.constant 0 : index
    %swap3A_40 = vector.load %arg6[%swap3A, %swap3A_39] : memref<512x128xf32, #tpu.memory_space<vmem>>, vector<512x128xf32>
    tpu.vector_store %arg6[%swap3A, %swap3A_39], %dot_general3A_38 {strides = array<i32>} : memref<512x128xf32, #tpu.memory_space<vmem>>, vector<512x128xf32>,
    %get3A_41 = arith.constant 0 : index
    %get3A_42 = arith.constant 0 : index
    %get3A_43 = vector.load %arg5[%get3A_41, %get3A_42] : memref<512x1xi32, #tpu.memory_space<vmem>>, vector<512x1xi32>
    %iota3A_44 = tpu.iota {dimensions = array<i32: 1>} : vector<1x8xi32>
    %eq3A = vector.broadcast %get3A_43 : vector<512x1xi32> to vector<512x8xi32>
    %eq3A_45 = vector.broadcast %iota3A_44 : vector<1x8xi32> to vector<512x8xi32>
    %eq3A_46 = arith.cmpi eq, %eq3A, %eq3A_45 : vector<512x8xi32>
    %convert_element_type3A = arith.extui %eq3A_46 : vector<512x8xi1> to vector<512x8xi32>
    %convert_element_type3A_47 = arith.sitofp %convert_element_type3A : vector<512x8xi32> to vector<512x8xf32>
    %dot_general3A_48 = arith.constant dense<0.000000e+00> : vector<8x128xf32>
    %dot_general3A_49 = tpu.matmul %convert_element_type3A_47, %select_n3A_34, %dot_general3A_48 {dimension_numbers = #tpu.dot_dimension_numbers<[0], [0], [1], [1], [0, 1, 1, 1], [], []>, transpose_lhs_hint = false} : vector<512x8xf32>, vector<512x128xf32>, vector<8x128xf32> -> vector<8x128xf32>
    %eq3A_50 = arith.constant 0 : i32
    %eq3A_51 = arith.cmpi eq, %arg0, %eq3A_50 : i32
    %convert_element_type3A_52 = arith.extui %eq3A_51 : i1 to i32
    %cond3A = arith.constant 0 : i32
    %cond3A_53 = arith.cmpi ne, %convert_element_type3A_52, %cond3A : i32
    scf.if %cond3A_53 {
      %broadcast_in_dim3A_61 = arith.constant 0.000000e+00 : f32
      %broadcast_in_dim3A_62 = vector.broadcast %broadcast_in_dim3A_61 : f32 to vector<8x128xf32>
      %swap3A_63 = arith.constant 0 : index
      %swap3A_64 = arith.constant 0 : index
      %swap3A_65 = vector.load %arg7[%swap3A_63, %swap3A_64] : memref<8x128xf32, #tpu.memory_space<vmem>>, vector<8x128xf32>
      tpu.vector_store %arg7[%swap3A_63, %swap3A_64], %broadcast_in_dim3A_62 {strides = array<i32>} : memref<8x128xf32, #tpu.memory_space<vmem>>, vector<8x128xf32>,
    } else {
    }
    %get3A_54 = arith.constant 0 : index
    %get3A_55 = arith.constant 0 : index
    %get3A_56 = vector.load %arg7[%get3A_54, %get3A_55] : memref<8x128xf32, #tpu.memory_space<vmem>>, vector<8x128xf32>
    %add3A_57 = arith.addf %get3A_56, %dot_general3A_49 : vector<8x128xf32>
    %swap3A_58 = arith.constant 0 : index
    %swap3A_59 = arith.constant 0 : index
    %swap3A_60 = vector.load %arg7[%swap3A_58, %swap3A_59] : memref<8x128xf32, #tpu.memory_space<vmem>>, vector<8x128xf32>
    tpu.vector_store %arg7[%swap3A_58, %swap3A_59], %add3A_57 {strides = array<i32>} : memref<8x128xf32, #tpu.memory_space<vmem>>, vector<8x128xf32>,
    return
  }
  func.func @transform_0(%arg0: i32) -> (i32, i32, i32) {
    %c0_i32 = arith.constant 0 : i32
    %c0_i32_0 = arith.constant 0 : i32
    %c0_i32_1 = arith.constant 0 : i32
    return %c0_i32, %arg0, %c0_i32_0 : i32, i32, i32
  }
  func.func @transform_1(%arg0: i32) -> (i32, i32) {
    %c0_i32 = arith.constant 0 : i32
    %c0_i32_0 = arith.constant 0 : i32
    return %arg0, %c0_i32 : i32, i32
  }
  func.func @transform_2(%arg0: i32) -> (i32, i32) {
    %c0_i32 = arith.constant 0 : i32
    %c0_i32_0 = arith.constant 0 : i32
    %c0_i32_1 = arith.constant 0 : i32
    return %c0_i32, %c0_i32_0 : i32, i32
  }
  func.func @transform_3(%arg0: i32) -> (i32, i32) {
    %c0_i32 = arith.constant 0 : i32
    %c0_i32_0 = arith.constant 0 : i32
    %c0_i32_1 = arith.constant 0 : i32
    return %c0_i32, %c0_i32_0 : i32, i32
  }
  func.func @transform_4(%arg0: i32) -> (i32, i32) {
    %c0_i32 = arith.constant 0 : i32
    %c0_i32_0 = arith.constant 0 : i32
    return %arg0, %c0_i32 : i32, i32
  }
  func.func @transform_5(%arg0: i32) -> (i32, i32) {
    %c0_i32 = arith.constant 0 : i32
    %c0_i32_0 = arith.constant 0 : i32
    return %arg0, %c0_i32 : i32, i32
  }
  func.func @transform_6(%arg0: i32) -> (i32, i32) {
    %c0_i32 = arith.constant 0 : i32
    %c0_i32_0 = arith.constant 0 : i32
    %c0_i32_1 = arith.constant 0 : i32
    return %c0_i32, %c0_i32_0 : i32, i32
  }
}

module attributes {stable_mosaic.version = 14 : i64} {
  func.func @_e_body(%arg0: i32, %arg1: memref<2x512x128xf32, #tpu.memory_space<vmem>>, %arg2: memref<512x1xf32, #tpu.memory_space<vmem>>, %arg3: memref<1x128xf32, #tpu.memory_space<vmem>>, %arg4: memref<512x1xi32, #tpu.memory_space<vmem>>, %arg5: memref<8x128xf32, #tpu.memory_space<vmem>>, %arg6: memref<256x128xf32, #tpu.memory_space<vmem>>, %arg7: memref<1x128xf32, #tpu.memory_space<vmem>>, %arg8: memref<128x64xf32, #tpu.memory_space<vmem>>, %arg9: memref<1x64xf32, #tpu.memory_space<vmem>>, %arg10: memref<1x64xf32, #tpu.memory_space<vmem>>, %arg11: memref<1x64xf32, #tpu.memory_space<vmem>>, %arg12: memref<64x32xf32, #tpu.memory_space<vmem>>, %arg13: memref<1x32xf32, #tpu.memory_space<vmem>>, %arg14: memref<1x32xf32, #tpu.memory_space<vmem>>, %arg15: memref<1x32xf32, #tpu.memory_space<vmem>>, %arg16: memref<32x4xf32, #tpu.memory_space<vmem>>, %arg17: memref<8x4xf32, #tpu.memory_space<vmem>>, %arg18: memref<8x128xf32, #tpu.memory_space<vmem>>, %arg19: memref<8x1xf32, #tpu.memory_space<vmem>>) attributes {dimension_semantics = [#tpu.dimension_semantics<arbitrary>], iteration_bounds = array<i64: 20>, scalar_prefetch = 0 : i64, scratch_operands = 2 : i64, tpu.core_type = #tpu.core_type<tc>, window_params = [{transform_indices = @transform_0, window_bounds = array<i64: 2, 512, 128>}, {transform_indices = @transform_1, window_bounds = array<i64: 512, 1>}, {pipeline_mode = #tpu.pipeline_mode<synchronous>, transform_indices = @transform_2, window_bounds = array<i64: 1, 128>}, {transform_indices = @transform_3, window_bounds = array<i64: 512, 1>}, {pipeline_mode = #tpu.pipeline_mode<synchronous>, transform_indices = @transform_4, window_bounds = array<i64: 8, 128>}, {pipeline_mode = #tpu.pipeline_mode<synchronous>, transform_indices = @transform_5, window_bounds = array<i64: 256, 128>}, {pipeline_mode = #tpu.pipeline_mode<synchronous>, transform_indices = @transform_6, window_bounds = array<i64: 1, 128>}, {pipeline_mode = #tpu.pipeline_mode<synchronous>, transform_indices = @transform_7, window_bounds = array<i64: 128, 64>}, {pipeline_mode = #tpu.pipeline_mode<synchronous>, transform_indices = @transform_8, window_bounds = array<i64: 1, 64>}, {pipeline_mode = #tpu.pipeline_mode<synchronous>, transform_indices = @transform_9, window_bounds = array<i64: 1, 64>}, {pipeline_mode = #tpu.pipeline_mode<synchronous>, transform_indices = @transform_10, window_bounds = array<i64: 1, 64>}, {pipeline_mode = #tpu.pipeline_mode<synchronous>, transform_indices = @transform_11, window_bounds = array<i64: 64, 32>}, {pipeline_mode = #tpu.pipeline_mode<synchronous>, transform_indices = @transform_12, window_bounds = array<i64: 1, 32>}, {pipeline_mode = #tpu.pipeline_mode<synchronous>, transform_indices = @transform_13, window_bounds = array<i64: 1, 32>}, {pipeline_mode = #tpu.pipeline_mode<synchronous>, transform_indices = @transform_14, window_bounds = array<i64: 1, 32>}, {pipeline_mode = #tpu.pipeline_mode<synchronous>, transform_indices = @transform_15, window_bounds = array<i64: 32, 4>}, {pipeline_mode = #tpu.pipeline_mode<synchronous>, transform_indices = @transform_16, window_bounds = array<i64: 8, 4>}]} {
    %get3A = arith.constant 0 : index
    %get3A_0 = arith.constant 0 : index
    %get3A_1 = arith.constant 0 : index
    %get3A_2 = vector.load %arg1[%get3A, %get3A_0, %get3A_1] : memref<2x512x128xf32, #tpu.memory_space<vmem>>, vector<1x512x128xf32>
    %get3A_3 = vector.shape_cast %get3A_2 : vector<1x512x128xf32> to vector<512x128xf32>
    %get3A_4 = arith.constant 1 : index
    %get3A_5 = arith.constant 0 : index
    %get3A_6 = arith.constant 0 : index
    %get3A_7 = vector.load %arg1[%get3A_4, %get3A_5, %get3A_6] : memref<2x512x128xf32, #tpu.memory_space<vmem>>, vector<1x512x128xf32>
    %get3A_8 = vector.shape_cast %get3A_7 : vector<1x512x128xf32> to vector<512x128xf32>
    %add3A = arith.addf %get3A_3, %get3A_8 : vector<512x128xf32>
    %get3A_9 = arith.constant 0 : index
    %get3A_10 = arith.constant 0 : index
    %get3A_11 = vector.load %arg2[%get3A_9, %get3A_10] : memref<512x1xf32, #tpu.memory_space<vmem>>, vector<512x1xf32>
    %gt3A = arith.constant 0.000000e+00 : f32
    %gt3A_12 = vector.broadcast %gt3A : f32 to vector<512x1xf32>
    %gt3A_13 = arith.cmpf ogt, %get3A_11, %gt3A_12 : vector<512x1xf32>
    %div3A = arith.constant 1.000000e+00 : f32
    %div3A_14 = vector.broadcast %div3A : f32 to vector<512x1xf32>
    %div3A_15 = arith.divf %div3A_14, %get3A_11 : vector<512x1xf32>
    %jit3A = arith.constant 0.000000e+00 : f32
    %broadcast_in_dim3A = vector.broadcast %jit3A : f32 to vector<512x1xf32>
    %select_n3A = arith.select %gt3A_13, %div3A_15, %broadcast_in_dim3A : vector<512x1xi1>, vector<512x1xf32>
    %mul3A = vector.broadcast %select_n3A : vector<512x1xf32> to vector<512x128xf32>
    %mul3A_16 = arith.mulf %add3A, %mul3A : vector<512x128xf32>
    %get3A_17 = arith.constant 0 : index
    %get3A_18 = arith.constant 0 : index
    %get3A_19 = vector.load %arg3[%get3A_17, %get3A_18] : memref<1x128xf32, #tpu.memory_space<vmem>>, vector<1x128xf32>
    %add3A_20 = vector.broadcast %get3A_19 : vector<1x128xf32> to vector<512x128xf32>
    %add3A_21 = arith.addf %mul3A_16, %add3A_20 : vector<512x128xf32>
    %max3A = arith.constant 0.000000e+00 : f32
    %max3A_22 = vector.broadcast %max3A : f32 to vector<512x128xf32>
    %max3A_23 = arith.maximumf %add3A_21, %max3A_22 : vector<512x128xf32>
    %get3A_24 = arith.constant 0 : index
    %get3A_25 = arith.constant 0 : index
    %get3A_26 = vector.load %arg4[%get3A_24, %get3A_25] : memref<512x1xi32, #tpu.memory_space<vmem>>, vector<512x1xi32>
    %iota3A = tpu.iota {dimensions = array<i32: 1>} : vector<1x8xi32>
    %eq3A = vector.broadcast %get3A_26 : vector<512x1xi32> to vector<512x8xi32>
    %eq3A_27 = vector.broadcast %iota3A : vector<1x8xi32> to vector<512x8xi32>
    %eq3A_28 = arith.cmpi eq, %eq3A, %eq3A_27 : vector<512x8xi32>
    %convert_element_type3A = arith.extui %eq3A_28 : vector<512x8xi1> to vector<512x8xi32>
    %convert_element_type3A_29 = arith.sitofp %convert_element_type3A : vector<512x8xi32> to vector<512x8xf32>
    %dot_general3A = arith.constant dense<0.000000e+00> : vector<8x128xf32>
    %dot_general3A_30 = tpu.matmul %convert_element_type3A_29, %max3A_23, %dot_general3A {dimension_numbers = #tpu.dot_dimension_numbers<[0], [0], [1], [1], [0, 1, 1, 1], [], []>, transpose_lhs_hint = false} : vector<512x8xf32>, vector<512x128xf32>, vector<8x128xf32> -> vector<8x128xf32>
    %reduce_sum3A = arith.constant dense<0.000000e+00> : vector<8xf32>
    %reduce_sum3A_31 = vector.multi_reduction <add>, %convert_element_type3A_29, %reduce_sum3A [0] : vector<512x8xf32> to vector<8xf32>
    %broadcast_in_dim3A_32 = vector.shape_cast %reduce_sum3A_31 : vector<8xf32> to vector<8x1xf32>
    %eq3A_33 = arith.constant 0 : i32
    %eq3A_34 = arith.cmpi eq, %arg0, %eq3A_33 : i32
    %convert_element_type3A_35 = arith.extui %eq3A_34 : i1 to i32
    %cond3A = arith.constant 0 : i32
    %cond3A_36 = arith.cmpi ne, %convert_element_type3A_35, %cond3A : i32
    scf.if %cond3A_36 {
      %broadcast_in_dim3A_55 = arith.constant 0.000000e+00 : f32
      %broadcast_in_dim3A_56 = vector.broadcast %broadcast_in_dim3A_55 : f32 to vector<8x128xf32>
      %swap3A_57 = arith.constant 0 : index
      %swap3A_58 = arith.constant 0 : index
      %swap3A_59 = vector.load %arg18[%swap3A_57, %swap3A_58] : memref<8x128xf32, #tpu.memory_space<vmem>>, vector<8x128xf32>
      tpu.vector_store %arg18[%swap3A_57, %swap3A_58], %broadcast_in_dim3A_56 {strides = array<i32>} : memref<8x128xf32, #tpu.memory_space<vmem>>, vector<8x128xf32>,
      %broadcast_in_dim3A_60 = arith.constant 0.000000e+00 : f32
      %broadcast_in_dim3A_61 = vector.broadcast %broadcast_in_dim3A_60 : f32 to vector<8x1xf32>
      %swap3A_62 = arith.constant 0 : index
      %swap3A_63 = arith.constant 0 : index
      %swap3A_64 = vector.load %arg19[%swap3A_62, %swap3A_63] : memref<8x1xf32, #tpu.memory_space<vmem>>, vector<8x1xf32>
      tpu.vector_store %arg19[%swap3A_62, %swap3A_63], %broadcast_in_dim3A_61 {strides = array<i32>} : memref<8x1xf32, #tpu.memory_space<vmem>>, vector<8x1xf32>,
    } else {
    }
    %get3A_37 = arith.constant 0 : index
    %get3A_38 = arith.constant 0 : index
    %get3A_39 = vector.load %arg18[%get3A_37, %get3A_38] : memref<8x128xf32, #tpu.memory_space<vmem>>, vector<8x128xf32>
    %add3A_40 = arith.addf %get3A_39, %dot_general3A_30 : vector<8x128xf32>
    %swap3A = arith.constant 0 : index
    %swap3A_41 = arith.constant 0 : index
    %swap3A_42 = vector.load %arg18[%swap3A, %swap3A_41] : memref<8x128xf32, #tpu.memory_space<vmem>>, vector<8x128xf32>
    tpu.vector_store %arg18[%swap3A, %swap3A_41], %add3A_40 {strides = array<i32>} : memref<8x128xf32, #tpu.memory_space<vmem>>, vector<8x128xf32>,
    %get3A_43 = arith.constant 0 : index
    %get3A_44 = arith.constant 0 : index
    %get3A_45 = vector.load %arg19[%get3A_43, %get3A_44] : memref<8x1xf32, #tpu.memory_space<vmem>>, vector<8x1xf32>
    %add3A_46 = arith.addf %get3A_45, %broadcast_in_dim3A_32 : vector<8x1xf32>
    %swap3A_47 = arith.constant 0 : index
    %swap3A_48 = arith.constant 0 : index
    %swap3A_49 = vector.load %arg19[%swap3A_47, %swap3A_48] : memref<8x1xf32, #tpu.memory_space<vmem>>, vector<8x1xf32>
    tpu.vector_store %arg19[%swap3A_47, %swap3A_48], %add3A_46 {strides = array<i32>} : memref<8x1xf32, #tpu.memory_space<vmem>>, vector<8x1xf32>,
    %eq3A_50 = arith.constant 19 : i32
    %eq3A_51 = arith.cmpi eq, %arg0, %eq3A_50 : i32
    %convert_element_type3A_52 = arith.extui %eq3A_51 : i1 to i32
    %cond3A_53 = arith.constant 0 : i32
    %cond3A_54 = arith.cmpi ne, %convert_element_type3A_52, %cond3A_53 : i32
    scf.if %cond3A_54 {
      %get3A_55 = arith.constant 0 : index
      %get3A_56 = arith.constant 0 : index
      %get3A_57 = vector.load %arg19[%get3A_55, %get3A_56] : memref<8x1xf32, #tpu.memory_space<vmem>>, vector<8x1xf32>
      %max3A_58 = arith.constant 1.000000e+00 : f32
      %max3A_59 = vector.broadcast %max3A_58 : f32 to vector<8x1xf32>
      %max3A_60 = arith.maximumf %get3A_57, %max3A_59 : vector<8x1xf32>
      %get3A_61 = arith.constant 0 : index
      %get3A_62 = arith.constant 0 : index
      %get3A_63 = vector.load %arg5[%get3A_61, %get3A_62] : memref<8x128xf32, #tpu.memory_space<vmem>>, vector<8x128xf32>
      %div3A_64 = vector.broadcast %max3A_60 : vector<8x1xf32> to vector<8x128xf32>
      %div3A_65 = arith.divf %get3A_63, %div3A_64 : vector<8x128xf32>
      %get3A_66 = arith.constant 0 : index
      %get3A_67 = arith.constant 0 : index
      %get3A_68 = vector.load %arg18[%get3A_66, %get3A_67] : memref<8x128xf32, #tpu.memory_space<vmem>>, vector<8x128xf32>
      %div3A_69 = vector.broadcast %max3A_60 : vector<8x1xf32> to vector<8x128xf32>
      %div3A_70 = arith.divf %get3A_68, %div3A_69 : vector<8x128xf32>
      %concatenate3A = tpu.concatenate %div3A_65, %div3A_70 in 1 : vector<8x128xf32>, vector<8x128xf32> -> vector<8x256xf32>
      %get3A_71 = arith.constant 0 : index
      %get3A_72 = arith.constant 0 : index
      %get3A_73 = vector.load %arg6[%get3A_71, %get3A_72] : memref<256x128xf32, #tpu.memory_space<vmem>>, vector<256x128xf32>
      %dot_general3A_74 = arith.constant dense<0.000000e+00> : vector<8x128xf32>
      %dot_general3A_75 = tpu.matmul %concatenate3A, %get3A_73, %dot_general3A_74 {dimension_numbers = #tpu.dot_dimension_numbers<[1], [0], [0], [1], [0, 0, 1, 1], [], []>, transpose_lhs_hint = false} : vector<8x256xf32>, vector<256x128xf32>, vector<8x128xf32> -> vector<8x128xf32>
      %get3A_76 = arith.constant 0 : index
      %get3A_77 = arith.constant 0 : index
      %get3A_78 = vector.load %arg7[%get3A_76, %get3A_77] : memref<1x128xf32, #tpu.memory_space<vmem>>, vector<1x128xf32>
      %add3A_79 = vector.broadcast %get3A_78 : vector<1x128xf32> to vector<8x128xf32>
      %add3A_80 = arith.addf %dot_general3A_75, %add3A_79 : vector<8x128xf32>
      %get3A_81 = arith.constant 0 : index
      %get3A_82 = arith.constant 0 : index
      %get3A_83 = vector.load %arg8[%get3A_81, %get3A_82] : memref<128x64xf32, #tpu.memory_space<vmem>>, vector<128x64xf32>
      %dot_general3A_84 = arith.constant dense<0.000000e+00> : vector<8x64xf32>
      %dot_general3A_85 = tpu.matmul %add3A_80, %get3A_83, %dot_general3A_84 {dimension_numbers = #tpu.dot_dimension_numbers<[1], [0], [0], [1], [0, 0, 1, 1], [], []>, transpose_lhs_hint = false} : vector<8x128xf32>, vector<128x64xf32>, vector<8x64xf32> -> vector<8x64xf32>
      %get3A_86 = arith.constant 0 : index
      %get3A_87 = arith.constant 0 : index
      %get3A_88 = vector.load %arg9[%get3A_86, %get3A_87] : memref<1x64xf32, #tpu.memory_space<vmem>>, vector<1x64xf32>
      %add3A_89 = vector.broadcast %get3A_88 : vector<1x64xf32> to vector<8x64xf32>
      %add3A_90 = arith.addf %dot_general3A_85, %add3A_89 : vector<8x64xf32>
      %mul3A_91 = arith.constant 0.999994993 : f32
      %mul3A_92 = vector.broadcast %mul3A_91 : f32 to vector<8x64xf32>
      %mul3A_93 = arith.mulf %add3A_90, %mul3A_92 : vector<8x64xf32>
      %get3A_94 = arith.constant 0 : index
      %get3A_95 = arith.constant 0 : index
      %get3A_96 = vector.load %arg10[%get3A_94, %get3A_95] : memref<1x64xf32, #tpu.memory_space<vmem>>, vector<1x64xf32>
      %mul3A_97 = vector.broadcast %get3A_96 : vector<1x64xf32> to vector<8x64xf32>
      %mul3A_98 = arith.mulf %mul3A_93, %mul3A_97 : vector<8x64xf32>
      %get3A_99 = arith.constant 0 : index
      %get3A_100 = arith.constant 0 : index
      %get3A_101 = vector.load %arg11[%get3A_99, %get3A_100] : memref<1x64xf32, #tpu.memory_space<vmem>>, vector<1x64xf32>
      %add3A_102 = vector.broadcast %get3A_101 : vector<1x64xf32> to vector<8x64xf32>
      %add3A_103 = arith.addf %mul3A_98, %add3A_102 : vector<8x64xf32>
      %max3A_104 = arith.constant 0.000000e+00 : f32
      %max3A_105 = vector.broadcast %max3A_104 : f32 to vector<8x64xf32>
      %max3A_106 = arith.maximumf %add3A_103, %max3A_105 : vector<8x64xf32>
      %get3A_107 = arith.constant 0 : index
      %get3A_108 = arith.constant 0 : index
      %get3A_109 = vector.load %arg12[%get3A_107, %get3A_108] : memref<64x32xf32, #tpu.memory_space<vmem>>, vector<64x32xf32>
      %dot_general3A_110 = arith.constant dense<0.000000e+00> : vector<8x32xf32>
      %dot_general3A_111 = tpu.matmul %max3A_106, %get3A_109, %dot_general3A_110 {dimension_numbers = #tpu.dot_dimension_numbers<[1], [0], [0], [1], [0, 0, 1, 1], [], []>, transpose_lhs_hint = false} : vector<8x64xf32>, vector<64x32xf32>, vector<8x32xf32> -> vector<8x32xf32>
      %get3A_112 = arith.constant 0 : index
      %get3A_113 = arith.constant 0 : index
      %get3A_114 = vector.load %arg13[%get3A_112, %get3A_113] : memref<1x32xf32, #tpu.memory_space<vmem>>, vector<1x32xf32>
      %add3A_115 = vector.broadcast %get3A_114 : vector<1x32xf32> to vector<8x32xf32>
      %add3A_116 = arith.addf %dot_general3A_111, %add3A_115 : vector<8x32xf32>
      %mul3A_117 = arith.constant 0.999994993 : f32
      %mul3A_118 = vector.broadcast %mul3A_117 : f32 to vector<8x32xf32>
      %mul3A_119 = arith.mulf %add3A_116, %mul3A_118 : vector<8x32xf32>
      %get3A_120 = arith.constant 0 : index
      %get3A_121 = arith.constant 0 : index
      %get3A_122 = vector.load %arg14[%get3A_120, %get3A_121] : memref<1x32xf32, #tpu.memory_space<vmem>>, vector<1x32xf32>
      %mul3A_123 = vector.broadcast %get3A_122 : vector<1x32xf32> to vector<8x32xf32>
      %mul3A_124 = arith.mulf %mul3A_119, %mul3A_123 : vector<8x32xf32>
      %get3A_125 = arith.constant 0 : index
      %get3A_126 = arith.constant 0 : index
      %get3A_127 = vector.load %arg15[%get3A_125, %get3A_126] : memref<1x32xf32, #tpu.memory_space<vmem>>, vector<1x32xf32>
      %add3A_128 = vector.broadcast %get3A_127 : vector<1x32xf32> to vector<8x32xf32>
      %add3A_129 = arith.addf %mul3A_124, %add3A_128 : vector<8x32xf32>
      %max3A_130 = arith.constant 0.000000e+00 : f32
      %max3A_131 = vector.broadcast %max3A_130 : f32 to vector<8x32xf32>
      %max3A_132 = arith.maximumf %add3A_129, %max3A_131 : vector<8x32xf32>
      %get3A_133 = arith.constant 0 : index
      %get3A_134 = arith.constant 0 : index
      %get3A_135 = vector.load %arg16[%get3A_133, %get3A_134] : memref<32x4xf32, #tpu.memory_space<vmem>>, vector<32x4xf32>
      %dot_general3A_136 = arith.constant dense<0.000000e+00> : vector<8x4xf32>
      %dot_general3A_137 = tpu.matmul %max3A_132, %get3A_135, %dot_general3A_136 {dimension_numbers = #tpu.dot_dimension_numbers<[1], [0], [0], [1], [0, 0, 1, 1], [], []>, transpose_lhs_hint = false} : vector<8x32xf32>, vector<32x4xf32>, vector<8x4xf32> -> vector<8x4xf32>
      %swap3A_138 = arith.constant 0 : index
      %swap3A_139 = arith.constant 0 : index
      %swap3A_140 = vector.load %arg17[%swap3A_138, %swap3A_139] : memref<8x4xf32, #tpu.memory_space<vmem>>, vector<8x4xf32>
      tpu.vector_store %arg17[%swap3A_138, %swap3A_139], %dot_general3A_137 {strides = array<i32>} : memref<8x4xf32, #tpu.memory_space<vmem>>, vector<8x4xf32>,
    } else {
    }
    return
  }
  func.func @transform_0(%arg0: i32) -> (i32, i32, i32) {
    %c0_i32 = arith.constant 0 : i32
    %c0_i32_0 = arith.constant 0 : i32
    %c0_i32_1 = arith.constant 0 : i32
    return %c0_i32, %arg0, %c0_i32_0 : i32, i32, i32
  }
  func.func @transform_1(%arg0: i32) -> (i32, i32) {
    %c0_i32 = arith.constant 0 : i32
    %c0_i32_0 = arith.constant 0 : i32
    return %arg0, %c0_i32 : i32, i32
  }
  func.func @transform_2(%arg0: i32) -> (i32, i32) {
    %c0_i32 = arith.constant 0 : i32
    %c0_i32_0 = arith.constant 0 : i32
    %c0_i32_1 = arith.constant 0 : i32
    return %c0_i32, %c0_i32_0 : i32, i32
  }
  func.func @transform_3(%arg0: i32) -> (i32, i32) {
    %c0_i32 = arith.constant 0 : i32
    %c0_i32_0 = arith.constant 0 : i32
    return %arg0, %c0_i32 : i32, i32
  }
  func.func @transform_4(%arg0: i32) -> (i32, i32) {
    %c0_i32 = arith.constant 0 : i32
    %c0_i32_0 = arith.constant 0 : i32
    %c0_i32_1 = arith.constant 0 : i32
    return %c0_i32, %c0_i32_0 : i32, i32
  }
  func.func @transform_5(%arg0: i32) -> (i32, i32) {
    %c0_i32 = arith.constant 0 : i32
    %c0_i32_0 = arith.constant 0 : i32
    %c0_i32_1 = arith.constant 0 : i32
    return %c0_i32, %c0_i32_0 : i32, i32
  }
  func.func @transform_6(%arg0: i32) -> (i32, i32) {
    %c0_i32 = arith.constant 0 : i32
    %c0_i32_0 = arith.constant 0 : i32
    %c0_i32_1 = arith.constant 0 : i32
    return %c0_i32, %c0_i32_0 : i32, i32
  }
  func.func @transform_7(%arg0: i32) -> (i32, i32) {
    %c0_i32 = arith.constant 0 : i32
    %c0_i32_0 = arith.constant 0 : i32
    %c0_i32_1 = arith.constant 0 : i32
    return %c0_i32, %c0_i32_0 : i32, i32
  }
  func.func @transform_8(%arg0: i32) -> (i32, i32) {
    %c0_i32 = arith.constant 0 : i32
    %c0_i32_0 = arith.constant 0 : i32
    %c0_i32_1 = arith.constant 0 : i32
    return %c0_i32, %c0_i32_0 : i32, i32
  }
  func.func @transform_9(%arg0: i32) -> (i32, i32) {
    %c0_i32 = arith.constant 0 : i32
    %c0_i32_0 = arith.constant 0 : i32
    %c0_i32_1 = arith.constant 0 : i32
    return %c0_i32, %c0_i32_0 : i32, i32
  }
  func.func @transform_10(%arg0: i32) -> (i32, i32) {
    %c0_i32 = arith.constant 0 : i32
    %c0_i32_0 = arith.constant 0 : i32
    %c0_i32_1 = arith.constant 0 : i32
    return %c0_i32, %c0_i32_0 : i32, i32
  }
  func.func @transform_11(%arg0: i32) -> (i32, i32) {
    %c0_i32 = arith.constant 0 : i32
    %c0_i32_0 = arith.constant 0 : i32
    %c0_i32_1 = arith.constant 0 : i32
    return %c0_i32, %c0_i32_0 : i32, i32
  }
  func.func @transform_12(%arg0: i32) -> (i32, i32) {
    %c0_i32 = arith.constant 0 : i32
    %c0_i32_0 = arith.constant 0 : i32
    %c0_i32_1 = arith.constant 0 : i32
    return %c0_i32, %c0_i32_0 : i32, i32
  }
  func.func @transform_13(%arg0: i32) -> (i32, i32) {
    %c0_i32 = arith.constant 0 : i32
    %c0_i32_0 = arith.constant 0 : i32
    %c0_i32_1 = arith.constant 0 : i32
    return %c0_i32, %c0_i32_0 : i32, i32
  }
  func.func @transform_14(%arg0: i32) -> (i32, i32) {
    %c0_i32 = arith.constant 0 : i32
    %c0_i32_0 = arith.constant 0 : i32
    %c0_i32_1 = arith.constant 0 : i32
    return %c0_i32, %c0_i32_0 : i32, i32
  }
  func.func @transform_15(%arg0: i32) -> (i32, i32) {
    %c0_i32 = arith.constant 0 : i32
    %c0_i32_0 = arith.constant 0 : i32
    %c0_i32_1 = arith.constant 0 : i32
    return %c0_i32, %c0_i32_0 : i32, i32
  }
  func.func @transform_16(%arg0: i32) -> (i32, i32) {
    %c0_i32 = arith.constant 0 : i32
    %c0_i32_0 = arith.constant 0 : i32
    %c0_i32_1 = arith.constant 0 : i32
    return %c0_i32, %c0_i32_0 : i32, i32
  }
}

</mosaic_0001>

<sc_bundles>
// kernel: kernel.12.cloned.1.call-start
scs
__scs_entry_jumppad:
0x0: {  	(pc) =	sbr.rel $0x88, $3  }
0x1: {  	(tag) =	ssettag $0x0;
	lr =	simm.s32 $0x1  }
0x2: {  	[smem:$0x3F8D] =	sst lr;
	_ =	strace $0xD0000000  }
0x3: {  	_ = 	snop  }
0x4: {  	_ = 	snop  }
0x5: {  	_ = 	snop  }
0x6: {  	_ = 	snop  }
0x7: {  	_ = 	snop  }
__scs_overlays_trampoline_lowered:
0x8: {  	[smem:$0x3F9C] =	sst s0  }
0x9: {  	[smem:$0x3F9D] =	sst s1  }
0xa: {  	[smem:$0x3F9E] =	sst s2  }
0xb: {  	[smem:$0x3F9F] =	sst s3  }
0xc: {  	[smem:$0x3FA0] =	sst s4  }
0xd: {  	[smem:$0x3FA1] =	sst s5  }
0xe: {  	[smem:$0x3FA2] =	sst s6  }
0xf: {  	[smem:$0x3FA3] =	sst s7  }
0x10: {  	[smem:$0x3FA4] =	sst s8  }
0x11: {  	[smem:$0x3FA5] =	sst s9;
	s0 =	simm.s32 @!p0 $0x0  }
0x12: {  	s1 =	sld [smem:$0x3F8B];
	s0 =	simm.s32 @p0 $0x1  }
0x13: {  	[smem:$0x3FA6] =	sst s0;
	s0 =	simm.s32 @!p1 $0x0  }
0x14: {  	s2 =	sld [smem:$0x3F8A];
	s0 =	simm.s32 @p1 $0x1  }
0x15: {  	[smem:$0x3FA7] =	sst s0;
	s0 =	simm.s32 @!p2 $0x0  }
0x16: {  	s3 =	sld [smem:$0x3FDB];
	s0 =	simm.s32 @p2 $0x1  }
0x17: {  	s4 =	simm.s32 $0x1BF5;
	[smem:$0x3FA9] =	sst s0  }
0x18: {  	s0 =	sld [smem:$0x3F8C];
	_ =	swait.ge [sflag:s4], $0x0  }
0x19: {  	s7 =	sld [smem:$0x3F8D]  }
0x1a: {  	s8 =	sadd.s32 $0xFFFFE003, lr  }
0x1b: {  	s9 =	sadd.s32 $0xFFFFFEF7, lr;
	s5 =	simm.s32 $0xFFFFFFFF;
	p2 =	slt.u32 s8, $0xFFFFF086  }
0x1c: {  	p1 =	slt.u32 s9, $0xF7A;
	s5 =	simm.s32 @!p2 $0x0  }
0x1d: {  	s5 =	simm.s32 @p1 $0x1;
	p0 =	seq.s32 s7, s2  }
0x1e: {  	s7 =	smul.u32 @!p0 $0xF7A, s2;
	p2 =	seq.s32 @!p0 s5, $0x0  }
0x1f: {  	s9 =	smul.u32 $0xF7A, s1;
	s8 =	simm.s32 @!p0 $0x1BF5;
	p2 =	por !p2, p0  }
0x20: {  	[sflag:s8] =	ssyncset.s32 @!p0 $0xFFFFF086;
	s6 =	sadd.s32 @!p0 s3, s7;
	s7 =	simm.s32 @!p0 $0x108  }
0x21: {  	s3 =	sadd.s32 s3, s9;
	s6 =	sadd.s32 @!p0 $0x88, s6;
	s7 =	simm.s32 @p2 $0x1082  }
0x22: {  	[simem:s7], [sflag:s8] =	dma.local @!p0 [hbm:s6], $0xF7A  }
0x23: {  	s9 =	sor.u32 $0xD0000000, s2;
	s6 =	simm.s32 $0x108;
	_ =	swait.ge @!p0 [sflag:s8], $0x0  }
0x24: {  	s3 =	sadd.s32 $0x88, s3;
	s6 =	simm.s32 @!p1 $0x1082;
	[sflag:s4] =	ssyncset.s32 $0xFFFFF086  }
0x25: {  	[simem:s6], [sflag:s4] =	dma.local [hbm:s3], $0xF7A  }
0x26: {  	[smem:$0x3F8D] =	sst s1;
	(tag) =	ssettag s2;
	_ =	strace s9  }
0x27: {  	s1 =	sld [smem:$0x3F9D]  }
0x28: {  	s2 =	sld [smem:$0x3F9E]  }
0x29: {  	s4 =	sld [smem:$0x3FA0]  }
0x2a: {  	p0 =	seq.s32 s5, $0x0;
	s5 =	sld [smem:$0x3FA1]  }
0x2b: {  	s6 =	sld [smem:$0x3FA2]  }
0x2c: {  	s7 =	sld [smem:$0x3FA3]  }
0x2d: {  	s3 =	simm.s32 $0x108;
	s8 =	sld [smem:$0x3FA4]  }
0x2e: {  	s3 =	simm.s32 @!p0 $0x1082;
	s9 =	sld [smem:$0x3FA5]  }
0x2f: {  	lr =	sadd.s32 s0, s3;
	s0 =	sld [smem:$0x3F9C]  }
0x30: {  	s3 =	sld [smem:$0x3F9F]  }
0x31: {  	[smem:$0x3FA8] =	sst s10  }
0x32: {  	s10 =	sld [smem:$0x3FA6];
	_ =	sdelay $0x3  }
0x33: {  	p0 =	seq.s32 s10, $0x1;
	s10 =	sld [smem:$0x3FA8];
	_ =	sdelay $0x3  }
0x34: {  	[smem:$0x3FA8] =	sst s10  }
0x35: {  	s10 =	sld [smem:$0x3FA7];
	_ =	sdelay $0x3  }
0x36: {  	p1 =	seq.s32 s10, $0x1;
	s10 =	sld [smem:$0x3FA8];
	_ =	sdelay $0x3  }
0x37: {  	[smem:$0x3FA8] =	sst s10  }
0x38: {  	s10 =	sld [smem:$0x3FA9]  }
0x39: {  	_ = 	snop;
	(pc) =	sbr.ind lr, $3  }
0x3a: {  	_ = 	snop  }
0x3b: {  	_ = 	snop  }
0x3c: {  	p2 =	seq.s32 s10, $0x1;
	s10 =	sld [smem:$0x3FA8]  }
0x3d: {  	_ =	shalt  }
0x3e: {  	_ =	shalt  }
0x3f: {  	_ =	shalt  }
0x40: {  	_ =	shalt  }
0x41: {  	_ =	shalt  }
0x42: {  	_ =	shalt  }
0x43: {  	_ =	shalt  }
0x44: {  	_ =	shalt  }
0x45: {  	_ =	shalt  }
0x46: {  	_ =	shalt  }
0x47: {  	_ =	shalt  }
0x48: {  	_ =	shalt  }
0x49: {  	_ =	shalt  }
0x4a: {  	_ =	shalt  }
0x4b: {  	_ =	shalt  }
0x4c: {  	_ =	shalt  }
0x4d: {  	_ =	shalt  }
0x4e: {  	_ =	shalt  }
0x4f: {  	_ =	shalt  }
0x50: {  	_ =	shalt  }
0x51: {  	_ =	shalt  }
0x52: {  	_ =	shalt  }
0x53: {  	_ =	shalt  }
0x54: {  	_ =	shalt  }
0x55: {  	_ =	shalt  }
0x56: {  	_ =	shalt  }
0x57: {  	_ =	shalt  }
0x58: {  	_ =	shalt  }
0x59: {  	_ =	shalt  }
0x5a: {  	_ =	shalt  }
0x5b: {  	_ =	shalt  }
0x5c: {  	_ =	shalt  }
0x5d: {  	_ =	shalt  }
0x5e: {  	_ =	shalt  }
0x5f: {  	_ =	shalt  }
0x60: {  	_ =	shalt  }
0x61: {  	_ =	shalt  }
0x62: {  	_ =	shalt  }
0x63: {  	_ =	shalt  }
0x64: {  	_ =	shalt  }
0x65: {  	_ =	shalt  }
0x66: {  	_ =	shalt  }
0x67: {  	_ =	shalt  }
0x68: {  	_ =	shalt  }
0x69: {  	_ =	shalt  }
0x6a: {  	_ =	shalt  }
0x6b: {  	_ =	shalt  }
0x6c: {  	_ =	shalt  }
0x6d: {  	_ =	shalt  }
0x6e: {  	_ =	shalt  }
0x6f: {  	_ =	shalt  }
0x70: {  	_ =	shalt  }
0x71: {  	_ =	shalt  }
0x72: {  	_ =	shalt  }
0x73: {  	_ =	shalt  }
0x74: {  	_ =	shalt  }
0x75: {  	_ =	shalt  }
0x76: {  	_ =	shalt  }
0x77: {  	_ =	shalt  }
0x78: {  	_ =	shalt  }
0x79: {  	_ =	shalt  }
0x7a: {  	_ =	shalt  }
0x7b: {  	_ =	shalt  }
0x7c: {  	_ =	shalt  }
0x7d: {  	_ =	shalt  }
0x7e: {  	_ =	shalt  }
0x7f: {  	_ =	shalt  }
0x80: {  	_ =	shalt  }
0x81: {  	_ =	shalt  }
0x82: {  	_ =	shalt  }
0x83: {  	_ =	shalt  }
0x84: {  	_ =	shalt  }
0x85: {  	_ =	shalt  }
0x86: {  	_ =	shalt  }
0x87: {  	_ =	shalt  }
.Lfunc_end0:
.L_simem_size_0:
called_computation_lowered:
.L_overlay_start_0:
0x88: {  	s2 =	sld [smem:$0x3FD9]  }
0x89: {  	s3 =	sld [smem:$0x3FFE];
	_ =	sdelay $0x1  }
0x8a: {  	s1 =	srdreg.scid  }
0x8b: {  	s0 =	sand.u32 $0x1, s1  }
0x8c: {  	s16 =	sshll.u32 s0, $0xA;
	s2 =	sadd.s32 s3, s2  }
0x8d: {  	s2 =	sadd.s32 s2, s16  }
0x8e: {  	[smem:$0x3FB4] =	sst s2  }
0x8f: {  	_ = 	snop  }
0x90: {  	(tm) =	ssettm $0x1  }
0x91: {  	s17 =	sld [smem:$0x3FFB];
	_ =	sdelay $0x3  }
0x92: {  	_ =	strace s17  }
0x93: {  	s2 =	sld [smem:$0x3FFC];
	_ =	sdelay $0x3  }
0x94: {  	_ =	strace s2  }
0x95: {  	s2 =	sld [smem:$0x3FFD];
	_ =	sdelay $0x3  }
0x96: {  	_ =	strace s2  }
0x97: {  	_ =	strace $0x8FFFFFFF  }
0x98: {  	s18 =	sld [smem:$0x3FDB];
	_ =	sdelay $0x1  }
0x99: {  	s19 =	simm.s32 $_scs_section_size  }
0x9a: {  	s4 =	simm.s32 $_size__tile_overlayer_lowered;
	s5 =	simm.s32 $_tile_overlayer_lowered  }
0x9b: {  	s22 =	simm.s32 $0x1BFF;
	s21 =	sshll.u32 s5, $0x1;
	s2 =	sadd.s32 s19, s18  }
0x9c: {  	s6 =	simm.s32 $0x0;
	s20 =	sshll.u32 s4, $0x1;
	s4 =	sadd.s32 s21, s2  }
0x9d: {  	[timem:s6], [sflag:s22] =	dma.local [hbm:s4], s20  }
0x9e: {  	_ =	swait.ge [sflag:s22], s20  }
0x9f: {  	s3 =	ssub.s32 $0x0, s20;
	[sflag:s22] =	ssyncset.done $0x0  }
0xa0: {  	[sflag:s22] =	ssyncadd.s32 s3;
	_ =	sdelay $0x1  }
0xa1: {  	s23 =	simm.s32 $0x1B8B  }
0xa2: {  	_ =	swait.ge [sflag:s23], $0x1  }
0xa3: {  	[sflag:s23] =	ssyncset.done $0x0  }
0xa4: {  	s25 =	simm.s32 $0x1B8E;
	s24 =	sld [smem:$0x3FFE];
	[sflag:s23] =	ssyncadd.s32 $0xFFFFFFFF  }
0xa5: {  	s26 =	simm.s32 $execute0_lowered;
	[smem:$0x3FD2] =	sst s25  }
0xa6: {  	s4 =	sshll.u32 s26, $0x1;
	_ =	strace $0x80000046;
	[dreg:$0x1] =	wrdreg $0xFFFFFFFF  }
0xa7: {  	s28 =	simm.s32 $_size_execute0_lowered;
	s2 =	sadd.s32 s2, s4;
	[dreg:$0x0] =	wrdreg $0x0  }
0xa8: {  	s4 =	sshll.u32 s28, $0x1;
	[dreg:$0x2] =	wrdreg s2  }
0xa9: {  	[dreg:$0x3] =	wrdreg s4  }
0xaa: {  	[dreg:$0x4] =	wrdreg $0xC0  }
0xab: {  	_ =	task [dreg:s6], $0x5FFFF  }
0xac: {  	[dreg:$0x1] =	wrdreg $0xFFFFFFFF  }
0xad: {  	[dreg:$0x0] =	wrdreg $0x60  }
0xae: {  	[dreg:$0x2] =	wrdreg s24  }
0xaf: {  	[dreg:$0x3] =	wrdreg $0x88000  }
0xb0: {  	[dreg:$0x4] =	wrdreg $0x9  }
0xb1: {  	_ =	task.clear_ibuf [dreg:s6], $0x5FFFF;
	_ =	strace $0x90000046  }
0xb2: {  	s29 =	simm.s32 $0x9;
	_ =	strace $0x80000048  }
0xb3: {  	_ =	swait.ge [sflag:s29], $0x1  }
0xb4: {  	[sflag:s29] =	ssyncadd.s32 $0xFFFFFFFF  }
0xb5: {  	_ =	strace $0x90000048  }
0xb6: {  	_ =	sfence  }
0xb7: {  	s30 =	sld [smem:$0x0];
	_ =	sdelay $0x2  }
0xb8: {  	s31 =	sshll.u32 s1, $0xD;
	s1 =	sshrl.u32 s1, $0x2  }
0xb9: {  	s3 =	sand.u32 $0x4000, s31;
	s1 =	sadd.s32 s1, s30  }
0xba: {  	s0 =	sor.u32 s3, s0;
	s1 =	sshll.u32 s1, $0x11  }
0xbb: {  	s0 =	sor.u32 s1, s0  }
0xbc: {  	s0 =	sadd.s32 $0x8F2B, s0  }
0xbd: {  	[sflag:s0] =	ssyncadd.remote.s32 $0x1  }
0xbe: {  	_ =	sfence.sel $0xFFFF  }
0xbf: {  	[dreg:$0x0] =	wrdreg $0xFFFFFFFF;
	(pc) =	sbr.abs _section_cstart, $3  }
0xc0: {  	[dreg:$0x1] =	wrdreg $0xFFFFFFFF  }
0xc1: {  	_ =	task.clear_ibuf [dreg:s6], $0x2FFFF;
	_ =	strace $0x9FFFFFFF  }
0xc2: {  	(tm) =	ssettm $0x7FFFFFFF  }
0xc3: {  	_ =	shalt  }
tec
execute0_lowered:
.L_overlay_start_1:
0x0: {  	(tag) =	ssettag $0x1  }
0x1: {  	s0 =	rddreg [dreg:$0x0];
	s1 =	srdreg.scid  }
0x2: {  	s10 =	stileid.u32;
	s2 =	rddreg [dreg:$0x1];
	s3 =	simm.s32 $0x0  }
0x3: {  	s12 =	simm.s32 $0x3;
	s13 =	simm.s32 $0x400;
	s14 =	simm.s32 $0x80  }
0x4: {  	s15 =	simm.s32 $0x800;
	s16 =	simm.s32 $0x4800;
	s17 =	simm.s32 $0x1  }
0x5: {  	s18 =	simm.s32 $0x100;
	s19 =	simm.s32 $0x2;
	s20 =	simm.s32 $0x480  }
0x6: {  	s28 =	simm.s32 $0x300;
	s29 =	simm.s32 $0x680;
	s4 =	smul.u32 $0x5000, s10  }
0x7: {  	s30 =	simm.s32 $0x380;
	s31 =	simm.s32 $0x700;
	s6 =	smul.u32 $0x2800, s10  }
0x8: {  	s1 =	sand.u32 $0x1, s1;
	[smem:$0x7FF] =	sst s3;
	s8 =	smul.u32 $0x50000, s10  }
0x9: {  	s25 =	sshll.u32 s10, $0x6;
	s5 =	smul.u32 $0x2800, s1;
	_ =	strace $0x80000047  }
0xa: {  	s7 =	smul.u32 $0x28000, s1;
	s1 =	ssub.s32 $0x2, s1;
	s9 =	sadd.s32 s6, s0  }
0xb: {  	s21 =	sshrl.u32 s1, $0x1;
	s22 =	sshrl.u32 s8, $0x2;
	s5 =	sadd.s32 s5, s4  }
0xc: {  	s4 =	sadd.s32 $0x18E00, s0;
	s6 =	sadd.s32 s6, s7;
	s1 =	ssub.s32 s1, s21  }
0xd: {  	s23 =	sadd.s32 s22, s2;
	s24 =	sadd.s32 $0x40E00, s9;
	s21 =	simm.s32 $0x180  }
0xe: {  	s22 =	simm.s32 $0x500;
	s5 =	sshrl.u32 s5, $0x3;
	[dreg:$0x3] =	wrdreg s24  }
0xf: {  	s26 =	smax.u32 s1, $0x1;
	s7 =	sshrl.u32 s23, $0x3;
	s23 =	simm.s32 $0x200  }
0x10: {  	s24 =	simm.s32 $0x580;
	s1 =	simm.s32 $0x780;
	s5 =	sadd.s32 s5, s0  }
0x11: {  	s0 =	sadd.s32 s6, s0;
	s6 =	sor.u32 $0x1C03, s25;
	[dreg:$0x6] =	wrdreg s26  }
0x12: {  	s25 =	simm.s32 $0x280;
	s26 =	simm.s32 $0x600;
	[dreg:$0x7] =	wrdreg s7  }
0x13: {  	s0 =	sadd.s32 $0x68E00, s0;
	s9 =	sadd.s32 $0xEE00, s5;
	[dreg:$0x4] =	wrdreg s6  }
0x14: {  	s10 =	sadd.s32 $0x4E00, s5;
	[dreg:$0x5] =	wrdreg s0;
	s0 =	simm.s32 $0x0  }
.LBB2_1:
0x15: {  	s5 =	rddreg [dreg:$0x3]  }
0x16: {  	[spmem:s7], [sflag:s6] =	dma.local [hbm:s5], $0x2800  }
0x17: {  	_ =	swait.ge [sflag:s12], $0x2800  }
0x18: {  	[sflag:s12] =	ssyncset.done $0x0  }
0x19: {  	[sflag:s12] =	ssyncadd.s32 $0xFFFFD800  }
0x1a: {  	s8 =	sadd.s32 $0x0, s10;
	[bflag:$0x0] =	sbarrier.arrive $0xFFFF  }
0x1b: {  	[tilespmem:s3], [sflag:$0x3] =	stream.linear.gather [hbm4b:s8+s3], $0x400, $0x38;
	[tilespmem:$0x1C800] =	vst v63  }
0x1c: {  	_ =	swait.ge [sflag:s12], $0x400  }
0x1d: {  	[sflag:s12] =	ssyncset.done $0x0  }
0x1e: {  	s11 =	sadd.s32 $0x0, s9;
	[sflag:s12] =	ssyncadd.s32 $0xFFFFFC00  }
0x1f: {  	[tilespmem:s13], [sflag:$0x3] =	stream.linear.gather [hbm4b:s11+s3], $0x400, $0x38;
	[tilespmem:$0x1C800] =	vst v63  }
0x20: {  	_ =	swait.ge [sflag:s12], $0x400  }
0x21: {  	[sflag:s12] =	ssyncset.done $0x0  }
0x22: {  	[sflag:s12] =	ssyncadd.s32 $0xFFFFFC00  }
0x23: {  	[tilespmem:s15], [sflag:$0x1] =	stream.indirect.gather [hbm4b:s4+s14], $0x80, s3, s14, $0xb8;
	[tilespmem:$0x1C800] =	vst v63  }
0x24: {  	_ = 	snop  }
0x25: {  	[tilespmem:s16], [sflag:$0x2] =	stream.indirect.gather [hbm4b:s4+s14], $0x80, s14, s14, $0xb8;
	[tilespmem:$0x1C800] =	vst v63  }
0x26: {  	_ =	swait.ge [sflag:s17], $0x4000  }
0x27: {  	[sflag:s17] =	ssyncset.done $0x0  }
0x28: {  	[sflag:s17] =	ssyncadd.s32 $0xFFFFC000  }
0x29: {  	[spmem:s2] =	stream.indirect.scatter.add.f32 [tilespmem:s15], [sflag:$0x3], $0x80, s13, s14, $0xb8;
	[tilespmem:$0x1C800] =	vst v63  }
0x2a: {  	_ =	swait.ge [sflag:s12], $0x4000  }
0x2b: {  	[sflag:s12] =	ssyncset.done $0x0  }
0x2c: {  	[sflag:s12] =	ssyncadd.s32 $0xFFFFC000  }
0x2d: {  	[tilespmem:s15], [sflag:$0x1] =	stream.indirect.gather [hbm4b:s4+s14], $0x80, s18, s14, $0xb8;
	[tilespmem:$0x1C800] =	vst v63  }
0x2e: {  	_ =	swait.ge [sflag:s19], $0x4000  }
0x2f: {  	[sflag:s19] =	ssyncset.done $0x0  }
0x30: {  	[sflag:s19] =	ssyncadd.s32 $0xFFFFC000  }
0x31: {  	[spmem:s2] =	stream.indirect.scatter.add.f32 [tilespmem:s16], [sflag:$0x3], $0x80, s20, s14, $0xb8;
	[tilespmem:$0x1C800] =	vst v63  }
0x32: {  	_ =	swait.ge [sflag:s12], $0x4000  }
0x33: {  	[sflag:s12] =	ssyncset.done $0x0  }
0x34: {  	[sflag:s12] =	ssyncadd.s32 $0xFFFFC000  }
0x35: {  	[tilespmem:s16], [sflag:$0x2] =	stream.indirect.gather [hbm4b:s4+s14], $0x80, s21, s14, $0xb8;
	[tilespmem:$0x1C800] =	vst v63  }
0x36: {  	_ =	swait.ge [sflag:s17], $0x4000  }
0x37: {  	[sflag:s17] =	ssyncset.done $0x0  }
0x38: {  	[sflag:s17] =	ssyncadd.s32 $0xFFFFC000  }
0x39: {  	[spmem:s2] =	stream.indirect.scatter.add.f32 [tilespmem:s15], [sflag:$0x3], $0x80, s22, s14, $0xb8;
	[tilespmem:$0x1C800] =	vst v63  }
0x3a: {  	_ =	swait.ge [sflag:s12], $0x4000  }
0x3b: {  	[sflag:s12] =	ssyncset.done $0x0  }
0x3c: {  	[sflag:s12] =	ssyncadd.s32 $0xFFFFC000  }
0x3d: {  	[tilespmem:s15], [sflag:$0x1] =	stream.indirect.gather [hbm4b:s4+s14], $0x80, s23, s14, $0xb8;
	[tilespmem:$0x1C800] =	vst v63  }
0x3e: {  	_ =	swait.ge [sflag:s19], $0x4000  }
0x3f: {  	[sflag:s19] =	ssyncset.done $0x0  }
0x40: {  	[sflag:s19] =	ssyncadd.s32 $0xFFFFC000  }
0x41: {  	[spmem:s2] =	stream.indirect.scatter.add.f32 [tilespmem:s16], [sflag:$0x3], $0x80, s24, s14, $0xb8;
	[tilespmem:$0x1C800] =	vst v63  }
0x42: {  	_ =	swait.ge [sflag:s12], $0x4000  }
0x43: {  	[sflag:s12] =	ssyncset.done $0x0  }
0x44: {  	[sflag:s12] =	ssyncadd.s32 $0xFFFFC000  }
0x45: {  	[tilespmem:s16], [sflag:$0x2] =	stream.indirect.gather [hbm4b:s4+s14], $0x80, s25, s14, $0xb8;
	[tilespmem:$0x1C800] =	vst v63  }
0x46: {  	_ =	swait.ge [sflag:s17], $0x4000  }
0x47: {  	[sflag:s17] =	ssyncset.done $0x0  }
0x48: {  	[sflag:s17] =	ssyncadd.s32 $0xFFFFC000  }
0x49: {  	[spmem:s2] =	stream.indirect.scatter.add.f32 [tilespmem:s15], [sflag:$0x3], $0x80, s26, s14, $0xb8;
	[tilespmem:$0x1C800] =	vst v63  }
0x4a: {  	_ =	swait.ge [sflag:s12], $0x4000  }
0x4b: {  	[sflag:s12] =	ssyncset.done $0x0  }
0x4c: {  	[sflag:s12] =	ssyncadd.s32 $0xFFFFC000  }
0x4d: {  	[tilespmem:s15], [sflag:$0x1] =	stream.indirect.gather [hbm4b:s4+s14], $0x80, s28, s14, $0xb8;
	[tilespmem:$0x1C800] =	vst v63  }
0x4e: {  	_ =	swait.ge [sflag:s19], $0x4000  }
0x4f: {  	[sflag:s19] =	ssyncset.done $0x0  }
0x50: {  	[sflag:s19] =	ssyncadd.s32 $0xFFFFC000  }
0x51: {  	[spmem:s2] =	stream.indirect.scatter.add.f32 [tilespmem:s16], [sflag:$0x3], $0x80, s29, s14, $0xb8;
	[tilespmem:$0x1C800] =	vst v63  }
0x52: {  	_ =	swait.ge [sflag:s12], $0x4000  }
0x53: {  	[sflag:s12] =	ssyncset.done $0x0  }
0x54: {  	[sflag:s12] =	ssyncadd.s32 $0xFFFFC000  }
0x55: {  	[tilespmem:s16], [sflag:$0x2] =	stream.indirect.gather [hbm4b:s4+s14], $0x80, s30, s14, $0xb8;
	[tilespmem:$0x1C800] =	vst v63  }
0x56: {  	_ =	swait.ge [sflag:s17], $0x4000  }
0x57: {  	[sflag:s17] =	ssyncset.done $0x0  }
0x58: {  	[sflag:s17] =	ssyncadd.s32 $0xFFFFC000  }
0x59: {  	[spmem:s2] =	stream.indirect.scatter.add.f32 [tilespmem:s15], [sflag:$0x3], $0x80, s31, s14, $0xb8;
	[tilespmem:$0x1C800] =	vst v63  }
0x5a: {  	_ =	swait.ge [sflag:s12], $0x4000  }
0x5b: {  	[sflag:s12] =	ssyncset.done $0x0  }
0x5c: {  	[sflag:s12] =	ssyncadd.s32 $0xFFFFC000  }
0x5d: {  	_ =	swait.ge [sflag:s19], $0x4000  }
0x5e: {  	[sflag:s19] =	ssyncset.done $0x0  }
0x5f: {  	[sflag:s19] =	ssyncadd.s32 $0xFFFFC000  }
0x60: {  	[spmem:s2] =	stream.indirect.scatter.add.f32 [tilespmem:s16], [sflag:$0x3], $0x80, s1, s14, $0xb8;
	[tilespmem:$0x1C800] =	vst v63  }
0x61: {  	_ =	swait.ge [sflag:s12], $0x4000  }
0x62: {  	s5 =	simm.s32 $0x80;
	s7 =	simm.s32 $0x100;
	[sflag:s12] =	ssyncset.done $0x0  }
.LBB2_2:
0x63: {  	s6 =	sadd.s32 s5, s10  }
0x64: {  	[sflag:s12] =	ssyncadd.s32 $0xFFFFC000;
	s11 =	smov.u32 s7;
	s8 =	sadd.s32 $0x80, s7  }
0x65: {  	[tilespmem:s3], [sflag:$0x3] =	stream.linear.gather [hbm4b:s6+s3], $0x400, $0x38;
	[tilespmem:$0x1C800] =	vst v63  }
0x66: {  	p0 =	sne.s32 s7, $0x480;
	_ =	swait.ge [sflag:s12], $0x400  }
0x67: {  	[sflag:s12] =	ssyncset.done $0x0  }
0x68: {  	s6 =	sadd.s32 s5, s9;
	s5 =	smov.u32 s11;
	[sflag:s12] =	ssyncadd.s32 $0xFFFFFC00  }
0x69: {  	[tilespmem:s13], [sflag:$0x3] =	stream.linear.gather [hbm4b:s6+s3], $0x400, $0x38;
	[tilespmem:$0x1C800] =	vst v63  }
0x6a: {  	_ =	swait.ge [sflag:s12], $0x400  }
0x6b: {  	[sflag:s12] =	ssyncset.done $0x0  }
0x6c: {  	[sflag:s12] =	ssyncadd.s32 $0xFFFFFC00  }
0x6d: {  	[tilespmem:s15], [sflag:$0x1] =	stream.indirect.gather [hbm4b:s4+s14], $0x80, s3, s14, $0xb8;
	[tilespmem:$0x1C800] =	vst v63  }
0x6e: {  	_ = 	snop  }
0x6f: {  	[tilespmem:s16], [sflag:$0x2] =	stream.indirect.gather [hbm4b:s4+s14], $0x80, s14, s14, $0xb8;
	[tilespmem:$0x1C800] =	vst v63  }
0x70: {  	_ =	swait.ge [sflag:s17], $0x4000  }
0x71: {  	[sflag:s17] =	ssyncset.done $0x0  }
0x72: {  	[sflag:s17] =	ssyncadd.s32 $0xFFFFC000  }
0x73: {  	[spmem:s2] =	stream.indirect.scatter.add.f32 [tilespmem:s15], [sflag:$0x3], $0x80, s13, s14, $0xb8;
	[tilespmem:$0x1C800] =	vst v63  }
0x74: {  	_ =	swait.ge [sflag:s12], $0x4000  }
0x75: {  	[sflag:s12] =	ssyncset.done $0x0  }
0x76: {  	[sflag:s12] =	ssyncadd.s32 $0xFFFFC000  }
0x77: {  	[tilespmem:s15], [sflag:$0x1] =	stream.indirect.gather [hbm4b:s4+s14], $0x80, s18, s14, $0xb8;
	[tilespmem:$0x1C800] =	vst v63  }
0x78: {  	_ =	swait.ge [sflag:s19], $0x4000  }
0x79: {  	[sflag:s19] =	ssyncset.done $0x0  }
0x7a: {  	[sflag:s19] =	ssyncadd.s32 $0xFFFFC000  }
0x7b: {  	[spmem:s2] =	stream.indirect.scatter.add.f32 [tilespmem:s16], [sflag:$0x3], $0x80, s20, s14, $0xb8;
	[tilespmem:$0x1C800] =	vst v63  }
0x7c: {  	_ =	swait.ge [sflag:s12], $0x4000  }
0x7d: {  	[sflag:s12] =	ssyncset.done $0x0  }
0x7e: {  	[sflag:s12] =	ssyncadd.s32 $0xFFFFC000  }
0x7f: {  	[tilespmem:s16], [sflag:$0x2] =	stream.indirect.gather [hbm4b:s4+s14], $0x80, s21, s14, $0xb8;
	[tilespmem:$0x1C800] =	vst v63  }
0x80: {  	_ =	swait.ge [sflag:s17], $0x4000  }
0x81: {  	[sflag:s17] =	ssyncset.done $0x0  }
0x82: {  	[sflag:s17] =	ssyncadd.s32 $0xFFFFC000  }
0x83: {  	[spmem:s2] =	stream.indirect.scatter.add.f32 [tilespmem:s15], [sflag:$0x3], $0x80, s22, s14, $0xb8;
	[tilespmem:$0x1C800] =	vst v63  }
0x84: {  	_ =	swait.ge [sflag:s12], $0x4000  }
0x85: {  	[sflag:s12] =	ssyncset.done $0x0  }
0x86: {  	[sflag:s12] =	ssyncadd.s32 $0xFFFFC000  }
0x87: {  	[tilespmem:s15], [sflag:$0x1] =	stream.indirect.gather [hbm4b:s4+s14], $0x80, s23, s14, $0xb8;
	[tilespmem:$0x1C800] =	vst v63  }
0x88: {  	_ =	swait.ge [sflag:s19], $0x4000  }
0x89: {  	[sflag:s19] =	ssyncset.done $0x0  }
0x8a: {  	[sflag:s19] =	ssyncadd.s32 $0xFFFFC000  }
0x8b: {  	[spmem:s2] =	stream.indirect.scatter.add.f32 [tilespmem:s16], [sflag:$0x3], $0x80, s24, s14, $0xb8;
	[tilespmem:$0x1C800] =	vst v63  }
0x8c: {  	_ =	swait.ge [sflag:s12], $0x4000  }
0x8d: {  	[sflag:s12] =	ssyncset.done $0x0  }
0x8e: {  	[sflag:s12] =	ssyncadd.s32 $0xFFFFC000  }
0x8f: {  	[tilespmem:s16], [sflag:$0x2] =	stream.indirect.gather [hbm4b:s4+s14], $0x80, s25, s14, $0xb8;
	[tilespmem:$0x1C800] =	vst v63  }
0x90: {  	_ =	swait.ge [sflag:s17], $0x4000  }
0x91: {  	[sflag:s17] =	ssyncset.done $0x0  }
0x92: {  	[sflag:s17] =	ssyncadd.s32 $0xFFFFC000  }
0x93: {  	[spmem:s2] =	stream.indirect.scatter.add.f32 [tilespmem:s15], [sflag:$0x3], $0x80, s26, s14, $0xb8;
	[tilespmem:$0x1C800] =	vst v63  }
0x94: {  	_ =	swait.ge [sflag:s12], $0x4000  }
0x95: {  	[sflag:s12] =	ssyncset.done $0x0  }
0x96: {  	[sflag:s12] =	ssyncadd.s32 $0xFFFFC000  }
0x97: {  	[tilespmem:s15], [sflag:$0x1] =	stream.indirect.gather [hbm4b:s4+s14], $0x80, s28, s14, $0xb8;
	[tilespmem:$0x1C800] =	vst v63  }
0x98: {  	_ =	swait.ge [sflag:s19], $0x4000  }
0x99: {  	[sflag:s19] =	ssyncset.done $0x0  }
0x9a: {  	[sflag:s19] =	ssyncadd.s32 $0xFFFFC000  }
0x9b: {  	[spmem:s2] =	stream.indirect.scatter.add.f32 [tilespmem:s16], [sflag:$0x3], $0x80, s29, s14, $0xb8;
	[tilespmem:$0x1C800] =	vst v63  }
0x9c: {  	_ =	swait.ge [sflag:s12], $0x4000  }
0x9d: {  	[sflag:s12] =	ssyncset.done $0x0  }
0x9e: {  	[sflag:s12] =	ssyncadd.s32 $0xFFFFC000  }
0x9f: {  	[tilespmem:s16], [sflag:$0x2] =	stream.indirect.gather [hbm4b:s4+s14], $0x80, s30, s14, $0xb8;
	[tilespmem:$0x1C800] =	vst v63  }
0xa0: {  	_ =	swait.ge [sflag:s17], $0x4000  }
0xa1: {  	[sflag:s17] =	ssyncset.done $0x0  }
0xa2: {  	[sflag:s17] =	ssyncadd.s32 $0xFFFFC000  }
0xa3: {  	[spmem:s2] =	stream.indirect.scatter.add.f32 [tilespmem:s15], [sflag:$0x3], $0x80, s31, s14, $0xb8;
	[tilespmem:$0x1C800] =	vst v63  }
0xa4: {  	_ =	swait.ge [sflag:s12], $0x4000  }
0xa5: {  	[sflag:s12] =	ssyncset.done $0x0  }
0xa6: {  	[sflag:s12] =	ssyncadd.s32 $0xFFFFC000  }
0xa7: {  	_ =	swait.ge [sflag:s19], $0x4000  }
.Ltmp0:
0xa8: {  	[sflag:s19] =	ssyncset.done $0x0;
	(pc) =	sbr.rel @p0 .LBB2_2-.Ltmp0, $4  }
0xa9: {  	[sflag:s19] =	ssyncadd.s32 $0xFFFFC000  }
0xaa: {  	[spmem:s2] =	stream.indirect.scatter.add.f32 [tilespmem:s16], [sflag:$0x3], $0x80, s1, s14, $0xb8;
	[tilespmem:$0x1C800] =	vst v63  }
0xab: {  	_ =	swait.ge [sflag:s12], $0x4000  }
0xac: {  	s7 =	smov.u32 s8;
	[sflag:s12] =	ssyncset.done $0x0  }
0xad: {  	s6 =	sadd.s32 s5, s10;
	[sflag:s12] =	ssyncadd.s32 $0xFFFFC000  }
0xae: {  	[tilespmem:s3], [sflag:$0x3] =	stream.linear.gather [hbm4b:s6+s3], $0x400, $0x38;
	[tilespmem:$0x1C800] =	vst v63  }
0xaf: {  	_ =	swait.ge [sflag:s12], $0x400  }
0xb0: {  	[sflag:s12] =	ssyncset.done $0x0  }
0xb1: {  	s7 =	sadd.s32 s5, s9;
	[sflag:s12] =	ssyncadd.s32 $0xFFFFFC00  }
0xb2: {  	[tilespmem:s13], [sflag:$0x3] =	stream.linear.gather [hbm4b:s7+s3], $0x400, $0x38;
	[tilespmem:$0x1C800] =	vst v63  }
0xb3: {  	_ =	swait.ge [sflag:s12], $0x400  }
0xb4: {  	[sflag:s12] =	ssyncset.done $0x0  }
0xb5: {  	[sflag:s12] =	ssyncadd.s32 $0xFFFFFC00  }
0xb6: {  	[tilespmem:s15], [sflag:$0x1] =	stream.indirect.gather [hbm4b:s4+s14], $0x80, s3, s14, $0xb8;
	[tilespmem:$0x1C800] =	vst v63  }
0xb7: {  	_ = 	snop  }
0xb8: {  	[tilespmem:s16], [sflag:$0x2] =	stream.indirect.gather [hbm4b:s4+s14], $0x80, s14, s14, $0xb8;
	[tilespmem:$0x1C800] =	vst v63  }
0xb9: {  	_ =	swait.ge [sflag:s17], $0x4000  }
0xba: {  	[sflag:s17] =	ssyncset.done $0x0  }
0xbb: {  	[sflag:s17] =	ssyncadd.s32 $0xFFFFC000  }
0xbc: {  	[spmem:s2] =	stream.indirect.scatter.add.f32 [tilespmem:s15], [sflag:$0x3], $0x80, s13, s14, $0xb8;
	[tilespmem:$0x1C800] =	vst v63  }
0xbd: {  	_ =	swait.ge [sflag:s12], $0x4000  }
0xbe: {  	[sflag:s12] =	ssyncset.done $0x0  }
0xbf: {  	[sflag:s12] =	ssyncadd.s32 $0xFFFFC000  }
0xc0: {  	[tilespmem:s15], [sflag:$0x1] =	stream.indirect.gather [hbm4b:s4+s14], $0x80, s18, s14, $0xb8;
	[tilespmem:$0x1C800] =	vst v63  }
0xc1: {  	_ =	swait.ge [sflag:s19], $0x4000  }
0xc2: {  	[sflag:s19] =	ssyncset.done $0x0  }
0xc3: {  	[sflag:s19] =	ssyncadd.s32 $0xFFFFC000  }
0xc4: {  	[spmem:s2] =	stream.indirect.scatter.add.f32 [tilespmem:s16], [sflag:$0x3], $0x80, s20, s14, $0xb8;
	[tilespmem:$0x1C800] =	vst v63  }
0xc5: {  	_ =	swait.ge [sflag:s12], $0x4000  }
0xc6: {  	[sflag:s12] =	ssyncset.done $0x0  }
0xc7: {  	[sflag:s12] =	ssyncadd.s32 $0xFFFFC000  }
0xc8: {  	[tilespmem:s16], [sflag:$0x2] =	stream.indirect.gather [hbm4b:s4+s14], $0x80, s21, s14, $0xb8;
	[tilespmem:$0x1C800] =	vst v63  }
0xc9: {  	_ =	swait.ge [sflag:s17], $0x4000  }
0xca: {  	[sflag:s17] =	ssyncset.done $0x0  }
0xcb: {  	[sflag:s17] =	ssyncadd.s32 $0xFFFFC000  }
0xcc: {  	[spmem:s2] =	stream.indirect.scatter.add.f32 [tilespmem:s15], [sflag:$0x3], $0x80, s22, s14, $0xb8;
	[tilespmem:$0x1C800] =	vst v63  }
0xcd: {  	_ =	swait.ge [sflag:s12], $0x4000  }
0xce: {  	[sflag:s12] =	ssyncset.done $0x0  }
0xcf: {  	[sflag:s12] =	ssyncadd.s32 $0xFFFFC000  }
0xd0: {  	[tilespmem:s15], [sflag:$0x1] =	stream.indirect.gather [hbm4b:s4+s14], $0x80, s23, s14, $0xb8;
	[tilespmem:$0x1C800] =	vst v63  }
0xd1: {  	_ =	swait.ge [sflag:s19], $0x4000  }
0xd2: {  	[sflag:s19] =	ssyncset.done $0x0  }
0xd3: {  	[sflag:s19] =	ssyncadd.s32 $0xFFFFC000  }
0xd4: {  	[spmem:s2] =	stream.indirect.scatter.add.f32 [tilespmem:s16], [sflag:$0x3], $0x80, s24, s14, $0xb8;
	[tilespmem:$0x1C800] =	vst v63  }
0xd5: {  	_ =	swait.ge [sflag:s12], $0x4000  }
0xd6: {  	[sflag:s12] =	ssyncset.done $0x0  }
0xd7: {  	[sflag:s12] =	ssyncadd.s32 $0xFFFFC000  }
0xd8: {  	[tilespmem:s16], [sflag:$0x2] =	stream.indirect.gather [hbm4b:s4+s14], $0x80, s25, s14, $0xb8;
	[tilespmem:$0x1C800] =	vst v63  }
0xd9: {  	_ =	swait.ge [sflag:s17], $0x4000  }
0xda: {  	[sflag:s17] =	ssyncset.done $0x0  }
0xdb: {  	[sflag:s17] =	ssyncadd.s32 $0xFFFFC000  }
0xdc: {  	[spmem:s2] =	stream.indirect.scatter.add.f32 [tilespmem:s15], [sflag:$0x3], $0x80, s26, s14, $0xb8;
	[tilespmem:$0x1C800] =	vst v63  }
0xdd: {  	_ =	swait.ge [sflag:s12], $0x4000  }
0xde: {  	[sflag:s12] =	ssyncset.done $0x0  }
0xdf: {  	[sflag:s12] =	ssyncadd.s32 $0xFFFFC000  }
0xe0: {  	[tilespmem:s15], [sflag:$0x1] =	stream.indirect.gather [hbm4b:s4+s14], $0x80, s28, s14, $0xb8;
	[tilespmem:$0x1C800] =	vst v63  }
0xe1: {  	_ =	swait.ge [sflag:s19], $0x4000  }
0xe2: {  	[sflag:s19] =	ssyncset.done $0x0  }
0xe3: {  	[sflag:s19] =	ssyncadd.s32 $0xFFFFC000  }
0xe4: {  	[spmem:s2] =	stream.indirect.scatter.add.f32 [tilespmem:s16], [sflag:$0x3], $0x80, s29, s14, $0xb8;
	[tilespmem:$0x1C800] =	vst v63  }
0xe5: {  	_ =	swait.ge [sflag:s12], $0x4000  }
0xe6: {  	[sflag:s12] =	ssyncset.done $0x0  }
0xe7: {  	[sflag:s12] =	ssyncadd.s32 $0xFFFFC000  }
0xe8: {  	[tilespmem:s16], [sflag:$0x2] =	stream.indirect.gather [hbm4b:s4+s14], $0x80, s30, s14, $0xb8;
	[tilespmem:$0x1C800] =	vst v63  }
0xe9: {  	_ =	swait.ge [sflag:s17], $0x4000  }
0xea: {  	[sflag:s17] =	ssyncset.done $0x0  }
0xeb: {  	[sflag:s17] =	ssyncadd.s32 $0xFFFFC000  }
0xec: {  	[spmem:s2] =	stream.indirect.scatter.add.f32 [tilespmem:s15], [sflag:$0x3], $0x80, s31, s14, $0xb8;
	[tilespmem:$0x1C800] =	vst v63  }
0xed: {  	_ =	swait.ge [sflag:s12], $0x4000  }
0xee: {  	[sflag:s12] =	ssyncset.done $0x0  }
0xef: {  	[sflag:s12] =	ssyncadd.s32 $0xFFFFC000  }
0xf0: {  	_ =	swait.ge [sflag:s19], $0x4000  }
0xf1: {  	[sflag:s19] =	ssyncset.done $0x0  }
0xf2: {  	[sflag:s19] =	ssyncadd.s32 $0xFFFFC000  }
0xf3: {  	[spmem:s2] =	stream.indirect.scatter.add.f32 [tilespmem:s16], [sflag:$0x3], $0x80, s1, s14, $0xb8;
	[tilespmem:$0x1C800] =	vst v63  }
0xf4: {  	_ =	swait.ge [sflag:s12], $0x4000  }
0xf5: {  	[sflag:s12] =	ssyncset.done $0x0  }
0xf6: {  	[sflag:s12] =	ssyncadd.s32 $0xFFFFC000  }
0xf7: {  	[bflag:$0x0] =	sbarrier.arrive $0xFFFF  }
0xf8: {  	s6 =	rddreg [dreg:$0x4]  }
0xf9: {  	s8 =	rddreg [dreg:$0x5]  }
0xfa: {  	s7 =	rddreg [dreg:$0x7]  }
0xfb: {  	[hbm:s8], [sflag:s6] =	dma.local [spmem:s7], $0x2800  }
0xfc: {  	_ =	swait.ge [sflag:s12], $0x2800  }
0xfd: {  	s0 =	sadd.s32 $0x1, s0;
	s11 =	rddreg [dreg:$0x6]  }
0xfe: {  	p0 =	sne.s32 s0, s11  }
.Ltmp1:
0xff: {  	_ = 	snop;
	(pc) =	sbr.rel @p0 .LBB2_1-.Ltmp1, $3  }
0x100: {  	_ =	sdelay $0x1  }
0x101: {  	[sflag:s12] =	ssyncset.done $0x0  }
0x102: {  	[sflag:s12] =	ssyncadd.s32 $0xFFFFD800  }
0x103: {  	_ =	sfence.sel $0x180000  }
0x104: {  	[bflag:$0x0] =	sbarrier.arrive $0xFFFF  }
0x105: {  	_ =	strace $0x90000047  }
0x106: {  	s0 =	stileid.u32;
	[bflag:$0x2] =	sbarrier.arrive $0xFFFF  }
0x107: {  	p0 =	sne.s32 s0, $0x0;
	s0 =	rddreg [dreg:$0x2]  }
0x108: {  	s0 =	sadd.s32 @!p0 $0x100000, s0  }
0x109: {  	[sflag:s0] =	ssyncadd.tile.s32 @!p0 $0x1;
	_ =	shalt  }
.Lfunc_end2:
_tile_overlayer_lowered:
.L_overlay_start_2:
0x10a: {  	(tag) =	ssettag $0x2  }
0x10b: {  	s0 =	rddreg [dreg:$0x0];
	s2 =	stileid.u32  }
0x10c: {  	s1 =	rddreg [dreg:$0x1];
	p0 =	sne.s32 s2, $0x0  }
0x10d: {  	s3 =	rddreg [dreg:$0x2];
	[bflag:$0x3] =	sbarrier.arrive $0xFFFF;
	s2 =	simm.s32 @!p0 $0x1C03  }
0x10e: {  	[timem:s3], [sflag:s2] =	dma.local @!p0 [hbm:s0], s1  }
0x10f: {  	s0 =	simm.s32 @!p0 $0x3  }
0x110: {  	_ =	swait.ge @!p0 [sflag:s0], s1  }
0x111: {  	s1 =	ssub.s32 @!p0 $0x0, s1;
	[sflag:s0] =	ssyncset.done @!p0 $0x0  }
0x112: {  	[sflag:s0] =	ssyncadd.s32 @!p0 s1  }
0x113: {  	[bflag:$0x3] =	sbarrier.arrive $0xFFFF  }
0x114: {  	_ =	shalt  }

// kernel: kernel.15.cloned.1.call-start
scs
__scs_entry_jumppad:
0x0: {  	(pc) =	sbr.rel $0x88, $3  }
0x1: {  	(tag) =	ssettag $0x0;
	lr =	simm.s32 $0x1  }
0x2: {  	[smem:$0x3F8D] =	sst lr;
	_ =	strace $0xD0000000  }
0x3: {  	_ = 	snop  }
0x4: {  	_ = 	snop  }
0x5: {  	_ = 	snop  }
0x6: {  	_ = 	snop  }
0x7: {  	_ = 	snop  }
__scs_overlays_trampoline_lowered:
0x8: {  	[smem:$0x3F9C] =	sst s0  }
0x9: {  	[smem:$0x3F9D] =	sst s1  }
0xa: {  	[smem:$0x3F9E] =	sst s2  }
0xb: {  	[smem:$0x3F9F] =	sst s3  }
0xc: {  	[smem:$0x3FA0] =	sst s4  }
0xd: {  	[smem:$0x3FA1] =	sst s5  }
0xe: {  	[smem:$0x3FA2] =	sst s6  }
0xf: {  	[smem:$0x3FA3] =	sst s7  }
0x10: {  	[smem:$0x3FA4] =	sst s8  }
0x11: {  	[smem:$0x3FA5] =	sst s9;
	s0 =	simm.s32 @!p0 $0x0  }
0x12: {  	s1 =	sld [smem:$0x3F8B];
	s0 =	simm.s32 @p0 $0x1  }
0x13: {  	[smem:$0x3FA6] =	sst s0;
	s0 =	simm.s32 @!p1 $0x0  }
0x14: {  	s2 =	sld [smem:$0x3F8A];
	s0 =	simm.s32 @p1 $0x1  }
0x15: {  	[smem:$0x3FA7] =	sst s0;
	s0 =	simm.s32 @!p2 $0x0  }
0x16: {  	s3 =	sld [smem:$0x3FDB];
	s0 =	simm.s32 @p2 $0x1  }
0x17: {  	s4 =	simm.s32 $0x1BF5;
	[smem:$0x3FA9] =	sst s0  }
0x18: {  	s0 =	sld [smem:$0x3F8C];
	_ =	swait.ge [sflag:s4], $0x0  }
0x19: {  	s7 =	sld [smem:$0x3F8D]  }
0x1a: {  	s8 =	sadd.s32 $0xFFFFE003, lr  }
0x1b: {  	s9 =	sadd.s32 $0xFFFFFEF7, lr;
	s5 =	simm.s32 $0xFFFFFFFF;
	p2 =	slt.u32 s8, $0xFFFFF086  }
0x1c: {  	p1 =	slt.u32 s9, $0xF7A;
	s5 =	simm.s32 @!p2 $0x0  }
0x1d: {  	s5 =	simm.s32 @p1 $0x1;
	p0 =	seq.s32 s7, s2  }
0x1e: {  	s7 =	smul.u32 @!p0 $0xF7A, s2;
	p2 =	seq.s32 @!p0 s5, $0x0  }
0x1f: {  	s9 =	smul.u32 $0xF7A, s1;
	s8 =	simm.s32 @!p0 $0x1BF5;
	p2 =	por !p2, p0  }
0x20: {  	[sflag:s8] =	ssyncset.s32 @!p0 $0xFFFFF086;
	s6 =	sadd.s32 @!p0 s3, s7;
	s7 =	simm.s32 @!p0 $0x108  }
0x21: {  	s3 =	sadd.s32 s3, s9;
	s6 =	sadd.s32 @!p0 $0x88, s6;
	s7 =	simm.s32 @p2 $0x1082  }
0x22: {  	[simem:s7], [sflag:s8] =	dma.local @!p0 [hbm:s6], $0xF7A  }
0x23: {  	s9 =	sor.u32 $0xD0000000, s2;
	s6 =	simm.s32 $0x108;
	_ =	swait.ge @!p0 [sflag:s8], $0x0  }
0x24: {  	s3 =	sadd.s32 $0x88, s3;
	s6 =	simm.s32 @!p1 $0x1082;
	[sflag:s4] =	ssyncset.s32 $0xFFFFF086  }
0x25: {  	[simem:s6], [sflag:s4] =	dma.local [hbm:s3], $0xF7A  }
0x26: {  	[smem:$0x3F8D] =	sst s1;
	(tag) =	ssettag s2;
	_ =	strace s9  }
0x27: {  	s1 =	sld [smem:$0x3F9D]  }
0x28: {  	s2 =	sld [smem:$0x3F9E]  }
0x29: {  	s4 =	sld [smem:$0x3FA0]  }
0x2a: {  	p0 =	seq.s32 s5, $0x0;
	s5 =	sld [smem:$0x3FA1]  }
0x2b: {  	s6 =	sld [smem:$0x3FA2]  }
0x2c: {  	s7 =	sld [smem:$0x3FA3]  }
0x2d: {  	s3 =	simm.s32 $0x108;
	s8 =	sld [smem:$0x3FA4]  }
0x2e: {  	s3 =	simm.s32 @!p0 $0x1082;
	s9 =	sld [smem:$0x3FA5]  }
0x2f: {  	lr =	sadd.s32 s0, s3;
	s0 =	sld [smem:$0x3F9C]  }
0x30: {  	s3 =	sld [smem:$0x3F9F]  }
0x31: {  	[smem:$0x3FA8] =	sst s10  }
0x32: {  	s10 =	sld [smem:$0x3FA6];
	_ =	sdelay $0x3  }
0x33: {  	p0 =	seq.s32 s10, $0x1;
	s10 =	sld [smem:$0x3FA8];
	_ =	sdelay $0x3  }
0x34: {  	[smem:$0x3FA8] =	sst s10  }
0x35: {  	s10 =	sld [smem:$0x3FA7];
	_ =	sdelay $0x3  }
0x36: {  	p1 =	seq.s32 s10, $0x1;
	s10 =	sld [smem:$0x3FA8];
	_ =	sdelay $0x3  }
0x37: {  	[smem:$0x3FA8] =	sst s10  }
0x38: {  	s10 =	sld [smem:$0x3FA9]  }
0x39: {  	_ = 	snop;
	(pc) =	sbr.ind lr, $3  }
0x3a: {  	_ = 	snop  }
0x3b: {  	_ = 	snop  }
0x3c: {  	p2 =	seq.s32 s10, $0x1;
	s10 =	sld [smem:$0x3FA8]  }
0x3d: {  	_ =	shalt  }
0x3e: {  	_ =	shalt  }
0x3f: {  	_ =	shalt  }
0x40: {  	_ =	shalt  }
0x41: {  	_ =	shalt  }
0x42: {  	_ =	shalt  }
0x43: {  	_ =	shalt  }
0x44: {  	_ =	shalt  }
0x45: {  	_ =	shalt  }
0x46: {  	_ =	shalt  }
0x47: {  	_ =	shalt  }
0x48: {  	_ =	shalt  }
0x49: {  	_ =	shalt  }
0x4a: {  	_ =	shalt  }
0x4b: {  	_ =	shalt  }
0x4c: {  	_ =	shalt  }
0x4d: {  	_ =	shalt  }
0x4e: {  	_ =	shalt  }
0x4f: {  	_ =	shalt  }
0x50: {  	_ =	shalt  }
0x51: {  	_ =	shalt  }
0x52: {  	_ =	shalt  }
0x53: {  	_ =	shalt  }
0x54: {  	_ =	shalt  }
0x55: {  	_ =	shalt  }
0x56: {  	_ =	shalt  }
0x57: {  	_ =	shalt  }
0x58: {  	_ =	shalt  }
0x59: {  	_ =	shalt  }
0x5a: {  	_ =	shalt  }
0x5b: {  	_ =	shalt  }
0x5c: {  	_ =	shalt  }
0x5d: {  	_ =	shalt  }
0x5e: {  	_ =	shalt  }
0x5f: {  	_ =	shalt  }
0x60: {  	_ =	shalt  }
0x61: {  	_ =	shalt  }
0x62: {  	_ =	shalt  }
0x63: {  	_ =	shalt  }
0x64: {  	_ =	shalt  }
0x65: {  	_ =	shalt  }
0x66: {  	_ =	shalt  }
0x67: {  	_ =	shalt  }
0x68: {  	_ =	shalt  }
0x69: {  	_ =	shalt  }
0x6a: {  	_ =	shalt  }
0x6b: {  	_ =	shalt  }
0x6c: {  	_ =	shalt  }
0x6d: {  	_ =	shalt  }
0x6e: {  	_ =	shalt  }
0x6f: {  	_ =	shalt  }
0x70: {  	_ =	shalt  }
0x71: {  	_ =	shalt  }
0x72: {  	_ =	shalt  }
0x73: {  	_ =	shalt  }
0x74: {  	_ =	shalt  }
0x75: {  	_ =	shalt  }
0x76: {  	_ =	shalt  }
0x77: {  	_ =	shalt  }
0x78: {  	_ =	shalt  }
0x79: {  	_ =	shalt  }
0x7a: {  	_ =	shalt  }
0x7b: {  	_ =	shalt  }
0x7c: {  	_ =	shalt  }
0x7d: {  	_ =	shalt  }
0x7e: {  	_ =	shalt  }
0x7f: {  	_ =	shalt  }
0x80: {  	_ =	shalt  }
0x81: {  	_ =	shalt  }
0x82: {  	_ =	shalt  }
0x83: {  	_ =	shalt  }
0x84: {  	_ =	shalt  }
0x85: {  	_ =	shalt  }
0x86: {  	_ =	shalt  }
0x87: {  	_ =	shalt  }
.Lfunc_end0:
.L_simem_size_0:
called_computation.1_lowered:
.L_overlay_start_0:
0x88: {  	s2 =	sld [smem:$0x3FD9]  }
0x89: {  	s3 =	sld [smem:$0x3FFE];
	_ =	sdelay $0x1  }
0x8a: {  	s1 =	srdreg.scid  }
0x8b: {  	s0 =	sand.u32 $0x1, s1  }
0x8c: {  	s16 =	sshll.u32 s0, $0xA;
	s2 =	sadd.s32 s3, s2  }
0x8d: {  	s2 =	sadd.s32 s2, s16  }
0x8e: {  	[smem:$0x3FB4] =	sst s2  }
0x8f: {  	_ = 	snop  }
0x90: {  	(tm) =	ssettm $0x1  }
0x91: {  	s17 =	sld [smem:$0x3FFB];
	_ =	sdelay $0x3  }
0x92: {  	_ =	strace s17  }
0x93: {  	s2 =	sld [smem:$0x3FFC];
	_ =	sdelay $0x3  }
0x94: {  	_ =	strace s2  }
0x95: {  	s2 =	sld [smem:$0x3FFD];
	_ =	sdelay $0x3  }
0x96: {  	_ =	strace s2  }
0x97: {  	_ =	strace $0x8FFFFFFF  }
0x98: {  	s18 =	sld [smem:$0x3FDB];
	_ =	sdelay $0x1  }
0x99: {  	s19 =	simm.s32 $_scs_section_size  }
0x9a: {  	s4 =	simm.s32 $_size__tile_overlayer_lowered;
	s5 =	simm.s32 $_tile_overlayer_lowered  }
0x9b: {  	s22 =	simm.s32 $0x1BFF;
	s21 =	sshll.u32 s5, $0x1;
	s2 =	sadd.s32 s19, s18  }
0x9c: {  	s6 =	simm.s32 $0x0;
	s20 =	sshll.u32 s4, $0x1;
	s4 =	sadd.s32 s21, s2  }
0x9d: {  	[timem:s6], [sflag:s22] =	dma.local [hbm:s4], s20  }
0x9e: {  	_ =	swait.ge [sflag:s22], s20  }
0x9f: {  	s3 =	ssub.s32 $0x0, s20;
	[sflag:s22] =	ssyncset.done $0x0  }
0xa0: {  	[sflag:s22] =	ssyncadd.s32 s3;
	_ =	sdelay $0x1  }
0xa1: {  	s23 =	simm.s32 $0x1B8B  }
0xa2: {  	_ =	swait.ge [sflag:s23], $0x1  }
0xa3: {  	[sflag:s23] =	ssyncset.done $0x0  }
0xa4: {  	s25 =	simm.s32 $0x1B8E;
	s24 =	sld [smem:$0x3FFE];
	[sflag:s23] =	ssyncadd.s32 $0xFFFFFFFF  }
0xa5: {  	s26 =	simm.s32 $execute0_lowered;
	[smem:$0x3FD2] =	sst s25  }
0xa6: {  	s4 =	sshll.u32 s26, $0x1;
	_ =	strace $0x80000049;
	[dreg:$0x1] =	wrdreg $0xFFFFFFFF  }
0xa7: {  	s28 =	simm.s32 $_size_execute0_lowered;
	s2 =	sadd.s32 s2, s4;
	[dreg:$0x0] =	wrdreg $0x0  }
0xa8: {  	s4 =	sshll.u32 s28, $0x1;
	[dreg:$0x2] =	wrdreg s2  }
0xa9: {  	[dreg:$0x3] =	wrdreg s4  }
0xaa: {  	[dreg:$0x4] =	wrdreg $0xC0  }
0xab: {  	_ =	task [dreg:s6], $0x5FFFF  }
0xac: {  	[dreg:$0x1] =	wrdreg $0xFFFFFFFF  }
0xad: {  	[dreg:$0x0] =	wrdreg $0x60  }
0xae: {  	[dreg:$0x2] =	wrdreg s24  }
0xaf: {  	[dreg:$0x3] =	wrdreg $0x88000  }
0xb0: {  	[dreg:$0x4] =	wrdreg $0x9  }
0xb1: {  	_ =	task.clear_ibuf [dreg:s6], $0x5FFFF;
	_ =	strace $0x90000049  }
0xb2: {  	s29 =	simm.s32 $0x9;
	_ =	strace $0x8000004B  }
0xb3: {  	_ =	swait.ge [sflag:s29], $0x1  }
0xb4: {  	[sflag:s29] =	ssyncadd.s32 $0xFFFFFFFF  }
0xb5: {  	_ =	strace $0x9000004B  }
0xb6: {  	_ =	sfence  }
0xb7: {  	s30 =	sld [smem:$0x0];
	_ =	sdelay $0x2  }
0xb8: {  	s31 =	sshll.u32 s1, $0xD;
	s1 =	sshrl.u32 s1, $0x2  }
0xb9: {  	s3 =	sand.u32 $0x4000, s31;
	s1 =	sadd.s32 s1, s30  }
0xba: {  	s0 =	sor.u32 s3, s0;
	s1 =	sshll.u32 s1, $0x11  }
0xbb: {  	s0 =	sor.u32 s1, s0  }
0xbc: {  	s0 =	sadd.s32 $0x8F2B, s0  }
0xbd: {  	[sflag:s0] =	ssyncadd.remote.s32 $0x1  }
0xbe: {  	_ =	sfence.sel $0xFFFF  }
0xbf: {  	[dreg:$0x0] =	wrdreg $0xFFFFFFFF;
	(pc) =	sbr.abs _section_cstart, $3  }
0xc0: {  	[dreg:$0x1] =	wrdreg $0xFFFFFFFF  }
0xc1: {  	_ =	task.clear_ibuf [dreg:s6], $0x2FFFF;
	_ =	strace $0x9FFFFFFF  }
0xc2: {  	(tm) =	ssettm $0x7FFFFFFF  }
0xc3: {  	_ =	shalt  }
tec
execute0_lowered:
.L_overlay_start_1:
0x0: {  	(tag) =	ssettag $0x1  }
0x1: {  	s0 =	rddreg [dreg:$0x0];
	s1 =	srdreg.scid  }
0x2: {  	s10 =	stileid.u32;
	s2 =	rddreg [dreg:$0x1];
	s3 =	simm.s32 $0x0  }
0x3: {  	s12 =	simm.s32 $0x3;
	s13 =	simm.s32 $0x400;
	s14 =	simm.s32 $0x80  }
0x4: {  	s15 =	simm.s32 $0x800;
	s16 =	simm.s32 $0x4800;
	s17 =	simm.s32 $0x1  }
0x5: {  	s18 =	simm.s32 $0x100;
	s19 =	simm.s32 $0x2;
	s20 =	simm.s32 $0x480  }
0x6: {  	s28 =	simm.s32 $0x300;
	s29 =	simm.s32 $0x680;
	s4 =	smul.u32 $0x5000, s10  }
0x7: {  	s30 =	simm.s32 $0x380;
	s31 =	simm.s32 $0x700;
	s6 =	smul.u32 $0x2800, s10  }
0x8: {  	s1 =	sand.u32 $0x1, s1;
	[smem:$0x7FF] =	sst s3;
	s8 =	smul.u32 $0x50000, s10  }
0x9: {  	s25 =	sshll.u32 s10, $0x6;
	s5 =	smul.u32 $0x2800, s1;
	_ =	strace $0x8000004A  }
0xa: {  	s7 =	smul.u32 $0x28000, s1;
	s1 =	ssub.s32 $0x2, s1;
	s9 =	sadd.s32 s6, s0  }
0xb: {  	s21 =	sshrl.u32 s1, $0x1;
	s22 =	sshrl.u32 s8, $0x2;
	s5 =	sadd.s32 s5, s4  }
0xc: {  	s4 =	sadd.s32 $0x18E00, s0;
	s6 =	sadd.s32 s6, s7;
	s1 =	ssub.s32 s1, s21  }
0xd: {  	s23 =	sadd.s32 s22, s2;
	s24 =	sadd.s32 $0x40E00, s9;
	s21 =	simm.s32 $0x180  }
0xe: {  	s22 =	simm.s32 $0x500;
	s5 =	sshrl.u32 s5, $0x3;
	[dreg:$0x3] =	wrdreg s24  }
0xf: {  	s26 =	smax.u32 s1, $0x1;
	s7 =	sshrl.u32 s23, $0x3;
	s23 =	simm.s32 $0x200  }
0x10: {  	s24 =	simm.s32 $0x580;
	s1 =	simm.s32 $0x780;
	s5 =	sadd.s32 s5, s0  }
0x11: {  	s0 =	sadd.s32 s6, s0;
	s6 =	sor.u32 $0x1C03, s25;
	[dreg:$0x6] =	wrdreg s26  }
0x12: {  	s25 =	simm.s32 $0x280;
	s26 =	simm.s32 $0x600;
	[dreg:$0x7] =	wrdreg s7  }
0x13: {  	s0 =	sadd.s32 $0x68E00, s0;
	s9 =	sadd.s32 $0x4E00, s5;
	[dreg:$0x4] =	wrdreg s6  }
0x14: {  	s10 =	sadd.s32 $0xEE00, s5;
	[dreg:$0x5] =	wrdreg s0;
	s0 =	simm.s32 $0x0  }
.LBB2_1:
0x15: {  	s5 =	rddreg [dreg:$0x3]  }
0x16: {  	[spmem:s7], [sflag:s6] =	dma.local [hbm:s5], $0x2800  }
0x17: {  	_ =	swait.ge [sflag:s12], $0x2800  }
0x18: {  	[sflag:s12] =	ssyncset.done $0x0  }
0x19: {  	[sflag:s12] =	ssyncadd.s32 $0xFFFFD800  }
0x1a: {  	s8 =	sadd.s32 $0x0, s10;
	[bflag:$0x0] =	sbarrier.arrive $0xFFFF  }
0x1b: {  	[tilespmem:s3], [sflag:$0x3] =	stream.linear.gather [hbm4b:s8+s3], $0x400, $0x38;
	[tilespmem:$0x1C800] =	vst v63  }
0x1c: {  	_ =	swait.ge [sflag:s12], $0x400  }
0x1d: {  	[sflag:s12] =	ssyncset.done $0x0  }
0x1e: {  	s11 =	sadd.s32 $0x0, s9;
	[sflag:s12] =	ssyncadd.s32 $0xFFFFFC00  }
0x1f: {  	[tilespmem:s13], [sflag:$0x3] =	stream.linear.gather [hbm4b:s11+s3], $0x400, $0x38;
	[tilespmem:$0x1C800] =	vst v63  }
0x20: {  	_ =	swait.ge [sflag:s12], $0x400  }
0x21: {  	[sflag:s12] =	ssyncset.done $0x0  }
0x22: {  	[sflag:s12] =	ssyncadd.s32 $0xFFFFFC00  }
0x23: {  	[tilespmem:s15], [sflag:$0x1] =	stream.indirect.gather [hbm4b:s4+s14], $0x80, s3, s14, $0xb8;
	[tilespmem:$0x1C800] =	vst v63  }
0x24: {  	_ = 	snop  }
0x25: {  	[tilespmem:s16], [sflag:$0x2] =	stream.indirect.gather [hbm4b:s4+s14], $0x80, s14, s14, $0xb8;
	[tilespmem:$0x1C800] =	vst v63  }
0x26: {  	_ =	swait.ge [sflag:s17], $0x4000  }
0x27: {  	[sflag:s17] =	ssyncset.done $0x0  }
0x28: {  	[sflag:s17] =	ssyncadd.s32 $0xFFFFC000  }
0x29: {  	[spmem:s2] =	stream.indirect.scatter.add.f32 [tilespmem:s15], [sflag:$0x3], $0x80, s13, s14, $0xb8;
	[tilespmem:$0x1C800] =	vst v63  }
0x2a: {  	_ =	swait.ge [sflag:s12], $0x4000  }
0x2b: {  	[sflag:s12] =	ssyncset.done $0x0  }
0x2c: {  	[sflag:s12] =	ssyncadd.s32 $0xFFFFC000  }
0x2d: {  	[tilespmem:s15], [sflag:$0x1] =	stream.indirect.gather [hbm4b:s4+s14], $0x80, s18, s14, $0xb8;
	[tilespmem:$0x1C800] =	vst v63  }
0x2e: {  	_ =	swait.ge [sflag:s19], $0x4000  }
0x2f: {  	[sflag:s19] =	ssyncset.done $0x0  }
0x30: {  	[sflag:s19] =	ssyncadd.s32 $0xFFFFC000  }
0x31: {  	[spmem:s2] =	stream.indirect.scatter.add.f32 [tilespmem:s16], [sflag:$0x3], $0x80, s20, s14, $0xb8;
	[tilespmem:$0x1C800] =	vst v63  }
0x32: {  	_ =	swait.ge [sflag:s12], $0x4000  }
0x33: {  	[sflag:s12] =	ssyncset.done $0x0  }
0x34: {  	[sflag:s12] =	ssyncadd.s32 $0xFFFFC000  }
0x35: {  	[tilespmem:s16], [sflag:$0x2] =	stream.indirect.gather [hbm4b:s4+s14], $0x80, s21, s14, $0xb8;
	[tilespmem:$0x1C800] =	vst v63  }
0x36: {  	_ =	swait.ge [sflag:s17], $0x4000  }
0x37: {  	[sflag:s17] =	ssyncset.done $0x0  }
0x38: {  	[sflag:s17] =	ssyncadd.s32 $0xFFFFC000  }
0x39: {  	[spmem:s2] =	stream.indirect.scatter.add.f32 [tilespmem:s15], [sflag:$0x3], $0x80, s22, s14, $0xb8;
	[tilespmem:$0x1C800] =	vst v63  }
0x3a: {  	_ =	swait.ge [sflag:s12], $0x4000  }
0x3b: {  	[sflag:s12] =	ssyncset.done $0x0  }
0x3c: {  	[sflag:s12] =	ssyncadd.s32 $0xFFFFC000  }
0x3d: {  	[tilespmem:s15], [sflag:$0x1] =	stream.indirect.gather [hbm4b:s4+s14], $0x80, s23, s14, $0xb8;
	[tilespmem:$0x1C800] =	vst v63  }
0x3e: {  	_ =	swait.ge [sflag:s19], $0x4000  }
0x3f: {  	[sflag:s19] =	ssyncset.done $0x0  }
0x40: {  	[sflag:s19] =	ssyncadd.s32 $0xFFFFC000  }
0x41: {  	[spmem:s2] =	stream.indirect.scatter.add.f32 [tilespmem:s16], [sflag:$0x3], $0x80, s24, s14, $0xb8;
	[tilespmem:$0x1C800] =	vst v63  }
0x42: {  	_ =	swait.ge [sflag:s12], $0x4000  }
0x43: {  	[sflag:s12] =	ssyncset.done $0x0  }
0x44: {  	[sflag:s12] =	ssyncadd.s32 $0xFFFFC000  }
0x45: {  	[tilespmem:s16], [sflag:$0x2] =	stream.indirect.gather [hbm4b:s4+s14], $0x80, s25, s14, $0xb8;
	[tilespmem:$0x1C800] =	vst v63  }
0x46: {  	_ =	swait.ge [sflag:s17], $0x4000  }
0x47: {  	[sflag:s17] =	ssyncset.done $0x0  }
0x48: {  	[sflag:s17] =	ssyncadd.s32 $0xFFFFC000  }
0x49: {  	[spmem:s2] =	stream.indirect.scatter.add.f32 [tilespmem:s15], [sflag:$0x3], $0x80, s26, s14, $0xb8;
	[tilespmem:$0x1C800] =	vst v63  }
0x4a: {  	_ =	swait.ge [sflag:s12], $0x4000  }
0x4b: {  	[sflag:s12] =	ssyncset.done $0x0  }
0x4c: {  	[sflag:s12] =	ssyncadd.s32 $0xFFFFC000  }
0x4d: {  	[tilespmem:s15], [sflag:$0x1] =	stream.indirect.gather [hbm4b:s4+s14], $0x80, s28, s14, $0xb8;
	[tilespmem:$0x1C800] =	vst v63  }
0x4e: {  	_ =	swait.ge [sflag:s19], $0x4000  }
0x4f: {  	[sflag:s19] =	ssyncset.done $0x0  }
0x50: {  	[sflag:s19] =	ssyncadd.s32 $0xFFFFC000  }
0x51: {  	[spmem:s2] =	stream.indirect.scatter.add.f32 [tilespmem:s16], [sflag:$0x3], $0x80, s29, s14, $0xb8;
	[tilespmem:$0x1C800] =	vst v63  }
0x52: {  	_ =	swait.ge [sflag:s12], $0x4000  }
0x53: {  	[sflag:s12] =	ssyncset.done $0x0  }
0x54: {  	[sflag:s12] =	ssyncadd.s32 $0xFFFFC000  }
0x55: {  	[tilespmem:s16], [sflag:$0x2] =	stream.indirect.gather [hbm4b:s4+s14], $0x80, s30, s14, $0xb8;
	[tilespmem:$0x1C800] =	vst v63  }
0x56: {  	_ =	swait.ge [sflag:s17], $0x4000  }
0x57: {  	[sflag:s17] =	ssyncset.done $0x0  }
0x58: {  	[sflag:s17] =	ssyncadd.s32 $0xFFFFC000  }
0x59: {  	[spmem:s2] =	stream.indirect.scatter.add.f32 [tilespmem:s15], [sflag:$0x3], $0x80, s31, s14, $0xb8;
	[tilespmem:$0x1C800] =	vst v63  }
0x5a: {  	_ =	swait.ge [sflag:s12], $0x4000  }
0x5b: {  	[sflag:s12] =	ssyncset.done $0x0  }
0x5c: {  	[sflag:s12] =	ssyncadd.s32 $0xFFFFC000  }
0x5d: {  	_ =	swait.ge [sflag:s19], $0x4000  }
0x5e: {  	[sflag:s19] =	ssyncset.done $0x0  }
0x5f: {  	[sflag:s19] =	ssyncadd.s32 $0xFFFFC000  }
0x60: {  	[spmem:s2] =	stream.indirect.scatter.add.f32 [tilespmem:s16], [sflag:$0x3], $0x80, s1, s14, $0xb8;
	[tilespmem:$0x1C800] =	vst v63  }
0x61: {  	_ =	swait.ge [sflag:s12], $0x4000  }
0x62: {  	s5 =	simm.s32 $0x80;
	s7 =	simm.s32 $0x100;
	[sflag:s12] =	ssyncset.done $0x0  }
.LBB2_2:
0x63: {  	s6 =	sadd.s32 s5, s10  }
0x64: {  	[sflag:s12] =	ssyncadd.s32 $0xFFFFC000;
	s11 =	smov.u32 s7;
	s8 =	sadd.s32 $0x80, s7  }
0x65: {  	[tilespmem:s3], [sflag:$0x3] =	stream.linear.gather [hbm4b:s6+s3], $0x400, $0x38;
	[tilespmem:$0x1C800] =	vst v63  }
0x66: {  	p0 =	sne.s32 s7, $0x480;
	_ =	swait.ge [sflag:s12], $0x400  }
0x67: {  	[sflag:s12] =	ssyncset.done $0x0  }
0x68: {  	s6 =	sadd.s32 s5, s9;
	s5 =	smov.u32 s11;
	[sflag:s12] =	ssyncadd.s32 $0xFFFFFC00  }
0x69: {  	[tilespmem:s13], [sflag:$0x3] =	stream.linear.gather [hbm4b:s6+s3], $0x400, $0x38;
	[tilespmem:$0x1C800] =	vst v63  }
0x6a: {  	_ =	swait.ge [sflag:s12], $0x400  }
0x6b: {  	[sflag:s12] =	ssyncset.done $0x0  }
0x6c: {  	[sflag:s12] =	ssyncadd.s32 $0xFFFFFC00  }
0x6d: {  	[tilespmem:s15], [sflag:$0x1] =	stream.indirect.gather [hbm4b:s4+s14], $0x80, s3, s14, $0xb8;
	[tilespmem:$0x1C800] =	vst v63  }
0x6e: {  	_ = 	snop  }
0x6f: {  	[tilespmem:s16], [sflag:$0x2] =	stream.indirect.gather [hbm4b:s4+s14], $0x80, s14, s14, $0xb8;
	[tilespmem:$0x1C800] =	vst v63  }
0x70: {  	_ =	swait.ge [sflag:s17], $0x4000  }
0x71: {  	[sflag:s17] =	ssyncset.done $0x0  }
0x72: {  	[sflag:s17] =	ssyncadd.s32 $0xFFFFC000  }
0x73: {  	[spmem:s2] =	stream.indirect.scatter.add.f32 [tilespmem:s15], [sflag:$0x3], $0x80, s13, s14, $0xb8;
	[tilespmem:$0x1C800] =	vst v63  }
0x74: {  	_ =	swait.ge [sflag:s12], $0x4000  }
0x75: {  	[sflag:s12] =	ssyncset.done $0x0  }
0x76: {  	[sflag:s12] =	ssyncadd.s32 $0xFFFFC000  }
0x77: {  	[tilespmem:s15], [sflag:$0x1] =	stream.indirect.gather [hbm4b:s4+s14], $0x80, s18, s14, $0xb8;
	[tilespmem:$0x1C800] =	vst v63  }
0x78: {  	_ =	swait.ge [sflag:s19], $0x4000  }
0x79: {  	[sflag:s19] =	ssyncset.done $0x0  }
0x7a: {  	[sflag:s19] =	ssyncadd.s32 $0xFFFFC000  }
0x7b: {  	[spmem:s2] =	stream.indirect.scatter.add.f32 [tilespmem:s16], [sflag:$0x3], $0x80, s20, s14, $0xb8;
	[tilespmem:$0x1C800] =	vst v63  }
0x7c: {  	_ =	swait.ge [sflag:s12], $0x4000  }
0x7d: {  	[sflag:s12] =	ssyncset.done $0x0  }
0x7e: {  	[sflag:s12] =	ssyncadd.s32 $0xFFFFC000  }
0x7f: {  	[tilespmem:s16], [sflag:$0x2] =	stream.indirect.gather [hbm4b:s4+s14], $0x80, s21, s14, $0xb8;
	[tilespmem:$0x1C800] =	vst v63  }
0x80: {  	_ =	swait.ge [sflag:s17], $0x4000  }
0x81: {  	[sflag:s17] =	ssyncset.done $0x0  }
0x82: {  	[sflag:s17] =	ssyncadd.s32 $0xFFFFC000  }
0x83: {  	[spmem:s2] =	stream.indirect.scatter.add.f32 [tilespmem:s15], [sflag:$0x3], $0x80, s22, s14, $0xb8;
	[tilespmem:$0x1C800] =	vst v63  }
0x84: {  	_ =	swait.ge [sflag:s12], $0x4000  }
0x85: {  	[sflag:s12] =	ssyncset.done $0x0  }
0x86: {  	[sflag:s12] =	ssyncadd.s32 $0xFFFFC000  }
0x87: {  	[tilespmem:s15], [sflag:$0x1] =	stream.indirect.gather [hbm4b:s4+s14], $0x80, s23, s14, $0xb8;
	[tilespmem:$0x1C800] =	vst v63  }
0x88: {  	_ =	swait.ge [sflag:s19], $0x4000  }
0x89: {  	[sflag:s19] =	ssyncset.done $0x0  }
0x8a: {  	[sflag:s19] =	ssyncadd.s32 $0xFFFFC000  }
0x8b: {  	[spmem:s2] =	stream.indirect.scatter.add.f32 [tilespmem:s16], [sflag:$0x3], $0x80, s24, s14, $0xb8;
	[tilespmem:$0x1C800] =	vst v63  }
0x8c: {  	_ =	swait.ge [sflag:s12], $0x4000  }
0x8d: {  	[sflag:s12] =	ssyncset.done $0x0  }
0x8e: {  	[sflag:s12] =	ssyncadd.s32 $0xFFFFC000  }
0x8f: {  	[tilespmem:s16], [sflag:$0x2] =	stream.indirect.gather [hbm4b:s4+s14], $0x80, s25, s14, $0xb8;
	[tilespmem:$0x1C800] =	vst v63  }
0x90: {  	_ =	swait.ge [sflag:s17], $0x4000  }
0x91: {  	[sflag:s17] =	ssyncset.done $0x0  }
0x92: {  	[sflag:s17] =	ssyncadd.s32 $0xFFFFC000  }
0x93: {  	[spmem:s2] =	stream.indirect.scatter.add.f32 [tilespmem:s15], [sflag:$0x3], $0x80, s26, s14, $0xb8;
	[tilespmem:$0x1C800] =	vst v63  }
0x94: {  	_ =	swait.ge [sflag:s12], $0x4000  }
0x95: {  	[sflag:s12] =	ssyncset.done $0x0  }
0x96: {  	[sflag:s12] =	ssyncadd.s32 $0xFFFFC000  }
0x97: {  	[tilespmem:s15], [sflag:$0x1] =	stream.indirect.gather [hbm4b:s4+s14], $0x80, s28, s14, $0xb8;
	[tilespmem:$0x1C800] =	vst v63  }
0x98: {  	_ =	swait.ge [sflag:s19], $0x4000  }
0x99: {  	[sflag:s19] =	ssyncset.done $0x0  }
0x9a: {  	[sflag:s19] =	ssyncadd.s32 $0xFFFFC000  }
0x9b: {  	[spmem:s2] =	stream.indirect.scatter.add.f32 [tilespmem:s16], [sflag:$0x3], $0x80, s29, s14, $0xb8;
	[tilespmem:$0x1C800] =	vst v63  }
0x9c: {  	_ =	swait.ge [sflag:s12], $0x4000  }
0x9d: {  	[sflag:s12] =	ssyncset.done $0x0  }
0x9e: {  	[sflag:s12] =	ssyncadd.s32 $0xFFFFC000  }
0x9f: {  	[tilespmem:s16], [sflag:$0x2] =	stream.indirect.gather [hbm4b:s4+s14], $0x80, s30, s14, $0xb8;
	[tilespmem:$0x1C800] =	vst v63  }
0xa0: {  	_ =	swait.ge [sflag:s17], $0x4000  }
0xa1: {  	[sflag:s17] =	ssyncset.done $0x0  }
0xa2: {  	[sflag:s17] =	ssyncadd.s32 $0xFFFFC000  }
0xa3: {  	[spmem:s2] =	stream.indirect.scatter.add.f32 [tilespmem:s15], [sflag:$0x3], $0x80, s31, s14, $0xb8;
	[tilespmem:$0x1C800] =	vst v63  }
0xa4: {  	_ =	swait.ge [sflag:s12], $0x4000  }
0xa5: {  	[sflag:s12] =	ssyncset.done $0x0  }
0xa6: {  	[sflag:s12] =	ssyncadd.s32 $0xFFFFC000  }
0xa7: {  	_ =	swait.ge [sflag:s19], $0x4000  }
.Ltmp0:
0xa8: {  	[sflag:s19] =	ssyncset.done $0x0;
	(pc) =	sbr.rel @p0 .LBB2_2-.Ltmp0, $4  }
0xa9: {  	[sflag:s19] =	ssyncadd.s32 $0xFFFFC000  }
0xaa: {  	[spmem:s2] =	stream.indirect.scatter.add.f32 [tilespmem:s16], [sflag:$0x3], $0x80, s1, s14, $0xb8;
	[tilespmem:$0x1C800] =	vst v63  }
0xab: {  	_ =	swait.ge [sflag:s12], $0x4000  }
0xac: {  	s7 =	smov.u32 s8;
	[sflag:s12] =	ssyncset.done $0x0  }
0xad: {  	s6 =	sadd.s32 s5, s10;
	[sflag:s12] =	ssyncadd.s32 $0xFFFFC000  }
0xae: {  	[tilespmem:s3], [sflag:$0x3] =	stream.linear.gather [hbm4b:s6+s3], $0x400, $0x38;
	[tilespmem:$0x1C800] =	vst v63  }
0xaf: {  	_ =	swait.ge [sflag:s12], $0x400  }
0xb0: {  	[sflag:s12] =	ssyncset.done $0x0  }
0xb1: {  	s7 =	sadd.s32 s5, s9;
	[sflag:s12] =	ssyncadd.s32 $0xFFFFFC00  }
0xb2: {  	[tilespmem:s13], [sflag:$0x3] =	stream.linear.gather [hbm4b:s7+s3], $0x400, $0x38;
	[tilespmem:$0x1C800] =	vst v63  }
0xb3: {  	_ =	swait.ge [sflag:s12], $0x400  }
0xb4: {  	[sflag:s12] =	ssyncset.done $0x0  }
0xb5: {  	[sflag:s12] =	ssyncadd.s32 $0xFFFFFC00  }
0xb6: {  	[tilespmem:s15], [sflag:$0x1] =	stream.indirect.gather [hbm4b:s4+s14], $0x80, s3, s14, $0xb8;
	[tilespmem:$0x1C800] =	vst v63  }
0xb7: {  	_ = 	snop  }
0xb8: {  	[tilespmem:s16], [sflag:$0x2] =	stream.indirect.gather [hbm4b:s4+s14], $0x80, s14, s14, $0xb8;
	[tilespmem:$0x1C800] =	vst v63  }
0xb9: {  	_ =	swait.ge [sflag:s17], $0x4000  }
0xba: {  	[sflag:s17] =	ssyncset.done $0x0  }
0xbb: {  	[sflag:s17] =	ssyncadd.s32 $0xFFFFC000  }
0xbc: {  	[spmem:s2] =	stream.indirect.scatter.add.f32 [tilespmem:s15], [sflag:$0x3], $0x80, s13, s14, $0xb8;
	[tilespmem:$0x1C800] =	vst v63  }
0xbd: {  	_ =	swait.ge [sflag:s12], $0x4000  }
0xbe: {  	[sflag:s12] =	ssyncset.done $0x0  }
0xbf: {  	[sflag:s12] =	ssyncadd.s32 $0xFFFFC000  }
0xc0: {  	[tilespmem:s15], [sflag:$0x1] =	stream.indirect.gather [hbm4b:s4+s14], $0x80, s18, s14, $0xb8;
	[tilespmem:$0x1C800] =	vst v63  }
0xc1: {  	_ =	swait.ge [sflag:s19], $0x4000  }
0xc2: {  	[sflag:s19] =	ssyncset.done $0x0  }
0xc3: {  	[sflag:s19] =	ssyncadd.s32 $0xFFFFC000  }
0xc4: {  	[spmem:s2] =	stream.indirect.scatter.add.f32 [tilespmem:s16], [sflag:$0x3], $0x80, s20, s14, $0xb8;
	[tilespmem:$0x1C800] =	vst v63  }
0xc5: {  	_ =	swait.ge [sflag:s12], $0x4000  }
0xc6: {  	[sflag:s12] =	ssyncset.done $0x0  }
0xc7: {  	[sflag:s12] =	ssyncadd.s32 $0xFFFFC000  }
0xc8: {  	[tilespmem:s16], [sflag:$0x2] =	stream.indirect.gather [hbm4b:s4+s14], $0x80, s21, s14, $0xb8;
	[tilespmem:$0x1C800] =	vst v63  }
0xc9: {  	_ =	swait.ge [sflag:s17], $0x4000  }
0xca: {  	[sflag:s17] =	ssyncset.done $0x0  }
0xcb: {  	[sflag:s17] =	ssyncadd.s32 $0xFFFFC000  }
0xcc: {  	[spmem:s2] =	stream.indirect.scatter.add.f32 [tilespmem:s15], [sflag:$0x3], $0x80, s22, s14, $0xb8;
	[tilespmem:$0x1C800] =	vst v63  }
0xcd: {  	_ =	swait.ge [sflag:s12], $0x4000  }
0xce: {  	[sflag:s12] =	ssyncset.done $0x0  }
0xcf: {  	[sflag:s12] =	ssyncadd.s32 $0xFFFFC000  }
0xd0: {  	[tilespmem:s15], [sflag:$0x1] =	stream.indirect.gather [hbm4b:s4+s14], $0x80, s23, s14, $0xb8;
	[tilespmem:$0x1C800] =	vst v63  }
0xd1: {  	_ =	swait.ge [sflag:s19], $0x4000  }
0xd2: {  	[sflag:s19] =	ssyncset.done $0x0  }
0xd3: {  	[sflag:s19] =	ssyncadd.s32 $0xFFFFC000  }
0xd4: {  	[spmem:s2] =	stream.indirect.scatter.add.f32 [tilespmem:s16], [sflag:$0x3], $0x80, s24, s14, $0xb8;
	[tilespmem:$0x1C800] =	vst v63  }
0xd5: {  	_ =	swait.ge [sflag:s12], $0x4000  }
0xd6: {  	[sflag:s12] =	ssyncset.done $0x0  }
0xd7: {  	[sflag:s12] =	ssyncadd.s32 $0xFFFFC000  }
0xd8: {  	[tilespmem:s16], [sflag:$0x2] =	stream.indirect.gather [hbm4b:s4+s14], $0x80, s25, s14, $0xb8;
	[tilespmem:$0x1C800] =	vst v63  }
0xd9: {  	_ =	swait.ge [sflag:s17], $0x4000  }
0xda: {  	[sflag:s17] =	ssyncset.done $0x0  }
0xdb: {  	[sflag:s17] =	ssyncadd.s32 $0xFFFFC000  }
0xdc: {  	[spmem:s2] =	stream.indirect.scatter.add.f32 [tilespmem:s15], [sflag:$0x3], $0x80, s26, s14, $0xb8;
	[tilespmem:$0x1C800] =	vst v63  }
0xdd: {  	_ =	swait.ge [sflag:s12], $0x4000  }
0xde: {  	[sflag:s12] =	ssyncset.done $0x0  }
0xdf: {  	[sflag:s12] =	ssyncadd.s32 $0xFFFFC000  }
0xe0: {  	[tilespmem:s15], [sflag:$0x1] =	stream.indirect.gather [hbm4b:s4+s14], $0x80, s28, s14, $0xb8;
	[tilespmem:$0x1C800] =	vst v63  }
0xe1: {  	_ =	swait.ge [sflag:s19], $0x4000  }
0xe2: {  	[sflag:s19] =	ssyncset.done $0x0  }
0xe3: {  	[sflag:s19] =	ssyncadd.s32 $0xFFFFC000  }
0xe4: {  	[spmem:s2] =	stream.indirect.scatter.add.f32 [tilespmem:s16], [sflag:$0x3], $0x80, s29, s14, $0xb8;
	[tilespmem:$0x1C800] =	vst v63  }
0xe5: {  	_ =	swait.ge [sflag:s12], $0x4000  }
0xe6: {  	[sflag:s12] =	ssyncset.done $0x0  }
0xe7: {  	[sflag:s12] =	ssyncadd.s32 $0xFFFFC000  }
0xe8: {  	[tilespmem:s16], [sflag:$0x2] =	stream.indirect.gather [hbm4b:s4+s14], $0x80, s30, s14, $0xb8;
	[tilespmem:$0x1C800] =	vst v63  }
0xe9: {  	_ =	swait.ge [sflag:s17], $0x4000  }
0xea: {  	[sflag:s17] =	ssyncset.done $0x0  }
0xeb: {  	[sflag:s17] =	ssyncadd.s32 $0xFFFFC000  }
0xec: {  	[spmem:s2] =	stream.indirect.scatter.add.f32 [tilespmem:s15], [sflag:$0x3], $0x80, s31, s14, $0xb8;
	[tilespmem:$0x1C800] =	vst v63  }
0xed: {  	_ =	swait.ge [sflag:s12], $0x4000  }
0xee: {  	[sflag:s12] =	ssyncset.done $0x0  }
0xef: {  	[sflag:s12] =	ssyncadd.s32 $0xFFFFC000  }
0xf0: {  	_ =	swait.ge [sflag:s19], $0x4000  }
0xf1: {  	[sflag:s19] =	ssyncset.done $0x0  }
0xf2: {  	[sflag:s19] =	ssyncadd.s32 $0xFFFFC000  }
0xf3: {  	[spmem:s2] =	stream.indirect.scatter.add.f32 [tilespmem:s16], [sflag:$0x3], $0x80, s1, s14, $0xb8;
	[tilespmem:$0x1C800] =	vst v63  }
0xf4: {  	_ =	swait.ge [sflag:s12], $0x4000  }
0xf5: {  	[sflag:s12] =	ssyncset.done $0x0  }
0xf6: {  	[sflag:s12] =	ssyncadd.s32 $0xFFFFC000  }
0xf7: {  	[bflag:$0x0] =	sbarrier.arrive $0xFFFF  }
0xf8: {  	s6 =	rddreg [dreg:$0x4]  }
0xf9: {  	s8 =	rddreg [dreg:$0x5]  }
0xfa: {  	s7 =	rddreg [dreg:$0x7]  }
0xfb: {  	[hbm:s8], [sflag:s6] =	dma.local [spmem:s7], $0x2800  }
0xfc: {  	_ =	swait.ge [sflag:s12], $0x2800  }
0xfd: {  	s0 =	sadd.s32 $0x1, s0;
	s11 =	rddreg [dreg:$0x6]  }
0xfe: {  	p0 =	sne.s32 s0, s11  }
.Ltmp1:
0xff: {  	_ = 	snop;
	(pc) =	sbr.rel @p0 .LBB2_1-.Ltmp1, $3  }
0x100: {  	_ =	sdelay $0x1  }
0x101: {  	[sflag:s12] =	ssyncset.done $0x0  }
0x102: {  	[sflag:s12] =	ssyncadd.s32 $0xFFFFD800  }
0x103: {  	_ =	sfence.sel $0x180000  }
0x104: {  	[bflag:$0x0] =	sbarrier.arrive $0xFFFF  }
0x105: {  	_ =	strace $0x9000004A  }
0x106: {  	s0 =	stileid.u32;
	[bflag:$0x2] =	sbarrier.arrive $0xFFFF  }
0x107: {  	p0 =	sne.s32 s0, $0x0;
	s0 =	rddreg [dreg:$0x2]  }
0x108: {  	s0 =	sadd.s32 @!p0 $0x100000, s0  }
0x109: {  	[sflag:s0] =	ssyncadd.tile.s32 @!p0 $0x1;
	_ =	shalt  }
.Lfunc_end2:
_tile_overlayer_lowered:
.L_overlay_start_2:
0x10a: {  	(tag) =	ssettag $0x2  }
0x10b: {  	s0 =	rddreg [dreg:$0x0];
	s2 =	stileid.u32  }
0x10c: {  	s1 =	rddreg [dreg:$0x1];
	p0 =	sne.s32 s2, $0x0  }
0x10d: {  	s3 =	rddreg [dreg:$0x2];
	[bflag:$0x3] =	sbarrier.arrive $0xFFFF;
	s2 =	simm.s32 @!p0 $0x1C03  }
0x10e: {  	[timem:s3], [sflag:s2] =	dma.local @!p0 [hbm:s0], s1  }
0x10f: {  	s0 =	simm.s32 @!p0 $0x3  }
0x110: {  	_ =	swait.ge @!p0 [sflag:s0], s1  }
0x111: {  	s1 =	ssub.s32 @!p0 $0x0, s1;
	[sflag:s0] =	ssyncset.done @!p0 $0x0  }
0x112: {  	[sflag:s0] =	ssyncadd.s32 @!p0 s1  }
0x113: {  	[bflag:$0x3] =	sbarrier.arrive $0xFFFF  }
0x114: {  	_ =	shalt  }

// kernel: kernel.18.cloned.1.call-start
scs
__scs_entry_jumppad:
0x0: {  	(pc) =	sbr.rel $0x88, $3  }
0x1: {  	(tag) =	ssettag $0x0;
	lr =	simm.s32 $0x1  }
0x2: {  	[smem:$0x3F8D] =	sst lr;
	_ =	strace $0xD0000000  }
0x3: {  	_ = 	snop  }
0x4: {  	_ = 	snop  }
0x5: {  	_ = 	snop  }
0x6: {  	_ = 	snop  }
0x7: {  	_ = 	snop  }
__scs_overlays_trampoline_lowered:
0x8: {  	[smem:$0x3F9C] =	sst s0  }
0x9: {  	[smem:$0x3F9D] =	sst s1  }
0xa: {  	[smem:$0x3F9E] =	sst s2  }
0xb: {  	[smem:$0x3F9F] =	sst s3  }
0xc: {  	[smem:$0x3FA0] =	sst s4  }
0xd: {  	[smem:$0x3FA1] =	sst s5  }
0xe: {  	[smem:$0x3FA2] =	sst s6  }
0xf: {  	[smem:$0x3FA3] =	sst s7  }
0x10: {  	[smem:$0x3FA4] =	sst s8  }
0x11: {  	[smem:$0x3FA5] =	sst s9;
	s0 =	simm.s32 @!p0 $0x0  }
0x12: {  	s1 =	sld [smem:$0x3F8B];
	s0 =	simm.s32 @p0 $0x1  }
0x13: {  	[smem:$0x3FA6] =	sst s0;
	s0 =	simm.s32 @!p1 $0x0  }
0x14: {  	s2 =	sld [smem:$0x3F8A];
	s0 =	simm.s32 @p1 $0x1  }
0x15: {  	[smem:$0x3FA7] =	sst s0;
	s0 =	simm.s32 @!p2 $0x0  }
0x16: {  	s3 =	sld [smem:$0x3FDB];
	s0 =	simm.s32 @p2 $0x1  }
0x17: {  	s4 =	simm.s32 $0x1BF5;
	[smem:$0x3FA9] =	sst s0  }
0x18: {  	s0 =	sld [smem:$0x3F8C];
	_ =	swait.ge [sflag:s4], $0x0  }
0x19: {  	s7 =	sld [smem:$0x3F8D]  }
0x1a: {  	s8 =	sadd.s32 $0xFFFFE003, lr  }
0x1b: {  	s9 =	sadd.s32 $0xFFFFFEF7, lr;
	s5 =	simm.s32 $0xFFFFFFFF;
	p2 =	slt.u32 s8, $0xFFFFF086  }
0x1c: {  	p1 =	slt.u32 s9, $0xF7A;
	s5 =	simm.s32 @!p2 $0x0  }
0x1d: {  	s5 =	simm.s32 @p1 $0x1;
	p0 =	seq.s32 s7, s2  }
0x1e: {  	s7 =	smul.u32 @!p0 $0xF7A, s2;
	p2 =	seq.s32 @!p0 s5, $0x0  }
0x1f: {  	s9 =	smul.u32 $0xF7A, s1;
	s8 =	simm.s32 @!p0 $0x1BF5;
	p2 =	por !p2, p0  }
0x20: {  	[sflag:s8] =	ssyncset.s32 @!p0 $0xFFFFF086;
	s6 =	sadd.s32 @!p0 s3, s7;
	s7 =	simm.s32 @!p0 $0x108  }
0x21: {  	s3 =	sadd.s32 s3, s9;
	s6 =	sadd.s32 @!p0 $0x88, s6;
	s7 =	simm.s32 @p2 $0x1082  }
0x22: {  	[simem:s7], [sflag:s8] =	dma.local @!p0 [hbm:s6], $0xF7A  }
0x23: {  	s9 =	sor.u32 $0xD0000000, s2;
	s6 =	simm.s32 $0x108;
	_ =	swait.ge @!p0 [sflag:s8], $0x0  }
0x24: {  	s3 =	sadd.s32 $0x88, s3;
	s6 =	simm.s32 @!p1 $0x1082;
	[sflag:s4] =	ssyncset.s32 $0xFFFFF086  }
0x25: {  	[simem:s6], [sflag:s4] =	dma.local [hbm:s3], $0xF7A  }
0x26: {  	[smem:$0x3F8D] =	sst s1;
	(tag) =	ssettag s2;
	_ =	strace s9  }
0x27: {  	s1 =	sld [smem:$0x3F9D]  }
0x28: {  	s2 =	sld [smem:$0x3F9E]  }
0x29: {  	s4 =	sld [smem:$0x3FA0]  }
0x2a: {  	p0 =	seq.s32 s5, $0x0;
	s5 =	sld [smem:$0x3FA1]  }
0x2b: {  	s6 =	sld [smem:$0x3FA2]  }
0x2c: {  	s7 =	sld [smem:$0x3FA3]  }
0x2d: {  	s3 =	simm.s32 $0x108;
	s8 =	sld [smem:$0x3FA4]  }
0x2e: {  	s3 =	simm.s32 @!p0 $0x1082;
	s9 =	sld [smem:$0x3FA5]  }
0x2f: {  	lr =	sadd.s32 s0, s3;
	s0 =	sld [smem:$0x3F9C]  }
0x30: {  	s3 =	sld [smem:$0x3F9F]  }
0x31: {  	[smem:$0x3FA8] =	sst s10  }
0x32: {  	s10 =	sld [smem:$0x3FA6];
	_ =	sdelay $0x3  }
0x33: {  	p0 =	seq.s32 s10, $0x1;
	s10 =	sld [smem:$0x3FA8];
	_ =	sdelay $0x3  }
0x34: {  	[smem:$0x3FA8] =	sst s10  }
0x35: {  	s10 =	sld [smem:$0x3FA7];
	_ =	sdelay $0x3  }
0x36: {  	p1 =	seq.s32 s10, $0x1;
	s10 =	sld [smem:$0x3FA8];
	_ =	sdelay $0x3  }
0x37: {  	[smem:$0x3FA8] =	sst s10  }
0x38: {  	s10 =	sld [smem:$0x3FA9]  }
0x39: {  	_ = 	snop;
	(pc) =	sbr.ind lr, $3  }
0x3a: {  	_ = 	snop  }
0x3b: {  	_ = 	snop  }
0x3c: {  	p2 =	seq.s32 s10, $0x1;
	s10 =	sld [smem:$0x3FA8]  }
0x3d: {  	_ =	shalt  }
0x3e: {  	_ =	shalt  }
0x3f: {  	_ =	shalt  }
0x40: {  	_ =	shalt  }
0x41: {  	_ =	shalt  }
0x42: {  	_ =	shalt  }
0x43: {  	_ =	shalt  }
0x44: {  	_ =	shalt  }
0x45: {  	_ =	shalt  }
0x46: {  	_ =	shalt  }
0x47: {  	_ =	shalt  }
0x48: {  	_ =	shalt  }
0x49: {  	_ =	shalt  }
0x4a: {  	_ =	shalt  }
0x4b: {  	_ =	shalt  }
0x4c: {  	_ =	shalt  }
0x4d: {  	_ =	shalt  }
0x4e: {  	_ =	shalt  }
0x4f: {  	_ =	shalt  }
0x50: {  	_ =	shalt  }
0x51: {  	_ =	shalt  }
0x52: {  	_ =	shalt  }
0x53: {  	_ =	shalt  }
0x54: {  	_ =	shalt  }
0x55: {  	_ =	shalt  }
0x56: {  	_ =	shalt  }
0x57: {  	_ =	shalt  }
0x58: {  	_ =	shalt  }
0x59: {  	_ =	shalt  }
0x5a: {  	_ =	shalt  }
0x5b: {  	_ =	shalt  }
0x5c: {  	_ =	shalt  }
0x5d: {  	_ =	shalt  }
0x5e: {  	_ =	shalt  }
0x5f: {  	_ =	shalt  }
0x60: {  	_ =	shalt  }
0x61: {  	_ =	shalt  }
0x62: {  	_ =	shalt  }
0x63: {  	_ =	shalt  }
0x64: {  	_ =	shalt  }
0x65: {  	_ =	shalt  }
0x66: {  	_ =	shalt  }
0x67: {  	_ =	shalt  }
0x68: {  	_ =	shalt  }
0x69: {  	_ =	shalt  }
0x6a: {  	_ =	shalt  }
0x6b: {  	_ =	shalt  }
0x6c: {  	_ =	shalt  }
0x6d: {  	_ =	shalt  }
0x6e: {  	_ =	shalt  }
0x6f: {  	_ =	shalt  }
0x70: {  	_ =	shalt  }
0x71: {  	_ =	shalt  }
0x72: {  	_ =	shalt  }
0x73: {  	_ =	shalt  }
0x74: {  	_ =	shalt  }
0x75: {  	_ =	shalt  }
0x76: {  	_ =	shalt  }
0x77: {  	_ =	shalt  }
0x78: {  	_ =	shalt  }
0x79: {  	_ =	shalt  }
0x7a: {  	_ =	shalt  }
0x7b: {  	_ =	shalt  }
0x7c: {  	_ =	shalt  }
0x7d: {  	_ =	shalt  }
0x7e: {  	_ =	shalt  }
0x7f: {  	_ =	shalt  }
0x80: {  	_ =	shalt  }
0x81: {  	_ =	shalt  }
0x82: {  	_ =	shalt  }
0x83: {  	_ =	shalt  }
0x84: {  	_ =	shalt  }
0x85: {  	_ =	shalt  }
0x86: {  	_ =	shalt  }
0x87: {  	_ =	shalt  }
.Lfunc_end0:
.L_simem_size_0:
called_computation.2_lowered:
.L_overlay_start_0:
0x88: {  	s2 =	sld [smem:$0x3FD9]  }
0x89: {  	s3 =	sld [smem:$0x3FFE];
	_ =	sdelay $0x1  }
0x8a: {  	s1 =	srdreg.scid  }
0x8b: {  	s0 =	sand.u32 $0x1, s1  }
0x8c: {  	s16 =	sshll.u32 s0, $0xA;
	s2 =	sadd.s32 s3, s2  }
0x8d: {  	s2 =	sadd.s32 s2, s16  }
0x8e: {  	[smem:$0x3FB4] =	sst s2  }
0x8f: {  	_ = 	snop  }
0x90: {  	(tm) =	ssettm $0x1  }
0x91: {  	s17 =	sld [smem:$0x3FFB];
	_ =	sdelay $0x3  }
0x92: {  	_ =	strace s17  }
0x93: {  	s2 =	sld [smem:$0x3FFC];
	_ =	sdelay $0x3  }
0x94: {  	_ =	strace s2  }
0x95: {  	s2 =	sld [smem:$0x3FFD];
	_ =	sdelay $0x3  }
0x96: {  	_ =	strace s2  }
0x97: {  	_ =	strace $0x8FFFFFFF  }
0x98: {  	s18 =	sld [smem:$0x3FDB];
	_ =	sdelay $0x1  }
0x99: {  	s19 =	simm.s32 $_scs_section_size  }
0x9a: {  	s4 =	simm.s32 $_size__tile_overlayer_lowered;
	s5 =	simm.s32 $_tile_overlayer_lowered  }
0x9b: {  	s22 =	simm.s32 $0x1BFF;
	s21 =	sshll.u32 s5, $0x1;
	s2 =	sadd.s32 s19, s18  }
0x9c: {  	s6 =	simm.s32 $0x0;
	s20 =	sshll.u32 s4, $0x1;
	s4 =	sadd.s32 s21, s2  }
0x9d: {  	[timem:s6], [sflag:s22] =	dma.local [hbm:s4], s20  }
0x9e: {  	_ =	swait.ge [sflag:s22], s20  }
0x9f: {  	s3 =	ssub.s32 $0x0, s20;
	[sflag:s22] =	ssyncset.done $0x0  }
0xa0: {  	[sflag:s22] =	ssyncadd.s32 s3;
	_ =	sdelay $0x1  }
0xa1: {  	s23 =	simm.s32 $0x1B8B  }
0xa2: {  	_ =	swait.ge [sflag:s23], $0x1  }
0xa3: {  	[sflag:s23] =	ssyncset.done $0x0  }
0xa4: {  	s25 =	simm.s32 $0x1B8E;
	s24 =	sld [smem:$0x3FFE];
	[sflag:s23] =	ssyncadd.s32 $0xFFFFFFFF  }
0xa5: {  	s26 =	simm.s32 $execute0_lowered;
	[smem:$0x3FD2] =	sst s25  }
0xa6: {  	s4 =	sshll.u32 s26, $0x1;
	_ =	strace $0x8000004C;
	[dreg:$0x1] =	wrdreg $0xFFFFFFFF  }
0xa7: {  	s28 =	simm.s32 $_size_execute0_lowered;
	s2 =	sadd.s32 s2, s4;
	[dreg:$0x0] =	wrdreg $0x0  }
0xa8: {  	s4 =	sshll.u32 s28, $0x1;
	[dreg:$0x2] =	wrdreg s2  }
0xa9: {  	[dreg:$0x3] =	wrdreg s4  }
0xaa: {  	[dreg:$0x4] =	wrdreg $0xC0  }
0xab: {  	_ =	task [dreg:s6], $0x5FFFF  }
0xac: {  	[dreg:$0x1] =	wrdreg $0xFFFFFFFF  }
0xad: {  	[dreg:$0x0] =	wrdreg $0x60  }
0xae: {  	[dreg:$0x2] =	wrdreg s24  }
0xaf: {  	[dreg:$0x3] =	wrdreg $0x88000  }
0xb0: {  	[dreg:$0x4] =	wrdreg $0x9  }
0xb1: {  	_ =	task.clear_ibuf [dreg:s6], $0x5FFFF;
	_ =	strace $0x9000004C  }
0xb2: {  	s29 =	simm.s32 $0x9;
	_ =	strace $0x8000004E  }
0xb3: {  	_ =	swait.ge [sflag:s29], $0x1  }
0xb4: {  	[sflag:s29] =	ssyncadd.s32 $0xFFFFFFFF  }
0xb5: {  	_ =	strace $0x9000004E  }
0xb6: {  	_ =	sfence  }
0xb7: {  	s30 =	sld [smem:$0x0];
	_ =	sdelay $0x2  }
0xb8: {  	s31 =	sshll.u32 s1, $0xD;
	s1 =	sshrl.u32 s1, $0x2  }
0xb9: {  	s3 =	sand.u32 $0x4000, s31;
	s1 =	sadd.s32 s1, s30  }
0xba: {  	s0 =	sor.u32 s3, s0;
	s1 =	sshll.u32 s1, $0x11  }
0xbb: {  	s0 =	sor.u32 s1, s0  }
0xbc: {  	s0 =	sadd.s32 $0x8F2B, s0  }
0xbd: {  	[sflag:s0] =	ssyncadd.remote.s32 $0x1  }
0xbe: {  	_ =	sfence.sel $0xFFFF  }
0xbf: {  	[dreg:$0x0] =	wrdreg $0xFFFFFFFF;
	(pc) =	sbr.abs _section_cstart, $3  }
0xc0: {  	[dreg:$0x1] =	wrdreg $0xFFFFFFFF  }
0xc1: {  	_ =	task.clear_ibuf [dreg:s6], $0x2FFFF;
	_ =	strace $0x9FFFFFFF  }
0xc2: {  	(tm) =	ssettm $0x7FFFFFFF  }
0xc3: {  	_ =	shalt  }
tec
execute0_lowered:
.L_overlay_start_1:
0x0: {  	(tag) =	ssettag $0x1  }
0x1: {  	s0 =	rddreg [dreg:$0x0];
	s1 =	srdreg.scid  }
0x2: {  	s10 =	stileid.u32;
	s2 =	rddreg [dreg:$0x1];
	s3 =	simm.s32 $0x0  }
0x3: {  	s12 =	simm.s32 $0x3;
	s13 =	simm.s32 $0x400;
	s14 =	simm.s32 $0x80  }
0x4: {  	s15 =	simm.s32 $0x800;
	s16 =	simm.s32 $0x4800;
	s17 =	simm.s32 $0x1  }
0x5: {  	s18 =	simm.s32 $0x100;
	s19 =	simm.s32 $0x2;
	s20 =	simm.s32 $0x480  }
0x6: {  	s28 =	simm.s32 $0x300;
	s29 =	simm.s32 $0x680;
	s4 =	smul.u32 $0x5000, s10  }
0x7: {  	s30 =	simm.s32 $0x380;
	s31 =	simm.s32 $0x700;
	s6 =	smul.u32 $0x2800, s10  }
0x8: {  	s1 =	sand.u32 $0x1, s1;
	[smem:$0x7FF] =	sst s3;
	s8 =	smul.u32 $0x50000, s10  }
0x9: {  	s25 =	sshll.u32 s10, $0x6;
	s5 =	smul.u32 $0x2800, s1;
	_ =	strace $0x8000004D  }
0xa: {  	s7 =	smul.u32 $0x28000, s1;
	s1 =	ssub.s32 $0x2, s1;
	s9 =	sadd.s32 s6, s0  }
0xb: {  	s21 =	sshrl.u32 s1, $0x1;
	s22 =	sshrl.u32 s8, $0x2;
	s5 =	sadd.s32 s5, s4  }
0xc: {  	s4 =	sadd.s32 $0x18E00, s0;
	s6 =	sadd.s32 s6, s7;
	s1 =	ssub.s32 s1, s21  }
0xd: {  	s23 =	sadd.s32 s22, s2;
	s24 =	sadd.s32 $0x40E00, s9;
	s21 =	simm.s32 $0x180  }
0xe: {  	s22 =	simm.s32 $0x500;
	s5 =	sshrl.u32 s5, $0x3;
	[dreg:$0x3] =	wrdreg s24  }
0xf: {  	s26 =	smax.u32 s1, $0x1;
	s7 =	sshrl.u32 s23, $0x3;
	s23 =	simm.s32 $0x200  }
0x10: {  	s24 =	simm.s32 $0x580;
	s1 =	simm.s32 $0x780;
	s5 =	sadd.s32 s5, s0  }
0x11: {  	s0 =	sadd.s32 s6, s0;
	s6 =	sor.u32 $0x1C03, s25;
	[dreg:$0x6] =	wrdreg s26  }
0x12: {  	s25 =	simm.s32 $0x280;
	s26 =	simm.s32 $0x600;
	[dreg:$0x7] =	wrdreg s7  }
0x13: {  	s0 =	sadd.s32 $0x68E00, s0;
	s9 =	sadd.s32 $0xEE00, s5;
	[dreg:$0x4] =	wrdreg s6  }
0x14: {  	s10 =	sadd.s32 $0x4E00, s5;
	[dreg:$0x5] =	wrdreg s0;
	s0 =	simm.s32 $0x0  }
.LBB2_1:
0x15: {  	s5 =	rddreg [dreg:$0x3]  }
0x16: {  	[spmem:s7], [sflag:s6] =	dma.local [hbm:s5], $0x2800  }
0x17: {  	_ =	swait.ge [sflag:s12], $0x2800  }
0x18: {  	[sflag:s12] =	ssyncset.done $0x0  }
0x19: {  	[sflag:s12] =	ssyncadd.s32 $0xFFFFD800  }
0x1a: {  	s8 =	sadd.s32 $0x0, s10;
	[bflag:$0x0] =	sbarrier.arrive $0xFFFF  }
0x1b: {  	[tilespmem:s3], [sflag:$0x3] =	stream.linear.gather [hbm4b:s8+s3], $0x400, $0x38;
	[tilespmem:$0x1C800] =	vst v63  }
0x1c: {  	_ =	swait.ge [sflag:s12], $0x400  }
0x1d: {  	[sflag:s12] =	ssyncset.done $0x0  }
0x1e: {  	s11 =	sadd.s32 $0x0, s9;
	[sflag:s12] =	ssyncadd.s32 $0xFFFFFC00  }
0x1f: {  	[tilespmem:s13], [sflag:$0x3] =	stream.linear.gather [hbm4b:s11+s3], $0x400, $0x38;
	[tilespmem:$0x1C800] =	vst v63  }
0x20: {  	_ =	swait.ge [sflag:s12], $0x400  }
0x21: {  	[sflag:s12] =	ssyncset.done $0x0  }
0x22: {  	[sflag:s12] =	ssyncadd.s32 $0xFFFFFC00  }
0x23: {  	[tilespmem:s15], [sflag:$0x1] =	stream.indirect.gather [hbm4b:s4+s14], $0x80, s3, s14, $0xb8;
	[tilespmem:$0x1C800] =	vst v63  }
0x24: {  	_ = 	snop  }
0x25: {  	[tilespmem:s16], [sflag:$0x2] =	stream.indirect.gather [hbm4b:s4+s14], $0x80, s14, s14, $0xb8;
	[tilespmem:$0x1C800] =	vst v63  }
0x26: {  	_ =	swait.ge [sflag:s17], $0x4000  }
0x27: {  	[sflag:s17] =	ssyncset.done $0x0  }
0x28: {  	[sflag:s17] =	ssyncadd.s32 $0xFFFFC000  }
0x29: {  	[spmem:s2] =	stream.indirect.scatter.add.f32 [tilespmem:s15], [sflag:$0x3], $0x80, s13, s14, $0xb8;
	[tilespmem:$0x1C800] =	vst v63  }
0x2a: {  	_ =	swait.ge [sflag:s12], $0x4000  }
0x2b: {  	[sflag:s12] =	ssyncset.done $0x0  }
0x2c: {  	[sflag:s12] =	ssyncadd.s32 $0xFFFFC000  }
0x2d: {  	[tilespmem:s15], [sflag:$0x1] =	stream.indirect.gather [hbm4b:s4+s14], $0x80, s18, s14, $0xb8;
	[tilespmem:$0x1C800] =	vst v63  }
0x2e: {  	_ =	swait.ge [sflag:s19], $0x4000  }
0x2f: {  	[sflag:s19] =	ssyncset.done $0x0  }
0x30: {  	[sflag:s19] =	ssyncadd.s32 $0xFFFFC000  }
0x31: {  	[spmem:s2] =	stream.indirect.scatter.add.f32 [tilespmem:s16], [sflag:$0x3], $0x80, s20, s14, $0xb8;
	[tilespmem:$0x1C800] =	vst v63  }
0x32: {  	_ =	swait.ge [sflag:s12], $0x4000  }
0x33: {  	[sflag:s12] =	ssyncset.done $0x0  }
0x34: {  	[sflag:s12] =	ssyncadd.s32 $0xFFFFC000  }
0x35: {  	[tilespmem:s16], [sflag:$0x2] =	stream.indirect.gather [hbm4b:s4+s14], $0x80, s21, s14, $0xb8;
	[tilespmem:$0x1C800] =	vst v63  }
0x36: {  	_ =	swait.ge [sflag:s17], $0x4000  }
0x37: {  	[sflag:s17] =	ssyncset.done $0x0  }
0x38: {  	[sflag:s17] =	ssyncadd.s32 $0xFFFFC000  }
0x39: {  	[spmem:s2] =	stream.indirect.scatter.add.f32 [tilespmem:s15], [sflag:$0x3], $0x80, s22, s14, $0xb8;
	[tilespmem:$0x1C800] =	vst v63  }
0x3a: {  	_ =	swait.ge [sflag:s12], $0x4000  }
0x3b: {  	[sflag:s12] =	ssyncset.done $0x0  }
0x3c: {  	[sflag:s12] =	ssyncadd.s32 $0xFFFFC000  }
0x3d: {  	[tilespmem:s15], [sflag:$0x1] =	stream.indirect.gather [hbm4b:s4+s14], $0x80, s23, s14, $0xb8;
	[tilespmem:$0x1C800] =	vst v63  }
0x3e: {  	_ =	swait.ge [sflag:s19], $0x4000  }
0x3f: {  	[sflag:s19] =	ssyncset.done $0x0  }
0x40: {  	[sflag:s19] =	ssyncadd.s32 $0xFFFFC000  }
0x41: {  	[spmem:s2] =	stream.indirect.scatter.add.f32 [tilespmem:s16], [sflag:$0x3], $0x80, s24, s14, $0xb8;
	[tilespmem:$0x1C800] =	vst v63  }
0x42: {  	_ =	swait.ge [sflag:s12], $0x4000  }
0x43: {  	[sflag:s12] =	ssyncset.done $0x0  }
0x44: {  	[sflag:s12] =	ssyncadd.s32 $0xFFFFC000  }
0x45: {  	[tilespmem:s16], [sflag:$0x2] =	stream.indirect.gather [hbm4b:s4+s14], $0x80, s25, s14, $0xb8;
	[tilespmem:$0x1C800] =	vst v63  }
0x46: {  	_ =	swait.ge [sflag:s17], $0x4000  }
0x47: {  	[sflag:s17] =	ssyncset.done $0x0  }
0x48: {  	[sflag:s17] =	ssyncadd.s32 $0xFFFFC000  }
0x49: {  	[spmem:s2] =	stream.indirect.scatter.add.f32 [tilespmem:s15], [sflag:$0x3], $0x80, s26, s14, $0xb8;
	[tilespmem:$0x1C800] =	vst v63  }
0x4a: {  	_ =	swait.ge [sflag:s12], $0x4000  }
0x4b: {  	[sflag:s12] =	ssyncset.done $0x0  }
0x4c: {  	[sflag:s12] =	ssyncadd.s32 $0xFFFFC000  }
0x4d: {  	[tilespmem:s15], [sflag:$0x1] =	stream.indirect.gather [hbm4b:s4+s14], $0x80, s28, s14, $0xb8;
	[tilespmem:$0x1C800] =	vst v63  }
0x4e: {  	_ =	swait.ge [sflag:s19], $0x4000  }
0x4f: {  	[sflag:s19] =	ssyncset.done $0x0  }
0x50: {  	[sflag:s19] =	ssyncadd.s32 $0xFFFFC000  }
0x51: {  	[spmem:s2] =	stream.indirect.scatter.add.f32 [tilespmem:s16], [sflag:$0x3], $0x80, s29, s14, $0xb8;
	[tilespmem:$0x1C800] =	vst v63  }
0x52: {  	_ =	swait.ge [sflag:s12], $0x4000  }
0x53: {  	[sflag:s12] =	ssyncset.done $0x0  }
0x54: {  	[sflag:s12] =	ssyncadd.s32 $0xFFFFC000  }
0x55: {  	[tilespmem:s16], [sflag:$0x2] =	stream.indirect.gather [hbm4b:s4+s14], $0x80, s30, s14, $0xb8;
	[tilespmem:$0x1C800] =	vst v63  }
0x56: {  	_ =	swait.ge [sflag:s17], $0x4000  }
0x57: {  	[sflag:s17] =	ssyncset.done $0x0  }
0x58: {  	[sflag:s17] =	ssyncadd.s32 $0xFFFFC000  }
0x59: {  	[spmem:s2] =	stream.indirect.scatter.add.f32 [tilespmem:s15], [sflag:$0x3], $0x80, s31, s14, $0xb8;
	[tilespmem:$0x1C800] =	vst v63  }
0x5a: {  	_ =	swait.ge [sflag:s12], $0x4000  }
0x5b: {  	[sflag:s12] =	ssyncset.done $0x0  }
0x5c: {  	[sflag:s12] =	ssyncadd.s32 $0xFFFFC000  }
0x5d: {  	_ =	swait.ge [sflag:s19], $0x4000  }
0x5e: {  	[sflag:s19] =	ssyncset.done $0x0  }
0x5f: {  	[sflag:s19] =	ssyncadd.s32 $0xFFFFC000  }
0x60: {  	[spmem:s2] =	stream.indirect.scatter.add.f32 [tilespmem:s16], [sflag:$0x3], $0x80, s1, s14, $0xb8;
	[tilespmem:$0x1C800] =	vst v63  }
0x61: {  	_ =	swait.ge [sflag:s12], $0x4000  }
0x62: {  	s5 =	simm.s32 $0x80;
	s7 =	simm.s32 $0x100;
	[sflag:s12] =	ssyncset.done $0x0  }
.LBB2_2:
0x63: {  	s6 =	sadd.s32 s5, s10  }
0x64: {  	[sflag:s12] =	ssyncadd.s32 $0xFFFFC000;
	s11 =	smov.u32 s7;
	s8 =	sadd.s32 $0x80, s7  }
0x65: {  	[tilespmem:s3], [sflag:$0x3] =	stream.linear.gather [hbm4b:s6+s3], $0x400, $0x38;
	[tilespmem:$0x1C800] =	vst v63  }
0x66: {  	p0 =	sne.s32 s7, $0x480;
	_ =	swait.ge [sflag:s12], $0x400  }
0x67: {  	[sflag:s12] =	ssyncset.done $0x0  }
0x68: {  	s6 =	sadd.s32 s5, s9;
	s5 =	smov.u32 s11;
	[sflag:s12] =	ssyncadd.s32 $0xFFFFFC00  }
0x69: {  	[tilespmem:s13], [sflag:$0x3] =	stream.linear.gather [hbm4b:s6+s3], $0x400, $0x38;
	[tilespmem:$0x1C800] =	vst v63  }
0x6a: {  	_ =	swait.ge [sflag:s12], $0x400  }
0x6b: {  	[sflag:s12] =	ssyncset.done $0x0  }
0x6c: {  	[sflag:s12] =	ssyncadd.s32 $0xFFFFFC00  }
0x6d: {  	[tilespmem:s15], [sflag:$0x1] =	stream.indirect.gather [hbm4b:s4+s14], $0x80, s3, s14, $0xb8;
	[tilespmem:$0x1C800] =	vst v63  }
0x6e: {  	_ = 	snop  }
0x6f: {  	[tilespmem:s16], [sflag:$0x2] =	stream.indirect.gather [hbm4b:s4+s14], $0x80, s14, s14, $0xb8;
	[tilespmem:$0x1C800] =	vst v63  }
0x70: {  	_ =	swait.ge [sflag:s17], $0x4000  }
0x71: {  	[sflag:s17] =	ssyncset.done $0x0  }
0x72: {  	[sflag:s17] =	ssyncadd.s32 $0xFFFFC000  }
0x73: {  	[spmem:s2] =	stream.indirect.scatter.add.f32 [tilespmem:s15], [sflag:$0x3], $0x80, s13, s14, $0xb8;
	[tilespmem:$0x1C800] =	vst v63  }
0x74: {  	_ =	swait.ge [sflag:s12], $0x4000  }
0x75: {  	[sflag:s12] =	ssyncset.done $0x0  }
0x76: {  	[sflag:s12] =	ssyncadd.s32 $0xFFFFC000  }
0x77: {  	[tilespmem:s15], [sflag:$0x1] =	stream.indirect.gather [hbm4b:s4+s14], $0x80, s18, s14, $0xb8;
	[tilespmem:$0x1C800] =	vst v63  }
0x78: {  	_ =	swait.ge [sflag:s19], $0x4000  }
0x79: {  	[sflag:s19] =	ssyncset.done $0x0  }
0x7a: {  	[sflag:s19] =	ssyncadd.s32 $0xFFFFC000  }
0x7b: {  	[spmem:s2] =	stream.indirect.scatter.add.f32 [tilespmem:s16], [sflag:$0x3], $0x80, s20, s14, $0xb8;
	[tilespmem:$0x1C800] =	vst v63  }
0x7c: {  	_ =	swait.ge [sflag:s12], $0x4000  }
0x7d: {  	[sflag:s12] =	ssyncset.done $0x0  }
0x7e: {  	[sflag:s12] =	ssyncadd.s32 $0xFFFFC000  }
0x7f: {  	[tilespmem:s16], [sflag:$0x2] =	stream.indirect.gather [hbm4b:s4+s14], $0x80, s21, s14, $0xb8;
	[tilespmem:$0x1C800] =	vst v63  }
0x80: {  	_ =	swait.ge [sflag:s17], $0x4000  }
0x81: {  	[sflag:s17] =	ssyncset.done $0x0  }
0x82: {  	[sflag:s17] =	ssyncadd.s32 $0xFFFFC000  }
0x83: {  	[spmem:s2] =	stream.indirect.scatter.add.f32 [tilespmem:s15], [sflag:$0x3], $0x80, s22, s14, $0xb8;
	[tilespmem:$0x1C800] =	vst v63  }
0x84: {  	_ =	swait.ge [sflag:s12], $0x4000  }
0x85: {  	[sflag:s12] =	ssyncset.done $0x0  }
0x86: {  	[sflag:s12] =	ssyncadd.s32 $0xFFFFC000  }
0x87: {  	[tilespmem:s15], [sflag:$0x1] =	stream.indirect.gather [hbm4b:s4+s14], $0x80, s23, s14, $0xb8;
	[tilespmem:$0x1C800] =	vst v63  }
0x88: {  	_ =	swait.ge [sflag:s19], $0x4000  }
0x89: {  	[sflag:s19] =	ssyncset.done $0x0  }
0x8a: {  	[sflag:s19] =	ssyncadd.s32 $0xFFFFC000  }
0x8b: {  	[spmem:s2] =	stream.indirect.scatter.add.f32 [tilespmem:s16], [sflag:$0x3], $0x80, s24, s14, $0xb8;
	[tilespmem:$0x1C800] =	vst v63  }
0x8c: {  	_ =	swait.ge [sflag:s12], $0x4000  }
0x8d: {  	[sflag:s12] =	ssyncset.done $0x0  }
0x8e: {  	[sflag:s12] =	ssyncadd.s32 $0xFFFFC000  }
0x8f: {  	[tilespmem:s16], [sflag:$0x2] =	stream.indirect.gather [hbm4b:s4+s14], $0x80, s25, s14, $0xb8;
	[tilespmem:$0x1C800] =	vst v63  }
0x90: {  	_ =	swait.ge [sflag:s17], $0x4000  }
0x91: {  	[sflag:s17] =	ssyncset.done $0x0  }
0x92: {  	[sflag:s17] =	ssyncadd.s32 $0xFFFFC000  }
0x93: {  	[spmem:s2] =	stream.indirect.scatter.add.f32 [tilespmem:s15], [sflag:$0x3], $0x80, s26, s14, $0xb8;
	[tilespmem:$0x1C800] =	vst v63  }
0x94: {  	_ =	swait.ge [sflag:s12], $0x4000  }
0x95: {  	[sflag:s12] =	ssyncset.done $0x0  }
0x96: {  	[sflag:s12] =	ssyncadd.s32 $0xFFFFC000  }
0x97: {  	[tilespmem:s15], [sflag:$0x1] =	stream.indirect.gather [hbm4b:s4+s14], $0x80, s28, s14, $0xb8;
	[tilespmem:$0x1C800] =	vst v63  }
0x98: {  	_ =	swait.ge [sflag:s19], $0x4000  }
0x99: {  	[sflag:s19] =	ssyncset.done $0x0  }
0x9a: {  	[sflag:s19] =	ssyncadd.s32 $0xFFFFC000  }
0x9b: {  	[spmem:s2] =	stream.indirect.scatter.add.f32 [tilespmem:s16], [sflag:$0x3], $0x80, s29, s14, $0xb8;
	[tilespmem:$0x1C800] =	vst v63  }
0x9c: {  	_ =	swait.ge [sflag:s12], $0x4000  }
0x9d: {  	[sflag:s12] =	ssyncset.done $0x0  }
0x9e: {  	[sflag:s12] =	ssyncadd.s32 $0xFFFFC000  }
0x9f: {  	[tilespmem:s16], [sflag:$0x2] =	stream.indirect.gather [hbm4b:s4+s14], $0x80, s30, s14, $0xb8;
	[tilespmem:$0x1C800] =	vst v63  }
0xa0: {  	_ =	swait.ge [sflag:s17], $0x4000  }
0xa1: {  	[sflag:s17] =	ssyncset.done $0x0  }
0xa2: {  	[sflag:s17] =	ssyncadd.s32 $0xFFFFC000  }
0xa3: {  	[spmem:s2] =	stream.indirect.scatter.add.f32 [tilespmem:s15], [sflag:$0x3], $0x80, s31, s14, $0xb8;
	[tilespmem:$0x1C800] =	vst v63  }
0xa4: {  	_ =	swait.ge [sflag:s12], $0x4000  }
0xa5: {  	[sflag:s12] =	ssyncset.done $0x0  }
0xa6: {  	[sflag:s12] =	ssyncadd.s32 $0xFFFFC000  }
0xa7: {  	_ =	swait.ge [sflag:s19], $0x4000  }
.Ltmp0:
0xa8: {  	[sflag:s19] =	ssyncset.done $0x0;
	(pc) =	sbr.rel @p0 .LBB2_2-.Ltmp0, $4  }
0xa9: {  	[sflag:s19] =	ssyncadd.s32 $0xFFFFC000  }
0xaa: {  	[spmem:s2] =	stream.indirect.scatter.add.f32 [tilespmem:s16], [sflag:$0x3], $0x80, s1, s14, $0xb8;
	[tilespmem:$0x1C800] =	vst v63  }
0xab: {  	_ =	swait.ge [sflag:s12], $0x4000  }
0xac: {  	s7 =	smov.u32 s8;
	[sflag:s12] =	ssyncset.done $0x0  }
0xad: {  	s6 =	sadd.s32 s5, s10;
	[sflag:s12] =	ssyncadd.s32 $0xFFFFC000  }
0xae: {  	[tilespmem:s3], [sflag:$0x3] =	stream.linear.gather [hbm4b:s6+s3], $0x400, $0x38;
	[tilespmem:$0x1C800] =	vst v63  }
0xaf: {  	_ =	swait.ge [sflag:s12], $0x400  }
0xb0: {  	[sflag:s12] =	ssyncset.done $0x0  }
0xb1: {  	s7 =	sadd.s32 s5, s9;
	[sflag:s12] =	ssyncadd.s32 $0xFFFFFC00  }
0xb2: {  	[tilespmem:s13], [sflag:$0x3] =	stream.linear.gather [hbm4b:s7+s3], $0x400, $0x38;
	[tilespmem:$0x1C800] =	vst v63  }
0xb3: {  	_ =	swait.ge [sflag:s12], $0x400  }
0xb4: {  	[sflag:s12] =	ssyncset.done $0x0  }
0xb5: {  	[sflag:s12] =	ssyncadd.s32 $0xFFFFFC00  }
0xb6: {  	[tilespmem:s15], [sflag:$0x1] =	stream.indirect.gather [hbm4b:s4+s14], $0x80, s3, s14, $0xb8;
	[tilespmem:$0x1C800] =	vst v63  }
0xb7: {  	_ = 	snop  }
0xb8: {  	[tilespmem:s16], [sflag:$0x2] =	stream.indirect.gather [hbm4b:s4+s14], $0x80, s14, s14, $0xb8;
	[tilespmem:$0x1C800] =	vst v63  }
0xb9: {  	_ =	swait.ge [sflag:s17], $0x4000  }
0xba: {  	[sflag:s17] =	ssyncset.done $0x0  }
0xbb: {  	[sflag:s17] =	ssyncadd.s32 $0xFFFFC000  }
0xbc: {  	[spmem:s2] =	stream.indirect.scatter.add.f32 [tilespmem:s15], [sflag:$0x3], $0x80, s13, s14, $0xb8;
	[tilespmem:$0x1C800] =	vst v63  }
0xbd: {  	_ =	swait.ge [sflag:s12], $0x4000  }
0xbe: {  	[sflag:s12] =	ssyncset.done $0x0  }
0xbf: {  	[sflag:s12] =	ssyncadd.s32 $0xFFFFC000  }
0xc0: {  	[tilespmem:s15], [sflag:$0x1] =	stream.indirect.gather [hbm4b:s4+s14], $0x80, s18, s14, $0xb8;
	[tilespmem:$0x1C800] =	vst v63  }
0xc1: {  	_ =	swait.ge [sflag:s19], $0x4000  }
0xc2: {  	[sflag:s19] =	ssyncset.done $0x0  }
0xc3: {  	[sflag:s19] =	ssyncadd.s32 $0xFFFFC000  }
0xc4: {  	[spmem:s2] =	stream.indirect.scatter.add.f32 [tilespmem:s16], [sflag:$0x3], $0x80, s20, s14, $0xb8;
	[tilespmem:$0x1C800] =	vst v63  }
0xc5: {  	_ =	swait.ge [sflag:s12], $0x4000  }
0xc6: {  	[sflag:s12] =	ssyncset.done $0x0  }
0xc7: {  	[sflag:s12] =	ssyncadd.s32 $0xFFFFC000  }
0xc8: {  	[tilespmem:s16], [sflag:$0x2] =	stream.indirect.gather [hbm4b:s4+s14], $0x80, s21, s14, $0xb8;
	[tilespmem:$0x1C800] =	vst v63  }
0xc9: {  	_ =	swait.ge [sflag:s17], $0x4000  }
0xca: {  	[sflag:s17] =	ssyncset.done $0x0  }
0xcb: {  	[sflag:s17] =	ssyncadd.s32 $0xFFFFC000  }
0xcc: {  	[spmem:s2] =	stream.indirect.scatter.add.f32 [tilespmem:s15], [sflag:$0x3], $0x80, s22, s14, $0xb8;
	[tilespmem:$0x1C800] =	vst v63  }
0xcd: {  	_ =	swait.ge [sflag:s12], $0x4000  }
0xce: {  	[sflag:s12] =	ssyncset.done $0x0  }
0xcf: {  	[sflag:s12] =	ssyncadd.s32 $0xFFFFC000  }
0xd0: {  	[tilespmem:s15], [sflag:$0x1] =	stream.indirect.gather [hbm4b:s4+s14], $0x80, s23, s14, $0xb8;
	[tilespmem:$0x1C800] =	vst v63  }
0xd1: {  	_ =	swait.ge [sflag:s19], $0x4000  }
0xd2: {  	[sflag:s19] =	ssyncset.done $0x0  }
0xd3: {  	[sflag:s19] =	ssyncadd.s32 $0xFFFFC000  }
0xd4: {  	[spmem:s2] =	stream.indirect.scatter.add.f32 [tilespmem:s16], [sflag:$0x3], $0x80, s24, s14, $0xb8;
	[tilespmem:$0x1C800] =	vst v63  }
0xd5: {  	_ =	swait.ge [sflag:s12], $0x4000  }
0xd6: {  	[sflag:s12] =	ssyncset.done $0x0  }
0xd7: {  	[sflag:s12] =	ssyncadd.s32 $0xFFFFC000  }
0xd8: {  	[tilespmem:s16], [sflag:$0x2] =	stream.indirect.gather [hbm4b:s4+s14], $0x80, s25, s14, $0xb8;
	[tilespmem:$0x1C800] =	vst v63  }
0xd9: {  	_ =	swait.ge [sflag:s17], $0x4000  }
0xda: {  	[sflag:s17] =	ssyncset.done $0x0  }
0xdb: {  	[sflag:s17] =	ssyncadd.s32 $0xFFFFC000  }
0xdc: {  	[spmem:s2] =	stream.indirect.scatter.add.f32 [tilespmem:s15], [sflag:$0x3], $0x80, s26, s14, $0xb8;
	[tilespmem:$0x1C800] =	vst v63  }
0xdd: {  	_ =	swait.ge [sflag:s12], $0x4000  }
0xde: {  	[sflag:s12] =	ssyncset.done $0x0  }
0xdf: {  	[sflag:s12] =	ssyncadd.s32 $0xFFFFC000  }
0xe0: {  	[tilespmem:s15], [sflag:$0x1] =	stream.indirect.gather [hbm4b:s4+s14], $0x80, s28, s14, $0xb8;
	[tilespmem:$0x1C800] =	vst v63  }
0xe1: {  	_ =	swait.ge [sflag:s19], $0x4000  }
0xe2: {  	[sflag:s19] =	ssyncset.done $0x0  }
0xe3: {  	[sflag:s19] =	ssyncadd.s32 $0xFFFFC000  }
0xe4: {  	[spmem:s2] =	stream.indirect.scatter.add.f32 [tilespmem:s16], [sflag:$0x3], $0x80, s29, s14, $0xb8;
	[tilespmem:$0x1C800] =	vst v63  }
0xe5: {  	_ =	swait.ge [sflag:s12], $0x4000  }
0xe6: {  	[sflag:s12] =	ssyncset.done $0x0  }
0xe7: {  	[sflag:s12] =	ssyncadd.s32 $0xFFFFC000  }
0xe8: {  	[tilespmem:s16], [sflag:$0x2] =	stream.indirect.gather [hbm4b:s4+s14], $0x80, s30, s14, $0xb8;
	[tilespmem:$0x1C800] =	vst v63  }
0xe9: {  	_ =	swait.ge [sflag:s17], $0x4000  }
0xea: {  	[sflag:s17] =	ssyncset.done $0x0  }
0xeb: {  	[sflag:s17] =	ssyncadd.s32 $0xFFFFC000  }
0xec: {  	[spmem:s2] =	stream.indirect.scatter.add.f32 [tilespmem:s15], [sflag:$0x3], $0x80, s31, s14, $0xb8;
	[tilespmem:$0x1C800] =	vst v63  }
0xed: {  	_ =	swait.ge [sflag:s12], $0x4000  }
0xee: {  	[sflag:s12] =	ssyncset.done $0x0  }
0xef: {  	[sflag:s12] =	ssyncadd.s32 $0xFFFFC000  }
0xf0: {  	_ =	swait.ge [sflag:s19], $0x4000  }
0xf1: {  	[sflag:s19] =	ssyncset.done $0x0  }
0xf2: {  	[sflag:s19] =	ssyncadd.s32 $0xFFFFC000  }
0xf3: {  	[spmem:s2] =	stream.indirect.scatter.add.f32 [tilespmem:s16], [sflag:$0x3], $0x80, s1, s14, $0xb8;
	[tilespmem:$0x1C800] =	vst v63  }
0xf4: {  	_ =	swait.ge [sflag:s12], $0x4000  }
0xf5: {  	[sflag:s12] =	ssyncset.done $0x0  }
0xf6: {  	[sflag:s12] =	ssyncadd.s32 $0xFFFFC000  }
0xf7: {  	[bflag:$0x0] =	sbarrier.arrive $0xFFFF  }
0xf8: {  	s6 =	rddreg [dreg:$0x4]  }
0xf9: {  	s8 =	rddreg [dreg:$0x5]  }
0xfa: {  	s7 =	rddreg [dreg:$0x7]  }
0xfb: {  	[hbm:s8], [sflag:s6] =	dma.local [spmem:s7], $0x2800  }
0xfc: {  	_ =	swait.ge [sflag:s12], $0x2800  }
0xfd: {  	s0 =	sadd.s32 $0x1, s0;
	s11 =	rddreg [dreg:$0x6]  }
0xfe: {  	p0 =	sne.s32 s0, s11  }
.Ltmp1:
0xff: {  	_ = 	snop;
	(pc) =	sbr.rel @p0 .LBB2_1-.Ltmp1, $3  }
0x100: {  	_ =	sdelay $0x1  }
0x101: {  	[sflag:s12] =	ssyncset.done $0x0  }
0x102: {  	[sflag:s12] =	ssyncadd.s32 $0xFFFFD800  }
0x103: {  	_ =	sfence.sel $0x180000  }
0x104: {  	[bflag:$0x0] =	sbarrier.arrive $0xFFFF  }
0x105: {  	_ =	strace $0x9000004D  }
0x106: {  	s0 =	stileid.u32;
	[bflag:$0x2] =	sbarrier.arrive $0xFFFF  }
0x107: {  	p0 =	sne.s32 s0, $0x0;
	s0 =	rddreg [dreg:$0x2]  }
0x108: {  	s0 =	sadd.s32 @!p0 $0x100000, s0  }
0x109: {  	[sflag:s0] =	ssyncadd.tile.s32 @!p0 $0x1;
	_ =	shalt  }
.Lfunc_end2:
_tile_overlayer_lowered:
.L_overlay_start_2:
0x10a: {  	(tag) =	ssettag $0x2  }
0x10b: {  	s0 =	rddreg [dreg:$0x0];
	s2 =	stileid.u32  }
0x10c: {  	s1 =	rddreg [dreg:$0x1];
	p0 =	sne.s32 s2, $0x0  }
0x10d: {  	s3 =	rddreg [dreg:$0x2];
	[bflag:$0x3] =	sbarrier.arrive $0xFFFF;
	s2 =	simm.s32 @!p0 $0x1C03  }
0x10e: {  	[timem:s3], [sflag:s2] =	dma.local @!p0 [hbm:s0], s1  }
0x10f: {  	s0 =	simm.s32 @!p0 $0x3  }
0x110: {  	_ =	swait.ge @!p0 [sflag:s0], s1  }
0x111: {  	s1 =	ssub.s32 @!p0 $0x0, s1;
	[sflag:s0] =	ssyncset.done @!p0 $0x0  }
0x112: {  	[sflag:s0] =	ssyncadd.s32 @!p0 s1  }
0x113: {  	[bflag:$0x3] =	sbarrier.arrive $0xFFFF  }
0x114: {  	_ =	shalt  }

// kernel: kernel.21.cloned.1.call-start
scs
__scs_entry_jumppad:
0x0: {  	(pc) =	sbr.rel $0x88, $3  }
0x1: {  	(tag) =	ssettag $0x0;
	lr =	simm.s32 $0x1  }
0x2: {  	[smem:$0x3F8D] =	sst lr;
	_ =	strace $0xD0000000  }
0x3: {  	_ = 	snop  }
0x4: {  	_ = 	snop  }
0x5: {  	_ = 	snop  }
0x6: {  	_ = 	snop  }
0x7: {  	_ = 	snop  }
__scs_overlays_trampoline_lowered:
0x8: {  	[smem:$0x3F9C] =	sst s0  }
0x9: {  	[smem:$0x3F9D] =	sst s1  }
0xa: {  	[smem:$0x3F9E] =	sst s2  }
0xb: {  	[smem:$0x3F9F] =	sst s3  }
0xc: {  	[smem:$0x3FA0] =	sst s4  }
0xd: {  	[smem:$0x3FA1] =	sst s5  }
0xe: {  	[smem:$0x3FA2] =	sst s6  }
0xf: {  	[smem:$0x3FA3] =	sst s7  }
0x10: {  	[smem:$0x3FA4] =	sst s8  }
0x11: {  	[smem:$0x3FA5] =	sst s9;
	s0 =	simm.s32 @!p0 $0x0  }
0x12: {  	s1 =	sld [smem:$0x3F8B];
	s0 =	simm.s32 @p0 $0x1  }
0x13: {  	[smem:$0x3FA6] =	sst s0;
	s0 =	simm.s32 @!p1 $0x0  }
0x14: {  	s2 =	sld [smem:$0x3F8A];
	s0 =	simm.s32 @p1 $0x1  }
0x15: {  	[smem:$0x3FA7] =	sst s0;
	s0 =	simm.s32 @!p2 $0x0  }
0x16: {  	s3 =	sld [smem:$0x3FDB];
	s0 =	simm.s32 @p2 $0x1  }
0x17: {  	s4 =	simm.s32 $0x1BF5;
	[smem:$0x3FA9] =	sst s0  }
0x18: {  	s0 =	sld [smem:$0x3F8C];
	_ =	swait.ge [sflag:s4], $0x0  }
0x19: {  	s7 =	sld [smem:$0x3F8D]  }
0x1a: {  	s8 =	sadd.s32 $0xFFFFE003, lr  }
0x1b: {  	s9 =	sadd.s32 $0xFFFFFEF7, lr;
	s5 =	simm.s32 $0xFFFFFFFF;
	p2 =	slt.u32 s8, $0xFFFFF086  }
0x1c: {  	p1 =	slt.u32 s9, $0xF7A;
	s5 =	simm.s32 @!p2 $0x0  }
0x1d: {  	s5 =	simm.s32 @p1 $0x1;
	p0 =	seq.s32 s7, s2  }
0x1e: {  	s7 =	smul.u32 @!p0 $0xF7A, s2;
	p2 =	seq.s32 @!p0 s5, $0x0  }
0x1f: {  	s9 =	smul.u32 $0xF7A, s1;
	s8 =	simm.s32 @!p0 $0x1BF5;
	p2 =	por !p2, p0  }
0x20: {  	[sflag:s8] =	ssyncset.s32 @!p0 $0xFFFFF086;
	s6 =	sadd.s32 @!p0 s3, s7;
	s7 =	simm.s32 @!p0 $0x108  }
0x21: {  	s3 =	sadd.s32 s3, s9;
	s6 =	sadd.s32 @!p0 $0x88, s6;
	s7 =	simm.s32 @p2 $0x1082  }
0x22: {  	[simem:s7], [sflag:s8] =	dma.local @!p0 [hbm:s6], $0xF7A  }
0x23: {  	s9 =	sor.u32 $0xD0000000, s2;
	s6 =	simm.s32 $0x108;
	_ =	swait.ge @!p0 [sflag:s8], $0x0  }
0x24: {  	s3 =	sadd.s32 $0x88, s3;
	s6 =	simm.s32 @!p1 $0x1082;
	[sflag:s4] =	ssyncset.s32 $0xFFFFF086  }
0x25: {  	[simem:s6], [sflag:s4] =	dma.local [hbm:s3], $0xF7A  }
0x26: {  	[smem:$0x3F8D] =	sst s1;
	(tag) =	ssettag s2;
	_ =	strace s9  }
0x27: {  	s1 =	sld [smem:$0x3F9D]  }
0x28: {  	s2 =	sld [smem:$0x3F9E]  }
0x29: {  	s4 =	sld [smem:$0x3FA0]  }
0x2a: {  	p0 =	seq.s32 s5, $0x0;
	s5 =	sld [smem:$0x3FA1]  }
0x2b: {  	s6 =	sld [smem:$0x3FA2]  }
0x2c: {  	s7 =	sld [smem:$0x3FA3]  }
0x2d: {  	s3 =	simm.s32 $0x108;
	s8 =	sld [smem:$0x3FA4]  }
0x2e: {  	s3 =	simm.s32 @!p0 $0x1082;
	s9 =	sld [smem:$0x3FA5]  }
0x2f: {  	lr =	sadd.s32 s0, s3;
	s0 =	sld [smem:$0x3F9C]  }
0x30: {  	s3 =	sld [smem:$0x3F9F]  }
0x31: {  	[smem:$0x3FA8] =	sst s10  }
0x32: {  	s10 =	sld [smem:$0x3FA6];
	_ =	sdelay $0x3  }
0x33: {  	p0 =	seq.s32 s10, $0x1;
	s10 =	sld [smem:$0x3FA8];
	_ =	sdelay $0x3  }
0x34: {  	[smem:$0x3FA8] =	sst s10  }
0x35: {  	s10 =	sld [smem:$0x3FA7];
	_ =	sdelay $0x3  }
0x36: {  	p1 =	seq.s32 s10, $0x1;
	s10 =	sld [smem:$0x3FA8];
	_ =	sdelay $0x3  }
0x37: {  	[smem:$0x3FA8] =	sst s10  }
0x38: {  	s10 =	sld [smem:$0x3FA9]  }
0x39: {  	_ = 	snop;
	(pc) =	sbr.ind lr, $3  }
0x3a: {  	_ = 	snop  }
0x3b: {  	_ = 	snop  }
0x3c: {  	p2 =	seq.s32 s10, $0x1;
	s10 =	sld [smem:$0x3FA8]  }
0x3d: {  	_ =	shalt  }
0x3e: {  	_ =	shalt  }
0x3f: {  	_ =	shalt  }
0x40: {  	_ =	shalt  }
0x41: {  	_ =	shalt  }
0x42: {  	_ =	shalt  }
0x43: {  	_ =	shalt  }
0x44: {  	_ =	shalt  }
0x45: {  	_ =	shalt  }
0x46: {  	_ =	shalt  }
0x47: {  	_ =	shalt  }
0x48: {  	_ =	shalt  }
0x49: {  	_ =	shalt  }
0x4a: {  	_ =	shalt  }
0x4b: {  	_ =	shalt  }
0x4c: {  	_ =	shalt  }
0x4d: {  	_ =	shalt  }
0x4e: {  	_ =	shalt  }
0x4f: {  	_ =	shalt  }
0x50: {  	_ =	shalt  }
0x51: {  	_ =	shalt  }
0x52: {  	_ =	shalt  }
0x53: {  	_ =	shalt  }
0x54: {  	_ =	shalt  }
0x55: {  	_ =	shalt  }
0x56: {  	_ =	shalt  }
0x57: {  	_ =	shalt  }
0x58: {  	_ =	shalt  }
0x59: {  	_ =	shalt  }
0x5a: {  	_ =	shalt  }
0x5b: {  	_ =	shalt  }
0x5c: {  	_ =	shalt  }
0x5d: {  	_ =	shalt  }
0x5e: {  	_ =	shalt  }
0x5f: {  	_ =	shalt  }
0x60: {  	_ =	shalt  }
0x61: {  	_ =	shalt  }
0x62: {  	_ =	shalt  }
0x63: {  	_ =	shalt  }
0x64: {  	_ =	shalt  }
0x65: {  	_ =	shalt  }
0x66: {  	_ =	shalt  }
0x67: {  	_ =	shalt  }
0x68: {  	_ =	shalt  }
0x69: {  	_ =	shalt  }
0x6a: {  	_ =	shalt  }
0x6b: {  	_ =	shalt  }
0x6c: {  	_ =	shalt  }
0x6d: {  	_ =	shalt  }
0x6e: {  	_ =	shalt  }
0x6f: {  	_ =	shalt  }
0x70: {  	_ =	shalt  }
0x71: {  	_ =	shalt  }
0x72: {  	_ =	shalt  }
0x73: {  	_ =	shalt  }
0x74: {  	_ =	shalt  }
0x75: {  	_ =	shalt  }
0x76: {  	_ =	shalt  }
0x77: {  	_ =	shalt  }
0x78: {  	_ =	shalt  }
0x79: {  	_ =	shalt  }
0x7a: {  	_ =	shalt  }
0x7b: {  	_ =	shalt  }
0x7c: {  	_ =	shalt  }
0x7d: {  	_ =	shalt  }
0x7e: {  	_ =	shalt  }
0x7f: {  	_ =	shalt  }
0x80: {  	_ =	shalt  }
0x81: {  	_ =	shalt  }
0x82: {  	_ =	shalt  }
0x83: {  	_ =	shalt  }
0x84: {  	_ =	shalt  }
0x85: {  	_ =	shalt  }
0x86: {  	_ =	shalt  }
0x87: {  	_ =	shalt  }
.Lfunc_end0:
.L_simem_size_0:
called_computation.3_lowered:
.L_overlay_start_0:
0x88: {  	s2 =	sld [smem:$0x3FD9]  }
0x89: {  	s3 =	sld [smem:$0x3FFE];
	_ =	sdelay $0x1  }
0x8a: {  	s1 =	srdreg.scid  }
0x8b: {  	s0 =	sand.u32 $0x1, s1  }
0x8c: {  	s16 =	sshll.u32 s0, $0xA;
	s2 =	sadd.s32 s3, s2  }
0x8d: {  	s2 =	sadd.s32 s2, s16  }
0x8e: {  	[smem:$0x3FB4] =	sst s2  }
0x8f: {  	_ = 	snop  }
0x90: {  	(tm) =	ssettm $0x1  }
0x91: {  	s17 =	sld [smem:$0x3FFB];
	_ =	sdelay $0x3  }
0x92: {  	_ =	strace s17  }
0x93: {  	s2 =	sld [smem:$0x3FFC];
	_ =	sdelay $0x3  }
0x94: {  	_ =	strace s2  }
0x95: {  	s2 =	sld [smem:$0x3FFD];
	_ =	sdelay $0x3  }
0x96: {  	_ =	strace s2  }
0x97: {  	_ =	strace $0x8FFFFFFF  }
0x98: {  	s18 =	sld [smem:$0x3FDB];
	_ =	sdelay $0x1  }
0x99: {  	s19 =	simm.s32 $_scs_section_size  }
0x9a: {  	s4 =	simm.s32 $_size__tile_overlayer_lowered;
	s5 =	simm.s32 $_tile_overlayer_lowered  }
0x9b: {  	s22 =	simm.s32 $0x1BFF;
	s21 =	sshll.u32 s5, $0x1;
	s2 =	sadd.s32 s19, s18  }
0x9c: {  	s6 =	simm.s32 $0x0;
	s20 =	sshll.u32 s4, $0x1;
	s4 =	sadd.s32 s21, s2  }
0x9d: {  	[timem:s6], [sflag:s22] =	dma.local [hbm:s4], s20  }
0x9e: {  	_ =	swait.ge [sflag:s22], s20  }
0x9f: {  	s3 =	ssub.s32 $0x0, s20;
	[sflag:s22] =	ssyncset.done $0x0  }
0xa0: {  	[sflag:s22] =	ssyncadd.s32 s3;
	_ =	sdelay $0x1  }
0xa1: {  	s23 =	simm.s32 $0x1B8B  }
0xa2: {  	_ =	swait.ge [sflag:s23], $0x1  }
0xa3: {  	[sflag:s23] =	ssyncset.done $0x0  }
0xa4: {  	s25 =	simm.s32 $0x1B8E;
	s24 =	sld [smem:$0x3FFE];
	[sflag:s23] =	ssyncadd.s32 $0xFFFFFFFF  }
0xa5: {  	s26 =	simm.s32 $execute0_lowered;
	[smem:$0x3FD2] =	sst s25  }
0xa6: {  	s4 =	sshll.u32 s26, $0x1;
	_ =	strace $0x8000004F;
	[dreg:$0x1] =	wrdreg $0xFFFFFFFF  }
0xa7: {  	s28 =	simm.s32 $_size_execute0_lowered;
	s2 =	sadd.s32 s2, s4;
	[dreg:$0x0] =	wrdreg $0x0  }
0xa8: {  	s4 =	sshll.u32 s28, $0x1;
	[dreg:$0x2] =	wrdreg s2  }
0xa9: {  	[dreg:$0x3] =	wrdreg s4  }
0xaa: {  	[dreg:$0x4] =	wrdreg $0xC0  }
0xab: {  	_ =	task [dreg:s6], $0x5FFFF  }
0xac: {  	[dreg:$0x1] =	wrdreg $0xFFFFFFFF  }
0xad: {  	[dreg:$0x0] =	wrdreg $0x60  }
0xae: {  	[dreg:$0x2] =	wrdreg s24  }
0xaf: {  	[dreg:$0x3] =	wrdreg $0x88000  }
0xb0: {  	[dreg:$0x4] =	wrdreg $0x9  }
0xb1: {  	_ =	task.clear_ibuf [dreg:s6], $0x5FFFF;
	_ =	strace $0x9000004F  }
0xb2: {  	s29 =	simm.s32 $0x9;
	_ =	strace $0x80000051  }
0xb3: {  	_ =	swait.ge [sflag:s29], $0x1  }
0xb4: {  	[sflag:s29] =	ssyncadd.s32 $0xFFFFFFFF  }
0xb5: {  	_ =	strace $0x90000051  }
0xb6: {  	_ =	sfence  }
0xb7: {  	s30 =	sld [smem:$0x0];
	_ =	sdelay $0x2  }
0xb8: {  	s31 =	sshll.u32 s1, $0xD;
	s1 =	sshrl.u32 s1, $0x2  }
0xb9: {  	s3 =	sand.u32 $0x4000, s31;
	s1 =	sadd.s32 s1, s30  }
0xba: {  	s0 =	sor.u32 s3, s0;
	s1 =	sshll.u32 s1, $0x11  }
0xbb: {  	s0 =	sor.u32 s1, s0  }
0xbc: {  	s0 =	sadd.s32 $0x8F2B, s0  }
0xbd: {  	[sflag:s0] =	ssyncadd.remote.s32 $0x1  }
0xbe: {  	_ =	sfence.sel $0xFFFF  }
0xbf: {  	[dreg:$0x0] =	wrdreg $0xFFFFFFFF;
	(pc) =	sbr.abs _section_cstart, $3  }
0xc0: {  	[dreg:$0x1] =	wrdreg $0xFFFFFFFF  }
0xc1: {  	_ =	task.clear_ibuf [dreg:s6], $0x2FFFF;
	_ =	strace $0x9FFFFFFF  }
0xc2: {  	(tm) =	ssettm $0x7FFFFFFF  }
0xc3: {  	_ =	shalt  }
tec
execute0_lowered:
.L_overlay_start_1:
0x0: {  	(tag) =	ssettag $0x1  }
0x1: {  	s0 =	rddreg [dreg:$0x0];
	s1 =	srdreg.scid  }
0x2: {  	s10 =	stileid.u32;
	s2 =	rddreg [dreg:$0x1];
	s3 =	simm.s32 $0x0  }
0x3: {  	s12 =	simm.s32 $0x3;
	s13 =	simm.s32 $0x400;
	s14 =	simm.s32 $0x80  }
0x4: {  	s15 =	simm.s32 $0x800;
	s16 =	simm.s32 $0x4800;
	s17 =	simm.s32 $0x1  }
0x5: {  	s18 =	simm.s32 $0x100;
	s19 =	simm.s32 $0x2;
	s20 =	simm.s32 $0x480  }
0x6: {  	s28 =	simm.s32 $0x300;
	s29 =	simm.s32 $0x680;
	s4 =	smul.u32 $0x5000, s10  }
0x7: {  	s30 =	simm.s32 $0x380;
	s31 =	simm.s32 $0x700;
	s6 =	smul.u32 $0x2800, s10  }
0x8: {  	s1 =	sand.u32 $0x1, s1;
	[smem:$0x7FF] =	sst s3;
	s8 =	smul.u32 $0x50000, s10  }
0x9: {  	s25 =	sshll.u32 s10, $0x6;
	s5 =	smul.u32 $0x2800, s1;
	_ =	strace $0x80000050  }
0xa: {  	s7 =	smul.u32 $0x28000, s1;
	s1 =	ssub.s32 $0x2, s1;
	s9 =	sadd.s32 s6, s0  }
0xb: {  	s21 =	sshrl.u32 s1, $0x1;
	s22 =	sshrl.u32 s8, $0x2;
	s5 =	sadd.s32 s5, s4  }
0xc: {  	s4 =	sadd.s32 $0x18E00, s0;
	s6 =	sadd.s32 s6, s7;
	s1 =	ssub.s32 s1, s21  }
0xd: {  	s23 =	sadd.s32 s22, s2;
	s24 =	sadd.s32 $0x40E00, s9;
	s21 =	simm.s32 $0x180  }
0xe: {  	s22 =	simm.s32 $0x500;
	s5 =	sshrl.u32 s5, $0x3;
	[dreg:$0x3] =	wrdreg s24  }
0xf: {  	s26 =	smax.u32 s1, $0x1;
	s7 =	sshrl.u32 s23, $0x3;
	s23 =	simm.s32 $0x200  }
0x10: {  	s24 =	simm.s32 $0x580;
	s1 =	simm.s32 $0x780;
	s5 =	sadd.s32 s5, s0  }
0x11: {  	s0 =	sadd.s32 s6, s0;
	s6 =	sor.u32 $0x1C03, s25;
	[dreg:$0x6] =	wrdreg s26  }
0x12: {  	s25 =	simm.s32 $0x280;
	s26 =	simm.s32 $0x600;
	[dreg:$0x7] =	wrdreg s7  }
0x13: {  	s0 =	sadd.s32 $0x68E00, s0;
	s9 =	sadd.s32 $0x4E00, s5;
	[dreg:$0x4] =	wrdreg s6  }
0x14: {  	s10 =	sadd.s32 $0xEE00, s5;
	[dreg:$0x5] =	wrdreg s0;
	s0 =	simm.s32 $0x0  }
.LBB2_1:
0x15: {  	s5 =	rddreg [dreg:$0x3]  }
0x16: {  	[spmem:s7], [sflag:s6] =	dma.local [hbm:s5], $0x2800  }
0x17: {  	_ =	swait.ge [sflag:s12], $0x2800  }
0x18: {  	[sflag:s12] =	ssyncset.done $0x0  }
0x19: {  	[sflag:s12] =	ssyncadd.s32 $0xFFFFD800  }
0x1a: {  	s8 =	sadd.s32 $0x0, s10;
	[bflag:$0x0] =	sbarrier.arrive $0xFFFF  }
0x1b: {  	[tilespmem:s3], [sflag:$0x3] =	stream.linear.gather [hbm4b:s8+s3], $0x400, $0x38;
	[tilespmem:$0x1C800] =	vst v63  }
0x1c: {  	_ =	swait.ge [sflag:s12], $0x400  }
0x1d: {  	[sflag:s12] =	ssyncset.done $0x0  }
0x1e: {  	s11 =	sadd.s32 $0x0, s9;
	[sflag:s12] =	ssyncadd.s32 $0xFFFFFC00  }
0x1f: {  	[tilespmem:s13], [sflag:$0x3] =	stream.linear.gather [hbm4b:s11+s3], $0x400, $0x38;
	[tilespmem:$0x1C800] =	vst v63  }
0x20: {  	_ =	swait.ge [sflag:s12], $0x400  }
0x21: {  	[sflag:s12] =	ssyncset.done $0x0  }
0x22: {  	[sflag:s12] =	ssyncadd.s32 $0xFFFFFC00  }
0x23: {  	[tilespmem:s15], [sflag:$0x1] =	stream.indirect.gather [hbm4b:s4+s14], $0x80, s3, s14, $0xb8;
	[tilespmem:$0x1C800] =	vst v63  }
0x24: {  	_ = 	snop  }
0x25: {  	[tilespmem:s16], [sflag:$0x2] =	stream.indirect.gather [hbm4b:s4+s14], $0x80, s14, s14, $0xb8;
	[tilespmem:$0x1C800] =	vst v63  }
0x26: {  	_ =	swait.ge [sflag:s17], $0x4000  }
0x27: {  	[sflag:s17] =	ssyncset.done $0x0  }
0x28: {  	[sflag:s17] =	ssyncadd.s32 $0xFFFFC000  }
0x29: {  	[spmem:s2] =	stream.indirect.scatter.add.f32 [tilespmem:s15], [sflag:$0x3], $0x80, s13, s14, $0xb8;
	[tilespmem:$0x1C800] =	vst v63  }
0x2a: {  	_ =	swait.ge [sflag:s12], $0x4000  }
0x2b: {  	[sflag:s12] =	ssyncset.done $0x0  }
0x2c: {  	[sflag:s12] =	ssyncadd.s32 $0xFFFFC000  }
0x2d: {  	[tilespmem:s15], [sflag:$0x1] =	stream.indirect.gather [hbm4b:s4+s14], $0x80, s18, s14, $0xb8;
	[tilespmem:$0x1C800] =	vst v63  }
0x2e: {  	_ =	swait.ge [sflag:s19], $0x4000  }
0x2f: {  	[sflag:s19] =	ssyncset.done $0x0  }
0x30: {  	[sflag:s19] =	ssyncadd.s32 $0xFFFFC000  }
0x31: {  	[spmem:s2] =	stream.indirect.scatter.add.f32 [tilespmem:s16], [sflag:$0x3], $0x80, s20, s14, $0xb8;
	[tilespmem:$0x1C800] =	vst v63  }
0x32: {  	_ =	swait.ge [sflag:s12], $0x4000  }
0x33: {  	[sflag:s12] =	ssyncset.done $0x0  }
0x34: {  	[sflag:s12] =	ssyncadd.s32 $0xFFFFC000  }
0x35: {  	[tilespmem:s16], [sflag:$0x2] =	stream.indirect.gather [hbm4b:s4+s14], $0x80, s21, s14, $0xb8;
	[tilespmem:$0x1C800] =	vst v63  }
0x36: {  	_ =	swait.ge [sflag:s17], $0x4000  }
0x37: {  	[sflag:s17] =	ssyncset.done $0x0  }
0x38: {  	[sflag:s17] =	ssyncadd.s32 $0xFFFFC000  }
0x39: {  	[spmem:s2] =	stream.indirect.scatter.add.f32 [tilespmem:s15], [sflag:$0x3], $0x80, s22, s14, $0xb8;
	[tilespmem:$0x1C800] =	vst v63  }
0x3a: {  	_ =	swait.ge [sflag:s12], $0x4000  }
0x3b: {  	[sflag:s12] =	ssyncset.done $0x0  }
0x3c: {  	[sflag:s12] =	ssyncadd.s32 $0xFFFFC000  }
0x3d: {  	[tilespmem:s15], [sflag:$0x1] =	stream.indirect.gather [hbm4b:s4+s14], $0x80, s23, s14, $0xb8;
	[tilespmem:$0x1C800] =	vst v63  }
0x3e: {  	_ =	swait.ge [sflag:s19], $0x4000  }
0x3f: {  	[sflag:s19] =	ssyncset.done $0x0  }
0x40: {  	[sflag:s19] =	ssyncadd.s32 $0xFFFFC000  }
0x41: {  	[spmem:s2] =	stream.indirect.scatter.add.f32 [tilespmem:s16], [sflag:$0x3], $0x80, s24, s14, $0xb8;
	[tilespmem:$0x1C800] =	vst v63  }
0x42: {  	_ =	swait.ge [sflag:s12], $0x4000  }
0x43: {  	[sflag:s12] =	ssyncset.done $0x0  }
0x44: {  	[sflag:s12] =	ssyncadd.s32 $0xFFFFC000  }
0x45: {  	[tilespmem:s16], [sflag:$0x2] =	stream.indirect.gather [hbm4b:s4+s14], $0x80, s25, s14, $0xb8;
	[tilespmem:$0x1C800] =	vst v63  }
0x46: {  	_ =	swait.ge [sflag:s17], $0x4000  }
0x47: {  	[sflag:s17] =	ssyncset.done $0x0  }
0x48: {  	[sflag:s17] =	ssyncadd.s32 $0xFFFFC000  }
0x49: {  	[spmem:s2] =	stream.indirect.scatter.add.f32 [tilespmem:s15], [sflag:$0x3], $0x80, s26, s14, $0xb8;
	[tilespmem:$0x1C800] =	vst v63  }
0x4a: {  	_ =	swait.ge [sflag:s12], $0x4000  }
0x4b: {  	[sflag:s12] =	ssyncset.done $0x0  }
0x4c: {  	[sflag:s12] =	ssyncadd.s32 $0xFFFFC000  }
0x4d: {  	[tilespmem:s15], [sflag:$0x1] =	stream.indirect.gather [hbm4b:s4+s14], $0x80, s28, s14, $0xb8;
	[tilespmem:$0x1C800] =	vst v63  }
0x4e: {  	_ =	swait.ge [sflag:s19], $0x4000  }
0x4f: {  	[sflag:s19] =	ssyncset.done $0x0  }
0x50: {  	[sflag:s19] =	ssyncadd.s32 $0xFFFFC000  }
0x51: {  	[spmem:s2] =	stream.indirect.scatter.add.f32 [tilespmem:s16], [sflag:$0x3], $0x80, s29, s14, $0xb8;
	[tilespmem:$0x1C800] =	vst v63  }
0x52: {  	_ =	swait.ge [sflag:s12], $0x4000  }
0x53: {  	[sflag:s12] =	ssyncset.done $0x0  }
0x54: {  	[sflag:s12] =	ssyncadd.s32 $0xFFFFC000  }
0x55: {  	[tilespmem:s16], [sflag:$0x2] =	stream.indirect.gather [hbm4b:s4+s14], $0x80, s30, s14, $0xb8;
	[tilespmem:$0x1C800] =	vst v63  }
0x56: {  	_ =	swait.ge [sflag:s17], $0x4000  }
0x57: {  	[sflag:s17] =	ssyncset.done $0x0  }
0x58: {  	[sflag:s17] =	ssyncadd.s32 $0xFFFFC000  }
0x59: {  	[spmem:s2] =	stream.indirect.scatter.add.f32 [tilespmem:s15], [sflag:$0x3], $0x80, s31, s14, $0xb8;
	[tilespmem:$0x1C800] =	vst v63  }
0x5a: {  	_ =	swait.ge [sflag:s12], $0x4000  }
0x5b: {  	[sflag:s12] =	ssyncset.done $0x0  }
0x5c: {  	[sflag:s12] =	ssyncadd.s32 $0xFFFFC000  }
0x5d: {  	_ =	swait.ge [sflag:s19], $0x4000  }
0x5e: {  	[sflag:s19] =	ssyncset.done $0x0  }
0x5f: {  	[sflag:s19] =	ssyncadd.s32 $0xFFFFC000  }
0x60: {  	[spmem:s2] =	stream.indirect.scatter.add.f32 [tilespmem:s16], [sflag:$0x3], $0x80, s1, s14, $0xb8;
	[tilespmem:$0x1C800] =	vst v63  }
0x61: {  	_ =	swait.ge [sflag:s12], $0x4000  }
0x62: {  	s5 =	simm.s32 $0x80;
	s7 =	simm.s32 $0x100;
	[sflag:s12] =	ssyncset.done $0x0  }
.LBB2_2:
0x63: {  	s6 =	sadd.s32 s5, s10  }
0x64: {  	[sflag:s12] =	ssyncadd.s32 $0xFFFFC000;
	s11 =	smov.u32 s7;
	s8 =	sadd.s32 $0x80, s7  }
0x65: {  	[tilespmem:s3], [sflag:$0x3] =	stream.linear.gather [hbm4b:s6+s3], $0x400, $0x38;
	[tilespmem:$0x1C800] =	vst v63  }
0x66: {  	p0 =	sne.s32 s7, $0x480;
	_ =	swait.ge [sflag:s12], $0x400  }
0x67: {  	[sflag:s12] =	ssyncset.done $0x0  }
0x68: {  	s6 =	sadd.s32 s5, s9;
	s5 =	smov.u32 s11;
	[sflag:s12] =	ssyncadd.s32 $0xFFFFFC00  }
0x69: {  	[tilespmem:s13], [sflag:$0x3] =	stream.linear.gather [hbm4b:s6+s3], $0x400, $0x38;
	[tilespmem:$0x1C800] =	vst v63  }
0x6a: {  	_ =	swait.ge [sflag:s12], $0x400  }
0x6b: {  	[sflag:s12] =	ssyncset.done $0x0  }
0x6c: {  	[sflag:s12] =	ssyncadd.s32 $0xFFFFFC00  }
0x6d: {  	[tilespmem:s15], [sflag:$0x1] =	stream.indirect.gather [hbm4b:s4+s14], $0x80, s3, s14, $0xb8;
	[tilespmem:$0x1C800] =	vst v63  }
0x6e: {  	_ = 	snop  }
0x6f: {  	[tilespmem:s16], [sflag:$0x2] =	stream.indirect.gather [hbm4b:s4+s14], $0x80, s14, s14, $0xb8;
	[tilespmem:$0x1C800] =	vst v63  }
0x70: {  	_ =	swait.ge [sflag:s17], $0x4000  }
0x71: {  	[sflag:s17] =	ssyncset.done $0x0  }
0x72: {  	[sflag:s17] =	ssyncadd.s32 $0xFFFFC000  }
0x73: {  	[spmem:s2] =	stream.indirect.scatter.add.f32 [tilespmem:s15], [sflag:$0x3], $0x80, s13, s14, $0xb8;
	[tilespmem:$0x1C800] =	vst v63  }
0x74: {  	_ =	swait.ge [sflag:s12], $0x4000  }
0x75: {  	[sflag:s12] =	ssyncset.done $0x0  }
0x76: {  	[sflag:s12] =	ssyncadd.s32 $0xFFFFC000  }
0x77: {  	[tilespmem:s15], [sflag:$0x1] =	stream.indirect.gather [hbm4b:s4+s14], $0x80, s18, s14, $0xb8;
	[tilespmem:$0x1C800] =	vst v63  }
0x78: {  	_ =	swait.ge [sflag:s19], $0x4000  }
0x79: {  	[sflag:s19] =	ssyncset.done $0x0  }
0x7a: {  	[sflag:s19] =	ssyncadd.s32 $0xFFFFC000  }
0x7b: {  	[spmem:s2] =	stream.indirect.scatter.add.f32 [tilespmem:s16], [sflag:$0x3], $0x80, s20, s14, $0xb8;
	[tilespmem:$0x1C800] =	vst v63  }
0x7c: {  	_ =	swait.ge [sflag:s12], $0x4000  }
0x7d: {  	[sflag:s12] =	ssyncset.done $0x0  }
0x7e: {  	[sflag:s12] =	ssyncadd.s32 $0xFFFFC000  }
0x7f: {  	[tilespmem:s16], [sflag:$0x2] =	stream.indirect.gather [hbm4b:s4+s14], $0x80, s21, s14, $0xb8;
	[tilespmem:$0x1C800] =	vst v63  }
0x80: {  	_ =	swait.ge [sflag:s17], $0x4000  }
0x81: {  	[sflag:s17] =	ssyncset.done $0x0  }
0x82: {  	[sflag:s17] =	ssyncadd.s32 $0xFFFFC000  }
0x83: {  	[spmem:s2] =	stream.indirect.scatter.add.f32 [tilespmem:s15], [sflag:$0x3], $0x80, s22, s14, $0xb8;
	[tilespmem:$0x1C800] =	vst v63  }
0x84: {  	_ =	swait.ge [sflag:s12], $0x4000  }
0x85: {  	[sflag:s12] =	ssyncset.done $0x0  }
0x86: {  	[sflag:s12] =	ssyncadd.s32 $0xFFFFC000  }
0x87: {  	[tilespmem:s15], [sflag:$0x1] =	stream.indirect.gather [hbm4b:s4+s14], $0x80, s23, s14, $0xb8;
	[tilespmem:$0x1C800] =	vst v63  }
0x88: {  	_ =	swait.ge [sflag:s19], $0x4000  }
0x89: {  	[sflag:s19] =	ssyncset.done $0x0  }
0x8a: {  	[sflag:s19] =	ssyncadd.s32 $0xFFFFC000  }
0x8b: {  	[spmem:s2] =	stream.indirect.scatter.add.f32 [tilespmem:s16], [sflag:$0x3], $0x80, s24, s14, $0xb8;
	[tilespmem:$0x1C800] =	vst v63  }
0x8c: {  	_ =	swait.ge [sflag:s12], $0x4000  }
0x8d: {  	[sflag:s12] =	ssyncset.done $0x0  }
0x8e: {  	[sflag:s12] =	ssyncadd.s32 $0xFFFFC000  }
0x8f: {  	[tilespmem:s16], [sflag:$0x2] =	stream.indirect.gather [hbm4b:s4+s14], $0x80, s25, s14, $0xb8;
	[tilespmem:$0x1C800] =	vst v63  }
0x90: {  	_ =	swait.ge [sflag:s17], $0x4000  }
0x91: {  	[sflag:s17] =	ssyncset.done $0x0  }
0x92: {  	[sflag:s17] =	ssyncadd.s32 $0xFFFFC000  }
0x93: {  	[spmem:s2] =	stream.indirect.scatter.add.f32 [tilespmem:s15], [sflag:$0x3], $0x80, s26, s14, $0xb8;
	[tilespmem:$0x1C800] =	vst v63  }
0x94: {  	_ =	swait.ge [sflag:s12], $0x4000  }
0x95: {  	[sflag:s12] =	ssyncset.done $0x0  }
0x96: {  	[sflag:s12] =	ssyncadd.s32 $0xFFFFC000  }
0x97: {  	[tilespmem:s15], [sflag:$0x1] =	stream.indirect.gather [hbm4b:s4+s14], $0x80, s28, s14, $0xb8;
	[tilespmem:$0x1C800] =	vst v63  }
0x98: {  	_ =	swait.ge [sflag:s19], $0x4000  }
0x99: {  	[sflag:s19] =	ssyncset.done $0x0  }
0x9a: {  	[sflag:s19] =	ssyncadd.s32 $0xFFFFC000  }
0x9b: {  	[spmem:s2] =	stream.indirect.scatter.add.f32 [tilespmem:s16], [sflag:$0x3], $0x80, s29, s14, $0xb8;
	[tilespmem:$0x1C800] =	vst v63  }
0x9c: {  	_ =	swait.ge [sflag:s12], $0x4000  }
0x9d: {  	[sflag:s12] =	ssyncset.done $0x0  }
0x9e: {  	[sflag:s12] =	ssyncadd.s32 $0xFFFFC000  }
0x9f: {  	[tilespmem:s16], [sflag:$0x2] =	stream.indirect.gather [hbm4b:s4+s14], $0x80, s30, s14, $0xb8;
	[tilespmem:$0x1C800] =	vst v63  }
0xa0: {  	_ =	swait.ge [sflag:s17], $0x4000  }
0xa1: {  	[sflag:s17] =	ssyncset.done $0x0  }
0xa2: {  	[sflag:s17] =	ssyncadd.s32 $0xFFFFC000  }
0xa3: {  	[spmem:s2] =	stream.indirect.scatter.add.f32 [tilespmem:s15], [sflag:$0x3], $0x80, s31, s14, $0xb8;
	[tilespmem:$0x1C800] =	vst v63  }
0xa4: {  	_ =	swait.ge [sflag:s12], $0x4000  }
0xa5: {  	[sflag:s12] =	ssyncset.done $0x0  }
0xa6: {  	[sflag:s12] =	ssyncadd.s32 $0xFFFFC000  }
0xa7: {  	_ =	swait.ge [sflag:s19], $0x4000  }
.Ltmp0:
0xa8: {  	[sflag:s19] =	ssyncset.done $0x0;
	(pc) =	sbr.rel @p0 .LBB2_2-.Ltmp0, $4  }
0xa9: {  	[sflag:s19] =	ssyncadd.s32 $0xFFFFC000  }
0xaa: {  	[spmem:s2] =	stream.indirect.scatter.add.f32 [tilespmem:s16], [sflag:$0x3], $0x80, s1, s14, $0xb8;
	[tilespmem:$0x1C800] =	vst v63  }
0xab: {  	_ =	swait.ge [sflag:s12], $0x4000  }
0xac: {  	s7 =	smov.u32 s8;
	[sflag:s12] =	ssyncset.done $0x0  }
0xad: {  	s6 =	sadd.s32 s5, s10;
	[sflag:s12] =	ssyncadd.s32 $0xFFFFC000  }
0xae: {  	[tilespmem:s3], [sflag:$0x3] =	stream.linear.gather [hbm4b:s6+s3], $0x400, $0x38;
	[tilespmem:$0x1C800] =	vst v63  }
0xaf: {  	_ =	swait.ge [sflag:s12], $0x400  }
0xb0: {  	[sflag:s12] =	ssyncset.done $0x0  }
0xb1: {  	s7 =	sadd.s32 s5, s9;
	[sflag:s12] =	ssyncadd.s32 $0xFFFFFC00  }
0xb2: {  	[tilespmem:s13], [sflag:$0x3] =	stream.linear.gather [hbm4b:s7+s3], $0x400, $0x38;
	[tilespmem:$0x1C800] =	vst v63  }
0xb3: {  	_ =	swait.ge [sflag:s12], $0x400  }
0xb4: {  	[sflag:s12] =	ssyncset.done $0x0  }
0xb5: {  	[sflag:s12] =	ssyncadd.s32 $0xFFFFFC00  }
0xb6: {  	[tilespmem:s15], [sflag:$0x1] =	stream.indirect.gather [hbm4b:s4+s14], $0x80, s3, s14, $0xb8;
	[tilespmem:$0x1C800] =	vst v63  }
0xb7: {  	_ = 	snop  }
0xb8: {  	[tilespmem:s16], [sflag:$0x2] =	stream.indirect.gather [hbm4b:s4+s14], $0x80, s14, s14, $0xb8;
	[tilespmem:$0x1C800] =	vst v63  }
0xb9: {  	_ =	swait.ge [sflag:s17], $0x4000  }
0xba: {  	[sflag:s17] =	ssyncset.done $0x0  }
0xbb: {  	[sflag:s17] =	ssyncadd.s32 $0xFFFFC000  }
0xbc: {  	[spmem:s2] =	stream.indirect.scatter.add.f32 [tilespmem:s15], [sflag:$0x3], $0x80, s13, s14, $0xb8;
	[tilespmem:$0x1C800] =	vst v63  }
0xbd: {  	_ =	swait.ge [sflag:s12], $0x4000  }
0xbe: {  	[sflag:s12] =	ssyncset.done $0x0  }
0xbf: {  	[sflag:s12] =	ssyncadd.s32 $0xFFFFC000  }
0xc0: {  	[tilespmem:s15], [sflag:$0x1] =	stream.indirect.gather [hbm4b:s4+s14], $0x80, s18, s14, $0xb8;
	[tilespmem:$0x1C800] =	vst v63  }
0xc1: {  	_ =	swait.ge [sflag:s19], $0x4000  }
0xc2: {  	[sflag:s19] =	ssyncset.done $0x0  }
0xc3: {  	[sflag:s19] =	ssyncadd.s32 $0xFFFFC000  }
0xc4: {  	[spmem:s2] =	stream.indirect.scatter.add.f32 [tilespmem:s16], [sflag:$0x3], $0x80, s20, s14, $0xb8;
	[tilespmem:$0x1C800] =	vst v63  }
0xc5: {  	_ =	swait.ge [sflag:s12], $0x4000  }
0xc6: {  	[sflag:s12] =	ssyncset.done $0x0  }
0xc7: {  	[sflag:s12] =	ssyncadd.s32 $0xFFFFC000  }
0xc8: {  	[tilespmem:s16], [sflag:$0x2] =	stream.indirect.gather [hbm4b:s4+s14], $0x80, s21, s14, $0xb8;
	[tilespmem:$0x1C800] =	vst v63  }
0xc9: {  	_ =	swait.ge [sflag:s17], $0x4000  }
0xca: {  	[sflag:s17] =	ssyncset.done $0x0  }
0xcb: {  	[sflag:s17] =	ssyncadd.s32 $0xFFFFC000  }
0xcc: {  	[spmem:s2] =	stream.indirect.scatter.add.f32 [tilespmem:s15], [sflag:$0x3], $0x80, s22, s14, $0xb8;
	[tilespmem:$0x1C800] =	vst v63  }
0xcd: {  	_ =	swait.ge [sflag:s12], $0x4000  }
0xce: {  	[sflag:s12] =	ssyncset.done $0x0  }
0xcf: {  	[sflag:s12] =	ssyncadd.s32 $0xFFFFC000  }
0xd0: {  	[tilespmem:s15], [sflag:$0x1] =	stream.indirect.gather [hbm4b:s4+s14], $0x80, s23, s14, $0xb8;
	[tilespmem:$0x1C800] =	vst v63  }
0xd1: {  	_ =	swait.ge [sflag:s19], $0x4000  }
0xd2: {  	[sflag:s19] =	ssyncset.done $0x0  }
0xd3: {  	[sflag:s19] =	ssyncadd.s32 $0xFFFFC000  }
0xd4: {  	[spmem:s2] =	stream.indirect.scatter.add.f32 [tilespmem:s16], [sflag:$0x3], $0x80, s24, s14, $0xb8;
	[tilespmem:$0x1C800] =	vst v63  }
0xd5: {  	_ =	swait.ge [sflag:s12], $0x4000  }
0xd6: {  	[sflag:s12] =	ssyncset.done $0x0  }
0xd7: {  	[sflag:s12] =	ssyncadd.s32 $0xFFFFC000  }
0xd8: {  	[tilespmem:s16], [sflag:$0x2] =	stream.indirect.gather [hbm4b:s4+s14], $0x80, s25, s14, $0xb8;
	[tilespmem:$0x1C800] =	vst v63  }
0xd9: {  	_ =	swait.ge [sflag:s17], $0x4000  }
0xda: {  	[sflag:s17] =	ssyncset.done $0x0  }
0xdb: {  	[sflag:s17] =	ssyncadd.s32 $0xFFFFC000  }
0xdc: {  	[spmem:s2] =	stream.indirect.scatter.add.f32 [tilespmem:s15], [sflag:$0x3], $0x80, s26, s14, $0xb8;
	[tilespmem:$0x1C800] =	vst v63  }
0xdd: {  	_ =	swait.ge [sflag:s12], $0x4000  }
0xde: {  	[sflag:s12] =	ssyncset.done $0x0  }
0xdf: {  	[sflag:s12] =	ssyncadd.s32 $0xFFFFC000  }
0xe0: {  	[tilespmem:s15], [sflag:$0x1] =	stream.indirect.gather [hbm4b:s4+s14], $0x80, s28, s14, $0xb8;
	[tilespmem:$0x1C800] =	vst v63  }
0xe1: {  	_ =	swait.ge [sflag:s19], $0x4000  }
0xe2: {  	[sflag:s19] =	ssyncset.done $0x0  }
0xe3: {  	[sflag:s19] =	ssyncadd.s32 $0xFFFFC000  }
0xe4: {  	[spmem:s2] =	stream.indirect.scatter.add.f32 [tilespmem:s16], [sflag:$0x3], $0x80, s29, s14, $0xb8;
	[tilespmem:$0x1C800] =	vst v63  }
0xe5: {  	_ =	swait.ge [sflag:s12], $0x4000  }
0xe6: {  	[sflag:s12] =	ssyncset.done $0x0  }
0xe7: {  	[sflag:s12] =	ssyncadd.s32 $0xFFFFC000  }
0xe8: {  	[tilespmem:s16], [sflag:$0x2] =	stream.indirect.gather [hbm4b:s4+s14], $0x80, s30, s14, $0xb8;
	[tilespmem:$0x1C800] =	vst v63  }
0xe9: {  	_ =	swait.ge [sflag:s17], $0x4000  }
0xea: {  	[sflag:s17] =	ssyncset.done $0x0  }
0xeb: {  	[sflag:s17] =	ssyncadd.s32 $0xFFFFC000  }
0xec: {  	[spmem:s2] =	stream.indirect.scatter.add.f32 [tilespmem:s15], [sflag:$0x3], $0x80, s31, s14, $0xb8;
	[tilespmem:$0x1C800] =	vst v63  }
0xed: {  	_ =	swait.ge [sflag:s12], $0x4000  }
0xee: {  	[sflag:s12] =	ssyncset.done $0x0  }
0xef: {  	[sflag:s12] =	ssyncadd.s32 $0xFFFFC000  }
0xf0: {  	_ =	swait.ge [sflag:s19], $0x4000  }
0xf1: {  	[sflag:s19] =	ssyncset.done $0x0  }
0xf2: {  	[sflag:s19] =	ssyncadd.s32 $0xFFFFC000  }
0xf3: {  	[spmem:s2] =	stream.indirect.scatter.add.f32 [tilespmem:s16], [sflag:$0x3], $0x80, s1, s14, $0xb8;
	[tilespmem:$0x1C800] =	vst v63  }
0xf4: {  	_ =	swait.ge [sflag:s12], $0x4000  }
0xf5: {  	[sflag:s12] =	ssyncset.done $0x0  }
0xf6: {  	[sflag:s12] =	ssyncadd.s32 $0xFFFFC000  }
0xf7: {  	[bflag:$0x0] =	sbarrier.arrive $0xFFFF  }
0xf8: {  	s6 =	rddreg [dreg:$0x4]  }
0xf9: {  	s8 =	rddreg [dreg:$0x5]  }
0xfa: {  	s7 =	rddreg [dreg:$0x7]  }
0xfb: {  	[hbm:s8], [sflag:s6] =	dma.local [spmem:s7], $0x2800  }
0xfc: {  	_ =	swait.ge [sflag:s12], $0x2800  }
0xfd: {  	s0 =	sadd.s32 $0x1, s0;
	s11 =	rddreg [dreg:$0x6]  }
0xfe: {  	p0 =	sne.s32 s0, s11  }
.Ltmp1:
0xff: {  	_ = 	snop;
	(pc) =	sbr.rel @p0 .LBB2_1-.Ltmp1, $3  }
0x100: {  	_ =	sdelay $0x1  }
0x101: {  	[sflag:s12] =	ssyncset.done $0x0  }
0x102: {  	[sflag:s12] =	ssyncadd.s32 $0xFFFFD800  }
0x103: {  	_ =	sfence.sel $0x180000  }
0x104: {  	[bflag:$0x0] =	sbarrier.arrive $0xFFFF  }
0x105: {  	_ =	strace $0x90000050  }
0x106: {  	s0 =	stileid.u32;
	[bflag:$0x2] =	sbarrier.arrive $0xFFFF  }
0x107: {  	p0 =	sne.s32 s0, $0x0;
	s0 =	rddreg [dreg:$0x2]  }
0x108: {  	s0 =	sadd.s32 @!p0 $0x100000, s0  }
0x109: {  	[sflag:s0] =	ssyncadd.tile.s32 @!p0 $0x1;
	_ =	shalt  }
.Lfunc_end2:
_tile_overlayer_lowered:
.L_overlay_start_2:
0x10a: {  	(tag) =	ssettag $0x2  }
0x10b: {  	s0 =	rddreg [dreg:$0x0];
	s2 =	stileid.u32  }
0x10c: {  	s1 =	rddreg [dreg:$0x1];
	p0 =	sne.s32 s2, $0x0  }
0x10d: {  	s3 =	rddreg [dreg:$0x2];
	[bflag:$0x3] =	sbarrier.arrive $0xFFFF;
	s2 =	simm.s32 @!p0 $0x1C03  }
0x10e: {  	[timem:s3], [sflag:s2] =	dma.local @!p0 [hbm:s0], s1  }
0x10f: {  	s0 =	simm.s32 @!p0 $0x3  }
0x110: {  	_ =	swait.ge @!p0 [sflag:s0], s1  }
0x111: {  	s1 =	ssub.s32 @!p0 $0x0, s1;
	[sflag:s0] =	ssyncset.done @!p0 $0x0  }
0x112: {  	[sflag:s0] =	ssyncadd.s32 @!p0 s1  }
0x113: {  	[bflag:$0x3] =	sbarrier.arrive $0xFFFF  }
0x114: {  	_ =	shalt  }

</sc_bundles>
